<compile_context>
chip_gen: v7x
topology: tpu7x:2x2x1
jax: 0.10.2.dev20260603
libtpu: 0.0.44.dev20260713+nightly
codegen_flags: <defaults>
</compile_context>

<pallas_src>
import jax
import jax.numpy as jnp
from jax import lax
from jax.experimental import pallas as pl
from jax.experimental.pallas import tpu as pltpu
from jax.experimental.pallas import tpu_sc as plsc

_N = 10000
_E = 320000
_D = 128
_H = 8
_F = 16
_W = 144
_NSUB = 16
_CHUNK = 80
_EPS = _E // _NSUB
_NCHUNK = _EPS // _CHUNK
_ROWS = 624
_TAIL = _N - _ROWS * _NSUB

_f32 = jnp.float32


def _prep_body(h_ref, w0_ref, w1_ref, g0_ref, ar0_ref, g1_ref, ar1_ref,
               fx0_ref, er0_ref, fx1_ref, er1_ref):
    hb = h_ref[...]
    f0 = jnp.dot(hb, w0_ref[...], preferred_element_type=_f32)
    er0_ref[...] = jnp.dot(f0, ar0_ref[...], preferred_element_type=_f32)
    fx0_ref[...] = jnp.dot(f0, g0_ref[...], preferred_element_type=_f32)
    f1 = jnp.dot(hb, w1_ref[...], preferred_element_type=_f32)
    er1_ref[...] = jnp.dot(f1, ar1_ref[...], preferred_element_type=_f32)
    fx1_ref[...] = jnp.dot(f1, g1_ref[...], preferred_element_type=_f32)


def _prep(h, w0, w1, g0, ar0, g1, ar1):
    nb = 10
    bn = _N // nb
    full = lambda shape: pl.BlockSpec(shape, lambda i: (0, 0))
    rows = lambda width: pl.BlockSpec((bn, width), lambda i: (i, 0))
    return pl.pallas_call(
        _prep_body,
        grid=(nb,),
        in_specs=[rows(_D), full((_D, _D)), full((_D, _D)),
                  full((_D, _W)), full((_D, _F)),
                  full((_D, _W)), full((_D, _F))],
        out_specs=[rows(_W), rows(_F), rows(_W), rows(_F)],
        out_shape=[jax.ShapeDtypeStruct((_N, _W), _f32),
                   jax.ShapeDtypeStruct((_N, _F), _f32),
                   jax.ShapeDtypeStruct((_N, _W), _f32),
                   jax.ShapeDtypeStruct((_N, _F), _f32)],
    )(h, w0, w1, g0, ar0, g1, ar1)


def _edge_body(src0, dst0, src1, dst1, fx0, erp0, fx1, erp1, zrows,
               acc0_o, acc1_o,
               srcb0, dstb0, dsc0, erb0, fxb0,
               srcb1, dstb1, dsc1, erb1, fxb1,
               srcb2, dstb2, dsc2, erb2, fxb2,
               six0, ser0, sfx0, ssx0,
               six1, ser1, sfx1, ssx1,
               six2, ser2, sfx2, ssx2,
               accx):
    c = lax.axis_index("c")
    s = lax.axis_index("s")

    pltpu.sync_copy(zrows.at[pl.ds(0, _ROWS)],
                    accx.at[pl.ds(s * _ROWS, _ROWS)])

    @pl.when(s == _NSUB - 1)
    def _():
        pltpu.sync_copy(zrows.at[pl.ds(0, _TAIL)],
                        accx.at[pl.ds(_ROWS * _NSUB, _TAIL)])

    plsc.subcore_barrier()

    sets = ((srcb0, dstb0, dsc0, erb0, fxb0, six0, ser0, sfx0, ssx0),
            (srcb1, dstb1, dsc1, erb1, fxb1, six1, ser1, sfx1, ssx1),
            (srcb2, dstb2, dsc2, erb2, fxb2, six2, ser2, sfx2, ssx2))

    def run(src, dst, fx, erp, acc_o):
        def issue_idx(k, st):
            base = s * _EPS + k * _CHUNK
            pltpu.async_copy(src.at[pl.ds(base, _CHUNK)], st[0], st[5])
            pltpu.async_copy(dst.at[pl.ds(base, _CHUNK)], st[1], st[5])

        def wait_idx(k, st):
            base = s * _EPS + k * _CHUNK
            pltpu.make_async_copy(src.at[pl.ds(base, _CHUNK)],
                                  st[0], st[5]).wait()
            pltpu.make_async_copy(dst.at[pl.ds(base, _CHUNK)],
                                  st[1], st[5]).wait()

        def issue_gathers(st):
            pltpu.async_copy(erp.at[st[1]], st[3], st[6])
            pltpu.async_copy(fx.at[st[0]], st[4], st[7])

        def wait_gathers(st):
            pltpu.make_async_copy(erp.at[st[1]], st[3], st[6]).wait()
            pltpu.make_async_copy(fx.at[st[0]], st[4], st[7]).wait()

        def issue_scatter(st):
            pltpu.async_copy(st[4], accx.at[st[2]], st[8], add=True)

        def wait_scatter(st):
            pltpu.make_async_copy(st[4], accx.at[st[2]], st[8]).wait()

        def compute(st):
            erb, fxb = st[3], st[4]

            def edge_body(j, carry2):
                for u in range(4):
                    e = j * 4 + u
                    x = fxb[e, pl.ds(0, _F)] + erb[e]
                    sv = jnp.exp(jnp.maximum(x, 0.2 * x))
                    fxb[e, pl.ds(0, _F)] = sv
                    for v in range(_H):
                        fxb[e, pl.ds(_F + v * _F, _F)] = (
                            fxb[e, pl.ds(_F + v * _F, _F)] * sv)
                return carry2

            lax.fori_loop(0, _CHUNK // 4, edge_body, 0)
            dstb, dsc = st[1], st[2]
            for i in range(_CHUNK // 16):
                dsc[pl.ds(i * 16, 16)] = dstb[pl.ds(i * 16, 16)]

        def iter_body(k, cur, nxt, nnx):
            @pl.when(k >= 2)
            def _():
                wait_scatter(nxt)

            @pl.when(k + 1 < _NCHUNK)
            def _():
                wait_idx(k + 1, nxt)
                issue_gathers(nxt)

            @pl.when(k + 2 < _NCHUNK)
            def _():
                issue_idx(k + 2, nnx)

            wait_gathers(cur)
            compute(cur)
            issue_scatter(cur)

        issue_idx(0, sets[0])
        wait_idx(0, sets[0])
        issue_gathers(sets[0])
        issue_idx(1, sets[1])

        def chunk_body(k, carry):
            @pl.when(k % 3 == 0)
            def _():
                iter_body(k, sets[0], sets[1], sets[2])

            @pl.when(k % 3 == 1)
            def _():
                iter_body(k, sets[1], sets[2], sets[0])

            @pl.when(k % 3 == 2)
            def _():
                iter_body(k, sets[2], sets[0], sets[1])

            return carry

        lax.fori_loop(0, _NCHUNK, chunk_body, 0)
        wait_scatter(sets[(_NCHUNK - 2) % 3])
        wait_scatter(sets[(_NCHUNK - 1) % 3])
        plsc.subcore_barrier()
        pltpu.sync_copy(accx.at[pl.ds(s * _ROWS, _ROWS)],
                        acc_o.at[pl.ds(s * _ROWS, _ROWS)])

        @pl.when(s == _NSUB - 1)
        def _():
            pltpu.sync_copy(accx.at[pl.ds(_ROWS * _NSUB, _TAIL)],
                            acc_o.at[pl.ds(_ROWS * _NSUB, _TAIL)])

    @pl.when(c == 0)
    def _():
        run(src0, dst0, fx0, erp0, acc0_o)

    @pl.when(c == 1)
    def _():
        run(src1, dst1, fx1, erp1, acc1_o)


def _edges(ei0, ei1, fx0, erp0, fx1, erp1):
    src0, dst0 = ei0[0], ei0[1]
    src1, dst1 = ei1[0], ei1[1]
    zrows = jnp.zeros((_ROWS, _W), _f32)
    mesh = plsc.VectorSubcoreMesh(core_axis_name="c", subcore_axis_name="s")
    f = pl.kernel(
        _edge_body,
        out_type=[jax.ShapeDtypeStruct((_N, _W), _f32),
                  jax.ShapeDtypeStruct((_N, _W), _f32)],
        mesh=mesh,
        compiler_params=pltpu.CompilerParams(needs_layout_passes=False,
                                             use_tc_tiling_on_sc=False),
        scratch_types=(
            [pltpu.VMEM((_CHUNK,), jnp.int32),
             pltpu.VMEM((_CHUNK,), jnp.int32),
             pltpu.VMEM((_CHUNK,), jnp.int32),
             pltpu.VMEM((_CHUNK, _F), _f32),
             pltpu.VMEM((_CHUNK, _W), _f32)] * 3
            + [pltpu.SemaphoreType.DMA] * 12
            + [pltpu.VMEM_SHARED((_N, _W), _f32)]
        ),
    )
    return f(src0, dst0, src1, dst1, fx0, erp0, fx1, erp1, zrows)


def _post_body(d0_ref, a0_ref, d1_ref, a1_ref, b0_ref, b1_ref,
               ws1_ref, bs1_ref, w2_ref, p_ref, pm_ref, out_ref):
    p = p_ref[...]

    def branch(d_ref, a_ref, b_ref):
        d = d_ref[...]
        rec = 1.0 / jnp.where(d > 0, d, 1.0)
        t = (a_ref[...]
             * jnp.dot(rec, p, preferred_element_type=_f32) + b_ref[...])
        z = jnp.where(t > 0, t, jnp.exp(jnp.minimum(t, 0.0)) - 1.0)
        a = jnp.tanh(jnp.dot(z, ws1_ref[...], preferred_element_type=_f32)
                     + bs1_ref[...])
        w = jnp.sum(a * w2_ref[...], axis=1, keepdims=True)
        return z, w

    z0, w0 = branch(d0_ref, a0_ref, b0_ref)
    z1, w1 = branch(d1_ref, a1_ref, b1_ref)
    m = jnp.maximum(w0, w1)
    e0 = jnp.exp(w0 - m)
    e1 = jnp.exp(w1 - m)
    zt = (e0 * z0 + e1 * z1) / (e0 + e1)
    out_ref[...] = jnp.dot(zt, pm_ref[...], preferred_element_type=_f32)


def _post(d0, a0, d1, a1, b0, b1, ws1, bs1, w2row, pmat, pm):
    nb = 10
    bn = _N // nb
    full = lambda shape: pl.BlockSpec(shape, lambda i: (0, 0))
    rows = lambda width: pl.BlockSpec((bn, width), lambda i: (i, 0))
    return pl.pallas_call(
        _post_body,
        grid=(nb,),
        in_specs=[rows(_F), rows(_D), rows(_F), rows(_D),
                  full((1, _D)), full((1, _D)),
                  full((_D, _D)), full((1, _D)), full((1, _D)),
                  full((_F, _D)), full((_D, _D))],
        out_specs=rows(_D),
        out_shape=jax.ShapeDtypeStruct((_N, _D), _f32),
    )(d0, a0, d1, a1, b0, b1, ws1, bs1, w2row, pmat, pm)


def kernel(h, edge_index_0, edge_index_1,
           W0, attn_l0, attn_r0, bias0,
           W1, attn_l1, attn_r1, bias1,
           Ws1, bs1, Ws2):
    idx = jnp.arange(_D)
    colmap = (idx % _H) * _F + idx // _H
    w0p = W0[:, colmap]
    w1p = W1[:, colmap]

    def expand_attn(a):
        rowvals = a.T.reshape(_D)
        hot = (idx[:, None] % _H == jnp.arange(_H)[None, :]).astype(_f32)
        half = rowvals[:, None] * hot
        return jnp.concatenate([half, half], axis=1)

    eye = jnp.eye(_D, dtype=_f32)
    g0 = jnp.concatenate([expand_attn(attn_l0), eye], axis=1)
    g1 = jnp.concatenate([expand_attn(attn_l1), eye], axis=1)
    ar0 = expand_attn(attn_r0)
    ar1 = expand_attn(attn_r1)
    fx0, erp0, fx1, erp1 = _prep(h, w0p, w1p, g0, ar0, g1, ar1)
    acc0, acc1 = _edges(edge_index_0, edge_index_1, fx0, erp0, fx1, erp1)
    den0, af0 = acc0[:, :_F], acc0[:, _F:]
    den1, af1 = acc1[:, :_F], acc1[:, _F:]
    pmat = (jnp.arange(_F)[:, None] == idx[None, :] % _H).astype(_f32)
    permt = (idx % _F) * _H + idx // _F
    pm = (jnp.arange(_D)[:, None] == permt[None, :]).astype(_f32)
    return _post(den0, af0, den1, af1,
                 bias0[colmap].reshape(1, _D), bias1[colmap].reshape(1, _D),
                 Ws1[colmap, :], bs1.reshape(1, _D), Ws2.reshape(1, _D),
                 pmat, pm)

# --- scband reference (transcript-rebuilt; emitter-appended) ---
"""Pipeline reference for scband-hanlayer-48344151884369 (READ-ONLY COPY).

The authoritative reference and input builder live on the scoring server;
editing this copy changes nothing except your own understanding.
"""

import jax, jax.numpy as jnp
import numpy as np

N = 10000
E = 320000
D = 128
H = 8
F_OUT = 16
HID = 128


def setup_inputs(seed: int = 0) -> dict:
    key = jax.random.key(seed)
    ks = jax.random.split(key, 20)
    h = jax.random.normal(ks[0], (N, D), dtype=jnp.float32)
    edge_index_0 = jax.random.randint(ks[1], (2, E), 0, N, dtype=jnp.int32)
    edge_index_1 = jax.random.randint(ks[2], (2, E), 0, N, dtype=jnp.int32)
    # GAT params (one per metapath), DGL GATConv-style
    W0 = jax.random.normal(ks[3], (D, H * F_OUT), dtype=jnp.float32) * 0.1
    attn_l0 = jax.random.normal(ks[4], (H, F_OUT), dtype=jnp.float32) * 0.1
    attn_r0 = jax.random.normal(ks[5], (H, F_OUT), dtype=jnp.float32) * 0.1
    bias0 = jax.random.normal(ks[6], (H * F_OUT,), dtype=jnp.float32) * 0.01
    W1 = jax.random.normal(ks[7], (D, H * F_OUT), dtype=jnp.float32) * 0.1
    attn_l1 = jax.random.normal(ks[8], (H, F_OUT), dtype=jnp.float32) * 0.1
    attn_r1 = jax.random.normal(ks[9], (H, F_OUT), dtype=jnp.float32) * 0.1
    bias1 = jax.random.normal(ks[10], (H * F_OUT,), dtype=jnp.float32) * 0.01
    # SemanticAttention params: Linear(128,128)+tanh, Linear(128,1,bias=False)
    Ws1 = jax.random.normal(ks[11], (H * F_OUT, HID), dtype=jnp.float32) * 0.1
    bs1 = jnp.zeros((HID,), dtype=jnp.float32)
    Ws2 = jax.random.normal(ks[12], (HID, 1), dtype=jnp.float32) * 0.1
    return {
        "h": h,
        "edge_index_0": edge_index_0,
        "edge_index_1": edge_index_1,
        "W0": W0, "attn_l0": attn_l0, "attn_r0": attn_r0, "bias0": bias0,
        "W1": W1, "attn_l1": attn_l1, "attn_r1": attn_r1, "bias1": bias1,
        "Ws1": Ws1, "bs1": bs1, "Ws2": Ws2,
    }


def _gat(h, ei, W, al, ar, b):
    src = ei[0]
    dst = ei[1]
    feat = (h @ W).reshape(N, H, F_OUT)
    el = (feat * al[None, :, :]).sum(-1)  # [N, H]
    er = (feat * ar[None, :, :]).sum(-1)  # [N, H]
    e = jax.nn.leaky_relu(el[src] + er[dst], negative_slope=0.2)  # [E, H]
    m = jax.ops.segment_max(e, dst, num_segments=N)
    m = jnp.where(jnp.isfinite(m), m, 0.0)
    exp_e = jnp.exp(e - m[dst])
    denom = jax.ops.segment_sum(exp_e, dst, num_segments=N)
    d = denom[dst]
    alpha = exp_e / jnp.where(d > 0, d, 1.0)
    msg = alpha[:, :, None] * feat[src]  # [E, H, F_OUT]
    out = jax.ops.segment_sum(msg, dst, num_segments=N)  # [N, H, F_OUT]
    out = out + b.reshape(1, H, F_OUT)
    out = jax.nn.elu(out)
    return out.reshape(N, H * F_OUT)


def reference(h, edge_index_0, edge_index_1,
              W0, attn_l0, attn_r0, bias0,
              W1, attn_l1, attn_r1, bias1,
              Ws1, bs1, Ws2):
    z0 = _gat(h, edge_index_0, W0, attn_l0, attn_r0, bias0)
    z1 = _gat(h, edge_index_1, W1, attn_l1, attn_r1, bias1)
    z = jnp.stack([z0, z1], axis=1)  # [N, 2, H*F_OUT]
    w = jnp.tanh(z @ Ws1 + bs1) @ Ws2  # [N, 2, 1]
    beta = jax.nn.softmax(w.squeeze(-1), axis=1)  # [N, 2]
    return (beta[:, :, None] * z).sum(axis=1)  # [N, H*F_OUT]

if __name__ == "__main__":
    import jax
    _d = setup_inputs()
    print(jax.jit(kernel)(*tuple(_d.values())))

</pallas_src>

<mosaic_0001>
#map = affine_map<(d0, d1) -> (0)>
#map1 = affine_map<(d0, d1) -> (0, 0)>
module attributes {stable_mosaic.version = 14 : i64} {
  func.func @_edge_body(%arg0: i32, %arg1: i32, %arg2: memref<320000xi32, #tpu.memory_space<hbm>>, %arg3: memref<320000xi32, #tpu.memory_space<hbm>>, %arg4: memref<320000xi32, #tpu.memory_space<hbm>>, %arg5: memref<320000xi32, #tpu.memory_space<hbm>>, %arg6: memref<10000x144xf32, #tpu.memory_space<hbm>>, %arg7: memref<10000x16xf32, #tpu.memory_space<hbm>>, %arg8: memref<10000x144xf32, #tpu.memory_space<hbm>>, %arg9: memref<10000x16xf32, #tpu.memory_space<hbm>>, %arg10: memref<624x144xf32, #tpu.memory_space<hbm>>, %arg11: memref<10000x144xf32, #tpu.memory_space<hbm>>, %arg12: memref<10000x144xf32, #tpu.memory_space<hbm>>, %arg13: memref<80xi32, #tpu.memory_space<vmem>>, %arg14: memref<80xi32, #tpu.memory_space<vmem>>, %arg15: memref<80xi32, #tpu.memory_space<vmem>>, %arg16: memref<80x16xf32, #tpu.memory_space<vmem>>, %arg17: memref<80x144xf32, #tpu.memory_space<vmem>>, %arg18: memref<80xi32, #tpu.memory_space<vmem>>, %arg19: memref<80xi32, #tpu.memory_space<vmem>>, %arg20: memref<80xi32, #tpu.memory_space<vmem>>, %arg21: memref<80x16xf32, #tpu.memory_space<vmem>>, %arg22: memref<80x144xf32, #tpu.memory_space<vmem>>, %arg23: memref<80xi32, #tpu.memory_space<vmem>>, %arg24: memref<80xi32, #tpu.memory_space<vmem>>, %arg25: memref<80xi32, #tpu.memory_space<vmem>>, %arg26: memref<80x16xf32, #tpu.memory_space<vmem>>, %arg27: memref<80x144xf32, #tpu.memory_space<vmem>>, %arg28: memref<!tpu.dma_semaphore, #tpu.memory_space<semaphore_mem>>, %arg29: memref<!tpu.dma_semaphore, #tpu.memory_space<semaphore_mem>>, %arg30: memref<!tpu.dma_semaphore, #tpu.memory_space<semaphore_mem>>, %arg31: memref<!tpu.dma_semaphore, #tpu.memory_space<semaphore_mem>>, %arg32: memref<!tpu.dma_semaphore, #tpu.memory_space<semaphore_mem>>, %arg33: memref<!tpu.dma_semaphore, #tpu.memory_space<semaphore_mem>>, %arg34: memref<!tpu.dma_semaphore, #tpu.memory_space<semaphore_mem>>, %arg35: memref<!tpu.dma_semaphore, #tpu.memory_space<semaphore_mem>>, %arg36: memref<!tpu.dma_semaphore, #tpu.memory_space<semaphore_mem>>, %arg37: memref<!tpu.dma_semaphore, #tpu.memory_space<semaphore_mem>>, %arg38: memref<!tpu.dma_semaphore, #tpu.memory_space<semaphore_mem>>, %arg39: memref<!tpu.dma_semaphore, #tpu.memory_space<semaphore_mem>>, %arg40: memref<10000x144xf32, #tpu.memory_space<vmem_shared>>) attributes {dimension_semantics = [#tpu.dimension_semantics<core_parallel>, #tpu.dimension_semantics<subcore_parallel>], iteration_bounds = array<i64: 2, 16>, scalar_prefetch = 0 : i64, scratch_operands = 28 : i64, tpu.core_type = #tpu.core_type<sc_vector_subcore>, window_params = [{transform_indices = #map}, {transform_indices = #map}, {transform_indices = #map}, {transform_indices = #map}, {transform_indices = #map1}, {transform_indices = #map1}, {transform_indices = #map1}, {transform_indices = #map1}, {transform_indices = #map1}, {transform_indices = #map1}, {transform_indices = #map1}]} {
    %mul3A = arith.constant 624 : i32
    %mul3A_0 = arith.muli %arg1, %mul3A : i32
    "tpu.region"() ({
      %run_scoped3A = tpu.sem_alloc : memref<!tpu.dma_semaphore, #tpu.memory_space<semaphore_mem>>
      %dma_start3A = arith.constant 0 : i32
      %dma_start3A_13 = tpu.memref_slice %arg40[%mul3A_0, %dma_start3A] : memref<10000x144xf32, #tpu.memory_space<vmem_shared>> -> memref<624x144xf32, #tpu.memory_space<vmem_shared>>
      %dma_start3A_14 = arith.constant 0 : i32
      %dma_start3A_15 = arith.constant 0 : i32
      %dma_start3A_16 = tpu.memref_slice %arg10[%dma_start3A_14, %dma_start3A_15] : memref<624x144xf32, #tpu.memory_space<hbm>> -> memref<624x144xf32, #tpu.memory_space<hbm>>
      tpu.enqueue_dma source(%dma_start3A_16 : memref<624x144xf32, #tpu.memory_space<hbm>>) target(%dma_start3A_13 : memref<624x144xf32, #tpu.memory_space<vmem_shared>>) target_semaphore(%run_scoped3A : memref<!tpu.dma_semaphore, #tpu.memory_space<semaphore_mem>>)
      %dma_wait3A = arith.constant 0 : i32
      %dma_wait3A_17 = tpu.memref_slice %arg40[%mul3A_0, %dma_wait3A] : memref<10000x144xf32, #tpu.memory_space<vmem_shared>> -> memref<624x144xf32, #tpu.memory_space<vmem_shared>>
      %dma_wait3A_18 = arith.constant 0 : i32
      %dma_wait3A_19 = arith.constant 0 : i32
      %dma_wait3A_20 = tpu.memref_slice %arg10[%dma_wait3A_18, %dma_wait3A_19] : memref<624x144xf32, #tpu.memory_space<hbm>> -> memref<624x144xf32, #tpu.memory_space<hbm>>
      tpu.wait_dma2 semaphore(%run_scoped3A : memref<!tpu.dma_semaphore, #tpu.memory_space<semaphore_mem>>) src(%dma_wait3A_20 : memref<624x144xf32, #tpu.memory_space<hbm>>) dst(%dma_wait3A_17 : memref<624x144xf32, #tpu.memory_space<vmem_shared>>)
      tpu.yield
    }) : () -> ()
    %eq3A = arith.constant 15 : i32
    %eq3A_1 = arith.cmpi eq, %arg1, %eq3A : i32
    %convert_element_type3A = arith.extui %eq3A_1 : i1 to i32
    %cond3A = arith.constant 0 : i32
    %cond3A_2 = arith.cmpi ne, %convert_element_type3A, %cond3A : i32
    scf.if %cond3A_2 {
      "tpu.region"() ({
        %run_scoped3A = tpu.sem_alloc : memref<!tpu.dma_semaphore, #tpu.memory_space<semaphore_mem>>
        %dma_start3A = arith.constant 9984 : i32
        %dma_start3A_13 = arith.constant 0 : i32
        %dma_start3A_14 = tpu.memref_slice %arg40[%dma_start3A, %dma_start3A_13] : memref<10000x144xf32, #tpu.memory_space<vmem_shared>> -> memref<16x144xf32, #tpu.memory_space<vmem_shared>>
        %dma_start3A_15 = arith.constant 0 : i32
        %dma_start3A_16 = arith.constant 0 : i32
        %dma_start3A_17 = tpu.memref_slice %arg10[%dma_start3A_15, %dma_start3A_16] : memref<624x144xf32, #tpu.memory_space<hbm>> -> memref<16x144xf32, #tpu.memory_space<hbm>>
        tpu.enqueue_dma source(%dma_start3A_17 : memref<16x144xf32, #tpu.memory_space<hbm>>) target(%dma_start3A_14 : memref<16x144xf32, #tpu.memory_space<vmem_shared>>) target_semaphore(%run_scoped3A : memref<!tpu.dma_semaphore, #tpu.memory_space<semaphore_mem>>)
        %dma_wait3A = arith.constant 9984 : i32
        %dma_wait3A_18 = arith.constant 0 : i32
        %dma_wait3A_19 = tpu.memref_slice %arg40[%dma_wait3A, %dma_wait3A_18] : memref<10000x144xf32, #tpu.memory_space<vmem_shared>> -> memref<16x144xf32, #tpu.memory_space<vmem_shared>>
        %dma_wait3A_20 = arith.constant 0 : i32
        %dma_wait3A_21 = arith.constant 0 : i32
        %dma_wait3A_22 = tpu.memref_slice %arg10[%dma_wait3A_20, %dma_wait3A_21] : memref<624x144xf32, #tpu.memory_space<hbm>> -> memref<16x144xf32, #tpu.memory_space<hbm>>
        tpu.wait_dma2 semaphore(%run_scoped3A : memref<!tpu.dma_semaphore, #tpu.memory_space<semaphore_mem>>) src(%dma_wait3A_22 : memref<16x144xf32, #tpu.memory_space<hbm>>) dst(%dma_wait3A_19 : memref<16x144xf32, #tpu.memory_space<vmem_shared>>)
        tpu.yield
      }) : () -> ()
    } else {
    }
    %barrier3A = arith.constant 0 : index
    tpu.barrier barrier_id(%barrier3A)
    %eq3A_3 = arith.constant 0 : i32
    %eq3A_4 = arith.cmpi eq, %arg0, %eq3A_3 : i32
    %convert_element_type3A_5 = arith.extui %eq3A_4 : i1 to i32
    %cond3A_6 = arith.constant 0 : i32
    %cond3A_7 = arith.cmpi ne, %convert_element_type3A_5, %cond3A_6 : i32
    scf.if %cond3A_7 {
      %mul3A_13 = arith.constant 20000 : i32
      %mul3A_14 = arith.muli %arg1, %mul3A_13 : i32
      %add3A = arith.constant 0 : i32
      %add3A_15 = arith.addi %mul3A_14, %add3A : i32
      %dma_start3A = tpu.memref_slice %arg2[%add3A_15] : memref<320000xi32, #tpu.memory_space<hbm>> -> memref<80xi32, #tpu.memory_space<hbm>>
      %dma_start3A_16 = tpu.memref_slice %arg2[%add3A_15] : memref<320000xi32, #tpu.memory_space<hbm>> -> memref<80xi32, #tpu.memory_space<hbm>>
      tpu.enqueue_dma source(%dma_start3A_16 : memref<80xi32, #tpu.memory_space<hbm>>) target(%arg13 : memref<80xi32, #tpu.memory_space<vmem>>) target_semaphore(%arg28 : memref<!tpu.dma_semaphore, #tpu.memory_space<semaphore_mem>>)
      %dma_start3A_17 = tpu.memref_slice %arg3[%add3A_15] : memref<320000xi32, #tpu.memory_space<hbm>> -> memref<80xi32, #tpu.memory_space<hbm>>
      %dma_start3A_18 = tpu.memref_slice %arg3[%add3A_15] : memref<320000xi32, #tpu.memory_space<hbm>> -> memref<80xi32, #tpu.memory_space<hbm>>
      tpu.enqueue_dma source(%dma_start3A_18 : memref<80xi32, #tpu.memory_space<hbm>>) target(%arg14 : memref<80xi32, #tpu.memory_space<vmem>>) target_semaphore(%arg28 : memref<!tpu.dma_semaphore, #tpu.memory_space<semaphore_mem>>)
      %mul3A_19 = arith.constant 20000 : i32
      %mul3A_20 = arith.muli %arg1, %mul3A_19 : i32
      %add3A_21 = arith.constant 0 : i32
      %add3A_22 = arith.addi %mul3A_20, %add3A_21 : i32
      %dma_wait3A = tpu.memref_slice %arg2[%add3A_22] : memref<320000xi32, #tpu.memory_space<hbm>> -> memref<80xi32, #tpu.memory_space<hbm>>
      %dma_wait3A_23 = tpu.memref_slice %arg2[%add3A_22] : memref<320000xi32, #tpu.memory_space<hbm>> -> memref<80xi32, #tpu.memory_space<hbm>>
      tpu.wait_dma2 semaphore(%arg28 : memref<!tpu.dma_semaphore, #tpu.memory_space<semaphore_mem>>) src(%dma_wait3A_23 : memref<80xi32, #tpu.memory_space<hbm>>) dst(%arg13 : memref<80xi32, #tpu.memory_space<vmem>>)
      %dma_wait3A_24 = tpu.memref_slice %arg3[%add3A_22] : memref<320000xi32, #tpu.memory_space<hbm>> -> memref<80xi32, #tpu.memory_space<hbm>>
      %dma_wait3A_25 = tpu.memref_slice %arg3[%add3A_22] : memref<320000xi32, #tpu.memory_space<hbm>> -> memref<80xi32, #tpu.memory_space<hbm>>
      tpu.wait_dma2 semaphore(%arg28 : memref<!tpu.dma_semaphore, #tpu.memory_space<semaphore_mem>>) src(%dma_wait3A_25 : memref<80xi32, #tpu.memory_space<hbm>>) dst(%arg14 : memref<80xi32, #tpu.memory_space<vmem>>)
      %dma_start3A_26 = arith.constant 0 : i32
      %dma_start3A_27 = arith.constant 0 : i32
      %dma_start3A_28 = tpu.memref_slice %arg7[%dma_start3A_26, %dma_start3A_27] : memref<10000x16xf32, #tpu.memory_space<hbm>> -> memref<10000x16xf32, #tpu.memory_space<hbm>>
      tpu.enqueue_indirect_dma source(%dma_start3A_28 : memref<10000x16xf32, #tpu.memory_space<hbm>>) target(%arg16 : memref<80x16xf32, #tpu.memory_space<vmem>>) offsets(%arg14 : memref<80xi32, #tpu.memory_space<vmem>>) semaphore(%arg29 : memref<!tpu.dma_semaphore, #tpu.memory_space<semaphore_mem>>)
      %dma_start3A_29 = arith.constant 0 : i32
      %dma_start3A_30 = arith.constant 0 : i32
      %dma_start3A_31 = tpu.memref_slice %arg6[%dma_start3A_29, %dma_start3A_30] : memref<10000x144xf32, #tpu.memory_space<hbm>> -> memref<10000x144xf32, #tpu.memory_space<hbm>>
      tpu.enqueue_indirect_dma source(%dma_start3A_31 : memref<10000x144xf32, #tpu.memory_space<hbm>>) target(%arg17 : memref<80x144xf32, #tpu.memory_space<vmem>>) offsets(%arg13 : memref<80xi32, #tpu.memory_space<vmem>>) semaphore(%arg30 : memref<!tpu.dma_semaphore, #tpu.memory_space<semaphore_mem>>)
      %mul3A_32 = arith.constant 20000 : i32
      %mul3A_33 = arith.muli %arg1, %mul3A_32 : i32
      %add3A_34 = arith.constant 80 : i32
      %add3A_35 = arith.addi %mul3A_33, %add3A_34 : i32
      %dma_start3A_36 = tpu.memref_slice %arg2[%add3A_35] : memref<320000xi32, #tpu.memory_space<hbm>> -> memref<80xi32, #tpu.memory_space<hbm>>
      %dma_start3A_37 = tpu.memref_slice %arg2[%add3A_35] : memref<320000xi32, #tpu.memory_space<hbm>> -> memref<80xi32, #tpu.memory_space<hbm>>
      tpu.enqueue_dma source(%dma_start3A_37 : memref<80xi32, #tpu.memory_space<hbm>>) target(%arg18 : memref<80xi32, #tpu.memory_space<vmem>>) target_semaphore(%arg32 : memref<!tpu.dma_semaphore, #tpu.memory_space<semaphore_mem>>)
      %dma_start3A_38 = tpu.memref_slice %arg3[%add3A_35] : memref<320000xi32, #tpu.memory_space<hbm>> -> memref<80xi32, #tpu.memory_space<hbm>>
      %dma_start3A_39 = tpu.memref_slice %arg3[%add3A_35] : memref<320000xi32, #tpu.memory_space<hbm>> -> memref<80xi32, #tpu.memory_space<hbm>>
      tpu.enqueue_dma source(%dma_start3A_39 : memref<80xi32, #tpu.memory_space<hbm>>) target(%arg19 : memref<80xi32, #tpu.memory_space<vmem>>) target_semaphore(%arg32 : memref<!tpu.dma_semaphore, #tpu.memory_space<semaphore_mem>>)
      %scan3A = arith.constant 0 : i32
      %scan3A_40 = arith.constant 0 : i32
      %scan3A_41 = arith.constant 250 : i32
      %scan3A_42 = arith.addi %scan3A_40, %scan3A_41 : i32
      %scan3A_43 = arith.constant 1 : i32
      scf.for %scan3A_61 = %scan3A_40 to %scan3A_42 step %scan3A_43  : i32 {
        %jit3A = arith.constant 3 : i32
        %eq3A_62 = arith.constant 0 : i32
        %eq3A_63 = arith.cmpi eq, %jit3A, %eq3A_62 : i32
        %jit3A_64 = arith.constant 1 : i32
        %select_n3A = arith.select %eq3A_63, %jit3A_64, %jit3A : i32
        %rem3A = arith.remsi %scan3A_61, %select_n3A : i32
        %ne3A = arith.constant 0 : i32
        %ne3A_65 = arith.cmpi ne, %rem3A, %ne3A : i32
        %lt3A = arith.constant 0 : i32
        %lt3A_66 = arith.cmpi slt, %rem3A, %lt3A : i32
        %lt3A_67 = arith.constant 0 : i32
        %lt3A_68 = arith.cmpi slt, %select_n3A, %lt3A_67 : i32
        %ne3A_69 = arith.xori %lt3A_66, %lt3A_68 : i1
        %and3A = arith.andi %ne3A_69, %ne3A_65 : i1
        %add3A_70 = arith.addi %rem3A, %select_n3A : i32
        %select_n3A_71 = arith.select %and3A, %add3A_70, %rem3A : i32
        %eq3A_72 = arith.constant 0 : i32
        %eq3A_73 = arith.cmpi eq, %select_n3A_71, %eq3A_72 : i32
        %convert_element_type3A_74 = arith.extui %eq3A_73 : i1 to i32
        %cond3A_75 = arith.constant 0 : i32
        %cond3A_76 = arith.cmpi ne, %convert_element_type3A_74, %cond3A_75 : i32
        scf.if %cond3A_76 {
          %ge3A = arith.constant 2 : i32
          %ge3A_119 = arith.cmpi sge, %scan3A_61, %ge3A : i32
          %convert_element_type3A_120 = arith.extui %ge3A_119 : i1 to i32
          %cond3A_121 = arith.constant 0 : i32
          %cond3A_122 = arith.cmpi ne, %convert_element_type3A_120, %cond3A_121 : i32
          scf.if %cond3A_122 {
            %dma_wait3A_170 = arith.constant 0 : i32
            %dma_wait3A_171 = arith.constant 0 : i32
            %dma_wait3A_172 = tpu.memref_slice %arg40[%dma_wait3A_170, %dma_wait3A_171] : memref<10000x144xf32, #tpu.memory_space<vmem_shared>> -> memref<10000x144xf32, #tpu.memory_space<vmem_shared>>
            tpu.wait_indirect_dma semaphore(%arg35 : memref<!tpu.dma_semaphore, #tpu.memory_space<semaphore_mem>>) src(%arg22 : memref<80x144xf32, #tpu.memory_space<vmem>>) dst(%dma_wait3A_172 : memref<10000x144xf32, #tpu.memory_space<vmem_shared>>)
          } else {
          }
          %add3A_123 = arith.constant 1 : i32
          %add3A_124 = arith.addi %scan3A_61, %add3A_123 : i32
          %lt3A_125 = arith.constant 250 : i32
          %lt3A_126 = arith.cmpi slt, %add3A_124, %lt3A_125 : i32
          %convert_element_type3A_127 = arith.extui %lt3A_126 : i1 to i32
          %cond3A_128 = arith.constant 0 : i32
          %cond3A_129 = arith.cmpi ne, %convert_element_type3A_127, %cond3A_128 : i32
          scf.if %cond3A_129 {
            %add3A_170 = arith.constant 1 : i32
            %add3A_171 = arith.addi %scan3A_61, %add3A_170 : i32
            %mul3A_172 = arith.constant 20000 : i32
            %mul3A_173 = arith.muli %arg1, %mul3A_172 : i32
            %mul3A_174 = arith.constant 80 : i32
            %mul3A_175 = arith.muli %add3A_171, %mul3A_174 : i32
            %add3A_176 = arith.addi %mul3A_173, %mul3A_175 : i32
            %dma_wait3A_177 = tpu.memref_slice %arg2[%add3A_176] : memref<320000xi32, #tpu.memory_space<hbm>> -> memref<80xi32, #tpu.memory_space<hbm>>
            %dma_wait3A_178 = tpu.memref_slice %arg2[%add3A_176] : memref<320000xi32, #tpu.memory_space<hbm>> -> memref<80xi32, #tpu.memory_space<hbm>>
            tpu.wait_dma2 semaphore(%arg32 : memref<!tpu.dma_semaphore, #tpu.memory_space<semaphore_mem>>) src(%dma_wait3A_178 : memref<80xi32, #tpu.memory_space<hbm>>) dst(%arg18 : memref<80xi32, #tpu.memory_space<vmem>>)
            %dma_wait3A_179 = tpu.memref_slice %arg3[%add3A_176] : memref<320000xi32, #tpu.memory_space<hbm>> -> memref<80xi32, #tpu.memory_space<hbm>>
            %dma_wait3A_180 = tpu.memref_slice %arg3[%add3A_176] : memref<320000xi32, #tpu.memory_space<hbm>> -> memref<80xi32, #tpu.memory_space<hbm>>
            tpu.wait_dma2 semaphore(%arg32 : memref<!tpu.dma_semaphore, #tpu.memory_space<semaphore_mem>>) src(%dma_wait3A_180 : memref<80xi32, #tpu.memory_space<hbm>>) dst(%arg19 : memref<80xi32, #tpu.memory_space<vmem>>)
            %dma_start3A_181 = arith.constant 0 : i32
            %dma_start3A_182 = arith.constant 0 : i32
            %dma_start3A_183 = tpu.memref_slice %arg7[%dma_start3A_181, %dma_start3A_182] : memref<10000x16xf32, #tpu.memory_space<hbm>> -> memref<10000x16xf32, #tpu.memory_space<hbm>>
            tpu.enqueue_indirect_dma source(%dma_start3A_183 : memref<10000x16xf32, #tpu.memory_space<hbm>>) target(%arg21 : memref<80x16xf32, #tpu.memory_space<vmem>>) offsets(%arg19 : memref<80xi32, #tpu.memory_space<vmem>>) semaphore(%arg33 : memref<!tpu.dma_semaphore, #tpu.memory_space<semaphore_mem>>)
            %dma_start3A_184 = arith.constant 0 : i32
            %dma_start3A_185 = arith.constant 0 : i32
            %dma_start3A_186 = tpu.memref_slice %arg6[%dma_start3A_184, %dma_start3A_185] : memref<10000x144xf32, #tpu.memory_space<hbm>> -> memref<10000x144xf32, #tpu.memory_space<hbm>>
            tpu.enqueue_indirect_dma source(%dma_start3A_186 : memref<10000x144xf32, #tpu.memory_space<hbm>>) target(%arg22 : memref<80x144xf32, #tpu.memory_space<vmem>>) offsets(%arg18 : memref<80xi32, #tpu.memory_space<vmem>>) semaphore(%arg34 : memref<!tpu.dma_semaphore, #tpu.memory_space<semaphore_mem>>)
          } else {
          }
          %add3A_130 = arith.constant 2 : i32
          %add3A_131 = arith.addi %scan3A_61, %add3A_130 : i32
          %lt3A_132 = arith.constant 250 : i32
          %lt3A_133 = arith.cmpi slt, %add3A_131, %lt3A_132 : i32
          %convert_element_type3A_134 = arith.extui %lt3A_133 : i1 to i32
          %cond3A_135 = arith.constant 0 : i32
          %cond3A_136 = arith.cmpi ne, %convert_element_type3A_134, %cond3A_135 : i32
          scf.if %cond3A_136 {
            %add3A_170 = arith.constant 2 : i32
            %add3A_171 = arith.addi %scan3A_61, %add3A_170 : i32
            %mul3A_172 = arith.constant 20000 : i32
            %mul3A_173 = arith.muli %arg1, %mul3A_172 : i32
            %mul3A_174 = arith.constant 80 : i32
            %mul3A_175 = arith.muli %add3A_171, %mul3A_174 : i32
            %add3A_176 = arith.addi %mul3A_173, %mul3A_175 : i32
            %dma_start3A_177 = tpu.memref_slice %arg2[%add3A_176] : memref<320000xi32, #tpu.memory_space<hbm>> -> memref<80xi32, #tpu.memory_space<hbm>>
            %dma_start3A_178 = tpu.memref_slice %arg2[%add3A_176] : memref<320000xi32, #tpu.memory_space<hbm>> -> memref<80xi32, #tpu.memory_space<hbm>>
            tpu.enqueue_dma source(%dma_start3A_178 : memref<80xi32, #tpu.memory_space<hbm>>) target(%arg23 : memref<80xi32, #tpu.memory_space<vmem>>) target_semaphore(%arg36 : memref<!tpu.dma_semaphore, #tpu.memory_space<semaphore_mem>>)
            %dma_start3A_179 = tpu.memref_slice %arg3[%add3A_176] : memref<320000xi32, #tpu.memory_space<hbm>> -> memref<80xi32, #tpu.memory_space<hbm>>
            %dma_start3A_180 = tpu.memref_slice %arg3[%add3A_176] : memref<320000xi32, #tpu.memory_space<hbm>> -> memref<80xi32, #tpu.memory_space<hbm>>
            tpu.enqueue_dma source(%dma_start3A_180 : memref<80xi32, #tpu.memory_space<hbm>>) target(%arg24 : memref<80xi32, #tpu.memory_space<vmem>>) target_semaphore(%arg36 : memref<!tpu.dma_semaphore, #tpu.memory_space<semaphore_mem>>)
          } else {
          }
          %dma_wait3A_137 = arith.constant 0 : i32
          %dma_wait3A_138 = arith.constant 0 : i32
          %dma_wait3A_139 = tpu.memref_slice %arg7[%dma_wait3A_137, %dma_wait3A_138] : memref<10000x16xf32, #tpu.memory_space<hbm>> -> memref<10000x16xf32, #tpu.memory_space<hbm>>
          tpu.wait_indirect_dma semaphore(%arg29 : memref<!tpu.dma_semaphore, #tpu.memory_space<semaphore_mem>>) src(%dma_wait3A_139 : memref<10000x16xf32, #tpu.memory_space<hbm>>) dst(%arg16 : memref<80x16xf32, #tpu.memory_space<vmem>>)
          %dma_wait3A_140 = arith.constant 0 : i32
          %dma_wait3A_141 = arith.constant 0 : i32
          %dma_wait3A_142 = tpu.memref_slice %arg6[%dma_wait3A_140, %dma_wait3A_141] : memref<10000x144xf32, #tpu.memory_space<hbm>> -> memref<10000x144xf32, #tpu.memory_space<hbm>>
          tpu.wait_indirect_dma semaphore(%arg30 : memref<!tpu.dma_semaphore, #tpu.memory_space<semaphore_mem>>) src(%dma_wait3A_142 : memref<10000x144xf32, #tpu.memory_space<hbm>>) dst(%arg17 : memref<80x144xf32, #tpu.memory_space<vmem>>)
          %scan3A_143 = arith.constant 0 : i32
          %scan3A_144 = arith.constant 0 : i32
          %scan3A_145 = arith.constant 20 : i32
          %scan3A_146 = arith.addi %scan3A_144, %scan3A_145 : i32
          %scan3A_147 = arith.constant 1 : i32
          scf.for %scan3A_170 = %scan3A_144 to %scan3A_146 step %scan3A_147  : i32 {
            %mul3A_171 = arith.constant 4 : i32
            %mul3A_172 = arith.muli %scan3A_170, %mul3A_171 : i32
            %add3A_173 = arith.constant 0 : i32
            %add3A_174 = arith.addi %mul3A_172, %add3A_173 : i32
            %get3A_175 = arith.index_cast %add3A_174 : i32 to index
            %get3A_176 = arith.constant 0 : index
            %get3A_177 = tpu.vector_load %arg17[%get3A_175, %get3A_176] {strides = array<i32>} : memref<80x144xf32, #tpu.memory_space<vmem>>, vector<16xf32>,
            %get3A_178 = arith.index_cast %add3A_174 : i32 to index
            %get3A_179 = arith.constant 0 : index
            %get3A_180 = tpu.vector_load %arg16[%get3A_178, %get3A_179] {strides = array<i32>} : memref<80x16xf32, #tpu.memory_space<vmem>>, vector<16xf32>,
            %add3A_181 = arith.addf %get3A_177, %get3A_180 : vector<16xf32>
            %mul3A_182 = arith.constant 2.000000e-01 : f32
            %mul3A_183 = vector.broadcast %mul3A_182 : f32 to vector<16xf32>
            %mul3A_184 = arith.mulf %mul3A_183, %add3A_181 : vector<16xf32>
            %max3A = arith.maximumf %add3A_181, %mul3A_184 : vector<16xf32>
            %exp3A = math.exp %max3A : vector<16xf32>
            %swap3A_185 = arith.index_cast %add3A_174 : i32 to index
            %swap3A_186 = arith.constant 0 : index
            %swap3A_187 = tpu.vector_load %arg17[%swap3A_185, %swap3A_186] {strides = array<i32>} : memref<80x144xf32, #tpu.memory_space<vmem>>, vector<16xf32>,
            tpu.vector_store %arg17[%swap3A_185, %swap3A_186], %exp3A {strides = array<i32>} : memref<80x144xf32, #tpu.memory_space<vmem>>, vector<16xf32>,
            %get3A_188 = arith.index_cast %add3A_174 : i32 to index
            %get3A_189 = arith.constant 16 : index
            %get3A_190 = tpu.vector_load %arg17[%get3A_188, %get3A_189] {strides = array<i32>} : memref<80x144xf32, #tpu.memory_space<vmem>>, vector<16xf32>,
            %mul3A_191 = arith.mulf %get3A_190, %exp3A : vector<16xf32>
            %swap3A_192 = arith.index_cast %add3A_174 : i32 to index
            %swap3A_193 = arith.constant 16 : index
            %swap3A_194 = tpu.vector_load %arg17[%swap3A_192, %swap3A_193] {strides = array<i32>} : memref<80x144xf32, #tpu.memory_space<vmem>>, vector<16xf32>,
            tpu.vector_store %arg17[%swap3A_192, %swap3A_193], %mul3A_191 {strides = array<i32>} : memref<80x144xf32, #tpu.memory_space<vmem>>, vector<16xf32>,
            %get3A_195 = arith.index_cast %add3A_174 : i32 to index
            %get3A_196 = arith.constant 32 : index
            %get3A_197 = tpu.vector_load %arg17[%get3A_195, %get3A_196] {strides = array<i32>} : memref<80x144xf32, #tpu.memory_space<vmem>>, vector<16xf32>,
            %mul3A_198 = arith.mulf %get3A_197, %exp3A : vector<16xf32>
            %swap3A_199 = arith.index_cast %add3A_174 : i32 to index
            %swap3A_200 = arith.constant 32 : index
            %swap3A_201 = tpu.vector_load %arg17[%swap3A_199, %swap3A_200] {strides = array<i32>} : memref<80x144xf32, #tpu.memory_space<vmem>>, vector<16xf32>,
            tpu.vector_store %arg17[%swap3A_199, %swap3A_200], %mul3A_198 {strides = array<i32>} : memref<80x144xf32, #tpu.memory_space<vmem>>, vector<16xf32>,
            %get3A_202 = arith.index_cast %add3A_174 : i32 to index
            %get3A_203 = arith.constant 48 : index
            %get3A_204 = tpu.vector_load %arg17[%get3A_202, %get3A_203] {strides = array<i32>} : memref<80x144xf32, #tpu.memory_space<vmem>>, vector<16xf32>,
            %mul3A_205 = arith.mulf %get3A_204, %exp3A : vector<16xf32>
            %swap3A_206 = arith.index_cast %add3A_174 : i32 to index
            %swap3A_207 = arith.constant 48 : index
            %swap3A_208 = tpu.vector_load %arg17[%swap3A_206, %swap3A_207] {strides = array<i32>} : memref<80x144xf32, #tpu.memory_space<vmem>>, vector<16xf32>,
            tpu.vector_store %arg17[%swap3A_206, %swap3A_207], %mul3A_205 {strides = array<i32>} : memref<80x144xf32, #tpu.memory_space<vmem>>, vector<16xf32>,
            %get3A_209 = arith.index_cast %add3A_174 : i32 to index
            %get3A_210 = arith.constant 64 : index
            %get3A_211 = tpu.vector_load %arg17[%get3A_209, %get3A_210] {strides = array<i32>} : memref<80x144xf32, #tpu.memory_space<vmem>>, vector<16xf32>,
            %mul3A_212 = arith.mulf %get3A_211, %exp3A : vector<16xf32>
            %swap3A_213 = arith.index_cast %add3A_174 : i32 to index
            %swap3A_214 = arith.constant 64 : index
            %swap3A_215 = tpu.vector_load %arg17[%swap3A_213, %swap3A_214] {strides = array<i32>} : memref<80x144xf32, #tpu.memory_space<vmem>>, vector<16xf32>,
            tpu.vector_store %arg17[%swap3A_213, %swap3A_214], %mul3A_212 {strides = array<i32>} : memref<80x144xf32, #tpu.memory_space<vmem>>, vector<16xf32>,
            %get3A_216 = arith.index_cast %add3A_174 : i32 to index
            %get3A_217 = arith.constant 80 : index
            %get3A_218 = tpu.vector_load %arg17[%get3A_216, %get3A_217] {strides = array<i32>} : memref<80x144xf32, #tpu.memory_space<vmem>>, vector<16xf32>,
            %mul3A_219 = arith.mulf %get3A_218, %exp3A : vector<16xf32>
            %swap3A_220 = arith.index_cast %add3A_174 : i32 to index
            %swap3A_221 = arith.constant 80 : index
            %swap3A_222 = tpu.vector_load %arg17[%swap3A_220, %swap3A_221] {strides = array<i32>} : memref<80x144xf32, #tpu.memory_space<vmem>>, vector<16xf32>,
            tpu.vector_store %arg17[%swap3A_220, %swap3A_221], %mul3A_219 {strides = array<i32>} : memref<80x144xf32, #tpu.memory_space<vmem>>, vector<16xf32>,
            %get3A_223 = arith.index_cast %add3A_174 : i32 to index
            %get3A_224 = arith.constant 96 : index
            %get3A_225 = tpu.vector_load %arg17[%get3A_223, %get3A_224] {strides = array<i32>} : memref<80x144xf32, #tpu.memory_space<vmem>>, vector<16xf32>,
            %mul3A_226 = arith.mulf %get3A_225, %exp3A : vector<16xf32>
            %swap3A_227 = arith.index_cast %add3A_174 : i32 to index
            %swap3A_228 = arith.constant 96 : index
            %swap3A_229 = tpu.vector_load %arg17[%swap3A_227, %swap3A_228] {strides = array<i32>} : memref<80x144xf32, #tpu.memory_space<vmem>>, vector<16xf32>,
            tpu.vector_store %arg17[%swap3A_227, %swap3A_228], %mul3A_226 {strides = array<i32>} : memref<80x144xf32, #tpu.memory_space<vmem>>, vector<16xf32>,
            %get3A_230 = arith.index_cast %add3A_174 : i32 to index
            %get3A_231 = arith.constant 112 : index
            %get3A_232 = tpu.vector_load %arg17[%get3A_230, %get3A_231] {strides = array<i32>} : memref<80x144xf32, #tpu.memory_space<vmem>>, vector<16xf32>,
            %mul3A_233 = arith.mulf %get3A_232, %exp3A : vector<16xf32>
            %swap3A_234 = arith.index_cast %add3A_174 : i32 to index
            %swap3A_235 = arith.constant 112 : index
            %swap3A_236 = tpu.vector_load %arg17[%swap3A_234, %swap3A_235] {strides = array<i32>} : memref<80x144xf32, #tpu.memory_space<vmem>>, vector<16xf32>,
            tpu.vector_store %arg17[%swap3A_234, %swap3A_235], %mul3A_233 {strides = array<i32>} : memref<80x144xf32, #tpu.memory_space<vmem>>, vector<16xf32>,
            %get3A_237 = arith.index_cast %add3A_174 : i32 to index
            %get3A_238 = arith.constant 128 : index
            %get3A_239 = tpu.vector_load %arg17[%get3A_237, %get3A_238] {strides = array<i32>} : memref<80x144xf32, #tpu.memory_space<vmem>>, vector<16xf32>,
            %mul3A_240 = arith.mulf %get3A_239, %exp3A : vector<16xf32>
            %swap3A_241 = arith.index_cast %add3A_174 : i32 to index
            %swap3A_242 = arith.constant 128 : index
            %swap3A_243 = tpu.vector_load %arg17[%swap3A_241, %swap3A_242] {strides = array<i32>} : memref<80x144xf32, #tpu.memory_space<vmem>>, vector<16xf32>,
            tpu.vector_store %arg17[%swap3A_241, %swap3A_242], %mul3A_240 {strides = array<i32>} : memref<80x144xf32, #tpu.memory_space<vmem>>, vector<16xf32>,
            %mul3A_244 = arith.constant 4 : i32
            %mul3A_245 = arith.muli %scan3A_170, %mul3A_244 : i32
            %add3A_246 = arith.constant 1 : i32
            %add3A_247 = arith.addi %mul3A_245, %add3A_246 : i32
            %get3A_248 = arith.index_cast %add3A_247 : i32 to index
            %get3A_249 = arith.constant 0 : index
            %get3A_250 = tpu.vector_load %arg17[%get3A_248, %get3A_249] {strides = array<i32>} : memref<80x144xf32, #tpu.memory_space<vmem>>, vector<16xf32>,
            %get3A_251 = arith.index_cast %add3A_247 : i32 to index
            %get3A_252 = arith.constant 0 : index
            %get3A_253 = tpu.vector_load %arg16[%get3A_251, %get3A_252] {strides = array<i32>} : memref<80x16xf32, #tpu.memory_space<vmem>>, vector<16xf32>,
            %add3A_254 = arith.addf %get3A_250, %get3A_253 : vector<16xf32>
            %mul3A_255 = arith.constant 2.000000e-01 : f32
            %mul3A_256 = vector.broadcast %mul3A_255 : f32 to vector<16xf32>
            %mul3A_257 = arith.mulf %mul3A_256, %add3A_254 : vector<16xf32>
            %max3A_258 = arith.maximumf %add3A_254, %mul3A_257 : vector<16xf32>
            %exp3A_259 = math.exp %max3A_258 : vector<16xf32>
            %swap3A_260 = arith.index_cast %add3A_247 : i32 to index
            %swap3A_261 = arith.constant 0 : index
            %swap3A_262 = tpu.vector_load %arg17[%swap3A_260, %swap3A_261] {strides = array<i32>} : memref<80x144xf32, #tpu.memory_space<vmem>>, vector<16xf32>,
            tpu.vector_store %arg17[%swap3A_260, %swap3A_261], %exp3A_259 {strides = array<i32>} : memref<80x144xf32, #tpu.memory_space<vmem>>, vector<16xf32>,
            %get3A_263 = arith.index_cast %add3A_247 : i32 to index
            %get3A_264 = arith.constant 16 : index
            %get3A_265 = tpu.vector_load %arg17[%get3A_263, %get3A_264] {strides = array<i32>} : memref<80x144xf32, #tpu.memory_space<vmem>>, vector<16xf32>,
            %mul3A_266 = arith.mulf %get3A_265, %exp3A_259 : vector<16xf32>
            %swap3A_267 = arith.index_cast %add3A_247 : i32 to index
            %swap3A_268 = arith.constant 16 : index
            %swap3A_269 = tpu.vector_load %arg17[%swap3A_267, %swap3A_268] {strides = array<i32>} : memref<80x144xf32, #tpu.memory_space<vmem>>, vector<16xf32>,
            tpu.vector_store %arg17[%swap3A_267, %swap3A_268], %mul3A_266 {strides = array<i32>} : memref<80x144xf32, #tpu.memory_space<vmem>>, vector<16xf32>,
            %get3A_270 = arith.index_cast %add3A_247 : i32 to index
            %get3A_271 = arith.constant 32 : index
            %get3A_272 = tpu.vector_load %arg17[%get3A_270, %get3A_271] {strides = array<i32>} : memref<80x144xf32, #tpu.memory_space<vmem>>, vector<16xf32>,
            %mul3A_273 = arith.mulf %get3A_272, %exp3A_259 : vector<16xf32>
            %swap3A_274 = arith.index_cast %add3A_247 : i32 to index
            %swap3A_275 = arith.constant 32 : index
            %swap3A_276 = tpu.vector_load %arg17[%swap3A_274, %swap3A_275] {strides = array<i32>} : memref<80x144xf32, #tpu.memory_space<vmem>>, vector<16xf32>,
            tpu.vector_store %arg17[%swap3A_274, %swap3A_275], %mul3A_273 {strides = array<i32>} : memref<80x144xf32, #tpu.memory_space<vmem>>, vector<16xf32>,
            %get3A_277 = arith.index_cast %add3A_247 : i32 to index
            %get3A_278 = arith.constant 48 : index
            %get3A_279 = tpu.vector_load %arg17[%get3A_277, %get3A_278] {strides = array<i32>} : memref<80x144xf32, #tpu.memory_space<vmem>>, vector<16xf32>,
            %mul3A_280 = arith.mulf %get3A_279, %exp3A_259 : vector<16xf32>
            %swap3A_281 = arith.index_cast %add3A_247 : i32 to index
            %swap3A_282 = arith.constant 48 : index
            %swap3A_283 = tpu.vector_load %arg17[%swap3A_281, %swap3A_282] {strides = array<i32>} : memref<80x144xf32, #tpu.memory_space<vmem>>, vector<16xf32>,
            tpu.vector_store %arg17[%swap3A_281, %swap3A_282], %mul3A_280 {strides = array<i32>} : memref<80x144xf32, #tpu.memory_space<vmem>>, vector<16xf32>,
            %get3A_284 = arith.index_cast %add3A_247 : i32 to index
            %get3A_285 = arith.constant 64 : index
            %get3A_286 = tpu.vector_load %arg17[%get3A_284, %get3A_285] {strides = array<i32>} : memref<80x144xf32, #tpu.memory_space<vmem>>, vector<16xf32>,
            %mul3A_287 = arith.mulf %get3A_286, %exp3A_259 : vector<16xf32>
            %swap3A_288 = arith.index_cast %add3A_247 : i32 to index
            %swap3A_289 = arith.constant 64 : index
            %swap3A_290 = tpu.vector_load %arg17[%swap3A_288, %swap3A_289] {strides = array<i32>} : memref<80x144xf32, #tpu.memory_space<vmem>>, vector<16xf32>,
            tpu.vector_store %arg17[%swap3A_288, %swap3A_289], %mul3A_287 {strides = array<i32>} : memref<80x144xf32, #tpu.memory_space<vmem>>, vector<16xf32>,
            %get3A_291 = arith.index_cast %add3A_247 : i32 to index
            %get3A_292 = arith.constant 80 : index
            %get3A_293 = tpu.vector_load %arg17[%get3A_291, %get3A_292] {strides = array<i32>} : memref<80x144xf32, #tpu.memory_space<vmem>>, vector<16xf32>,
            %mul3A_294 = arith.mulf %get3A_293, %exp3A_259 : vector<16xf32>
            %swap3A_295 = arith.index_cast %add3A_247 : i32 to index
            %swap3A_296 = arith.constant 80 : index
            %swap3A_297 = tpu.vector_load %arg17[%swap3A_295, %swap3A_296] {strides = array<i32>} : memref<80x144xf32, #tpu.memory_space<vmem>>, vector<16xf32>,
            tpu.vector_store %arg17[%swap3A_295, %swap3A_296], %mul3A_294 {strides = array<i32>} : memref<80x144xf32, #tpu.memory_space<vmem>>, vector<16xf32>,
            %get3A_298 = arith.index_cast %add3A_247 : i32 to index
            %get3A_299 = arith.constant 96 : index
            %get3A_300 = tpu.vector_load %arg17[%get3A_298, %get3A_299] {strides = array<i32>} : memref<80x144xf32, #tpu.memory_space<vmem>>, vector<16xf32>,
            %mul3A_301 = arith.mulf %get3A_300, %exp3A_259 : vector<16xf32>
            %swap3A_302 = arith.index_cast %add3A_247 : i32 to index
            %swap3A_303 = arith.constant 96 : index
            %swap3A_304 = tpu.vector_load %arg17[%swap3A_302, %swap3A_303] {strides = array<i32>} : memref<80x144xf32, #tpu.memory_space<vmem>>, vector<16xf32>,
            tpu.vector_store %arg17[%swap3A_302, %swap3A_303], %mul3A_301 {strides = array<i32>} : memref<80x144xf32, #tpu.memory_space<vmem>>, vector<16xf32>,
            %get3A_305 = arith.index_cast %add3A_247 : i32 to index
            %get3A_306 = arith.constant 112 : index
            %get3A_307 = tpu.vector_load %arg17[%get3A_305, %get3A_306] {strides = array<i32>} : memref<80x144xf32, #tpu.memory_space<vmem>>, vector<16xf32>,
            %mul3A_308 = arith.mulf %get3A_307, %exp3A_259 : vector<16xf32>
            %swap3A_309 = arith.index_cast %add3A_247 : i32 to index
            %swap3A_310 = arith.constant 112 : index
            %swap3A_311 = tpu.vector_load %arg17[%swap3A_309, %swap3A_310] {strides = array<i32>} : memref<80x144xf32, #tpu.memory_space<vmem>>, vector<16xf32>,
            tpu.vector_store %arg17[%swap3A_309, %swap3A_310], %mul3A_308 {strides = array<i32>} : memref<80x144xf32, #tpu.memory_space<vmem>>, vector<16xf32>,
            %get3A_312 = arith.index_cast %add3A_247 : i32 to index
            %get3A_313 = arith.constant 128 : index
            %get3A_314 = tpu.vector_load %arg17[%get3A_312, %get3A_313] {strides = array<i32>} : memref<80x144xf32, #tpu.memory_space<vmem>>, vector<16xf32>,
            %mul3A_315 = arith.mulf %get3A_314, %exp3A_259 : vector<16xf32>
            %swap3A_316 = arith.index_cast %add3A_247 : i32 to index
            %swap3A_317 = arith.constant 128 : index
            %swap3A_318 = tpu.vector_load %arg17[%swap3A_316, %swap3A_317] {strides = array<i32>} : memref<80x144xf32, #tpu.memory_space<vmem>>, vector<16xf32>,
            tpu.vector_store %arg17[%swap3A_316, %swap3A_317], %mul3A_315 {strides = array<i32>} : memref<80x144xf32, #tpu.memory_space<vmem>>, vector<16xf32>,
            %mul3A_319 = arith.constant 4 : i32
            %mul3A_320 = arith.muli %scan3A_170, %mul3A_319 : i32
            %add3A_321 = arith.constant 2 : i32
            %add3A_322 = arith.addi %mul3A_320, %add3A_321 : i32
            %get3A_323 = arith.index_cast %add3A_322 : i32 to index
            %get3A_324 = arith.constant 0 : index
            %get3A_325 = tpu.vector_load %arg17[%get3A_323, %get3A_324] {strides = array<i32>} : memref<80x144xf32, #tpu.memory_space<vmem>>, vector<16xf32>,
            %get3A_326 = arith.index_cast %add3A_322 : i32 to index
            %get3A_327 = arith.constant 0 : index
            %get3A_328 = tpu.vector_load %arg16[%get3A_326, %get3A_327] {strides = array<i32>} : memref<80x16xf32, #tpu.memory_space<vmem>>, vector<16xf32>,
            %add3A_329 = arith.addf %get3A_325, %get3A_328 : vector<16xf32>
            %mul3A_330 = arith.constant 2.000000e-01 : f32
            %mul3A_331 = vector.broadcast %mul3A_330 : f32 to vector<16xf32>
            %mul3A_332 = arith.mulf %mul3A_331, %add3A_329 : vector<16xf32>
            %max3A_333 = arith.maximumf %add3A_329, %mul3A_332 : vector<16xf32>
            %exp3A_334 = math.exp %max3A_333 : vector<16xf32>
            %swap3A_335 = arith.index_cast %add3A_322 : i32 to index
            %swap3A_336 = arith.constant 0 : index
            %swap3A_337 = tpu.vector_load %arg17[%swap3A_335, %swap3A_336] {strides = array<i32>} : memref<80x144xf32, #tpu.memory_space<vmem>>, vector<16xf32>,
            tpu.vector_store %arg17[%swap3A_335, %swap3A_336], %exp3A_334 {strides = array<i32>} : memref<80x144xf32, #tpu.memory_space<vmem>>, vector<16xf32>,
            %get3A_338 = arith.index_cast %add3A_322 : i32 to index
            %get3A_339 = arith.constant 16 : index
            %get3A_340 = tpu.vector_load %arg17[%get3A_338, %get3A_339] {strides = array<i32>} : memref<80x144xf32, #tpu.memory_space<vmem>>, vector<16xf32>,
            %mul3A_341 = arith.mulf %get3A_340, %exp3A_334 : vector<16xf32>
            %swap3A_342 = arith.index_cast %add3A_322 : i32 to index
            %swap3A_343 = arith.constant 16 : index
            %swap3A_344 = tpu.vector_load %arg17[%swap3A_342, %swap3A_343] {strides = array<i32>} : memref<80x144xf32, #tpu.memory_space<vmem>>, vector<16xf32>,
            tpu.vector_store %arg17[%swap3A_342, %swap3A_343], %mul3A_341 {strides = array<i32>} : memref<80x144xf32, #tpu.memory_space<vmem>>, vector<16xf32>,
            %get3A_345 = arith.index_cast %add3A_322 : i32 to index
            %get3A_346 = arith.constant 32 : index
            %get3A_347 = tpu.vector_load %arg17[%get3A_345, %get3A_346] {strides = array<i32>} : memref<80x144xf32, #tpu.memory_space<vmem>>, vector<16xf32>,
            %mul3A_348 = arith.mulf %get3A_347, %exp3A_334 : vector<16xf32>
            %swap3A_349 = arith.index_cast %add3A_322 : i32 to index
            %swap3A_350 = arith.constant 32 : index
            %swap3A_351 = tpu.vector_load %arg17[%swap3A_349, %swap3A_350] {strides = array<i32>} : memref<80x144xf32, #tpu.memory_space<vmem>>, vector<16xf32>,
            tpu.vector_store %arg17[%swap3A_349, %swap3A_350], %mul3A_348 {strides = array<i32>} : memref<80x144xf32, #tpu.memory_space<vmem>>, vector<16xf32>,
            %get3A_352 = arith.index_cast %add3A_322 : i32 to index
            %get3A_353 = arith.constant 48 : index
            %get3A_354 = tpu.vector_load %arg17[%get3A_352, %get3A_353] {strides = array<i32>} : memref<80x144xf32, #tpu.memory_space<vmem>>, vector<16xf32>,
            %mul3A_355 = arith.mulf %get3A_354, %exp3A_334 : vector<16xf32>
            %swap3A_356 = arith.index_cast %add3A_322 : i32 to index
            %swap3A_357 = arith.constant 48 : index
            %swap3A_358 = tpu.vector_load %arg17[%swap3A_356, %swap3A_357] {strides = array<i32>} : memref<80x144xf32, #tpu.memory_space<vmem>>, vector<16xf32>,
            tpu.vector_store %arg17[%swap3A_356, %swap3A_357], %mul3A_355 {strides = array<i32>} : memref<80x144xf32, #tpu.memory_space<vmem>>, vector<16xf32>,
            %get3A_359 = arith.index_cast %add3A_322 : i32 to index
            %get3A_360 = arith.constant 64 : index
            %get3A_361 = tpu.vector_load %arg17[%get3A_359, %get3A_360] {strides = array<i32>} : memref<80x144xf32, #tpu.memory_space<vmem>>, vector<16xf32>,
            %mul3A_362 = arith.mulf %get3A_361, %exp3A_334 : vector<16xf32>
            %swap3A_363 = arith.index_cast %add3A_322 : i32 to index
            %swap3A_364 = arith.constant 64 : index
            %swap3A_365 = tpu.vector_load %arg17[%swap3A_363, %swap3A_364] {strides = array<i32>} : memref<80x144xf32, #tpu.memory_space<vmem>>, vector<16xf32>,
            tpu.vector_store %arg17[%swap3A_363, %swap3A_364], %mul3A_362 {strides = array<i32>} : memref<80x144xf32, #tpu.memory_space<vmem>>, vector<16xf32>,
            %get3A_366 = arith.index_cast %add3A_322 : i32 to index
            %get3A_367 = arith.constant 80 : index
            %get3A_368 = tpu.vector_load %arg17[%get3A_366, %get3A_367] {strides = array<i32>} : memref<80x144xf32, #tpu.memory_space<vmem>>, vector<16xf32>,
            %mul3A_369 = arith.mulf %get3A_368, %exp3A_334 : vector<16xf32>
            %swap3A_370 = arith.index_cast %add3A_322 : i32 to index
            %swap3A_371 = arith.constant 80 : index
            %swap3A_372 = tpu.vector_load %arg17[%swap3A_370, %swap3A_371] {strides = array<i32>} : memref<80x144xf32, #tpu.memory_space<vmem>>, vector<16xf32>,
            tpu.vector_store %arg17[%swap3A_370, %swap3A_371], %mul3A_369 {strides = array<i32>} : memref<80x144xf32, #tpu.memory_space<vmem>>, vector<16xf32>,
            %get3A_373 = arith.index_cast %add3A_322 : i32 to index
            %get3A_374 = arith.constant 96 : index
            %get3A_375 = tpu.vector_load %arg17[%get3A_373, %get3A_374] {strides = array<i32>} : memref<80x144xf32, #tpu.memory_space<vmem>>, vector<16xf32>,
            %mul3A_376 = arith.mulf %get3A_375, %exp3A_334 : vector<16xf32>
            %swap3A_377 = arith.index_cast %add3A_322 : i32 to index
            %swap3A_378 = arith.constant 96 : index
            %swap3A_379 = tpu.vector_load %arg17[%swap3A_377, %swap3A_378] {strides = array<i32>} : memref<80x144xf32, #tpu.memory_space<vmem>>, vector<16xf32>,
            tpu.vector_store %arg17[%swap3A_377, %swap3A_378], %mul3A_376 {strides = array<i32>} : memref<80x144xf32, #tpu.memory_space<vmem>>, vector<16xf32>,
            %get3A_380 = arith.index_cast %add3A_322 : i32 to index
            %get3A_381 = arith.constant 112 : index
            %get3A_382 = tpu.vector_load %arg17[%get3A_380, %get3A_381] {strides = array<i32>} : memref<80x144xf32, #tpu.memory_space<vmem>>, vector<16xf32>,
            %mul3A_383 = arith.mulf %get3A_382, %exp3A_334 : vector<16xf32>
            %swap3A_384 = arith.index_cast %add3A_322 : i32 to index
            %swap3A_385 = arith.constant 112 : index
            %swap3A_386 = tpu.vector_load %arg17[%swap3A_384, %swap3A_385] {strides = array<i32>} : memref<80x144xf32, #tpu.memory_space<vmem>>, vector<16xf32>,
            tpu.vector_store %arg17[%swap3A_384, %swap3A_385], %mul3A_383 {strides = array<i32>} : memref<80x144xf32, #tpu.memory_space<vmem>>, vector<16xf32>,
            %get3A_387 = arith.index_cast %add3A_322 : i32 to index
            %get3A_388 = arith.constant 128 : index
            %get3A_389 = tpu.vector_load %arg17[%get3A_387, %get3A_388] {strides = array<i32>} : memref<80x144xf32, #tpu.memory_space<vmem>>, vector<16xf32>,
            %mul3A_390 = arith.mulf %get3A_389, %exp3A_334 : vector<16xf32>
            %swap3A_391 = arith.index_cast %add3A_322 : i32 to index
            %swap3A_392 = arith.constant 128 : index
            %swap3A_393 = tpu.vector_load %arg17[%swap3A_391, %swap3A_392] {strides = array<i32>} : memref<80x144xf32, #tpu.memory_space<vmem>>, vector<16xf32>,
            tpu.vector_store %arg17[%swap3A_391, %swap3A_392], %mul3A_390 {strides = array<i32>} : memref<80x144xf32, #tpu.memory_space<vmem>>, vector<16xf32>,
            %mul3A_394 = arith.constant 4 : i32
            %mul3A_395 = arith.muli %scan3A_170, %mul3A_394 : i32
            %add3A_396 = arith.constant 3 : i32
            %add3A_397 = arith.addi %mul3A_395, %add3A_396 : i32
            %get3A_398 = arith.index_cast %add3A_397 : i32 to index
            %get3A_399 = arith.constant 0 : index
            %get3A_400 = tpu.vector_load %arg17[%get3A_398, %get3A_399] {strides = array<i32>} : memref<80x144xf32, #tpu.memory_space<vmem>>, vector<16xf32>,
            %get3A_401 = arith.index_cast %add3A_397 : i32 to index
            %get3A_402 = arith.constant 0 : index
            %get3A_403 = tpu.vector_load %arg16[%get3A_401, %get3A_402] {strides = array<i32>} : memref<80x16xf32, #tpu.memory_space<vmem>>, vector<16xf32>,
            %add3A_404 = arith.addf %get3A_400, %get3A_403 : vector<16xf32>
            %mul3A_405 = arith.constant 2.000000e-01 : f32
            %mul3A_406 = vector.broadcast %mul3A_405 : f32 to vector<16xf32>
            %mul3A_407 = arith.mulf %mul3A_406, %add3A_404 : vector<16xf32>
            %max3A_408 = arith.maximumf %add3A_404, %mul3A_407 : vector<16xf32>
            %exp3A_409 = math.exp %max3A_408 : vector<16xf32>
            %swap3A_410 = arith.index_cast %add3A_397 : i32 to index
            %swap3A_411 = arith.constant 0 : index
            %swap3A_412 = tpu.vector_load %arg17[%swap3A_410, %swap3A_411] {strides = array<i32>} : memref<80x144xf32, #tpu.memory_space<vmem>>, vector<16xf32>,
            tpu.vector_store %arg17[%swap3A_410, %swap3A_411], %exp3A_409 {strides = array<i32>} : memref<80x144xf32, #tpu.memory_space<vmem>>, vector<16xf32>,
            %get3A_413 = arith.index_cast %add3A_397 : i32 to index
            %get3A_414 = arith.constant 16 : index
            %get3A_415 = tpu.vector_load %arg17[%get3A_413, %get3A_414] {strides = array<i32>} : memref<80x144xf32, #tpu.memory_space<vmem>>, vector<16xf32>,
            %mul3A_416 = arith.mulf %get3A_415, %exp3A_409 : vector<16xf32>
            %swap3A_417 = arith.index_cast %add3A_397 : i32 to index
            %swap3A_418 = arith.constant 16 : index
            %swap3A_419 = tpu.vector_load %arg17[%swap3A_417, %swap3A_418] {strides = array<i32>} : memref<80x144xf32, #tpu.memory_space<vmem>>, vector<16xf32>,
            tpu.vector_store %arg17[%swap3A_417, %swap3A_418], %mul3A_416 {strides = array<i32>} : memref<80x144xf32, #tpu.memory_space<vmem>>, vector<16xf32>,
            %get3A_420 = arith.index_cast %add3A_397 : i32 to index
            %get3A_421 = arith.constant 32 : index
            %get3A_422 = tpu.vector_load %arg17[%get3A_420, %get3A_421] {strides = array<i32>} : memref<80x144xf32, #tpu.memory_space<vmem>>, vector<16xf32>,
            %mul3A_423 = arith.mulf %get3A_422, %exp3A_409 : vector<16xf32>
            %swap3A_424 = arith.index_cast %add3A_397 : i32 to index
            %swap3A_425 = arith.constant 32 : index
            %swap3A_426 = tpu.vector_load %arg17[%swap3A_424, %swap3A_425] {strides = array<i32>} : memref<80x144xf32, #tpu.memory_space<vmem>>, vector<16xf32>,
            tpu.vector_store %arg17[%swap3A_424, %swap3A_425], %mul3A_423 {strides = array<i32>} : memref<80x144xf32, #tpu.memory_space<vmem>>, vector<16xf32>,
            %get3A_427 = arith.index_cast %add3A_397 : i32 to index
            %get3A_428 = arith.constant 48 : index
            %get3A_429 = tpu.vector_load %arg17[%get3A_427, %get3A_428] {strides = array<i32>} : memref<80x144xf32, #tpu.memory_space<vmem>>, vector<16xf32>,
            %mul3A_430 = arith.mulf %get3A_429, %exp3A_409 : vector<16xf32>
            %swap3A_431 = arith.index_cast %add3A_397 : i32 to index
            %swap3A_432 = arith.constant 48 : index
            %swap3A_433 = tpu.vector_load %arg17[%swap3A_431, %swap3A_432] {strides = array<i32>} : memref<80x144xf32, #tpu.memory_space<vmem>>, vector<16xf32>,
            tpu.vector_store %arg17[%swap3A_431, %swap3A_432], %mul3A_430 {strides = array<i32>} : memref<80x144xf32, #tpu.memory_space<vmem>>, vector<16xf32>,
            %get3A_434 = arith.index_cast %add3A_397 : i32 to index
            %get3A_435 = arith.constant 64 : index
            %get3A_436 = tpu.vector_load %arg17[%get3A_434, %get3A_435] {strides = array<i32>} : memref<80x144xf32, #tpu.memory_space<vmem>>, vector<16xf32>,
            %mul3A_437 = arith.mulf %get3A_436, %exp3A_409 : vector<16xf32>
            %swap3A_438 = arith.index_cast %add3A_397 : i32 to index
            %swap3A_439 = arith.constant 64 : index
            %swap3A_440 = tpu.vector_load %arg17[%swap3A_438, %swap3A_439] {strides = array<i32>} : memref<80x144xf32, #tpu.memory_space<vmem>>, vector<16xf32>,
            tpu.vector_store %arg17[%swap3A_438, %swap3A_439], %mul3A_437 {strides = array<i32>} : memref<80x144xf32, #tpu.memory_space<vmem>>, vector<16xf32>,
            %get3A_441 = arith.index_cast %add3A_397 : i32 to index
            %get3A_442 = arith.constant 80 : index
            %get3A_443 = tpu.vector_load %arg17[%get3A_441, %get3A_442] {strides = array<i32>} : memref<80x144xf32, #tpu.memory_space<vmem>>, vector<16xf32>,
            %mul3A_444 = arith.mulf %get3A_443, %exp3A_409 : vector<16xf32>
            %swap3A_445 = arith.index_cast %add3A_397 : i32 to index
            %swap3A_446 = arith.constant 80 : index
            %swap3A_447 = tpu.vector_load %arg17[%swap3A_445, %swap3A_446] {strides = array<i32>} : memref<80x144xf32, #tpu.memory_space<vmem>>, vector<16xf32>,
            tpu.vector_store %arg17[%swap3A_445, %swap3A_446], %mul3A_444 {strides = array<i32>} : memref<80x144xf32, #tpu.memory_space<vmem>>, vector<16xf32>,
            %get3A_448 = arith.index_cast %add3A_397 : i32 to index
            %get3A_449 = arith.constant 96 : index
            %get3A_450 = tpu.vector_load %arg17[%get3A_448, %get3A_449] {strides = array<i32>} : memref<80x144xf32, #tpu.memory_space<vmem>>, vector<16xf32>,
            %mul3A_451 = arith.mulf %get3A_450, %exp3A_409 : vector<16xf32>
            %swap3A_452 = arith.index_cast %add3A_397 : i32 to index
            %swap3A_453 = arith.constant 96 : index
            %swap3A_454 = tpu.vector_load %arg17[%swap3A_452, %swap3A_453] {strides = array<i32>} : memref<80x144xf32, #tpu.memory_space<vmem>>, vector<16xf32>,
            tpu.vector_store %arg17[%swap3A_452, %swap3A_453], %mul3A_451 {strides = array<i32>} : memref<80x144xf32, #tpu.memory_space<vmem>>, vector<16xf32>,
            %get3A_455 = arith.index_cast %add3A_397 : i32 to index
            %get3A_456 = arith.constant 112 : index
            %get3A_457 = tpu.vector_load %arg17[%get3A_455, %get3A_456] {strides = array<i32>} : memref<80x144xf32, #tpu.memory_space<vmem>>, vector<16xf32>,
            %mul3A_458 = arith.mulf %get3A_457, %exp3A_409 : vector<16xf32>
            %swap3A_459 = arith.index_cast %add3A_397 : i32 to index
            %swap3A_460 = arith.constant 112 : index
            %swap3A_461 = tpu.vector_load %arg17[%swap3A_459, %swap3A_460] {strides = array<i32>} : memref<80x144xf32, #tpu.memory_space<vmem>>, vector<16xf32>,
            tpu.vector_store %arg17[%swap3A_459, %swap3A_460], %mul3A_458 {strides = array<i32>} : memref<80x144xf32, #tpu.memory_space<vmem>>, vector<16xf32>,
            %get3A_462 = arith.index_cast %add3A_397 : i32 to index
            %get3A_463 = arith.constant 128 : index
            %get3A_464 = tpu.vector_load %arg17[%get3A_462, %get3A_463] {strides = array<i32>} : memref<80x144xf32, #tpu.memory_space<vmem>>, vector<16xf32>,
            %mul3A_465 = arith.mulf %get3A_464, %exp3A_409 : vector<16xf32>
            %swap3A_466 = arith.index_cast %add3A_397 : i32 to index
            %swap3A_467 = arith.constant 128 : index
            %swap3A_468 = tpu.vector_load %arg17[%swap3A_466, %swap3A_467] {strides = array<i32>} : memref<80x144xf32, #tpu.memory_space<vmem>>, vector<16xf32>,
            tpu.vector_store %arg17[%swap3A_466, %swap3A_467], %mul3A_465 {strides = array<i32>} : memref<80x144xf32, #tpu.memory_space<vmem>>, vector<16xf32>,
          }
          %scan3A_148 = arith.constant 20 : i32
          %get3A = arith.constant 0 : index
          %get3A_149 = tpu.vector_load %arg14[%get3A] {strides = array<i32>} : memref<80xi32, #tpu.memory_space<vmem>>, vector<16xi32>,
          %swap3A = arith.constant 0 : index
          %swap3A_150 = tpu.vector_load %arg15[%swap3A] {strides = array<i32>} : memref<80xi32, #tpu.memory_space<vmem>>, vector<16xi32>,
          tpu.vector_store %arg15[%swap3A], %get3A_149 {strides = array<i32>} : memref<80xi32, #tpu.memory_space<vmem>>, vector<16xi32>,
          %get3A_151 = arith.constant 16 : index
          %get3A_152 = tpu.vector_load %arg14[%get3A_151] {strides = array<i32>} : memref<80xi32, #tpu.memory_space<vmem>>, vector<16xi32>,
          %swap3A_153 = arith.constant 16 : index
          %swap3A_154 = tpu.vector_load %arg15[%swap3A_153] {strides = array<i32>} : memref<80xi32, #tpu.memory_space<vmem>>, vector<16xi32>,
          tpu.vector_store %arg15[%swap3A_153], %get3A_152 {strides = array<i32>} : memref<80xi32, #tpu.memory_space<vmem>>, vector<16xi32>,
          %get3A_155 = arith.constant 32 : index
          %get3A_156 = tpu.vector_load %arg14[%get3A_155] {strides = array<i32>} : memref<80xi32, #tpu.memory_space<vmem>>, vector<16xi32>,
          %swap3A_157 = arith.constant 32 : index
          %swap3A_158 = tpu.vector_load %arg15[%swap3A_157] {strides = array<i32>} : memref<80xi32, #tpu.memory_space<vmem>>, vector<16xi32>,
          tpu.vector_store %arg15[%swap3A_157], %get3A_156 {strides = array<i32>} : memref<80xi32, #tpu.memory_space<vmem>>, vector<16xi32>,
          %get3A_159 = arith.constant 48 : index
          %get3A_160 = tpu.vector_load %arg14[%get3A_159] {strides = array<i32>} : memref<80xi32, #tpu.memory_space<vmem>>, vector<16xi32>,
          %swap3A_161 = arith.constant 48 : index
          %swap3A_162 = tpu.vector_load %arg15[%swap3A_161] {strides = array<i32>} : memref<80xi32, #tpu.memory_space<vmem>>, vector<16xi32>,
          tpu.vector_store %arg15[%swap3A_161], %get3A_160 {strides = array<i32>} : memref<80xi32, #tpu.memory_space<vmem>>, vector<16xi32>,
          %get3A_163 = arith.constant 64 : index
          %get3A_164 = tpu.vector_load %arg14[%get3A_163] {strides = array<i32>} : memref<80xi32, #tpu.memory_space<vmem>>, vector<16xi32>,
          %swap3A_165 = arith.constant 64 : index
          %swap3A_166 = tpu.vector_load %arg15[%swap3A_165] {strides = array<i32>} : memref<80xi32, #tpu.memory_space<vmem>>, vector<16xi32>,
          tpu.vector_store %arg15[%swap3A_165], %get3A_164 {strides = array<i32>} : memref<80xi32, #tpu.memory_space<vmem>>, vector<16xi32>,
          %dma_start3A_167 = arith.constant 0 : i32
          %dma_start3A_168 = arith.constant 0 : i32
          %dma_start3A_169 = tpu.memref_slice %arg40[%dma_start3A_167, %dma_start3A_168] : memref<10000x144xf32, #tpu.memory_space<vmem_shared>> -> memref<10000x144xf32, #tpu.memory_space<vmem_shared>>
          tpu.enqueue_indirect_dma source(%arg17 : memref<80x144xf32, #tpu.memory_space<vmem>>) target(%dma_start3A_169 : memref<10000x144xf32, #tpu.memory_space<vmem_shared>>) offsets(%arg15 : memref<80xi32, #tpu.memory_space<vmem>>) semaphore(%arg31 : memref<!tpu.dma_semaphore, #tpu.memory_space<semaphore_mem>>) {add = true}
        } else {
        }
        %jit3A_77 = arith.constant 3 : i32
        %eq3A_78 = arith.constant 0 : i32
        %eq3A_79 = arith.cmpi eq, %jit3A_77, %eq3A_78 : i32
        %jit3A_80 = arith.constant 1 : i32
        %select_n3A_81 = arith.select %eq3A_79, %jit3A_80, %jit3A_77 : i32
        %rem3A_82 = arith.remsi %scan3A_61, %select_n3A_81 : i32
        %ne3A_83 = arith.constant 0 : i32
        %ne3A_84 = arith.cmpi ne, %rem3A_82, %ne3A_83 : i32
        %lt3A_85 = arith.constant 0 : i32
        %lt3A_86 = arith.cmpi slt, %rem3A_82, %lt3A_85 : i32
        %lt3A_87 = arith.constant 0 : i32
        %lt3A_88 = arith.cmpi slt, %select_n3A_81, %lt3A_87 : i32
        %ne3A_89 = arith.xori %lt3A_86, %lt3A_88 : i1
        %and3A_90 = arith.andi %ne3A_89, %ne3A_84 : i1
        %add3A_91 = arith.addi %rem3A_82, %select_n3A_81 : i32
        %select_n3A_92 = arith.select %and3A_90, %add3A_91, %rem3A_82 : i32
        %eq3A_93 = arith.constant 1 : i32
        %eq3A_94 = arith.cmpi eq, %select_n3A_92, %eq3A_93 : i32
        %convert_element_type3A_95 = arith.extui %eq3A_94 : i1 to i32
        %cond3A_96 = arith.constant 0 : i32
        %cond3A_97 = arith.cmpi ne, %convert_element_type3A_95, %cond3A_96 : i32
        scf.if %cond3A_97 {
          %ge3A = arith.constant 2 : i32
          %ge3A_119 = arith.cmpi sge, %scan3A_61, %ge3A : i32
          %convert_element_type3A_120 = arith.extui %ge3A_119 : i1 to i32
          %cond3A_121 = arith.constant 0 : i32
          %cond3A_122 = arith.cmpi ne, %convert_element_type3A_120, %cond3A_121 : i32
          scf.if %cond3A_122 {
            %dma_wait3A_170 = arith.constant 0 : i32
            %dma_wait3A_171 = arith.constant 0 : i32
            %dma_wait3A_172 = tpu.memref_slice %arg40[%dma_wait3A_170, %dma_wait3A_171] : memref<10000x144xf32, #tpu.memory_space<vmem_shared>> -> memref<10000x144xf32, #tpu.memory_space<vmem_shared>>
            tpu.wait_indirect_dma semaphore(%arg39 : memref<!tpu.dma_semaphore, #tpu.memory_space<semaphore_mem>>) src(%arg27 : memref<80x144xf32, #tpu.memory_space<vmem>>) dst(%dma_wait3A_172 : memref<10000x144xf32, #tpu.memory_space<vmem_shared>>)
          } else {
          }
          %add3A_123 = arith.constant 1 : i32
          %add3A_124 = arith.addi %scan3A_61, %add3A_123 : i32
          %lt3A_125 = arith.constant 250 : i32
          %lt3A_126 = arith.cmpi slt, %add3A_124, %lt3A_125 : i32
          %convert_element_type3A_127 = arith.extui %lt3A_126 : i1 to i32
          %cond3A_128 = arith.constant 0 : i32
          %cond3A_129 = arith.cmpi ne, %convert_element_type3A_127, %cond3A_128 : i32
          scf.if %cond3A_129 {
            %add3A_170 = arith.constant 1 : i32
            %add3A_171 = arith.addi %scan3A_61, %add3A_170 : i32
            %mul3A_172 = arith.constant 20000 : i32
            %mul3A_173 = arith.muli %arg1, %mul3A_172 : i32
            %mul3A_174 = arith.constant 80 : i32
            %mul3A_175 = arith.muli %add3A_171, %mul3A_174 : i32
            %add3A_176 = arith.addi %mul3A_173, %mul3A_175 : i32
            %dma_wait3A_177 = tpu.memref_slice %arg2[%add3A_176] : memref<320000xi32, #tpu.memory_space<hbm>> -> memref<80xi32, #tpu.memory_space<hbm>>
            %dma_wait3A_178 = tpu.memref_slice %arg2[%add3A_176] : memref<320000xi32, #tpu.memory_space<hbm>> -> memref<80xi32, #tpu.memory_space<hbm>>
            tpu.wait_dma2 semaphore(%arg36 : memref<!tpu.dma_semaphore, #tpu.memory_space<semaphore_mem>>) src(%dma_wait3A_178 : memref<80xi32, #tpu.memory_space<hbm>>) dst(%arg23 : memref<80xi32, #tpu.memory_space<vmem>>)
            %dma_wait3A_179 = tpu.memref_slice %arg3[%add3A_176] : memref<320000xi32, #tpu.memory_space<hbm>> -> memref<80xi32, #tpu.memory_space<hbm>>
            %dma_wait3A_180 = tpu.memref_slice %arg3[%add3A_176] : memref<320000xi32, #tpu.memory_space<hbm>> -> memref<80xi32, #tpu.memory_space<hbm>>
            tpu.wait_dma2 semaphore(%arg36 : memref<!tpu.dma_semaphore, #tpu.memory_space<semaphore_mem>>) src(%dma_wait3A_180 : memref<80xi32, #tpu.memory_space<hbm>>) dst(%arg24 : memref<80xi32, #tpu.memory_space<vmem>>)
            %dma_start3A_181 = arith.constant 0 : i32
            %dma_start3A_182 = arith.constant 0 : i32
            %dma_start3A_183 = tpu.memref_slice %arg7[%dma_start3A_181, %dma_start3A_182] : memref<10000x16xf32, #tpu.memory_space<hbm>> -> memref<10000x16xf32, #tpu.memory_space<hbm>>
            tpu.enqueue_indirect_dma source(%dma_start3A_183 : memref<10000x16xf32, #tpu.memory_space<hbm>>) target(%arg26 : memref<80x16xf32, #tpu.memory_space<vmem>>) offsets(%arg24 : memref<80xi32, #tpu.memory_space<vmem>>) semaphore(%arg37 : memref<!tpu.dma_semaphore, #tpu.memory_space<semaphore_mem>>)
            %dma_start3A_184 = arith.constant 0 : i32
            %dma_start3A_185 = arith.constant 0 : i32
            %dma_start3A_186 = tpu.memref_slice %arg6[%dma_start3A_184, %dma_start3A_185] : memref<10000x144xf32, #tpu.memory_space<hbm>> -> memref<10000x144xf32, #tpu.memory_space<hbm>>
            tpu.enqueue_indirect_dma source(%dma_start3A_186 : memref<10000x144xf32, #tpu.memory_space<hbm>>) target(%arg27 : memref<80x144xf32, #tpu.memory_space<vmem>>) offsets(%arg23 : memref<80xi32, #tpu.memory_space<vmem>>) semaphore(%arg38 : memref<!tpu.dma_semaphore, #tpu.memory_space<semaphore_mem>>)
          } else {
          }
          %add3A_130 = arith.constant 2 : i32
          %add3A_131 = arith.addi %scan3A_61, %add3A_130 : i32
          %lt3A_132 = arith.constant 250 : i32
          %lt3A_133 = arith.cmpi slt, %add3A_131, %lt3A_132 : i32
          %convert_element_type3A_134 = arith.extui %lt3A_133 : i1 to i32
          %cond3A_135 = arith.constant 0 : i32
          %cond3A_136 = arith.cmpi ne, %convert_element_type3A_134, %cond3A_135 : i32
          scf.if %cond3A_136 {
            %add3A_170 = arith.constant 2 : i32
            %add3A_171 = arith.addi %scan3A_61, %add3A_170 : i32
            %mul3A_172 = arith.constant 20000 : i32
            %mul3A_173 = arith.muli %arg1, %mul3A_172 : i32
            %mul3A_174 = arith.constant 80 : i32
            %mul3A_175 = arith.muli %add3A_171, %mul3A_174 : i32
            %add3A_176 = arith.addi %mul3A_173, %mul3A_175 : i32
            %dma_start3A_177 = tpu.memref_slice %arg2[%add3A_176] : memref<320000xi32, #tpu.memory_space<hbm>> -> memref<80xi32, #tpu.memory_space<hbm>>
            %dma_start3A_178 = tpu.memref_slice %arg2[%add3A_176] : memref<320000xi32, #tpu.memory_space<hbm>> -> memref<80xi32, #tpu.memory_space<hbm>>
            tpu.enqueue_dma source(%dma_start3A_178 : memref<80xi32, #tpu.memory_space<hbm>>) target(%arg13 : memref<80xi32, #tpu.memory_space<vmem>>) target_semaphore(%arg28 : memref<!tpu.dma_semaphore, #tpu.memory_space<semaphore_mem>>)
            %dma_start3A_179 = tpu.memref_slice %arg3[%add3A_176] : memref<320000xi32, #tpu.memory_space<hbm>> -> memref<80xi32, #tpu.memory_space<hbm>>
            %dma_start3A_180 = tpu.memref_slice %arg3[%add3A_176] : memref<320000xi32, #tpu.memory_space<hbm>> -> memref<80xi32, #tpu.memory_space<hbm>>
            tpu.enqueue_dma source(%dma_start3A_180 : memref<80xi32, #tpu.memory_space<hbm>>) target(%arg14 : memref<80xi32, #tpu.memory_space<vmem>>) target_semaphore(%arg28 : memref<!tpu.dma_semaphore, #tpu.memory_space<semaphore_mem>>)
          } else {
          }
          %dma_wait3A_137 = arith.constant 0 : i32
          %dma_wait3A_138 = arith.constant 0 : i32
          %dma_wait3A_139 = tpu.memref_slice %arg7[%dma_wait3A_137, %dma_wait3A_138] : memref<10000x16xf32, #tpu.memory_space<hbm>> -> memref<10000x16xf32, #tpu.memory_space<hbm>>
          tpu.wait_indirect_dma semaphore(%arg33 : memref<!tpu.dma_semaphore, #tpu.memory_space<semaphore_mem>>) src(%dma_wait3A_139 : memref<10000x16xf32, #tpu.memory_space<hbm>>) dst(%arg21 : memref<80x16xf32, #tpu.memory_space<vmem>>)
          %dma_wait3A_140 = arith.constant 0 : i32
          %dma_wait3A_141 = arith.constant 0 : i32
          %dma_wait3A_142 = tpu.memref_slice %arg6[%dma_wait3A_140, %dma_wait3A_141] : memref<10000x144xf32, #tpu.memory_space<hbm>> -> memref<10000x144xf32, #tpu.memory_space<hbm>>
          tpu.wait_indirect_dma semaphore(%arg34 : memref<!tpu.dma_semaphore, #tpu.memory_space<semaphore_mem>>) src(%dma_wait3A_142 : memref<10000x144xf32, #tpu.memory_space<hbm>>) dst(%arg22 : memref<80x144xf32, #tpu.memory_space<vmem>>)
          %scan3A_143 = arith.constant 0 : i32
          %scan3A_144 = arith.constant 0 : i32
          %scan3A_145 = arith.constant 20 : i32
          %scan3A_146 = arith.addi %scan3A_144, %scan3A_145 : i32
          %scan3A_147 = arith.constant 1 : i32
          scf.for %scan3A_170 = %scan3A_144 to %scan3A_146 step %scan3A_147  : i32 {
            %mul3A_171 = arith.constant 4 : i32
            %mul3A_172 = arith.muli %scan3A_170, %mul3A_171 : i32
            %add3A_173 = arith.constant 0 : i32
            %add3A_174 = arith.addi %mul3A_172, %add3A_173 : i32
            %get3A_175 = arith.index_cast %add3A_174 : i32 to index
            %get3A_176 = arith.constant 0 : index
            %get3A_177 = tpu.vector_load %arg22[%get3A_175, %get3A_176] {strides = array<i32>} : memref<80x144xf32, #tpu.memory_space<vmem>>, vector<16xf32>,
            %get3A_178 = arith.index_cast %add3A_174 : i32 to index
            %get3A_179 = arith.constant 0 : index
            %get3A_180 = tpu.vector_load %arg21[%get3A_178, %get3A_179] {strides = array<i32>} : memref<80x16xf32, #tpu.memory_space<vmem>>, vector<16xf32>,
            %add3A_181 = arith.addf %get3A_177, %get3A_180 : vector<16xf32>
            %mul3A_182 = arith.constant 2.000000e-01 : f32
            %mul3A_183 = vector.broadcast %mul3A_182 : f32 to vector<16xf32>
            %mul3A_184 = arith.mulf %mul3A_183, %add3A_181 : vector<16xf32>
            %max3A = arith.maximumf %add3A_181, %mul3A_184 : vector<16xf32>
            %exp3A = math.exp %max3A : vector<16xf32>
            %swap3A_185 = arith.index_cast %add3A_174 : i32 to index
            %swap3A_186 = arith.constant 0 : index
            %swap3A_187 = tpu.vector_load %arg22[%swap3A_185, %swap3A_186] {strides = array<i32>} : memref<80x144xf32, #tpu.memory_space<vmem>>, vector<16xf32>,
            tpu.vector_store %arg22[%swap3A_185, %swap3A_186], %exp3A {strides = array<i32>} : memref<80x144xf32, #tpu.memory_space<vmem>>, vector<16xf32>,
            %get3A_188 = arith.index_cast %add3A_174 : i32 to index
            %get3A_189 = arith.constant 16 : index
            %get3A_190 = tpu.vector_load %arg22[%get3A_188, %get3A_189] {strides = array<i32>} : memref<80x144xf32, #tpu.memory_space<vmem>>, vector<16xf32>,
            %mul3A_191 = arith.mulf %get3A_190, %exp3A : vector<16xf32>
            %swap3A_192 = arith.index_cast %add3A_174 : i32 to index
            %swap3A_193 = arith.constant 16 : index
            %swap3A_194 = tpu.vector_load %arg22[%swap3A_192, %swap3A_193] {strides = array<i32>} : memref<80x144xf32, #tpu.memory_space<vmem>>, vector<16xf32>,
            tpu.vector_store %arg22[%swap3A_192, %swap3A_193], %mul3A_191 {strides = array<i32>} : memref<80x144xf32, #tpu.memory_space<vmem>>, vector<16xf32>,
            %get3A_195 = arith.index_cast %add3A_174 : i32 to index
            %get3A_196 = arith.constant 32 : index
            %get3A_197 = tpu.vector_load %arg22[%get3A_195, %get3A_196] {strides = array<i32>} : memref<80x144xf32, #tpu.memory_space<vmem>>, vector<16xf32>,
            %mul3A_198 = arith.mulf %get3A_197, %exp3A : vector<16xf32>
            %swap3A_199 = arith.index_cast %add3A_174 : i32 to index
            %swap3A_200 = arith.constant 32 : index
            %swap3A_201 = tpu.vector_load %arg22[%swap3A_199, %swap3A_200] {strides = array<i32>} : memref<80x144xf32, #tpu.memory_space<vmem>>, vector<16xf32>,
            tpu.vector_store %arg22[%swap3A_199, %swap3A_200], %mul3A_198 {strides = array<i32>} : memref<80x144xf32, #tpu.memory_space<vmem>>, vector<16xf32>,
            %get3A_202 = arith.index_cast %add3A_174 : i32 to index
            %get3A_203 = arith.constant 48 : index
            %get3A_204 = tpu.vector_load %arg22[%get3A_202, %get3A_203] {strides = array<i32>} : memref<80x144xf32, #tpu.memory_space<vmem>>, vector<16xf32>,
            %mul3A_205 = arith.mulf %get3A_204, %exp3A : vector<16xf32>
            %swap3A_206 = arith.index_cast %add3A_174 : i32 to index
            %swap3A_207 = arith.constant 48 : index
            %swap3A_208 = tpu.vector_load %arg22[%swap3A_206, %swap3A_207] {strides = array<i32>} : memref<80x144xf32, #tpu.memory_space<vmem>>, vector<16xf32>,
            tpu.vector_store %arg22[%swap3A_206, %swap3A_207], %mul3A_205 {strides = array<i32>} : memref<80x144xf32, #tpu.memory_space<vmem>>, vector<16xf32>,
            %get3A_209 = arith.index_cast %add3A_174 : i32 to index
            %get3A_210 = arith.constant 64 : index
            %get3A_211 = tpu.vector_load %arg22[%get3A_209, %get3A_210] {strides = array<i32>} : memref<80x144xf32, #tpu.memory_space<vmem>>, vector<16xf32>,
            %mul3A_212 = arith.mulf %get3A_211, %exp3A : vector<16xf32>
            %swap3A_213 = arith.index_cast %add3A_174 : i32 to index
            %swap3A_214 = arith.constant 64 : index
            %swap3A_215 = tpu.vector_load %arg22[%swap3A_213, %swap3A_214] {strides = array<i32>} : memref<80x144xf32, #tpu.memory_space<vmem>>, vector<16xf32>,
            tpu.vector_store %arg22[%swap3A_213, %swap3A_214], %mul3A_212 {strides = array<i32>} : memref<80x144xf32, #tpu.memory_space<vmem>>, vector<16xf32>,
            %get3A_216 = arith.index_cast %add3A_174 : i32 to index
            %get3A_217 = arith.constant 80 : index
            %get3A_218 = tpu.vector_load %arg22[%get3A_216, %get3A_217] {strides = array<i32>} : memref<80x144xf32, #tpu.memory_space<vmem>>, vector<16xf32>,
            %mul3A_219 = arith.mulf %get3A_218, %exp3A : vector<16xf32>
            %swap3A_220 = arith.index_cast %add3A_174 : i32 to index
            %swap3A_221 = arith.constant 80 : index
            %swap3A_222 = tpu.vector_load %arg22[%swap3A_220, %swap3A_221] {strides = array<i32>} : memref<80x144xf32, #tpu.memory_space<vmem>>, vector<16xf32>,
            tpu.vector_store %arg22[%swap3A_220, %swap3A_221], %mul3A_219 {strides = array<i32>} : memref<80x144xf32, #tpu.memory_space<vmem>>, vector<16xf32>,
            %get3A_223 = arith.index_cast %add3A_174 : i32 to index
            %get3A_224 = arith.constant 96 : index
            %get3A_225 = tpu.vector_load %arg22[%get3A_223, %get3A_224] {strides = array<i32>} : memref<80x144xf32, #tpu.memory_space<vmem>>, vector<16xf32>,
            %mul3A_226 = arith.mulf %get3A_225, %exp3A : vector<16xf32>
            %swap3A_227 = arith.index_cast %add3A_174 : i32 to index
            %swap3A_228 = arith.constant 96 : index
            %swap3A_229 = tpu.vector_load %arg22[%swap3A_227, %swap3A_228] {strides = array<i32>} : memref<80x144xf32, #tpu.memory_space<vmem>>, vector<16xf32>,
            tpu.vector_store %arg22[%swap3A_227, %swap3A_228], %mul3A_226 {strides = array<i32>} : memref<80x144xf32, #tpu.memory_space<vmem>>, vector<16xf32>,
            %get3A_230 = arith.index_cast %add3A_174 : i32 to index
            %get3A_231 = arith.constant 112 : index
            %get3A_232 = tpu.vector_load %arg22[%get3A_230, %get3A_231] {strides = array<i32>} : memref<80x144xf32, #tpu.memory_space<vmem>>, vector<16xf32>,
            %mul3A_233 = arith.mulf %get3A_232, %exp3A : vector<16xf32>
            %swap3A_234 = arith.index_cast %add3A_174 : i32 to index
            %swap3A_235 = arith.constant 112 : index
            %swap3A_236 = tpu.vector_load %arg22[%swap3A_234, %swap3A_235] {strides = array<i32>} : memref<80x144xf32, #tpu.memory_space<vmem>>, vector<16xf32>,
            tpu.vector_store %arg22[%swap3A_234, %swap3A_235], %mul3A_233 {strides = array<i32>} : memref<80x144xf32, #tpu.memory_space<vmem>>, vector<16xf32>,
            %get3A_237 = arith.index_cast %add3A_174 : i32 to index
            %get3A_238 = arith.constant 128 : index
            %get3A_239 = tpu.vector_load %arg22[%get3A_237, %get3A_238] {strides = array<i32>} : memref<80x144xf32, #tpu.memory_space<vmem>>, vector<16xf32>,
            %mul3A_240 = arith.mulf %get3A_239, %exp3A : vector<16xf32>
            %swap3A_241 = arith.index_cast %add3A_174 : i32 to index
            %swap3A_242 = arith.constant 128 : index
            %swap3A_243 = tpu.vector_load %arg22[%swap3A_241, %swap3A_242] {strides = array<i32>} : memref<80x144xf32, #tpu.memory_space<vmem>>, vector<16xf32>,
            tpu.vector_store %arg22[%swap3A_241, %swap3A_242], %mul3A_240 {strides = array<i32>} : memref<80x144xf32, #tpu.memory_space<vmem>>, vector<16xf32>,
            %mul3A_244 = arith.constant 4 : i32
            %mul3A_245 = arith.muli %scan3A_170, %mul3A_244 : i32
            %add3A_246 = arith.constant 1 : i32
            %add3A_247 = arith.addi %mul3A_245, %add3A_246 : i32
            %get3A_248 = arith.index_cast %add3A_247 : i32 to index
            %get3A_249 = arith.constant 0 : index
            %get3A_250 = tpu.vector_load %arg22[%get3A_248, %get3A_249] {strides = array<i32>} : memref<80x144xf32, #tpu.memory_space<vmem>>, vector<16xf32>,
            %get3A_251 = arith.index_cast %add3A_247 : i32 to index
            %get3A_252 = arith.constant 0 : index
            %get3A_253 = tpu.vector_load %arg21[%get3A_251, %get3A_252] {strides = array<i32>} : memref<80x16xf32, #tpu.memory_space<vmem>>, vector<16xf32>,
            %add3A_254 = arith.addf %get3A_250, %get3A_253 : vector<16xf32>
            %mul3A_255 = arith.constant 2.000000e-01 : f32
            %mul3A_256 = vector.broadcast %mul3A_255 : f32 to vector<16xf32>
            %mul3A_257 = arith.mulf %mul3A_256, %add3A_254 : vector<16xf32>
            %max3A_258 = arith.maximumf %add3A_254, %mul3A_257 : vector<16xf32>
            %exp3A_259 = math.exp %max3A_258 : vector<16xf32>
            %swap3A_260 = arith.index_cast %add3A_247 : i32 to index
            %swap3A_261 = arith.constant 0 : index
            %swap3A_262 = tpu.vector_load %arg22[%swap3A_260, %swap3A_261] {strides = array<i32>} : memref<80x144xf32, #tpu.memory_space<vmem>>, vector<16xf32>,
            tpu.vector_store %arg22[%swap3A_260, %swap3A_261], %exp3A_259 {strides = array<i32>} : memref<80x144xf32, #tpu.memory_space<vmem>>, vector<16xf32>,
            %get3A_263 = arith.index_cast %add3A_247 : i32 to index
            %get3A_264 = arith.constant 16 : index
            %get3A_265 = tpu.vector_load %arg22[%get3A_263, %get3A_264] {strides = array<i32>} : memref<80x144xf32, #tpu.memory_space<vmem>>, vector<16xf32>,
            %mul3A_266 = arith.mulf %get3A_265, %exp3A_259 : vector<16xf32>
            %swap3A_267 = arith.index_cast %add3A_247 : i32 to index
            %swap3A_268 = arith.constant 16 : index
            %swap3A_269 = tpu.vector_load %arg22[%swap3A_267, %swap3A_268] {strides = array<i32>} : memref<80x144xf32, #tpu.memory_space<vmem>>, vector<16xf32>,
            tpu.vector_store %arg22[%swap3A_267, %swap3A_268], %mul3A_266 {strides = array<i32>} : memref<80x144xf32, #tpu.memory_space<vmem>>, vector<16xf32>,
            %get3A_270 = arith.index_cast %add3A_247 : i32 to index
            %get3A_271 = arith.constant 32 : index
            %get3A_272 = tpu.vector_load %arg22[%get3A_270, %get3A_271] {strides = array<i32>} : memref<80x144xf32, #tpu.memory_space<vmem>>, vector<16xf32>,
            %mul3A_273 = arith.mulf %get3A_272, %exp3A_259 : vector<16xf32>
            %swap3A_274 = arith.index_cast %add3A_247 : i32 to index
            %swap3A_275 = arith.constant 32 : index
            %swap3A_276 = tpu.vector_load %arg22[%swap3A_274, %swap3A_275] {strides = array<i32>} : memref<80x144xf32, #tpu.memory_space<vmem>>, vector<16xf32>,
            tpu.vector_store %arg22[%swap3A_274, %swap3A_275], %mul3A_273 {strides = array<i32>} : memref<80x144xf32, #tpu.memory_space<vmem>>, vector<16xf32>,
            %get3A_277 = arith.index_cast %add3A_247 : i32 to index
            %get3A_278 = arith.constant 48 : index
            %get3A_279 = tpu.vector_load %arg22[%get3A_277, %get3A_278] {strides = array<i32>} : memref<80x144xf32, #tpu.memory_space<vmem>>, vector<16xf32>,
            %mul3A_280 = arith.mulf %get3A_279, %exp3A_259 : vector<16xf32>
            %swap3A_281 = arith.index_cast %add3A_247 : i32 to index
            %swap3A_282 = arith.constant 48 : index
            %swap3A_283 = tpu.vector_load %arg22[%swap3A_281, %swap3A_282] {strides = array<i32>} : memref<80x144xf32, #tpu.memory_space<vmem>>, vector<16xf32>,
            tpu.vector_store %arg22[%swap3A_281, %swap3A_282], %mul3A_280 {strides = array<i32>} : memref<80x144xf32, #tpu.memory_space<vmem>>, vector<16xf32>,
            %get3A_284 = arith.index_cast %add3A_247 : i32 to index
            %get3A_285 = arith.constant 64 : index
            %get3A_286 = tpu.vector_load %arg22[%get3A_284, %get3A_285] {strides = array<i32>} : memref<80x144xf32, #tpu.memory_space<vmem>>, vector<16xf32>,
            %mul3A_287 = arith.mulf %get3A_286, %exp3A_259 : vector<16xf32>
            %swap3A_288 = arith.index_cast %add3A_247 : i32 to index
            %swap3A_289 = arith.constant 64 : index
            %swap3A_290 = tpu.vector_load %arg22[%swap3A_288, %swap3A_289] {strides = array<i32>} : memref<80x144xf32, #tpu.memory_space<vmem>>, vector<16xf32>,
            tpu.vector_store %arg22[%swap3A_288, %swap3A_289], %mul3A_287 {strides = array<i32>} : memref<80x144xf32, #tpu.memory_space<vmem>>, vector<16xf32>,
            %get3A_291 = arith.index_cast %add3A_247 : i32 to index
            %get3A_292 = arith.constant 80 : index
            %get3A_293 = tpu.vector_load %arg22[%get3A_291, %get3A_292] {strides = array<i32>} : memref<80x144xf32, #tpu.memory_space<vmem>>, vector<16xf32>,
            %mul3A_294 = arith.mulf %get3A_293, %exp3A_259 : vector<16xf32>
            %swap3A_295 = arith.index_cast %add3A_247 : i32 to index
            %swap3A_296 = arith.constant 80 : index
            %swap3A_297 = tpu.vector_load %arg22[%swap3A_295, %swap3A_296] {strides = array<i32>} : memref<80x144xf32, #tpu.memory_space<vmem>>, vector<16xf32>,
            tpu.vector_store %arg22[%swap3A_295, %swap3A_296], %mul3A_294 {strides = array<i32>} : memref<80x144xf32, #tpu.memory_space<vmem>>, vector<16xf32>,
            %get3A_298 = arith.index_cast %add3A_247 : i32 to index
            %get3A_299 = arith.constant 96 : index
            %get3A_300 = tpu.vector_load %arg22[%get3A_298, %get3A_299] {strides = array<i32>} : memref<80x144xf32, #tpu.memory_space<vmem>>, vector<16xf32>,
            %mul3A_301 = arith.mulf %get3A_300, %exp3A_259 : vector<16xf32>
            %swap3A_302 = arith.index_cast %add3A_247 : i32 to index
            %swap3A_303 = arith.constant 96 : index
            %swap3A_304 = tpu.vector_load %arg22[%swap3A_302, %swap3A_303] {strides = array<i32>} : memref<80x144xf32, #tpu.memory_space<vmem>>, vector<16xf32>,
            tpu.vector_store %arg22[%swap3A_302, %swap3A_303], %mul3A_301 {strides = array<i32>} : memref<80x144xf32, #tpu.memory_space<vmem>>, vector<16xf32>,
            %get3A_305 = arith.index_cast %add3A_247 : i32 to index
            %get3A_306 = arith.constant 112 : index
            %get3A_307 = tpu.vector_load %arg22[%get3A_305, %get3A_306] {strides = array<i32>} : memref<80x144xf32, #tpu.memory_space<vmem>>, vector<16xf32>,
            %mul3A_308 = arith.mulf %get3A_307, %exp3A_259 : vector<16xf32>
            %swap3A_309 = arith.index_cast %add3A_247 : i32 to index
            %swap3A_310 = arith.constant 112 : index
            %swap3A_311 = tpu.vector_load %arg22[%swap3A_309, %swap3A_310] {strides = array<i32>} : memref<80x144xf32, #tpu.memory_space<vmem>>, vector<16xf32>,
            tpu.vector_store %arg22[%swap3A_309, %swap3A_310], %mul3A_308 {strides = array<i32>} : memref<80x144xf32, #tpu.memory_space<vmem>>, vector<16xf32>,
            %get3A_312 = arith.index_cast %add3A_247 : i32 to index
            %get3A_313 = arith.constant 128 : index
            %get3A_314 = tpu.vector_load %arg22[%get3A_312, %get3A_313] {strides = array<i32>} : memref<80x144xf32, #tpu.memory_space<vmem>>, vector<16xf32>,
            %mul3A_315 = arith.mulf %get3A_314, %exp3A_259 : vector<16xf32>
            %swap3A_316 = arith.index_cast %add3A_247 : i32 to index
            %swap3A_317 = arith.constant 128 : index
            %swap3A_318 = tpu.vector_load %arg22[%swap3A_316, %swap3A_317] {strides = array<i32>} : memref<80x144xf32, #tpu.memory_space<vmem>>, vector<16xf32>,
            tpu.vector_store %arg22[%swap3A_316, %swap3A_317], %mul3A_315 {strides = array<i32>} : memref<80x144xf32, #tpu.memory_space<vmem>>, vector<16xf32>,
            %mul3A_319 = arith.constant 4 : i32
            %mul3A_320 = arith.muli %scan3A_170, %mul3A_319 : i32
            %add3A_321 = arith.constant 2 : i32
            %add3A_322 = arith.addi %mul3A_320, %add3A_321 : i32
            %get3A_323 = arith.index_cast %add3A_322 : i32 to index
            %get3A_324 = arith.constant 0 : index
            %get3A_325 = tpu.vector_load %arg22[%get3A_323, %get3A_324] {strides = array<i32>} : memref<80x144xf32, #tpu.memory_space<vmem>>, vector<16xf32>,
            %get3A_326 = arith.index_cast %add3A_322 : i32 to index
            %get3A_327 = arith.constant 0 : index
            %get3A_328 = tpu.vector_load %arg21[%get3A_326, %get3A_327] {strides = array<i32>} : memref<80x16xf32, #tpu.memory_space<vmem>>, vector<16xf32>,
            %add3A_329 = arith.addf %get3A_325, %get3A_328 : vector<16xf32>
            %mul3A_330 = arith.constant 2.000000e-01 : f32
            %mul3A_331 = vector.broadcast %mul3A_330 : f32 to vector<16xf32>
            %mul3A_332 = arith.mulf %mul3A_331, %add3A_329 : vector<16xf32>
            %max3A_333 = arith.maximumf %add3A_329, %mul3A_332 : vector<16xf32>
            %exp3A_334 = math.exp %max3A_333 : vector<16xf32>
            %swap3A_335 = arith.index_cast %add3A_322 : i32 to index
            %swap3A_336 = arith.constant 0 : index
            %swap3A_337 = tpu.vector_load %arg22[%swap3A_335, %swap3A_336] {strides = array<i32>} : memref<80x144xf32, #tpu.memory_space<vmem>>, vector<16xf32>,
            tpu.vector_store %arg22[%swap3A_335, %swap3A_336], %exp3A_334 {strides = array<i32>} : memref<80x144xf32, #tpu.memory_space<vmem>>, vector<16xf32>,
            %get3A_338 = arith.index_cast %add3A_322 : i32 to index
            %get3A_339 = arith.constant 16 : index
            %get3A_340 = tpu.vector_load %arg22[%get3A_338, %get3A_339] {strides = array<i32>} : memref<80x144xf32, #tpu.memory_space<vmem>>, vector<16xf32>,
            %mul3A_341 = arith.mulf %get3A_340, %exp3A_334 : vector<16xf32>
            %swap3A_342 = arith.index_cast %add3A_322 : i32 to index
            %swap3A_343 = arith.constant 16 : index
            %swap3A_344 = tpu.vector_load %arg22[%swap3A_342, %swap3A_343] {strides = array<i32>} : memref<80x144xf32, #tpu.memory_space<vmem>>, vector<16xf32>,
            tpu.vector_store %arg22[%swap3A_342, %swap3A_343], %mul3A_341 {strides = array<i32>} : memref<80x144xf32, #tpu.memory_space<vmem>>, vector<16xf32>,
            %get3A_345 = arith.index_cast %add3A_322 : i32 to index
            %get3A_346 = arith.constant 32 : index
            %get3A_347 = tpu.vector_load %arg22[%get3A_345, %get3A_346] {strides = array<i32>} : memref<80x144xf32, #tpu.memory_space<vmem>>, vector<16xf32>,
            %mul3A_348 = arith.mulf %get3A_347, %exp3A_334 : vector<16xf32>
            %swap3A_349 = arith.index_cast %add3A_322 : i32 to index
            %swap3A_350 = arith.constant 32 : index
            %swap3A_351 = tpu.vector_load %arg22[%swap3A_349, %swap3A_350] {strides = array<i32>} : memref<80x144xf32, #tpu.memory_space<vmem>>, vector<16xf32>,
            tpu.vector_store %arg22[%swap3A_349, %swap3A_350], %mul3A_348 {strides = array<i32>} : memref<80x144xf32, #tpu.memory_space<vmem>>, vector<16xf32>,
            %get3A_352 = arith.index_cast %add3A_322 : i32 to index
            %get3A_353 = arith.constant 48 : index
            %get3A_354 = tpu.vector_load %arg22[%get3A_352, %get3A_353] {strides = array<i32>} : memref<80x144xf32, #tpu.memory_space<vmem>>, vector<16xf32>,
            %mul3A_355 = arith.mulf %get3A_354, %exp3A_334 : vector<16xf32>
            %swap3A_356 = arith.index_cast %add3A_322 : i32 to index
            %swap3A_357 = arith.constant 48 : index
            %swap3A_358 = tpu.vector_load %arg22[%swap3A_356, %swap3A_357] {strides = array<i32>} : memref<80x144xf32, #tpu.memory_space<vmem>>, vector<16xf32>,
            tpu.vector_store %arg22[%swap3A_356, %swap3A_357], %mul3A_355 {strides = array<i32>} : memref<80x144xf32, #tpu.memory_space<vmem>>, vector<16xf32>,
            %get3A_359 = arith.index_cast %add3A_322 : i32 to index
            %get3A_360 = arith.constant 64 : index
            %get3A_361 = tpu.vector_load %arg22[%get3A_359, %get3A_360] {strides = array<i32>} : memref<80x144xf32, #tpu.memory_space<vmem>>, vector<16xf32>,
            %mul3A_362 = arith.mulf %get3A_361, %exp3A_334 : vector<16xf32>
            %swap3A_363 = arith.index_cast %add3A_322 : i32 to index
            %swap3A_364 = arith.constant 64 : index
            %swap3A_365 = tpu.vector_load %arg22[%swap3A_363, %swap3A_364] {strides = array<i32>} : memref<80x144xf32, #tpu.memory_space<vmem>>, vector<16xf32>,
            tpu.vector_store %arg22[%swap3A_363, %swap3A_364], %mul3A_362 {strides = array<i32>} : memref<80x144xf32, #tpu.memory_space<vmem>>, vector<16xf32>,
            %get3A_366 = arith.index_cast %add3A_322 : i32 to index
            %get3A_367 = arith.constant 80 : index
            %get3A_368 = tpu.vector_load %arg22[%get3A_366, %get3A_367] {strides = array<i32>} : memref<80x144xf32, #tpu.memory_space<vmem>>, vector<16xf32>,
            %mul3A_369 = arith.mulf %get3A_368, %exp3A_334 : vector<16xf32>
            %swap3A_370 = arith.index_cast %add3A_322 : i32 to index
            %swap3A_371 = arith.constant 80 : index
            %swap3A_372 = tpu.vector_load %arg22[%swap3A_370, %swap3A_371] {strides = array<i32>} : memref<80x144xf32, #tpu.memory_space<vmem>>, vector<16xf32>,
            tpu.vector_store %arg22[%swap3A_370, %swap3A_371], %mul3A_369 {strides = array<i32>} : memref<80x144xf32, #tpu.memory_space<vmem>>, vector<16xf32>,
            %get3A_373 = arith.index_cast %add3A_322 : i32 to index
            %get3A_374 = arith.constant 96 : index
            %get3A_375 = tpu.vector_load %arg22[%get3A_373, %get3A_374] {strides = array<i32>} : memref<80x144xf32, #tpu.memory_space<vmem>>, vector<16xf32>,
            %mul3A_376 = arith.mulf %get3A_375, %exp3A_334 : vector<16xf32>
            %swap3A_377 = arith.index_cast %add3A_322 : i32 to index
            %swap3A_378 = arith.constant 96 : index
            %swap3A_379 = tpu.vector_load %arg22[%swap3A_377, %swap3A_378] {strides = array<i32>} : memref<80x144xf32, #tpu.memory_space<vmem>>, vector<16xf32>,
            tpu.vector_store %arg22[%swap3A_377, %swap3A_378], %mul3A_376 {strides = array<i32>} : memref<80x144xf32, #tpu.memory_space<vmem>>, vector<16xf32>,
            %get3A_380 = arith.index_cast %add3A_322 : i32 to index
            %get3A_381 = arith.constant 112 : index
            %get3A_382 = tpu.vector_load %arg22[%get3A_380, %get3A_381] {strides = array<i32>} : memref<80x144xf32, #tpu.memory_space<vmem>>, vector<16xf32>,
            %mul3A_383 = arith.mulf %get3A_382, %exp3A_334 : vector<16xf32>
            %swap3A_384 = arith.index_cast %add3A_322 : i32 to index
            %swap3A_385 = arith.constant 112 : index
            %swap3A_386 = tpu.vector_load %arg22[%swap3A_384, %swap3A_385] {strides = array<i32>} : memref<80x144xf32, #tpu.memory_space<vmem>>, vector<16xf32>,
            tpu.vector_store %arg22[%swap3A_384, %swap3A_385], %mul3A_383 {strides = array<i32>} : memref<80x144xf32, #tpu.memory_space<vmem>>, vector<16xf32>,
            %get3A_387 = arith.index_cast %add3A_322 : i32 to index
            %get3A_388 = arith.constant 128 : index
            %get3A_389 = tpu.vector_load %arg22[%get3A_387, %get3A_388] {strides = array<i32>} : memref<80x144xf32, #tpu.memory_space<vmem>>, vector<16xf32>,
            %mul3A_390 = arith.mulf %get3A_389, %exp3A_334 : vector<16xf32>
            %swap3A_391 = arith.index_cast %add3A_322 : i32 to index
            %swap3A_392 = arith.constant 128 : index
            %swap3A_393 = tpu.vector_load %arg22[%swap3A_391, %swap3A_392] {strides = array<i32>} : memref<80x144xf32, #tpu.memory_space<vmem>>, vector<16xf32>,
            tpu.vector_store %arg22[%swap3A_391, %swap3A_392], %mul3A_390 {strides = array<i32>} : memref<80x144xf32, #tpu.memory_space<vmem>>, vector<16xf32>,
            %mul3A_394 = arith.constant 4 : i32
            %mul3A_395 = arith.muli %scan3A_170, %mul3A_394 : i32
            %add3A_396 = arith.constant 3 : i32
            %add3A_397 = arith.addi %mul3A_395, %add3A_396 : i32
            %get3A_398 = arith.index_cast %add3A_397 : i32 to index
            %get3A_399 = arith.constant 0 : index
            %get3A_400 = tpu.vector_load %arg22[%get3A_398, %get3A_399] {strides = array<i32>} : memref<80x144xf32, #tpu.memory_space<vmem>>, vector<16xf32>,
            %get3A_401 = arith.index_cast %add3A_397 : i32 to index
            %get3A_402 = arith.constant 0 : index
            %get3A_403 = tpu.vector_load %arg21[%get3A_401, %get3A_402] {strides = array<i32>} : memref<80x16xf32, #tpu.memory_space<vmem>>, vector<16xf32>,
            %add3A_404 = arith.addf %get3A_400, %get3A_403 : vector<16xf32>
            %mul3A_405 = arith.constant 2.000000e-01 : f32
            %mul3A_406 = vector.broadcast %mul3A_405 : f32 to vector<16xf32>
            %mul3A_407 = arith.mulf %mul3A_406, %add3A_404 : vector<16xf32>
            %max3A_408 = arith.maximumf %add3A_404, %mul3A_407 : vector<16xf32>
            %exp3A_409 = math.exp %max3A_408 : vector<16xf32>
            %swap3A_410 = arith.index_cast %add3A_397 : i32 to index
            %swap3A_411 = arith.constant 0 : index
            %swap3A_412 = tpu.vector_load %arg22[%swap3A_410, %swap3A_411] {strides = array<i32>} : memref<80x144xf32, #tpu.memory_space<vmem>>, vector<16xf32>,
            tpu.vector_store %arg22[%swap3A_410, %swap3A_411], %exp3A_409 {strides = array<i32>} : memref<80x144xf32, #tpu.memory_space<vmem>>, vector<16xf32>,
            %get3A_413 = arith.index_cast %add3A_397 : i32 to index
            %get3A_414 = arith.constant 16 : index
            %get3A_415 = tpu.vector_load %arg22[%get3A_413, %get3A_414] {strides = array<i32>} : memref<80x144xf32, #tpu.memory_space<vmem>>, vector<16xf32>,
            %mul3A_416 = arith.mulf %get3A_415, %exp3A_409 : vector<16xf32>
            %swap3A_417 = arith.index_cast %add3A_397 : i32 to index
            %swap3A_418 = arith.constant 16 : index
            %swap3A_419 = tpu.vector_load %arg22[%swap3A_417, %swap3A_418] {strides = array<i32>} : memref<80x144xf32, #tpu.memory_space<vmem>>, vector<16xf32>,
            tpu.vector_store %arg22[%swap3A_417, %swap3A_418], %mul3A_416 {strides = array<i32>} : memref<80x144xf32, #tpu.memory_space<vmem>>, vector<16xf32>,
            %get3A_420 = arith.index_cast %add3A_397 : i32 to index
            %get3A_421 = arith.constant 32 : index
            %get3A_422 = tpu.vector_load %arg22[%get3A_420, %get3A_421] {strides = array<i32>} : memref<80x144xf32, #tpu.memory_space<vmem>>, vector<16xf32>,
            %mul3A_423 = arith.mulf %get3A_422, %exp3A_409 : vector<16xf32>
            %swap3A_424 = arith.index_cast %add3A_397 : i32 to index
            %swap3A_425 = arith.constant 32 : index
            %swap3A_426 = tpu.vector_load %arg22[%swap3A_424, %swap3A_425] {strides = array<i32>} : memref<80x144xf32, #tpu.memory_space<vmem>>, vector<16xf32>,
            tpu.vector_store %arg22[%swap3A_424, %swap3A_425], %mul3A_423 {strides = array<i32>} : memref<80x144xf32, #tpu.memory_space<vmem>>, vector<16xf32>,
            %get3A_427 = arith.index_cast %add3A_397 : i32 to index
            %get3A_428 = arith.constant 48 : index
            %get3A_429 = tpu.vector_load %arg22[%get3A_427, %get3A_428] {strides = array<i32>} : memref<80x144xf32, #tpu.memory_space<vmem>>, vector<16xf32>,
            %mul3A_430 = arith.mulf %get3A_429, %exp3A_409 : vector<16xf32>
            %swap3A_431 = arith.index_cast %add3A_397 : i32 to index
            %swap3A_432 = arith.constant 48 : index
            %swap3A_433 = tpu.vector_load %arg22[%swap3A_431, %swap3A_432] {strides = array<i32>} : memref<80x144xf32, #tpu.memory_space<vmem>>, vector<16xf32>,
            tpu.vector_store %arg22[%swap3A_431, %swap3A_432], %mul3A_430 {strides = array<i32>} : memref<80x144xf32, #tpu.memory_space<vmem>>, vector<16xf32>,
            %get3A_434 = arith.index_cast %add3A_397 : i32 to index
            %get3A_435 = arith.constant 64 : index
            %get3A_436 = tpu.vector_load %arg22[%get3A_434, %get3A_435] {strides = array<i32>} : memref<80x144xf32, #tpu.memory_space<vmem>>, vector<16xf32>,
            %mul3A_437 = arith.mulf %get3A_436, %exp3A_409 : vector<16xf32>
            %swap3A_438 = arith.index_cast %add3A_397 : i32 to index
            %swap3A_439 = arith.constant 64 : index
            %swap3A_440 = tpu.vector_load %arg22[%swap3A_438, %swap3A_439] {strides = array<i32>} : memref<80x144xf32, #tpu.memory_space<vmem>>, vector<16xf32>,
            tpu.vector_store %arg22[%swap3A_438, %swap3A_439], %mul3A_437 {strides = array<i32>} : memref<80x144xf32, #tpu.memory_space<vmem>>, vector<16xf32>,
            %get3A_441 = arith.index_cast %add3A_397 : i32 to index
            %get3A_442 = arith.constant 80 : index
            %get3A_443 = tpu.vector_load %arg22[%get3A_441, %get3A_442] {strides = array<i32>} : memref<80x144xf32, #tpu.memory_space<vmem>>, vector<16xf32>,
            %mul3A_444 = arith.mulf %get3A_443, %exp3A_409 : vector<16xf32>
            %swap3A_445 = arith.index_cast %add3A_397 : i32 to index
            %swap3A_446 = arith.constant 80 : index
            %swap3A_447 = tpu.vector_load %arg22[%swap3A_445, %swap3A_446] {strides = array<i32>} : memref<80x144xf32, #tpu.memory_space<vmem>>, vector<16xf32>,
            tpu.vector_store %arg22[%swap3A_445, %swap3A_446], %mul3A_444 {strides = array<i32>} : memref<80x144xf32, #tpu.memory_space<vmem>>, vector<16xf32>,
            %get3A_448 = arith.index_cast %add3A_397 : i32 to index
            %get3A_449 = arith.constant 96 : index
            %get3A_450 = tpu.vector_load %arg22[%get3A_448, %get3A_449] {strides = array<i32>} : memref<80x144xf32, #tpu.memory_space<vmem>>, vector<16xf32>,
            %mul3A_451 = arith.mulf %get3A_450, %exp3A_409 : vector<16xf32>
            %swap3A_452 = arith.index_cast %add3A_397 : i32 to index
            %swap3A_453 = arith.constant 96 : index
            %swap3A_454 = tpu.vector_load %arg22[%swap3A_452, %swap3A_453] {strides = array<i32>} : memref<80x144xf32, #tpu.memory_space<vmem>>, vector<16xf32>,
            tpu.vector_store %arg22[%swap3A_452, %swap3A_453], %mul3A_451 {strides = array<i32>} : memref<80x144xf32, #tpu.memory_space<vmem>>, vector<16xf32>,
            %get3A_455 = arith.index_cast %add3A_397 : i32 to index
            %get3A_456 = arith.constant 112 : index
            %get3A_457 = tpu.vector_load %arg22[%get3A_455, %get3A_456] {strides = array<i32>} : memref<80x144xf32, #tpu.memory_space<vmem>>, vector<16xf32>,
            %mul3A_458 = arith.mulf %get3A_457, %exp3A_409 : vector<16xf32>
            %swap3A_459 = arith.index_cast %add3A_397 : i32 to index
            %swap3A_460 = arith.constant 112 : index
            %swap3A_461 = tpu.vector_load %arg22[%swap3A_459, %swap3A_460] {strides = array<i32>} : memref<80x144xf32, #tpu.memory_space<vmem>>, vector<16xf32>,
            tpu.vector_store %arg22[%swap3A_459, %swap3A_460], %mul3A_458 {strides = array<i32>} : memref<80x144xf32, #tpu.memory_space<vmem>>, vector<16xf32>,
            %get3A_462 = arith.index_cast %add3A_397 : i32 to index
            %get3A_463 = arith.constant 128 : index
            %get3A_464 = tpu.vector_load %arg22[%get3A_462, %get3A_463] {strides = array<i32>} : memref<80x144xf32, #tpu.memory_space<vmem>>, vector<16xf32>,
            %mul3A_465 = arith.mulf %get3A_464, %exp3A_409 : vector<16xf32>
            %swap3A_466 = arith.index_cast %add3A_397 : i32 to index
            %swap3A_467 = arith.constant 128 : index
            %swap3A_468 = tpu.vector_load %arg22[%swap3A_466, %swap3A_467] {strides = array<i32>} : memref<80x144xf32, #tpu.memory_space<vmem>>, vector<16xf32>,
            tpu.vector_store %arg22[%swap3A_466, %swap3A_467], %mul3A_465 {strides = array<i32>} : memref<80x144xf32, #tpu.memory_space<vmem>>, vector<16xf32>,
          }
          %scan3A_148 = arith.constant 20 : i32
          %get3A = arith.constant 0 : index
          %get3A_149 = tpu.vector_load %arg19[%get3A] {strides = array<i32>} : memref<80xi32, #tpu.memory_space<vmem>>, vector<16xi32>,
          %swap3A = arith.constant 0 : index
          %swap3A_150 = tpu.vector_load %arg20[%swap3A] {strides = array<i32>} : memref<80xi32, #tpu.memory_space<vmem>>, vector<16xi32>,
          tpu.vector_store %arg20[%swap3A], %get3A_149 {strides = array<i32>} : memref<80xi32, #tpu.memory_space<vmem>>, vector<16xi32>,
          %get3A_151 = arith.constant 16 : index
          %get3A_152 = tpu.vector_load %arg19[%get3A_151] {strides = array<i32>} : memref<80xi32, #tpu.memory_space<vmem>>, vector<16xi32>,
          %swap3A_153 = arith.constant 16 : index
          %swap3A_154 = tpu.vector_load %arg20[%swap3A_153] {strides = array<i32>} : memref<80xi32, #tpu.memory_space<vmem>>, vector<16xi32>,
          tpu.vector_store %arg20[%swap3A_153], %get3A_152 {strides = array<i32>} : memref<80xi32, #tpu.memory_space<vmem>>, vector<16xi32>,
          %get3A_155 = arith.constant 32 : index
          %get3A_156 = tpu.vector_load %arg19[%get3A_155] {strides = array<i32>} : memref<80xi32, #tpu.memory_space<vmem>>, vector<16xi32>,
          %swap3A_157 = arith.constant 32 : index
          %swap3A_158 = tpu.vector_load %arg20[%swap3A_157] {strides = array<i32>} : memref<80xi32, #tpu.memory_space<vmem>>, vector<16xi32>,
          tpu.vector_store %arg20[%swap3A_157], %get3A_156 {strides = array<i32>} : memref<80xi32, #tpu.memory_space<vmem>>, vector<16xi32>,
          %get3A_159 = arith.constant 48 : index
          %get3A_160 = tpu.vector_load %arg19[%get3A_159] {strides = array<i32>} : memref<80xi32, #tpu.memory_space<vmem>>, vector<16xi32>,
          %swap3A_161 = arith.constant 48 : index
          %swap3A_162 = tpu.vector_load %arg20[%swap3A_161] {strides = array<i32>} : memref<80xi32, #tpu.memory_space<vmem>>, vector<16xi32>,
          tpu.vector_store %arg20[%swap3A_161], %get3A_160 {strides = array<i32>} : memref<80xi32, #tpu.memory_space<vmem>>, vector<16xi32>,
          %get3A_163 = arith.constant 64 : index
          %get3A_164 = tpu.vector_load %arg19[%get3A_163] {strides = array<i32>} : memref<80xi32, #tpu.memory_space<vmem>>, vector<16xi32>,
          %swap3A_165 = arith.constant 64 : index
          %swap3A_166 = tpu.vector_load %arg20[%swap3A_165] {strides = array<i32>} : memref<80xi32, #tpu.memory_space<vmem>>, vector<16xi32>,
          tpu.vector_store %arg20[%swap3A_165], %get3A_164 {strides = array<i32>} : memref<80xi32, #tpu.memory_space<vmem>>, vector<16xi32>,
          %dma_start3A_167 = arith.constant 0 : i32
          %dma_start3A_168 = arith.constant 0 : i32
          %dma_start3A_169 = tpu.memref_slice %arg40[%dma_start3A_167, %dma_start3A_168] : memref<10000x144xf32, #tpu.memory_space<vmem_shared>> -> memref<10000x144xf32, #tpu.memory_space<vmem_shared>>
          tpu.enqueue_indirect_dma source(%arg22 : memref<80x144xf32, #tpu.memory_space<vmem>>) target(%dma_start3A_169 : memref<10000x144xf32, #tpu.memory_space<vmem_shared>>) offsets(%arg20 : memref<80xi32, #tpu.memory_space<vmem>>) semaphore(%arg35 : memref<!tpu.dma_semaphore, #tpu.memory_space<semaphore_mem>>) {add = true}
        } else {
        }
        %jit3A_98 = arith.constant 3 : i32
        %eq3A_99 = arith.constant 0 : i32
        %eq3A_100 = arith.cmpi eq, %jit3A_98, %eq3A_99 : i32
        %jit3A_101 = arith.constant 1 : i32
        %select_n3A_102 = arith.select %eq3A_100, %jit3A_101, %jit3A_98 : i32
        %rem3A_103 = arith.remsi %scan3A_61, %select_n3A_102 : i32
        %ne3A_104 = arith.constant 0 : i32
        %ne3A_105 = arith.cmpi ne, %rem3A_103, %ne3A_104 : i32
        %lt3A_106 = arith.constant 0 : i32
        %lt3A_107 = arith.cmpi slt, %rem3A_103, %lt3A_106 : i32
        %lt3A_108 = arith.constant 0 : i32
        %lt3A_109 = arith.cmpi slt, %select_n3A_102, %lt3A_108 : i32
        %ne3A_110 = arith.xori %lt3A_107, %lt3A_109 : i1
        %and3A_111 = arith.andi %ne3A_110, %ne3A_105 : i1
        %add3A_112 = arith.addi %rem3A_103, %select_n3A_102 : i32
        %select_n3A_113 = arith.select %and3A_111, %add3A_112, %rem3A_103 : i32
        %eq3A_114 = arith.constant 2 : i32
        %eq3A_115 = arith.cmpi eq, %select_n3A_113, %eq3A_114 : i32
        %convert_element_type3A_116 = arith.extui %eq3A_115 : i1 to i32
        %cond3A_117 = arith.constant 0 : i32
        %cond3A_118 = arith.cmpi ne, %convert_element_type3A_116, %cond3A_117 : i32
        scf.if %cond3A_118 {
          %ge3A = arith.constant 2 : i32
          %ge3A_119 = arith.cmpi sge, %scan3A_61, %ge3A : i32
          %convert_element_type3A_120 = arith.extui %ge3A_119 : i1 to i32
          %cond3A_121 = arith.constant 0 : i32
          %cond3A_122 = arith.cmpi ne, %convert_element_type3A_120, %cond3A_121 : i32
          scf.if %cond3A_122 {
            %dma_wait3A_170 = arith.constant 0 : i32
            %dma_wait3A_171 = arith.constant 0 : i32
            %dma_wait3A_172 = tpu.memref_slice %arg40[%dma_wait3A_170, %dma_wait3A_171] : memref<10000x144xf32, #tpu.memory_space<vmem_shared>> -> memref<10000x144xf32, #tpu.memory_space<vmem_shared>>
            tpu.wait_indirect_dma semaphore(%arg31 : memref<!tpu.dma_semaphore, #tpu.memory_space<semaphore_mem>>) src(%arg17 : memref<80x144xf32, #tpu.memory_space<vmem>>) dst(%dma_wait3A_172 : memref<10000x144xf32, #tpu.memory_space<vmem_shared>>)
          } else {
          }
          %add3A_123 = arith.constant 1 : i32
          %add3A_124 = arith.addi %scan3A_61, %add3A_123 : i32
          %lt3A_125 = arith.constant 250 : i32
          %lt3A_126 = arith.cmpi slt, %add3A_124, %lt3A_125 : i32
          %convert_element_type3A_127 = arith.extui %lt3A_126 : i1 to i32
          %cond3A_128 = arith.constant 0 : i32
          %cond3A_129 = arith.cmpi ne, %convert_element_type3A_127, %cond3A_128 : i32
          scf.if %cond3A_129 {
            %add3A_170 = arith.constant 1 : i32
            %add3A_171 = arith.addi %scan3A_61, %add3A_170 : i32
            %mul3A_172 = arith.constant 20000 : i32
            %mul3A_173 = arith.muli %arg1, %mul3A_172 : i32
            %mul3A_174 = arith.constant 80 : i32
            %mul3A_175 = arith.muli %add3A_171, %mul3A_174 : i32
            %add3A_176 = arith.addi %mul3A_173, %mul3A_175 : i32
            %dma_wait3A_177 = tpu.memref_slice %arg2[%add3A_176] : memref<320000xi32, #tpu.memory_space<hbm>> -> memref<80xi32, #tpu.memory_space<hbm>>
            %dma_wait3A_178 = tpu.memref_slice %arg2[%add3A_176] : memref<320000xi32, #tpu.memory_space<hbm>> -> memref<80xi32, #tpu.memory_space<hbm>>
            tpu.wait_dma2 semaphore(%arg28 : memref<!tpu.dma_semaphore, #tpu.memory_space<semaphore_mem>>) src(%dma_wait3A_178 : memref<80xi32, #tpu.memory_space<hbm>>) dst(%arg13 : memref<80xi32, #tpu.memory_space<vmem>>)
            %dma_wait3A_179 = tpu.memref_slice %arg3[%add3A_176] : memref<320000xi32, #tpu.memory_space<hbm>> -> memref<80xi32, #tpu.memory_space<hbm>>
            %dma_wait3A_180 = tpu.memref_slice %arg3[%add3A_176] : memref<320000xi32, #tpu.memory_space<hbm>> -> memref<80xi32, #tpu.memory_space<hbm>>
            tpu.wait_dma2 semaphore(%arg28 : memref<!tpu.dma_semaphore, #tpu.memory_space<semaphore_mem>>) src(%dma_wait3A_180 : memref<80xi32, #tpu.memory_space<hbm>>) dst(%arg14 : memref<80xi32, #tpu.memory_space<vmem>>)
            %dma_start3A_181 = arith.constant 0 : i32
            %dma_start3A_182 = arith.constant 0 : i32
            %dma_start3A_183 = tpu.memref_slice %arg7[%dma_start3A_181, %dma_start3A_182] : memref<10000x16xf32, #tpu.memory_space<hbm>> -> memref<10000x16xf32, #tpu.memory_space<hbm>>
            tpu.enqueue_indirect_dma source(%dma_start3A_183 : memref<10000x16xf32, #tpu.memory_space<hbm>>) target(%arg16 : memref<80x16xf32, #tpu.memory_space<vmem>>) offsets(%arg14 : memref<80xi32, #tpu.memory_space<vmem>>) semaphore(%arg29 : memref<!tpu.dma_semaphore, #tpu.memory_space<semaphore_mem>>)
            %dma_start3A_184 = arith.constant 0 : i32
            %dma_start3A_185 = arith.constant 0 : i32
            %dma_start3A_186 = tpu.memref_slice %arg6[%dma_start3A_184, %dma_start3A_185] : memref<10000x144xf32, #tpu.memory_space<hbm>> -> memref<10000x144xf32, #tpu.memory_space<hbm>>
            tpu.enqueue_indirect_dma source(%dma_start3A_186 : memref<10000x144xf32, #tpu.memory_space<hbm>>) target(%arg17 : memref<80x144xf32, #tpu.memory_space<vmem>>) offsets(%arg13 : memref<80xi32, #tpu.memory_space<vmem>>) semaphore(%arg30 : memref<!tpu.dma_semaphore, #tpu.memory_space<semaphore_mem>>)
          } else {
          }
          %add3A_130 = arith.constant 2 : i32
          %add3A_131 = arith.addi %scan3A_61, %add3A_130 : i32
          %lt3A_132 = arith.constant 250 : i32
          %lt3A_133 = arith.cmpi slt, %add3A_131, %lt3A_132 : i32
          %convert_element_type3A_134 = arith.extui %lt3A_133 : i1 to i32
          %cond3A_135 = arith.constant 0 : i32
          %cond3A_136 = arith.cmpi ne, %convert_element_type3A_134, %cond3A_135 : i32
          scf.if %cond3A_136 {
            %add3A_170 = arith.constant 2 : i32
            %add3A_171 = arith.addi %scan3A_61, %add3A_170 : i32
            %mul3A_172 = arith.constant 20000 : i32
            %mul3A_173 = arith.muli %arg1, %mul3A_172 : i32
            %mul3A_174 = arith.constant 80 : i32
            %mul3A_175 = arith.muli %add3A_171, %mul3A_174 : i32
            %add3A_176 = arith.addi %mul3A_173, %mul3A_175 : i32
            %dma_start3A_177 = tpu.memref_slice %arg2[%add3A_176] : memref<320000xi32, #tpu.memory_space<hbm>> -> memref<80xi32, #tpu.memory_space<hbm>>
            %dma_start3A_178 = tpu.memref_slice %arg2[%add3A_176] : memref<320000xi32, #tpu.memory_space<hbm>> -> memref<80xi32, #tpu.memory_space<hbm>>
            tpu.enqueue_dma source(%dma_start3A_178 : memref<80xi32, #tpu.memory_space<hbm>>) target(%arg18 : memref<80xi32, #tpu.memory_space<vmem>>) target_semaphore(%arg32 : memref<!tpu.dma_semaphore, #tpu.memory_space<semaphore_mem>>)
            %dma_start3A_179 = tpu.memref_slice %arg3[%add3A_176] : memref<320000xi32, #tpu.memory_space<hbm>> -> memref<80xi32, #tpu.memory_space<hbm>>
            %dma_start3A_180 = tpu.memref_slice %arg3[%add3A_176] : memref<320000xi32, #tpu.memory_space<hbm>> -> memref<80xi32, #tpu.memory_space<hbm>>
            tpu.enqueue_dma source(%dma_start3A_180 : memref<80xi32, #tpu.memory_space<hbm>>) target(%arg19 : memref<80xi32, #tpu.memory_space<vmem>>) target_semaphore(%arg32 : memref<!tpu.dma_semaphore, #tpu.memory_space<semaphore_mem>>)
          } else {
          }
          %dma_wait3A_137 = arith.constant 0 : i32
          %dma_wait3A_138 = arith.constant 0 : i32
          %dma_wait3A_139 = tpu.memref_slice %arg7[%dma_wait3A_137, %dma_wait3A_138] : memref<10000x16xf32, #tpu.memory_space<hbm>> -> memref<10000x16xf32, #tpu.memory_space<hbm>>
          tpu.wait_indirect_dma semaphore(%arg37 : memref<!tpu.dma_semaphore, #tpu.memory_space<semaphore_mem>>) src(%dma_wait3A_139 : memref<10000x16xf32, #tpu.memory_space<hbm>>) dst(%arg26 : memref<80x16xf32, #tpu.memory_space<vmem>>)
          %dma_wait3A_140 = arith.constant 0 : i32
          %dma_wait3A_141 = arith.constant 0 : i32
          %dma_wait3A_142 = tpu.memref_slice %arg6[%dma_wait3A_140, %dma_wait3A_141] : memref<10000x144xf32, #tpu.memory_space<hbm>> -> memref<10000x144xf32, #tpu.memory_space<hbm>>
          tpu.wait_indirect_dma semaphore(%arg38 : memref<!tpu.dma_semaphore, #tpu.memory_space<semaphore_mem>>) src(%dma_wait3A_142 : memref<10000x144xf32, #tpu.memory_space<hbm>>) dst(%arg27 : memref<80x144xf32, #tpu.memory_space<vmem>>)
          %scan3A_143 = arith.constant 0 : i32
          %scan3A_144 = arith.constant 0 : i32
          %scan3A_145 = arith.constant 20 : i32
          %scan3A_146 = arith.addi %scan3A_144, %scan3A_145 : i32
          %scan3A_147 = arith.constant 1 : i32
          scf.for %scan3A_170 = %scan3A_144 to %scan3A_146 step %scan3A_147  : i32 {
            %mul3A_171 = arith.constant 4 : i32
            %mul3A_172 = arith.muli %scan3A_170, %mul3A_171 : i32
            %add3A_173 = arith.constant 0 : i32
            %add3A_174 = arith.addi %mul3A_172, %add3A_173 : i32
            %get3A_175 = arith.index_cast %add3A_174 : i32 to index
            %get3A_176 = arith.constant 0 : index
            %get3A_177 = tpu.vector_load %arg27[%get3A_175, %get3A_176] {strides = array<i32>} : memref<80x144xf32, #tpu.memory_space<vmem>>, vector<16xf32>,
            %get3A_178 = arith.index_cast %add3A_174 : i32 to index
            %get3A_179 = arith.constant 0 : index
            %get3A_180 = tpu.vector_load %arg26[%get3A_178, %get3A_179] {strides = array<i32>} : memref<80x16xf32, #tpu.memory_space<vmem>>, vector<16xf32>,
            %add3A_181 = arith.addf %get3A_177, %get3A_180 : vector<16xf32>
            %mul3A_182 = arith.constant 2.000000e-01 : f32
            %mul3A_183 = vector.broadcast %mul3A_182 : f32 to vector<16xf32>
            %mul3A_184 = arith.mulf %mul3A_183, %add3A_181 : vector<16xf32>
            %max3A = arith.maximumf %add3A_181, %mul3A_184 : vector<16xf32>
            %exp3A = math.exp %max3A : vector<16xf32>
            %swap3A_185 = arith.index_cast %add3A_174 : i32 to index
            %swap3A_186 = arith.constant 0 : index
            %swap3A_187 = tpu.vector_load %arg27[%swap3A_185, %swap3A_186] {strides = array<i32>} : memref<80x144xf32, #tpu.memory_space<vmem>>, vector<16xf32>,
            tpu.vector_store %arg27[%swap3A_185, %swap3A_186], %exp3A {strides = array<i32>} : memref<80x144xf32, #tpu.memory_space<vmem>>, vector<16xf32>,
            %get3A_188 = arith.index_cast %add3A_174 : i32 to index
            %get3A_189 = arith.constant 16 : index
            %get3A_190 = tpu.vector_load %arg27[%get3A_188, %get3A_189] {strides = array<i32>} : memref<80x144xf32, #tpu.memory_space<vmem>>, vector<16xf32>,
            %mul3A_191 = arith.mulf %get3A_190, %exp3A : vector<16xf32>
            %swap3A_192 = arith.index_cast %add3A_174 : i32 to index
            %swap3A_193 = arith.constant 16 : index
            %swap3A_194 = tpu.vector_load %arg27[%swap3A_192, %swap3A_193] {strides = array<i32>} : memref<80x144xf32, #tpu.memory_space<vmem>>, vector<16xf32>,
            tpu.vector_store %arg27[%swap3A_192, %swap3A_193], %mul3A_191 {strides = array<i32>} : memref<80x144xf32, #tpu.memory_space<vmem>>, vector<16xf32>,
            %get3A_195 = arith.index_cast %add3A_174 : i32 to index
            %get3A_196 = arith.constant 32 : index
            %get3A_197 = tpu.vector_load %arg27[%get3A_195, %get3A_196] {strides = array<i32>} : memref<80x144xf32, #tpu.memory_space<vmem>>, vector<16xf32>,
            %mul3A_198 = arith.mulf %get3A_197, %exp3A : vector<16xf32>
            %swap3A_199 = arith.index_cast %add3A_174 : i32 to index
            %swap3A_200 = arith.constant 32 : index
            %swap3A_201 = tpu.vector_load %arg27[%swap3A_199, %swap3A_200] {strides = array<i32>} : memref<80x144xf32, #tpu.memory_space<vmem>>, vector<16xf32>,
            tpu.vector_store %arg27[%swap3A_199, %swap3A_200], %mul3A_198 {strides = array<i32>} : memref<80x144xf32, #tpu.memory_space<vmem>>, vector<16xf32>,
            %get3A_202 = arith.index_cast %add3A_174 : i32 to index
            %get3A_203 = arith.constant 48 : index
            %get3A_204 = tpu.vector_load %arg27[%get3A_202, %get3A_203] {strides = array<i32>} : memref<80x144xf32, #tpu.memory_space<vmem>>, vector<16xf32>,
            %mul3A_205 = arith.mulf %get3A_204, %exp3A : vector<16xf32>
            %swap3A_206 = arith.index_cast %add3A_174 : i32 to index
            %swap3A_207 = arith.constant 48 : index
            %swap3A_208 = tpu.vector_load %arg27[%swap3A_206, %swap3A_207] {strides = array<i32>} : memref<80x144xf32, #tpu.memory_space<vmem>>, vector<16xf32>,
            tpu.vector_store %arg27[%swap3A_206, %swap3A_207], %mul3A_205 {strides = array<i32>} : memref<80x144xf32, #tpu.memory_space<vmem>>, vector<16xf32>,
            %get3A_209 = arith.index_cast %add3A_174 : i32 to index
            %get3A_210 = arith.constant 64 : index
            %get3A_211 = tpu.vector_load %arg27[%get3A_209, %get3A_210] {strides = array<i32>} : memref<80x144xf32, #tpu.memory_space<vmem>>, vector<16xf32>,
            %mul3A_212 = arith.mulf %get3A_211, %exp3A : vector<16xf32>
            %swap3A_213 = arith.index_cast %add3A_174 : i32 to index
            %swap3A_214 = arith.constant 64 : index
            %swap3A_215 = tpu.vector_load %arg27[%swap3A_213, %swap3A_214] {strides = array<i32>} : memref<80x144xf32, #tpu.memory_space<vmem>>, vector<16xf32>,
            tpu.vector_store %arg27[%swap3A_213, %swap3A_214], %mul3A_212 {strides = array<i32>} : memref<80x144xf32, #tpu.memory_space<vmem>>, vector<16xf32>,
            %get3A_216 = arith.index_cast %add3A_174 : i32 to index
            %get3A_217 = arith.constant 80 : index
            %get3A_218 = tpu.vector_load %arg27[%get3A_216, %get3A_217] {strides = array<i32>} : memref<80x144xf32, #tpu.memory_space<vmem>>, vector<16xf32>,
            %mul3A_219 = arith.mulf %get3A_218, %exp3A : vector<16xf32>
            %swap3A_220 = arith.index_cast %add3A_174 : i32 to index
            %swap3A_221 = arith.constant 80 : index
            %swap3A_222 = tpu.vector_load %arg27[%swap3A_220, %swap3A_221] {strides = array<i32>} : memref<80x144xf32, #tpu.memory_space<vmem>>, vector<16xf32>,
            tpu.vector_store %arg27[%swap3A_220, %swap3A_221], %mul3A_219 {strides = array<i32>} : memref<80x144xf32, #tpu.memory_space<vmem>>, vector<16xf32>,
            %get3A_223 = arith.index_cast %add3A_174 : i32 to index
            %get3A_224 = arith.constant 96 : index
            %get3A_225 = tpu.vector_load %arg27[%get3A_223, %get3A_224] {strides = array<i32>} : memref<80x144xf32, #tpu.memory_space<vmem>>, vector<16xf32>,
            %mul3A_226 = arith.mulf %get3A_225, %exp3A : vector<16xf32>
            %swap3A_227 = arith.index_cast %add3A_174 : i32 to index
            %swap3A_228 = arith.constant 96 : index
            %swap3A_229 = tpu.vector_load %arg27[%swap3A_227, %swap3A_228] {strides = array<i32>} : memref<80x144xf32, #tpu.memory_space<vmem>>, vector<16xf32>,
            tpu.vector_store %arg27[%swap3A_227, %swap3A_228], %mul3A_226 {strides = array<i32>} : memref<80x144xf32, #tpu.memory_space<vmem>>, vector<16xf32>,
            %get3A_230 = arith.index_cast %add3A_174 : i32 to index
            %get3A_231 = arith.constant 112 : index
            %get3A_232 = tpu.vector_load %arg27[%get3A_230, %get3A_231] {strides = array<i32>} : memref<80x144xf32, #tpu.memory_space<vmem>>, vector<16xf32>,
            %mul3A_233 = arith.mulf %get3A_232, %exp3A : vector<16xf32>
            %swap3A_234 = arith.index_cast %add3A_174 : i32 to index
            %swap3A_235 = arith.constant 112 : index
            %swap3A_236 = tpu.vector_load %arg27[%swap3A_234, %swap3A_235] {strides = array<i32>} : memref<80x144xf32, #tpu.memory_space<vmem>>, vector<16xf32>,
            tpu.vector_store %arg27[%swap3A_234, %swap3A_235], %mul3A_233 {strides = array<i32>} : memref<80x144xf32, #tpu.memory_space<vmem>>, vector<16xf32>,
            %get3A_237 = arith.index_cast %add3A_174 : i32 to index
            %get3A_238 = arith.constant 128 : index
            %get3A_239 = tpu.vector_load %arg27[%get3A_237, %get3A_238] {strides = array<i32>} : memref<80x144xf32, #tpu.memory_space<vmem>>, vector<16xf32>,
            %mul3A_240 = arith.mulf %get3A_239, %exp3A : vector<16xf32>
            %swap3A_241 = arith.index_cast %add3A_174 : i32 to index
            %swap3A_242 = arith.constant 128 : index
            %swap3A_243 = tpu.vector_load %arg27[%swap3A_241, %swap3A_242] {strides = array<i32>} : memref<80x144xf32, #tpu.memory_space<vmem>>, vector<16xf32>,
            tpu.vector_store %arg27[%swap3A_241, %swap3A_242], %mul3A_240 {strides = array<i32>} : memref<80x144xf32, #tpu.memory_space<vmem>>, vector<16xf32>,
            %mul3A_244 = arith.constant 4 : i32
            %mul3A_245 = arith.muli %scan3A_170, %mul3A_244 : i32
            %add3A_246 = arith.constant 1 : i32
            %add3A_247 = arith.addi %mul3A_245, %add3A_246 : i32
            %get3A_248 = arith.index_cast %add3A_247 : i32 to index
            %get3A_249 = arith.constant 0 : index
            %get3A_250 = tpu.vector_load %arg27[%get3A_248, %get3A_249] {strides = array<i32>} : memref<80x144xf32, #tpu.memory_space<vmem>>, vector<16xf32>,
            %get3A_251 = arith.index_cast %add3A_247 : i32 to index
            %get3A_252 = arith.constant 0 : index
            %get3A_253 = tpu.vector_load %arg26[%get3A_251, %get3A_252] {strides = array<i32>} : memref<80x16xf32, #tpu.memory_space<vmem>>, vector<16xf32>,
            %add3A_254 = arith.addf %get3A_250, %get3A_253 : vector<16xf32>
            %mul3A_255 = arith.constant 2.000000e-01 : f32
            %mul3A_256 = vector.broadcast %mul3A_255 : f32 to vector<16xf32>
            %mul3A_257 = arith.mulf %mul3A_256, %add3A_254 : vector<16xf32>
            %max3A_258 = arith.maximumf %add3A_254, %mul3A_257 : vector<16xf32>
            %exp3A_259 = math.exp %max3A_258 : vector<16xf32>
            %swap3A_260 = arith.index_cast %add3A_247 : i32 to index
            %swap3A_261 = arith.constant 0 : index
            %swap3A_262 = tpu.vector_load %arg27[%swap3A_260, %swap3A_261] {strides = array<i32>} : memref<80x144xf32, #tpu.memory_space<vmem>>, vector<16xf32>,
            tpu.vector_store %arg27[%swap3A_260, %swap3A_261], %exp3A_259 {strides = array<i32>} : memref<80x144xf32, #tpu.memory_space<vmem>>, vector<16xf32>,
            %get3A_263 = arith.index_cast %add3A_247 : i32 to index
            %get3A_264 = arith.constant 16 : index
            %get3A_265 = tpu.vector_load %arg27[%get3A_263, %get3A_264] {strides = array<i32>} : memref<80x144xf32, #tpu.memory_space<vmem>>, vector<16xf32>,
            %mul3A_266 = arith.mulf %get3A_265, %exp3A_259 : vector<16xf32>
            %swap3A_267 = arith.index_cast %add3A_247 : i32 to index
            %swap3A_268 = arith.constant 16 : index
            %swap3A_269 = tpu.vector_load %arg27[%swap3A_267, %swap3A_268] {strides = array<i32>} : memref<80x144xf32, #tpu.memory_space<vmem>>, vector<16xf32>,
            tpu.vector_store %arg27[%swap3A_267, %swap3A_268], %mul3A_266 {strides = array<i32>} : memref<80x144xf32, #tpu.memory_space<vmem>>, vector<16xf32>,
            %get3A_270 = arith.index_cast %add3A_247 : i32 to index
            %get3A_271 = arith.constant 32 : index
            %get3A_272 = tpu.vector_load %arg27[%get3A_270, %get3A_271] {strides = array<i32>} : memref<80x144xf32, #tpu.memory_space<vmem>>, vector<16xf32>,
            %mul3A_273 = arith.mulf %get3A_272, %exp3A_259 : vector<16xf32>
            %swap3A_274 = arith.index_cast %add3A_247 : i32 to index
            %swap3A_275 = arith.constant 32 : index
            %swap3A_276 = tpu.vector_load %arg27[%swap3A_274, %swap3A_275] {strides = array<i32>} : memref<80x144xf32, #tpu.memory_space<vmem>>, vector<16xf32>,
            tpu.vector_store %arg27[%swap3A_274, %swap3A_275], %mul3A_273 {strides = array<i32>} : memref<80x144xf32, #tpu.memory_space<vmem>>, vector<16xf32>,
            %get3A_277 = arith.index_cast %add3A_247 : i32 to index
            %get3A_278 = arith.constant 48 : index
            %get3A_279 = tpu.vector_load %arg27[%get3A_277, %get3A_278] {strides = array<i32>} : memref<80x144xf32, #tpu.memory_space<vmem>>, vector<16xf32>,
            %mul3A_280 = arith.mulf %get3A_279, %exp3A_259 : vector<16xf32>
            %swap3A_281 = arith.index_cast %add3A_247 : i32 to index
            %swap3A_282 = arith.constant 48 : index
            %swap3A_283 = tpu.vector_load %arg27[%swap3A_281, %swap3A_282] {strides = array<i32>} : memref<80x144xf32, #tpu.memory_space<vmem>>, vector<16xf32>,
            tpu.vector_store %arg27[%swap3A_281, %swap3A_282], %mul3A_280 {strides = array<i32>} : memref<80x144xf32, #tpu.memory_space<vmem>>, vector<16xf32>,
            %get3A_284 = arith.index_cast %add3A_247 : i32 to index
            %get3A_285 = arith.constant 64 : index
            %get3A_286 = tpu.vector_load %arg27[%get3A_284, %get3A_285] {strides = array<i32>} : memref<80x144xf32, #tpu.memory_space<vmem>>, vector<16xf32>,
            %mul3A_287 = arith.mulf %get3A_286, %exp3A_259 : vector<16xf32>
            %swap3A_288 = arith.index_cast %add3A_247 : i32 to index
            %swap3A_289 = arith.constant 64 : index
            %swap3A_290 = tpu.vector_load %arg27[%swap3A_288, %swap3A_289] {strides = array<i32>} : memref<80x144xf32, #tpu.memory_space<vmem>>, vector<16xf32>,
            tpu.vector_store %arg27[%swap3A_288, %swap3A_289], %mul3A_287 {strides = array<i32>} : memref<80x144xf32, #tpu.memory_space<vmem>>, vector<16xf32>,
            %get3A_291 = arith.index_cast %add3A_247 : i32 to index
            %get3A_292 = arith.constant 80 : index
            %get3A_293 = tpu.vector_load %arg27[%get3A_291, %get3A_292] {strides = array<i32>} : memref<80x144xf32, #tpu.memory_space<vmem>>, vector<16xf32>,
            %mul3A_294 = arith.mulf %get3A_293, %exp3A_259 : vector<16xf32>
            %swap3A_295 = arith.index_cast %add3A_247 : i32 to index
            %swap3A_296 = arith.constant 80 : index
            %swap3A_297 = tpu.vector_load %arg27[%swap3A_295, %swap3A_296] {strides = array<i32>} : memref<80x144xf32, #tpu.memory_space<vmem>>, vector<16xf32>,
            tpu.vector_store %arg27[%swap3A_295, %swap3A_296], %mul3A_294 {strides = array<i32>} : memref<80x144xf32, #tpu.memory_space<vmem>>, vector<16xf32>,
            %get3A_298 = arith.index_cast %add3A_247 : i32 to index
            %get3A_299 = arith.constant 96 : index
            %get3A_300 = tpu.vector_load %arg27[%get3A_298, %get3A_299] {strides = array<i32>} : memref<80x144xf32, #tpu.memory_space<vmem>>, vector<16xf32>,
            %mul3A_301 = arith.mulf %get3A_300, %exp3A_259 : vector<16xf32>
            %swap3A_302 = arith.index_cast %add3A_247 : i32 to index
            %swap3A_303 = arith.constant 96 : index
            %swap3A_304 = tpu.vector_load %arg27[%swap3A_302, %swap3A_303] {strides = array<i32>} : memref<80x144xf32, #tpu.memory_space<vmem>>, vector<16xf32>,
            tpu.vector_store %arg27[%swap3A_302, %swap3A_303], %mul3A_301 {strides = array<i32>} : memref<80x144xf32, #tpu.memory_space<vmem>>, vector<16xf32>,
            %get3A_305 = arith.index_cast %add3A_247 : i32 to index
            %get3A_306 = arith.constant 112 : index
            %get3A_307 = tpu.vector_load %arg27[%get3A_305, %get3A_306] {strides = array<i32>} : memref<80x144xf32, #tpu.memory_space<vmem>>, vector<16xf32>,
            %mul3A_308 = arith.mulf %get3A_307, %exp3A_259 : vector<16xf32>
            %swap3A_309 = arith.index_cast %add3A_247 : i32 to index
            %swap3A_310 = arith.constant 112 : index
            %swap3A_311 = tpu.vector_load %arg27[%swap3A_309, %swap3A_310] {strides = array<i32>} : memref<80x144xf32, #tpu.memory_space<vmem>>, vector<16xf32>,
            tpu.vector_store %arg27[%swap3A_309, %swap3A_310], %mul3A_308 {strides = array<i32>} : memref<80x144xf32, #tpu.memory_space<vmem>>, vector<16xf32>,
            %get3A_312 = arith.index_cast %add3A_247 : i32 to index
            %get3A_313 = arith.constant 128 : index
            %get3A_314 = tpu.vector_load %arg27[%get3A_312, %get3A_313] {strides = array<i32>} : memref<80x144xf32, #tpu.memory_space<vmem>>, vector<16xf32>,
            %mul3A_315 = arith.mulf %get3A_314, %exp3A_259 : vector<16xf32>
            %swap3A_316 = arith.index_cast %add3A_247 : i32 to index
            %swap3A_317 = arith.constant 128 : index
            %swap3A_318 = tpu.vector_load %arg27[%swap3A_316, %swap3A_317] {strides = array<i32>} : memref<80x144xf32, #tpu.memory_space<vmem>>, vector<16xf32>,
            tpu.vector_store %arg27[%swap3A_316, %swap3A_317], %mul3A_315 {strides = array<i32>} : memref<80x144xf32, #tpu.memory_space<vmem>>, vector<16xf32>,
            %mul3A_319 = arith.constant 4 : i32
            %mul3A_320 = arith.muli %scan3A_170, %mul3A_319 : i32
            %add3A_321 = arith.constant 2 : i32
            %add3A_322 = arith.addi %mul3A_320, %add3A_321 : i32
            %get3A_323 = arith.index_cast %add3A_322 : i32 to index
            %get3A_324 = arith.constant 0 : index
            %get3A_325 = tpu.vector_load %arg27[%get3A_323, %get3A_324] {strides = array<i32>} : memref<80x144xf32, #tpu.memory_space<vmem>>, vector<16xf32>,
            %get3A_326 = arith.index_cast %add3A_322 : i32 to index
            %get3A_327 = arith.constant 0 : index
            %get3A_328 = tpu.vector_load %arg26[%get3A_326, %get3A_327] {strides = array<i32>} : memref<80x16xf32, #tpu.memory_space<vmem>>, vector<16xf32>,
            %add3A_329 = arith.addf %get3A_325, %get3A_328 : vector<16xf32>
            %mul3A_330 = arith.constant 2.000000e-01 : f32
            %mul3A_331 = vector.broadcast %mul3A_330 : f32 to vector<16xf32>
            %mul3A_332 = arith.mulf %mul3A_331, %add3A_329 : vector<16xf32>
            %max3A_333 = arith.maximumf %add3A_329, %mul3A_332 : vector<16xf32>
            %exp3A_334 = math.exp %max3A_333 : vector<16xf32>
            %swap3A_335 = arith.index_cast %add3A_322 : i32 to index
            %swap3A_336 = arith.constant 0 : index
            %swap3A_337 = tpu.vector_load %arg27[%swap3A_335, %swap3A_336] {strides = array<i32>} : memref<80x144xf32, #tpu.memory_space<vmem>>, vector<16xf32>,
            tpu.vector_store %arg27[%swap3A_335, %swap3A_336], %exp3A_334 {strides = array<i32>} : memref<80x144xf32, #tpu.memory_space<vmem>>, vector<16xf32>,
            %get3A_338 = arith.index_cast %add3A_322 : i32 to index
            %get3A_339 = arith.constant 16 : index
            %get3A_340 = tpu.vector_load %arg27[%get3A_338, %get3A_339] {strides = array<i32>} : memref<80x144xf32, #tpu.memory_space<vmem>>, vector<16xf32>,
            %mul3A_341 = arith.mulf %get3A_340, %exp3A_334 : vector<16xf32>
            %swap3A_342 = arith.index_cast %add3A_322 : i32 to index
            %swap3A_343 = arith.constant 16 : index
            %swap3A_344 = tpu.vector_load %arg27[%swap3A_342, %swap3A_343] {strides = array<i32>} : memref<80x144xf32, #tpu.memory_space<vmem>>, vector<16xf32>,
            tpu.vector_store %arg27[%swap3A_342, %swap3A_343], %mul3A_341 {strides = array<i32>} : memref<80x144xf32, #tpu.memory_space<vmem>>, vector<16xf32>,
            %get3A_345 = arith.index_cast %add3A_322 : i32 to index
            %get3A_346 = arith.constant 32 : index
            %get3A_347 = tpu.vector_load %arg27[%get3A_345, %get3A_346] {strides = array<i32>} : memref<80x144xf32, #tpu.memory_space<vmem>>, vector<16xf32>,
            %mul3A_348 = arith.mulf %get3A_347, %exp3A_334 : vector<16xf32>
            %swap3A_349 = arith.index_cast %add3A_322 : i32 to index
            %swap3A_350 = arith.constant 32 : index
            %swap3A_351 = tpu.vector_load %arg27[%swap3A_349, %swap3A_350] {strides = array<i32>} : memref<80x144xf32, #tpu.memory_space<vmem>>, vector<16xf32>,
            tpu.vector_store %arg27[%swap3A_349, %swap3A_350], %mul3A_348 {strides = array<i32>} : memref<80x144xf32, #tpu.memory_space<vmem>>, vector<16xf32>,
            %get3A_352 = arith.index_cast %add3A_322 : i32 to index
            %get3A_353 = arith.constant 48 : index
            %get3A_354 = tpu.vector_load %arg27[%get3A_352, %get3A_353] {strides = array<i32>} : memref<80x144xf32, #tpu.memory_space<vmem>>, vector<16xf32>,
            %mul3A_355 = arith.mulf %get3A_354, %exp3A_334 : vector<16xf32>
            %swap3A_356 = arith.index_cast %add3A_322 : i32 to index
            %swap3A_357 = arith.constant 48 : index
            %swap3A_358 = tpu.vector_load %arg27[%swap3A_356, %swap3A_357] {strides = array<i32>} : memref<80x144xf32, #tpu.memory_space<vmem>>, vector<16xf32>,
            tpu.vector_store %arg27[%swap3A_356, %swap3A_357], %mul3A_355 {strides = array<i32>} : memref<80x144xf32, #tpu.memory_space<vmem>>, vector<16xf32>,
            %get3A_359 = arith.index_cast %add3A_322 : i32 to index
            %get3A_360 = arith.constant 64 : index
            %get3A_361 = tpu.vector_load %arg27[%get3A_359, %get3A_360] {strides = array<i32>} : memref<80x144xf32, #tpu.memory_space<vmem>>, vector<16xf32>,
            %mul3A_362 = arith.mulf %get3A_361, %exp3A_334 : vector<16xf32>
            %swap3A_363 = arith.index_cast %add3A_322 : i32 to index
            %swap3A_364 = arith.constant 64 : index
            %swap3A_365 = tpu.vector_load %arg27[%swap3A_363, %swap3A_364] {strides = array<i32>} : memref<80x144xf32, #tpu.memory_space<vmem>>, vector<16xf32>,
            tpu.vector_store %arg27[%swap3A_363, %swap3A_364], %mul3A_362 {strides = array<i32>} : memref<80x144xf32, #tpu.memory_space<vmem>>, vector<16xf32>,
            %get3A_366 = arith.index_cast %add3A_322 : i32 to index
            %get3A_367 = arith.constant 80 : index
            %get3A_368 = tpu.vector_load %arg27[%get3A_366, %get3A_367] {strides = array<i32>} : memref<80x144xf32, #tpu.memory_space<vmem>>, vector<16xf32>,
            %mul3A_369 = arith.mulf %get3A_368, %exp3A_334 : vector<16xf32>
            %swap3A_370 = arith.index_cast %add3A_322 : i32 to index
            %swap3A_371 = arith.constant 80 : index
            %swap3A_372 = tpu.vector_load %arg27[%swap3A_370, %swap3A_371] {strides = array<i32>} : memref<80x144xf32, #tpu.memory_space<vmem>>, vector<16xf32>,
            tpu.vector_store %arg27[%swap3A_370, %swap3A_371], %mul3A_369 {strides = array<i32>} : memref<80x144xf32, #tpu.memory_space<vmem>>, vector<16xf32>,
            %get3A_373 = arith.index_cast %add3A_322 : i32 to index
            %get3A_374 = arith.constant 96 : index
            %get3A_375 = tpu.vector_load %arg27[%get3A_373, %get3A_374] {strides = array<i32>} : memref<80x144xf32, #tpu.memory_space<vmem>>, vector<16xf32>,
            %mul3A_376 = arith.mulf %get3A_375, %exp3A_334 : vector<16xf32>
            %swap3A_377 = arith.index_cast %add3A_322 : i32 to index
            %swap3A_378 = arith.constant 96 : index
            %swap3A_379 = tpu.vector_load %arg27[%swap3A_377, %swap3A_378] {strides = array<i32>} : memref<80x144xf32, #tpu.memory_space<vmem>>, vector<16xf32>,
            tpu.vector_store %arg27[%swap3A_377, %swap3A_378], %mul3A_376 {strides = array<i32>} : memref<80x144xf32, #tpu.memory_space<vmem>>, vector<16xf32>,
            %get3A_380 = arith.index_cast %add3A_322 : i32 to index
            %get3A_381 = arith.constant 112 : index
            %get3A_382 = tpu.vector_load %arg27[%get3A_380, %get3A_381] {strides = array<i32>} : memref<80x144xf32, #tpu.memory_space<vmem>>, vector<16xf32>,
            %mul3A_383 = arith.mulf %get3A_382, %exp3A_334 : vector<16xf32>
            %swap3A_384 = arith.index_cast %add3A_322 : i32 to index
            %swap3A_385 = arith.constant 112 : index
            %swap3A_386 = tpu.vector_load %arg27[%swap3A_384, %swap3A_385] {strides = array<i32>} : memref<80x144xf32, #tpu.memory_space<vmem>>, vector<16xf32>,
            tpu.vector_store %arg27[%swap3A_384, %swap3A_385], %mul3A_383 {strides = array<i32>} : memref<80x144xf32, #tpu.memory_space<vmem>>, vector<16xf32>,
            %get3A_387 = arith.index_cast %add3A_322 : i32 to index
            %get3A_388 = arith.constant 128 : index
            %get3A_389 = tpu.vector_load %arg27[%get3A_387, %get3A_388] {strides = array<i32>} : memref<80x144xf32, #tpu.memory_space<vmem>>, vector<16xf32>,
            %mul3A_390 = arith.mulf %get3A_389, %exp3A_334 : vector<16xf32>
            %swap3A_391 = arith.index_cast %add3A_322 : i32 to index
            %swap3A_392 = arith.constant 128 : index
            %swap3A_393 = tpu.vector_load %arg27[%swap3A_391, %swap3A_392] {strides = array<i32>} : memref<80x144xf32, #tpu.memory_space<vmem>>, vector<16xf32>,
            tpu.vector_store %arg27[%swap3A_391, %swap3A_392], %mul3A_390 {strides = array<i32>} : memref<80x144xf32, #tpu.memory_space<vmem>>, vector<16xf32>,
            %mul3A_394 = arith.constant 4 : i32
            %mul3A_395 = arith.muli %scan3A_170, %mul3A_394 : i32
            %add3A_396 = arith.constant 3 : i32
            %add3A_397 = arith.addi %mul3A_395, %add3A_396 : i32
            %get3A_398 = arith.index_cast %add3A_397 : i32 to index
            %get3A_399 = arith.constant 0 : index
            %get3A_400 = tpu.vector_load %arg27[%get3A_398, %get3A_399] {strides = array<i32>} : memref<80x144xf32, #tpu.memory_space<vmem>>, vector<16xf32>,
            %get3A_401 = arith.index_cast %add3A_397 : i32 to index
            %get3A_402 = arith.constant 0 : index
            %get3A_403 = tpu.vector_load %arg26[%get3A_401, %get3A_402] {strides = array<i32>} : memref<80x16xf32, #tpu.memory_space<vmem>>, vector<16xf32>,
            %add3A_404 = arith.addf %get3A_400, %get3A_403 : vector<16xf32>
            %mul3A_405 = arith.constant 2.000000e-01 : f32
            %mul3A_406 = vector.broadcast %mul3A_405 : f32 to vector<16xf32>
            %mul3A_407 = arith.mulf %mul3A_406, %add3A_404 : vector<16xf32>
            %max3A_408 = arith.maximumf %add3A_404, %mul3A_407 : vector<16xf32>
            %exp3A_409 = math.exp %max3A_408 : vector<16xf32>
            %swap3A_410 = arith.index_cast %add3A_397 : i32 to index
            %swap3A_411 = arith.constant 0 : index
            %swap3A_412 = tpu.vector_load %arg27[%swap3A_410, %swap3A_411] {strides = array<i32>} : memref<80x144xf32, #tpu.memory_space<vmem>>, vector<16xf32>,
            tpu.vector_store %arg27[%swap3A_410, %swap3A_411], %exp3A_409 {strides = array<i32>} : memref<80x144xf32, #tpu.memory_space<vmem>>, vector<16xf32>,
            %get3A_413 = arith.index_cast %add3A_397 : i32 to index
            %get3A_414 = arith.constant 16 : index
            %get3A_415 = tpu.vector_load %arg27[%get3A_413, %get3A_414] {strides = array<i32>} : memref<80x144xf32, #tpu.memory_space<vmem>>, vector<16xf32>,
            %mul3A_416 = arith.mulf %get3A_415, %exp3A_409 : vector<16xf32>
            %swap3A_417 = arith.index_cast %add3A_397 : i32 to index
            %swap3A_418 = arith.constant 16 : index
            %swap3A_419 = tpu.vector_load %arg27[%swap3A_417, %swap3A_418] {strides = array<i32>} : memref<80x144xf32, #tpu.memory_space<vmem>>, vector<16xf32>,
            tpu.vector_store %arg27[%swap3A_417, %swap3A_418], %mul3A_416 {strides = array<i32>} : memref<80x144xf32, #tpu.memory_space<vmem>>, vector<16xf32>,
            %get3A_420 = arith.index_cast %add3A_397 : i32 to index
            %get3A_421 = arith.constant 32 : index
            %get3A_422 = tpu.vector_load %arg27[%get3A_420, %get3A_421] {strides = array<i32>} : memref<80x144xf32, #tpu.memory_space<vmem>>, vector<16xf32>,
            %mul3A_423 = arith.mulf %get3A_422, %exp3A_409 : vector<16xf32>
            %swap3A_424 = arith.index_cast %add3A_397 : i32 to index
            %swap3A_425 = arith.constant 32 : index
            %swap3A_426 = tpu.vector_load %arg27[%swap3A_424, %swap3A_425] {strides = array<i32>} : memref<80x144xf32, #tpu.memory_space<vmem>>, vector<16xf32>,
            tpu.vector_store %arg27[%swap3A_424, %swap3A_425], %mul3A_423 {strides = array<i32>} : memref<80x144xf32, #tpu.memory_space<vmem>>, vector<16xf32>,
            %get3A_427 = arith.index_cast %add3A_397 : i32 to index
            %get3A_428 = arith.constant 48 : index
            %get3A_429 = tpu.vector_load %arg27[%get3A_427, %get3A_428] {strides = array<i32>} : memref<80x144xf32, #tpu.memory_space<vmem>>, vector<16xf32>,
            %mul3A_430 = arith.mulf %get3A_429, %exp3A_409 : vector<16xf32>
            %swap3A_431 = arith.index_cast %add3A_397 : i32 to index
            %swap3A_432 = arith.constant 48 : index
            %swap3A_433 = tpu.vector_load %arg27[%swap3A_431, %swap3A_432] {strides = array<i32>} : memref<80x144xf32, #tpu.memory_space<vmem>>, vector<16xf32>,
            tpu.vector_store %arg27[%swap3A_431, %swap3A_432], %mul3A_430 {strides = array<i32>} : memref<80x144xf32, #tpu.memory_space<vmem>>, vector<16xf32>,
            %get3A_434 = arith.index_cast %add3A_397 : i32 to index
            %get3A_435 = arith.constant 64 : index
            %get3A_436 = tpu.vector_load %arg27[%get3A_434, %get3A_435] {strides = array<i32>} : memref<80x144xf32, #tpu.memory_space<vmem>>, vector<16xf32>,
            %mul3A_437 = arith.mulf %get3A_436, %exp3A_409 : vector<16xf32>
            %swap3A_438 = arith.index_cast %add3A_397 : i32 to index
            %swap3A_439 = arith.constant 64 : index
            %swap3A_440 = tpu.vector_load %arg27[%swap3A_438, %swap3A_439] {strides = array<i32>} : memref<80x144xf32, #tpu.memory_space<vmem>>, vector<16xf32>,
            tpu.vector_store %arg27[%swap3A_438, %swap3A_439], %mul3A_437 {strides = array<i32>} : memref<80x144xf32, #tpu.memory_space<vmem>>, vector<16xf32>,
            %get3A_441 = arith.index_cast %add3A_397 : i32 to index
            %get3A_442 = arith.constant 80 : index
            %get3A_443 = tpu.vector_load %arg27[%get3A_441, %get3A_442] {strides = array<i32>} : memref<80x144xf32, #tpu.memory_space<vmem>>, vector<16xf32>,
            %mul3A_444 = arith.mulf %get3A_443, %exp3A_409 : vector<16xf32>
            %swap3A_445 = arith.index_cast %add3A_397 : i32 to index
            %swap3A_446 = arith.constant 80 : index
            %swap3A_447 = tpu.vector_load %arg27[%swap3A_445, %swap3A_446] {strides = array<i32>} : memref<80x144xf32, #tpu.memory_space<vmem>>, vector<16xf32>,
            tpu.vector_store %arg27[%swap3A_445, %swap3A_446], %mul3A_444 {strides = array<i32>} : memref<80x144xf32, #tpu.memory_space<vmem>>, vector<16xf32>,
            %get3A_448 = arith.index_cast %add3A_397 : i32 to index
            %get3A_449 = arith.constant 96 : index
            %get3A_450 = tpu.vector_load %arg27[%get3A_448, %get3A_449] {strides = array<i32>} : memref<80x144xf32, #tpu.memory_space<vmem>>, vector<16xf32>,
            %mul3A_451 = arith.mulf %get3A_450, %exp3A_409 : vector<16xf32>
            %swap3A_452 = arith.index_cast %add3A_397 : i32 to index
            %swap3A_453 = arith.constant 96 : index
            %swap3A_454 = tpu.vector_load %arg27[%swap3A_452, %swap3A_453] {strides = array<i32>} : memref<80x144xf32, #tpu.memory_space<vmem>>, vector<16xf32>,
            tpu.vector_store %arg27[%swap3A_452, %swap3A_453], %mul3A_451 {strides = array<i32>} : memref<80x144xf32, #tpu.memory_space<vmem>>, vector<16xf32>,
            %get3A_455 = arith.index_cast %add3A_397 : i32 to index
            %get3A_456 = arith.constant 112 : index
            %get3A_457 = tpu.vector_load %arg27[%get3A_455, %get3A_456] {strides = array<i32>} : memref<80x144xf32, #tpu.memory_space<vmem>>, vector<16xf32>,
            %mul3A_458 = arith.mulf %get3A_457, %exp3A_409 : vector<16xf32>
            %swap3A_459 = arith.index_cast %add3A_397 : i32 to index
            %swap3A_460 = arith.constant 112 : index
            %swap3A_461 = tpu.vector_load %arg27[%swap3A_459, %swap3A_460] {strides = array<i32>} : memref<80x144xf32, #tpu.memory_space<vmem>>, vector<16xf32>,
            tpu.vector_store %arg27[%swap3A_459, %swap3A_460], %mul3A_458 {strides = array<i32>} : memref<80x144xf32, #tpu.memory_space<vmem>>, vector<16xf32>,
            %get3A_462 = arith.index_cast %add3A_397 : i32 to index
            %get3A_463 = arith.constant 128 : index
            %get3A_464 = tpu.vector_load %arg27[%get3A_462, %get3A_463] {strides = array<i32>} : memref<80x144xf32, #tpu.memory_space<vmem>>, vector<16xf32>,
            %mul3A_465 = arith.mulf %get3A_464, %exp3A_409 : vector<16xf32>
            %swap3A_466 = arith.index_cast %add3A_397 : i32 to index
            %swap3A_467 = arith.constant 128 : index
            %swap3A_468 = tpu.vector_load %arg27[%swap3A_466, %swap3A_467] {strides = array<i32>} : memref<80x144xf32, #tpu.memory_space<vmem>>, vector<16xf32>,
            tpu.vector_store %arg27[%swap3A_466, %swap3A_467], %mul3A_465 {strides = array<i32>} : memref<80x144xf32, #tpu.memory_space<vmem>>, vector<16xf32>,
          }
          %scan3A_148 = arith.constant 20 : i32
          %get3A = arith.constant 0 : index
          %get3A_149 = tpu.vector_load %arg24[%get3A] {strides = array<i32>} : memref<80xi32, #tpu.memory_space<vmem>>, vector<16xi32>,
          %swap3A = arith.constant 0 : index
          %swap3A_150 = tpu.vector_load %arg25[%swap3A] {strides = array<i32>} : memref<80xi32, #tpu.memory_space<vmem>>, vector<16xi32>,
          tpu.vector_store %arg25[%swap3A], %get3A_149 {strides = array<i32>} : memref<80xi32, #tpu.memory_space<vmem>>, vector<16xi32>,
          %get3A_151 = arith.constant 16 : index
          %get3A_152 = tpu.vector_load %arg24[%get3A_151] {strides = array<i32>} : memref<80xi32, #tpu.memory_space<vmem>>, vector<16xi32>,
          %swap3A_153 = arith.constant 16 : index
          %swap3A_154 = tpu.vector_load %arg25[%swap3A_153] {strides = array<i32>} : memref<80xi32, #tpu.memory_space<vmem>>, vector<16xi32>,
          tpu.vector_store %arg25[%swap3A_153], %get3A_152 {strides = array<i32>} : memref<80xi32, #tpu.memory_space<vmem>>, vector<16xi32>,
          %get3A_155 = arith.constant 32 : index
          %get3A_156 = tpu.vector_load %arg24[%get3A_155] {strides = array<i32>} : memref<80xi32, #tpu.memory_space<vmem>>, vector<16xi32>,
          %swap3A_157 = arith.constant 32 : index
          %swap3A_158 = tpu.vector_load %arg25[%swap3A_157] {strides = array<i32>} : memref<80xi32, #tpu.memory_space<vmem>>, vector<16xi32>,
          tpu.vector_store %arg25[%swap3A_157], %get3A_156 {strides = array<i32>} : memref<80xi32, #tpu.memory_space<vmem>>, vector<16xi32>,
          %get3A_159 = arith.constant 48 : index
          %get3A_160 = tpu.vector_load %arg24[%get3A_159] {strides = array<i32>} : memref<80xi32, #tpu.memory_space<vmem>>, vector<16xi32>,
          %swap3A_161 = arith.constant 48 : index
          %swap3A_162 = tpu.vector_load %arg25[%swap3A_161] {strides = array<i32>} : memref<80xi32, #tpu.memory_space<vmem>>, vector<16xi32>,
          tpu.vector_store %arg25[%swap3A_161], %get3A_160 {strides = array<i32>} : memref<80xi32, #tpu.memory_space<vmem>>, vector<16xi32>,
          %get3A_163 = arith.constant 64 : index
          %get3A_164 = tpu.vector_load %arg24[%get3A_163] {strides = array<i32>} : memref<80xi32, #tpu.memory_space<vmem>>, vector<16xi32>,
          %swap3A_165 = arith.constant 64 : index
          %swap3A_166 = tpu.vector_load %arg25[%swap3A_165] {strides = array<i32>} : memref<80xi32, #tpu.memory_space<vmem>>, vector<16xi32>,
          tpu.vector_store %arg25[%swap3A_165], %get3A_164 {strides = array<i32>} : memref<80xi32, #tpu.memory_space<vmem>>, vector<16xi32>,
          %dma_start3A_167 = arith.constant 0 : i32
          %dma_start3A_168 = arith.constant 0 : i32
          %dma_start3A_169 = tpu.memref_slice %arg40[%dma_start3A_167, %dma_start3A_168] : memref<10000x144xf32, #tpu.memory_space<vmem_shared>> -> memref<10000x144xf32, #tpu.memory_space<vmem_shared>>
          tpu.enqueue_indirect_dma source(%arg27 : memref<80x144xf32, #tpu.memory_space<vmem>>) target(%dma_start3A_169 : memref<10000x144xf32, #tpu.memory_space<vmem_shared>>) offsets(%arg25 : memref<80xi32, #tpu.memory_space<vmem>>) semaphore(%arg39 : memref<!tpu.dma_semaphore, #tpu.memory_space<semaphore_mem>>) {add = true}
        } else {
        }
      }
      %scan3A_44 = arith.constant 250 : i32
      %dma_wait3A_45 = arith.constant 0 : i32
      %dma_wait3A_46 = arith.constant 0 : i32
      %dma_wait3A_47 = tpu.memref_slice %arg40[%dma_wait3A_45, %dma_wait3A_46] : memref<10000x144xf32, #tpu.memory_space<vmem_shared>> -> memref<10000x144xf32, #tpu.memory_space<vmem_shared>>
      tpu.wait_indirect_dma semaphore(%arg39 : memref<!tpu.dma_semaphore, #tpu.memory_space<semaphore_mem>>) src(%arg27 : memref<80x144xf32, #tpu.memory_space<vmem>>) dst(%dma_wait3A_47 : memref<10000x144xf32, #tpu.memory_space<vmem_shared>>)
      %dma_wait3A_48 = arith.constant 0 : i32
      %dma_wait3A_49 = arith.constant 0 : i32
      %dma_wait3A_50 = tpu.memref_slice %arg40[%dma_wait3A_48, %dma_wait3A_49] : memref<10000x144xf32, #tpu.memory_space<vmem_shared>> -> memref<10000x144xf32, #tpu.memory_space<vmem_shared>>
      tpu.wait_indirect_dma semaphore(%arg31 : memref<!tpu.dma_semaphore, #tpu.memory_space<semaphore_mem>>) src(%arg17 : memref<80x144xf32, #tpu.memory_space<vmem>>) dst(%dma_wait3A_50 : memref<10000x144xf32, #tpu.memory_space<vmem_shared>>)
      %barrier3A_51 = arith.constant 0 : index
      tpu.barrier barrier_id(%barrier3A_51)
      %mul3A_52 = arith.constant 624 : i32
      %mul3A_53 = arith.muli %arg1, %mul3A_52 : i32
      %mul3A_54 = arith.constant 624 : i32
      %mul3A_55 = arith.muli %arg1, %mul3A_54 : i32
      "tpu.region"() ({
        %run_scoped3A = tpu.sem_alloc : memref<!tpu.dma_semaphore, #tpu.memory_space<semaphore_mem>>
        %dma_start3A_61 = arith.constant 0 : i32
        %dma_start3A_62 = tpu.memref_slice %arg11[%mul3A_55, %dma_start3A_61] : memref<10000x144xf32, #tpu.memory_space<hbm>> -> memref<624x144xf32, #tpu.memory_space<hbm>>
        %dma_start3A_63 = arith.constant 0 : i32
        %dma_start3A_64 = tpu.memref_slice %arg40[%mul3A_53, %dma_start3A_63] : memref<10000x144xf32, #tpu.memory_space<vmem_shared>> -> memref<624x144xf32, #tpu.memory_space<vmem_shared>>
        tpu.enqueue_dma source(%dma_start3A_64 : memref<624x144xf32, #tpu.memory_space<vmem_shared>>) target(%dma_start3A_62 : memref<624x144xf32, #tpu.memory_space<hbm>>) target_semaphore(%run_scoped3A : memref<!tpu.dma_semaphore, #tpu.memory_space<semaphore_mem>>)
        %dma_wait3A_65 = arith.constant 0 : i32
        %dma_wait3A_66 = tpu.memref_slice %arg11[%mul3A_55, %dma_wait3A_65] : memref<10000x144xf32, #tpu.memory_space<hbm>> -> memref<624x144xf32, #tpu.memory_space<hbm>>
        %dma_wait3A_67 = arith.constant 0 : i32
        %dma_wait3A_68 = tpu.memref_slice %arg40[%mul3A_53, %dma_wait3A_67] : memref<10000x144xf32, #tpu.memory_space<vmem_shared>> -> memref<624x144xf32, #tpu.memory_space<vmem_shared>>
        tpu.wait_dma2 semaphore(%run_scoped3A : memref<!tpu.dma_semaphore, #tpu.memory_space<semaphore_mem>>) src(%dma_wait3A_68 : memref<624x144xf32, #tpu.memory_space<vmem_shared>>) dst(%dma_wait3A_66 : memref<624x144xf32, #tpu.memory_space<hbm>>)
        tpu.yield
      }) : () -> ()
      %eq3A_56 = arith.constant 15 : i32
      %eq3A_57 = arith.cmpi eq, %arg1, %eq3A_56 : i32
      %convert_element_type3A_58 = arith.extui %eq3A_57 : i1 to i32
      %cond3A_59 = arith.constant 0 : i32
      %cond3A_60 = arith.cmpi ne, %convert_element_type3A_58, %cond3A_59 : i32
      scf.if %cond3A_60 {
        "tpu.region"() ({
          %run_scoped3A = tpu.sem_alloc : memref<!tpu.dma_semaphore, #tpu.memory_space<semaphore_mem>>
          %dma_start3A_61 = arith.constant 9984 : i32
          %dma_start3A_62 = arith.constant 0 : i32
          %dma_start3A_63 = tpu.memref_slice %arg11[%dma_start3A_61, %dma_start3A_62] : memref<10000x144xf32, #tpu.memory_space<hbm>> -> memref<16x144xf32, #tpu.memory_space<hbm>>
          %dma_start3A_64 = arith.constant 9984 : i32
          %dma_start3A_65 = arith.constant 0 : i32
          %dma_start3A_66 = tpu.memref_slice %arg40[%dma_start3A_64, %dma_start3A_65] : memref<10000x144xf32, #tpu.memory_space<vmem_shared>> -> memref<16x144xf32, #tpu.memory_space<vmem_shared>>
          tpu.enqueue_dma source(%dma_start3A_66 : memref<16x144xf32, #tpu.memory_space<vmem_shared>>) target(%dma_start3A_63 : memref<16x144xf32, #tpu.memory_space<hbm>>) target_semaphore(%run_scoped3A : memref<!tpu.dma_semaphore, #tpu.memory_space<semaphore_mem>>)
          %dma_wait3A_67 = arith.constant 9984 : i32
          %dma_wait3A_68 = arith.constant 0 : i32
          %dma_wait3A_69 = tpu.memref_slice %arg11[%dma_wait3A_67, %dma_wait3A_68] : memref<10000x144xf32, #tpu.memory_space<hbm>> -> memref<16x144xf32, #tpu.memory_space<hbm>>
          %dma_wait3A_70 = arith.constant 9984 : i32
          %dma_wait3A_71 = arith.constant 0 : i32
          %dma_wait3A_72 = tpu.memref_slice %arg40[%dma_wait3A_70, %dma_wait3A_71] : memref<10000x144xf32, #tpu.memory_space<vmem_shared>> -> memref<16x144xf32, #tpu.memory_space<vmem_shared>>
          tpu.wait_dma2 semaphore(%run_scoped3A : memref<!tpu.dma_semaphore, #tpu.memory_space<semaphore_mem>>) src(%dma_wait3A_72 : memref<16x144xf32, #tpu.memory_space<vmem_shared>>) dst(%dma_wait3A_69 : memref<16x144xf32, #tpu.memory_space<hbm>>)
          tpu.yield
        }) : () -> ()
      } else {
      }
    } else {
    }
    %eq3A_8 = arith.constant 1 : i32
    %eq3A_9 = arith.cmpi eq, %arg0, %eq3A_8 : i32
    %convert_element_type3A_10 = arith.extui %eq3A_9 : i1 to i32
    %cond3A_11 = arith.constant 0 : i32
    %cond3A_12 = arith.cmpi ne, %convert_element_type3A_10, %cond3A_11 : i32
    scf.if %cond3A_12 {
      %mul3A_13 = arith.constant 20000 : i32
      %mul3A_14 = arith.muli %arg1, %mul3A_13 : i32
      %add3A = arith.constant 0 : i32
      %add3A_15 = arith.addi %mul3A_14, %add3A : i32
      %dma_start3A = tpu.memref_slice %arg4[%add3A_15] : memref<320000xi32, #tpu.memory_space<hbm>> -> memref<80xi32, #tpu.memory_space<hbm>>
      %dma_start3A_16 = tpu.memref_slice %arg4[%add3A_15] : memref<320000xi32, #tpu.memory_space<hbm>> -> memref<80xi32, #tpu.memory_space<hbm>>
      tpu.enqueue_dma source(%dma_start3A_16 : memref<80xi32, #tpu.memory_space<hbm>>) target(%arg13 : memref<80xi32, #tpu.memory_space<vmem>>) target_semaphore(%arg28 : memref<!tpu.dma_semaphore, #tpu.memory_space<semaphore_mem>>)
      %dma_start3A_17 = tpu.memref_slice %arg5[%add3A_15] : memref<320000xi32, #tpu.memory_space<hbm>> -> memref<80xi32, #tpu.memory_space<hbm>>
      %dma_start3A_18 = tpu.memref_slice %arg5[%add3A_15] : memref<320000xi32, #tpu.memory_space<hbm>> -> memref<80xi32, #tpu.memory_space<hbm>>
      tpu.enqueue_dma source(%dma_start3A_18 : memref<80xi32, #tpu.memory_space<hbm>>) target(%arg14 : memref<80xi32, #tpu.memory_space<vmem>>) target_semaphore(%arg28 : memref<!tpu.dma_semaphore, #tpu.memory_space<semaphore_mem>>)
      %mul3A_19 = arith.constant 20000 : i32
      %mul3A_20 = arith.muli %arg1, %mul3A_19 : i32
      %add3A_21 = arith.constant 0 : i32
      %add3A_22 = arith.addi %mul3A_20, %add3A_21 : i32
      %dma_wait3A = tpu.memref_slice %arg4[%add3A_22] : memref<320000xi32, #tpu.memory_space<hbm>> -> memref<80xi32, #tpu.memory_space<hbm>>
      %dma_wait3A_23 = tpu.memref_slice %arg4[%add3A_22] : memref<320000xi32, #tpu.memory_space<hbm>> -> memref<80xi32, #tpu.memory_space<hbm>>
      tpu.wait_dma2 semaphore(%arg28 : memref<!tpu.dma_semaphore, #tpu.memory_space<semaphore_mem>>) src(%dma_wait3A_23 : memref<80xi32, #tpu.memory_space<hbm>>) dst(%arg13 : memref<80xi32, #tpu.memory_space<vmem>>)
      %dma_wait3A_24 = tpu.memref_slice %arg5[%add3A_22] : memref<320000xi32, #tpu.memory_space<hbm>> -> memref<80xi32, #tpu.memory_space<hbm>>
      %dma_wait3A_25 = tpu.memref_slice %arg5[%add3A_22] : memref<320000xi32, #tpu.memory_space<hbm>> -> memref<80xi32, #tpu.memory_space<hbm>>
      tpu.wait_dma2 semaphore(%arg28 : memref<!tpu.dma_semaphore, #tpu.memory_space<semaphore_mem>>) src(%dma_wait3A_25 : memref<80xi32, #tpu.memory_space<hbm>>) dst(%arg14 : memref<80xi32, #tpu.memory_space<vmem>>)
      %dma_start3A_26 = arith.constant 0 : i32
      %dma_start3A_27 = arith.constant 0 : i32
      %dma_start3A_28 = tpu.memref_slice %arg9[%dma_start3A_26, %dma_start3A_27] : memref<10000x16xf32, #tpu.memory_space<hbm>> -> memref<10000x16xf32, #tpu.memory_space<hbm>>
      tpu.enqueue_indirect_dma source(%dma_start3A_28 : memref<10000x16xf32, #tpu.memory_space<hbm>>) target(%arg16 : memref<80x16xf32, #tpu.memory_space<vmem>>) offsets(%arg14 : memref<80xi32, #tpu.memory_space<vmem>>) semaphore(%arg29 : memref<!tpu.dma_semaphore, #tpu.memory_space<semaphore_mem>>)
      %dma_start3A_29 = arith.constant 0 : i32
      %dma_start3A_30 = arith.constant 0 : i32
      %dma_start3A_31 = tpu.memref_slice %arg8[%dma_start3A_29, %dma_start3A_30] : memref<10000x144xf32, #tpu.memory_space<hbm>> -> memref<10000x144xf32, #tpu.memory_space<hbm>>
      tpu.enqueue_indirect_dma source(%dma_start3A_31 : memref<10000x144xf32, #tpu.memory_space<hbm>>) target(%arg17 : memref<80x144xf32, #tpu.memory_space<vmem>>) offsets(%arg13 : memref<80xi32, #tpu.memory_space<vmem>>) semaphore(%arg30 : memref<!tpu.dma_semaphore, #tpu.memory_space<semaphore_mem>>)
      %mul3A_32 = arith.constant 20000 : i32
      %mul3A_33 = arith.muli %arg1, %mul3A_32 : i32
      %add3A_34 = arith.constant 80 : i32
      %add3A_35 = arith.addi %mul3A_33, %add3A_34 : i32
      %dma_start3A_36 = tpu.memref_slice %arg4[%add3A_35] : memref<320000xi32, #tpu.memory_space<hbm>> -> memref<80xi32, #tpu.memory_space<hbm>>
      %dma_start3A_37 = tpu.memref_slice %arg4[%add3A_35] : memref<320000xi32, #tpu.memory_space<hbm>> -> memref<80xi32, #tpu.memory_space<hbm>>
      tpu.enqueue_dma source(%dma_start3A_37 : memref<80xi32, #tpu.memory_space<hbm>>) target(%arg18 : memref<80xi32, #tpu.memory_space<vmem>>) target_semaphore(%arg32 : memref<!tpu.dma_semaphore, #tpu.memory_space<semaphore_mem>>)
      %dma_start3A_38 = tpu.memref_slice %arg5[%add3A_35] : memref<320000xi32, #tpu.memory_space<hbm>> -> memref<80xi32, #tpu.memory_space<hbm>>
      %dma_start3A_39 = tpu.memref_slice %arg5[%add3A_35] : memref<320000xi32, #tpu.memory_space<hbm>> -> memref<80xi32, #tpu.memory_space<hbm>>
      tpu.enqueue_dma source(%dma_start3A_39 : memref<80xi32, #tpu.memory_space<hbm>>) target(%arg19 : memref<80xi32, #tpu.memory_space<vmem>>) target_semaphore(%arg32 : memref<!tpu.dma_semaphore, #tpu.memory_space<semaphore_mem>>)
      %scan3A = arith.constant 0 : i32
      %scan3A_40 = arith.constant 0 : i32
      %scan3A_41 = arith.constant 250 : i32
      %scan3A_42 = arith.addi %scan3A_40, %scan3A_41 : i32
      %scan3A_43 = arith.constant 1 : i32
      scf.for %scan3A_61 = %scan3A_40 to %scan3A_42 step %scan3A_43  : i32 {
        %jit3A = arith.constant 3 : i32
        %eq3A_62 = arith.constant 0 : i32
        %eq3A_63 = arith.cmpi eq, %jit3A, %eq3A_62 : i32
        %jit3A_64 = arith.constant 1 : i32
        %select_n3A = arith.select %eq3A_63, %jit3A_64, %jit3A : i32
        %rem3A = arith.remsi %scan3A_61, %select_n3A : i32
        %ne3A = arith.constant 0 : i32
        %ne3A_65 = arith.cmpi ne, %rem3A, %ne3A : i32
        %lt3A = arith.constant 0 : i32
        %lt3A_66 = arith.cmpi slt, %rem3A, %lt3A : i32
        %lt3A_67 = arith.constant 0 : i32
        %lt3A_68 = arith.cmpi slt, %select_n3A, %lt3A_67 : i32
        %ne3A_69 = arith.xori %lt3A_66, %lt3A_68 : i1
        %and3A = arith.andi %ne3A_69, %ne3A_65 : i1
        %add3A_70 = arith.addi %rem3A, %select_n3A : i32
        %select_n3A_71 = arith.select %and3A, %add3A_70, %rem3A : i32
        %eq3A_72 = arith.constant 0 : i32
        %eq3A_73 = arith.cmpi eq, %select_n3A_71, %eq3A_72 : i32
        %convert_element_type3A_74 = arith.extui %eq3A_73 : i1 to i32
        %cond3A_75 = arith.constant 0 : i32
        %cond3A_76 = arith.cmpi ne, %convert_element_type3A_74, %cond3A_75 : i32
        scf.if %cond3A_76 {
          %ge3A = arith.constant 2 : i32
          %ge3A_119 = arith.cmpi sge, %scan3A_61, %ge3A : i32
          %convert_element_type3A_120 = arith.extui %ge3A_119 : i1 to i32
          %cond3A_121 = arith.constant 0 : i32
          %cond3A_122 = arith.cmpi ne, %convert_element_type3A_120, %cond3A_121 : i32
          scf.if %cond3A_122 {
            %dma_wait3A_170 = arith.constant 0 : i32
            %dma_wait3A_171 = arith.constant 0 : i32
            %dma_wait3A_172 = tpu.memref_slice %arg40[%dma_wait3A_170, %dma_wait3A_171] : memref<10000x144xf32, #tpu.memory_space<vmem_shared>> -> memref<10000x144xf32, #tpu.memory_space<vmem_shared>>
            tpu.wait_indirect_dma semaphore(%arg35 : memref<!tpu.dma_semaphore, #tpu.memory_space<semaphore_mem>>) src(%arg22 : memref<80x144xf32, #tpu.memory_space<vmem>>) dst(%dma_wait3A_172 : memref<10000x144xf32, #tpu.memory_space<vmem_shared>>)
          } else {
          }
          %add3A_123 = arith.constant 1 : i32
          %add3A_124 = arith.addi %scan3A_61, %add3A_123 : i32
          %lt3A_125 = arith.constant 250 : i32
          %lt3A_126 = arith.cmpi slt, %add3A_124, %lt3A_125 : i32
          %convert_element_type3A_127 = arith.extui %lt3A_126 : i1 to i32
          %cond3A_128 = arith.constant 0 : i32
          %cond3A_129 = arith.cmpi ne, %convert_element_type3A_127, %cond3A_128 : i32
          scf.if %cond3A_129 {
            %add3A_170 = arith.constant 1 : i32
            %add3A_171 = arith.addi %scan3A_61, %add3A_170 : i32
            %mul3A_172 = arith.constant 20000 : i32
            %mul3A_173 = arith.muli %arg1, %mul3A_172 : i32
            %mul3A_174 = arith.constant 80 : i32
            %mul3A_175 = arith.muli %add3A_171, %mul3A_174 : i32
            %add3A_176 = arith.addi %mul3A_173, %mul3A_175 : i32
            %dma_wait3A_177 = tpu.memref_slice %arg4[%add3A_176] : memref<320000xi32, #tpu.memory_space<hbm>> -> memref<80xi32, #tpu.memory_space<hbm>>
            %dma_wait3A_178 = tpu.memref_slice %arg4[%add3A_176] : memref<320000xi32, #tpu.memory_space<hbm>> -> memref<80xi32, #tpu.memory_space<hbm>>
            tpu.wait_dma2 semaphore(%arg32 : memref<!tpu.dma_semaphore, #tpu.memory_space<semaphore_mem>>) src(%dma_wait3A_178 : memref<80xi32, #tpu.memory_space<hbm>>) dst(%arg18 : memref<80xi32, #tpu.memory_space<vmem>>)
            %dma_wait3A_179 = tpu.memref_slice %arg5[%add3A_176] : memref<320000xi32, #tpu.memory_space<hbm>> -> memref<80xi32, #tpu.memory_space<hbm>>
            %dma_wait3A_180 = tpu.memref_slice %arg5[%add3A_176] : memref<320000xi32, #tpu.memory_space<hbm>> -> memref<80xi32, #tpu.memory_space<hbm>>
            tpu.wait_dma2 semaphore(%arg32 : memref<!tpu.dma_semaphore, #tpu.memory_space<semaphore_mem>>) src(%dma_wait3A_180 : memref<80xi32, #tpu.memory_space<hbm>>) dst(%arg19 : memref<80xi32, #tpu.memory_space<vmem>>)
            %dma_start3A_181 = arith.constant 0 : i32
            %dma_start3A_182 = arith.constant 0 : i32
            %dma_start3A_183 = tpu.memref_slice %arg9[%dma_start3A_181, %dma_start3A_182] : memref<10000x16xf32, #tpu.memory_space<hbm>> -> memref<10000x16xf32, #tpu.memory_space<hbm>>
            tpu.enqueue_indirect_dma source(%dma_start3A_183 : memref<10000x16xf32, #tpu.memory_space<hbm>>) target(%arg21 : memref<80x16xf32, #tpu.memory_space<vmem>>) offsets(%arg19 : memref<80xi32, #tpu.memory_space<vmem>>) semaphore(%arg33 : memref<!tpu.dma_semaphore, #tpu.memory_space<semaphore_mem>>)
            %dma_start3A_184 = arith.constant 0 : i32
            %dma_start3A_185 = arith.constant 0 : i32
            %dma_start3A_186 = tpu.memref_slice %arg8[%dma_start3A_184, %dma_start3A_185] : memref<10000x144xf32, #tpu.memory_space<hbm>> -> memref<10000x144xf32, #tpu.memory_space<hbm>>
            tpu.enqueue_indirect_dma source(%dma_start3A_186 : memref<10000x144xf32, #tpu.memory_space<hbm>>) target(%arg22 : memref<80x144xf32, #tpu.memory_space<vmem>>) offsets(%arg18 : memref<80xi32, #tpu.memory_space<vmem>>) semaphore(%arg34 : memref<!tpu.dma_semaphore, #tpu.memory_space<semaphore_mem>>)
          } else {
          }
          %add3A_130 = arith.constant 2 : i32
          %add3A_131 = arith.addi %scan3A_61, %add3A_130 : i32
          %lt3A_132 = arith.constant 250 : i32
          %lt3A_133 = arith.cmpi slt, %add3A_131, %lt3A_132 : i32
          %convert_element_type3A_134 = arith.extui %lt3A_133 : i1 to i32
          %cond3A_135 = arith.constant 0 : i32
          %cond3A_136 = arith.cmpi ne, %convert_element_type3A_134, %cond3A_135 : i32
          scf.if %cond3A_136 {
            %add3A_170 = arith.constant 2 : i32
            %add3A_171 = arith.addi %scan3A_61, %add3A_170 : i32
            %mul3A_172 = arith.constant 20000 : i32
            %mul3A_173 = arith.muli %arg1, %mul3A_172 : i32
            %mul3A_174 = arith.constant 80 : i32
            %mul3A_175 = arith.muli %add3A_171, %mul3A_174 : i32
            %add3A_176 = arith.addi %mul3A_173, %mul3A_175 : i32
            %dma_start3A_177 = tpu.memref_slice %arg4[%add3A_176] : memref<320000xi32, #tpu.memory_space<hbm>> -> memref<80xi32, #tpu.memory_space<hbm>>
            %dma_start3A_178 = tpu.memref_slice %arg4[%add3A_176] : memref<320000xi32, #tpu.memory_space<hbm>> -> memref<80xi32, #tpu.memory_space<hbm>>
            tpu.enqueue_dma source(%dma_start3A_178 : memref<80xi32, #tpu.memory_space<hbm>>) target(%arg23 : memref<80xi32, #tpu.memory_space<vmem>>) target_semaphore(%arg36 : memref<!tpu.dma_semaphore, #tpu.memory_space<semaphore_mem>>)
            %dma_start3A_179 = tpu.memref_slice %arg5[%add3A_176] : memref<320000xi32, #tpu.memory_space<hbm>> -> memref<80xi32, #tpu.memory_space<hbm>>
            %dma_start3A_180 = tpu.memref_slice %arg5[%add3A_176] : memref<320000xi32, #tpu.memory_space<hbm>> -> memref<80xi32, #tpu.memory_space<hbm>>
            tpu.enqueue_dma source(%dma_start3A_180 : memref<80xi32, #tpu.memory_space<hbm>>) target(%arg24 : memref<80xi32, #tpu.memory_space<vmem>>) target_semaphore(%arg36 : memref<!tpu.dma_semaphore, #tpu.memory_space<semaphore_mem>>)
          } else {
          }
          %dma_wait3A_137 = arith.constant 0 : i32
          %dma_wait3A_138 = arith.constant 0 : i32
          %dma_wait3A_139 = tpu.memref_slice %arg9[%dma_wait3A_137, %dma_wait3A_138] : memref<10000x16xf32, #tpu.memory_space<hbm>> -> memref<10000x16xf32, #tpu.memory_space<hbm>>
          tpu.wait_indirect_dma semaphore(%arg29 : memref<!tpu.dma_semaphore, #tpu.memory_space<semaphore_mem>>) src(%dma_wait3A_139 : memref<10000x16xf32, #tpu.memory_space<hbm>>) dst(%arg16 : memref<80x16xf32, #tpu.memory_space<vmem>>)
          %dma_wait3A_140 = arith.constant 0 : i32
          %dma_wait3A_141 = arith.constant 0 : i32
          %dma_wait3A_142 = tpu.memref_slice %arg8[%dma_wait3A_140, %dma_wait3A_141] : memref<10000x144xf32, #tpu.memory_space<hbm>> -> memref<10000x144xf32, #tpu.memory_space<hbm>>
          tpu.wait_indirect_dma semaphore(%arg30 : memref<!tpu.dma_semaphore, #tpu.memory_space<semaphore_mem>>) src(%dma_wait3A_142 : memref<10000x144xf32, #tpu.memory_space<hbm>>) dst(%arg17 : memref<80x144xf32, #tpu.memory_space<vmem>>)
          %scan3A_143 = arith.constant 0 : i32
          %scan3A_144 = arith.constant 0 : i32
          %scan3A_145 = arith.constant 20 : i32
          %scan3A_146 = arith.addi %scan3A_144, %scan3A_145 : i32
          %scan3A_147 = arith.constant 1 : i32
          scf.for %scan3A_170 = %scan3A_144 to %scan3A_146 step %scan3A_147  : i32 {
            %mul3A_171 = arith.constant 4 : i32
            %mul3A_172 = arith.muli %scan3A_170, %mul3A_171 : i32
            %add3A_173 = arith.constant 0 : i32
            %add3A_174 = arith.addi %mul3A_172, %add3A_173 : i32
            %get3A_175 = arith.index_cast %add3A_174 : i32 to index
            %get3A_176 = arith.constant 0 : index
            %get3A_177 = tpu.vector_load %arg17[%get3A_175, %get3A_176] {strides = array<i32>} : memref<80x144xf32, #tpu.memory_space<vmem>>, vector<16xf32>,
            %get3A_178 = arith.index_cast %add3A_174 : i32 to index
            %get3A_179 = arith.constant 0 : index
            %get3A_180 = tpu.vector_load %arg16[%get3A_178, %get3A_179] {strides = array<i32>} : memref<80x16xf32, #tpu.memory_space<vmem>>, vector<16xf32>,
            %add3A_181 = arith.addf %get3A_177, %get3A_180 : vector<16xf32>
            %mul3A_182 = arith.constant 2.000000e-01 : f32
            %mul3A_183 = vector.broadcast %mul3A_182 : f32 to vector<16xf32>
            %mul3A_184 = arith.mulf %mul3A_183, %add3A_181 : vector<16xf32>
            %max3A = arith.maximumf %add3A_181, %mul3A_184 : vector<16xf32>
            %exp3A = math.exp %max3A : vector<16xf32>
            %swap3A_185 = arith.index_cast %add3A_174 : i32 to index
            %swap3A_186 = arith.constant 0 : index
            %swap3A_187 = tpu.vector_load %arg17[%swap3A_185, %swap3A_186] {strides = array<i32>} : memref<80x144xf32, #tpu.memory_space<vmem>>, vector<16xf32>,
            tpu.vector_store %arg17[%swap3A_185, %swap3A_186], %exp3A {strides = array<i32>} : memref<80x144xf32, #tpu.memory_space<vmem>>, vector<16xf32>,
            %get3A_188 = arith.index_cast %add3A_174 : i32 to index
            %get3A_189 = arith.constant 16 : index
            %get3A_190 = tpu.vector_load %arg17[%get3A_188, %get3A_189] {strides = array<i32>} : memref<80x144xf32, #tpu.memory_space<vmem>>, vector<16xf32>,
            %mul3A_191 = arith.mulf %get3A_190, %exp3A : vector<16xf32>
            %swap3A_192 = arith.index_cast %add3A_174 : i32 to index
            %swap3A_193 = arith.constant 16 : index
            %swap3A_194 = tpu.vector_load %arg17[%swap3A_192, %swap3A_193] {strides = array<i32>} : memref<80x144xf32, #tpu.memory_space<vmem>>, vector<16xf32>,
            tpu.vector_store %arg17[%swap3A_192, %swap3A_193], %mul3A_191 {strides = array<i32>} : memref<80x144xf32, #tpu.memory_space<vmem>>, vector<16xf32>,
            %get3A_195 = arith.index_cast %add3A_174 : i32 to index
            %get3A_196 = arith.constant 32 : index
            %get3A_197 = tpu.vector_load %arg17[%get3A_195, %get3A_196] {strides = array<i32>} : memref<80x144xf32, #tpu.memory_space<vmem>>, vector<16xf32>,
            %mul3A_198 = arith.mulf %get3A_197, %exp3A : vector<16xf32>
            %swap3A_199 = arith.index_cast %add3A_174 : i32 to index
            %swap3A_200 = arith.constant 32 : index
            %swap3A_201 = tpu.vector_load %arg17[%swap3A_199, %swap3A_200] {strides = array<i32>} : memref<80x144xf32, #tpu.memory_space<vmem>>, vector<16xf32>,
            tpu.vector_store %arg17[%swap3A_199, %swap3A_200], %mul3A_198 {strides = array<i32>} : memref<80x144xf32, #tpu.memory_space<vmem>>, vector<16xf32>,
            %get3A_202 = arith.index_cast %add3A_174 : i32 to index
            %get3A_203 = arith.constant 48 : index
            %get3A_204 = tpu.vector_load %arg17[%get3A_202, %get3A_203] {strides = array<i32>} : memref<80x144xf32, #tpu.memory_space<vmem>>, vector<16xf32>,
            %mul3A_205 = arith.mulf %get3A_204, %exp3A : vector<16xf32>
            %swap3A_206 = arith.index_cast %add3A_174 : i32 to index
            %swap3A_207 = arith.constant 48 : index
            %swap3A_208 = tpu.vector_load %arg17[%swap3A_206, %swap3A_207] {strides = array<i32>} : memref<80x144xf32, #tpu.memory_space<vmem>>, vector<16xf32>,
            tpu.vector_store %arg17[%swap3A_206, %swap3A_207], %mul3A_205 {strides = array<i32>} : memref<80x144xf32, #tpu.memory_space<vmem>>, vector<16xf32>,
            %get3A_209 = arith.index_cast %add3A_174 : i32 to index
            %get3A_210 = arith.constant 64 : index
            %get3A_211 = tpu.vector_load %arg17[%get3A_209, %get3A_210] {strides = array<i32>} : memref<80x144xf32, #tpu.memory_space<vmem>>, vector<16xf32>,
            %mul3A_212 = arith.mulf %get3A_211, %exp3A : vector<16xf32>
            %swap3A_213 = arith.index_cast %add3A_174 : i32 to index
            %swap3A_214 = arith.constant 64 : index
            %swap3A_215 = tpu.vector_load %arg17[%swap3A_213, %swap3A_214] {strides = array<i32>} : memref<80x144xf32, #tpu.memory_space<vmem>>, vector<16xf32>,
            tpu.vector_store %arg17[%swap3A_213, %swap3A_214], %mul3A_212 {strides = array<i32>} : memref<80x144xf32, #tpu.memory_space<vmem>>, vector<16xf32>,
            %get3A_216 = arith.index_cast %add3A_174 : i32 to index
            %get3A_217 = arith.constant 80 : index
            %get3A_218 = tpu.vector_load %arg17[%get3A_216, %get3A_217] {strides = array<i32>} : memref<80x144xf32, #tpu.memory_space<vmem>>, vector<16xf32>,
            %mul3A_219 = arith.mulf %get3A_218, %exp3A : vector<16xf32>
            %swap3A_220 = arith.index_cast %add3A_174 : i32 to index
            %swap3A_221 = arith.constant 80 : index
            %swap3A_222 = tpu.vector_load %arg17[%swap3A_220, %swap3A_221] {strides = array<i32>} : memref<80x144xf32, #tpu.memory_space<vmem>>, vector<16xf32>,
            tpu.vector_store %arg17[%swap3A_220, %swap3A_221], %mul3A_219 {strides = array<i32>} : memref<80x144xf32, #tpu.memory_space<vmem>>, vector<16xf32>,
            %get3A_223 = arith.index_cast %add3A_174 : i32 to index
            %get3A_224 = arith.constant 96 : index
            %get3A_225 = tpu.vector_load %arg17[%get3A_223, %get3A_224] {strides = array<i32>} : memref<80x144xf32, #tpu.memory_space<vmem>>, vector<16xf32>,
            %mul3A_226 = arith.mulf %get3A_225, %exp3A : vector<16xf32>
            %swap3A_227 = arith.index_cast %add3A_174 : i32 to index
            %swap3A_228 = arith.constant 96 : index
            %swap3A_229 = tpu.vector_load %arg17[%swap3A_227, %swap3A_228] {strides = array<i32>} : memref<80x144xf32, #tpu.memory_space<vmem>>, vector<16xf32>,
            tpu.vector_store %arg17[%swap3A_227, %swap3A_228], %mul3A_226 {strides = array<i32>} : memref<80x144xf32, #tpu.memory_space<vmem>>, vector<16xf32>,
            %get3A_230 = arith.index_cast %add3A_174 : i32 to index
            %get3A_231 = arith.constant 112 : index
            %get3A_232 = tpu.vector_load %arg17[%get3A_230, %get3A_231] {strides = array<i32>} : memref<80x144xf32, #tpu.memory_space<vmem>>, vector<16xf32>,
            %mul3A_233 = arith.mulf %get3A_232, %exp3A : vector<16xf32>
            %swap3A_234 = arith.index_cast %add3A_174 : i32 to index
            %swap3A_235 = arith.constant 112 : index
            %swap3A_236 = tpu.vector_load %arg17[%swap3A_234, %swap3A_235] {strides = array<i32>} : memref<80x144xf32, #tpu.memory_space<vmem>>, vector<16xf32>,
            tpu.vector_store %arg17[%swap3A_234, %swap3A_235], %mul3A_233 {strides = array<i32>} : memref<80x144xf32, #tpu.memory_space<vmem>>, vector<16xf32>,
            %get3A_237 = arith.index_cast %add3A_174 : i32 to index
            %get3A_238 = arith.constant 128 : index
            %get3A_239 = tpu.vector_load %arg17[%get3A_237, %get3A_238] {strides = array<i32>} : memref<80x144xf32, #tpu.memory_space<vmem>>, vector<16xf32>,
            %mul3A_240 = arith.mulf %get3A_239, %exp3A : vector<16xf32>
            %swap3A_241 = arith.index_cast %add3A_174 : i32 to index
            %swap3A_242 = arith.constant 128 : index
            %swap3A_243 = tpu.vector_load %arg17[%swap3A_241, %swap3A_242] {strides = array<i32>} : memref<80x144xf32, #tpu.memory_space<vmem>>, vector<16xf32>,
            tpu.vector_store %arg17[%swap3A_241, %swap3A_242], %mul3A_240 {strides = array<i32>} : memref<80x144xf32, #tpu.memory_space<vmem>>, vector<16xf32>,
            %mul3A_244 = arith.constant 4 : i32
            %mul3A_245 = arith.muli %scan3A_170, %mul3A_244 : i32
            %add3A_246 = arith.constant 1 : i32
            %add3A_247 = arith.addi %mul3A_245, %add3A_246 : i32
            %get3A_248 = arith.index_cast %add3A_247 : i32 to index
            %get3A_249 = arith.constant 0 : index
            %get3A_250 = tpu.vector_load %arg17[%get3A_248, %get3A_249] {strides = array<i32>} : memref<80x144xf32, #tpu.memory_space<vmem>>, vector<16xf32>,
            %get3A_251 = arith.index_cast %add3A_247 : i32 to index
            %get3A_252 = arith.constant 0 : index
            %get3A_253 = tpu.vector_load %arg16[%get3A_251, %get3A_252] {strides = array<i32>} : memref<80x16xf32, #tpu.memory_space<vmem>>, vector<16xf32>,
            %add3A_254 = arith.addf %get3A_250, %get3A_253 : vector<16xf32>
            %mul3A_255 = arith.constant 2.000000e-01 : f32
            %mul3A_256 = vector.broadcast %mul3A_255 : f32 to vector<16xf32>
            %mul3A_257 = arith.mulf %mul3A_256, %add3A_254 : vector<16xf32>
            %max3A_258 = arith.maximumf %add3A_254, %mul3A_257 : vector<16xf32>
            %exp3A_259 = math.exp %max3A_258 : vector<16xf32>
            %swap3A_260 = arith.index_cast %add3A_247 : i32 to index
            %swap3A_261 = arith.constant 0 : index
            %swap3A_262 = tpu.vector_load %arg17[%swap3A_260, %swap3A_261] {strides = array<i32>} : memref<80x144xf32, #tpu.memory_space<vmem>>, vector<16xf32>,
            tpu.vector_store %arg17[%swap3A_260, %swap3A_261], %exp3A_259 {strides = array<i32>} : memref<80x144xf32, #tpu.memory_space<vmem>>, vector<16xf32>,
            %get3A_263 = arith.index_cast %add3A_247 : i32 to index
            %get3A_264 = arith.constant 16 : index
            %get3A_265 = tpu.vector_load %arg17[%get3A_263, %get3A_264] {strides = array<i32>} : memref<80x144xf32, #tpu.memory_space<vmem>>, vector<16xf32>,
            %mul3A_266 = arith.mulf %get3A_265, %exp3A_259 : vector<16xf32>
            %swap3A_267 = arith.index_cast %add3A_247 : i32 to index
            %swap3A_268 = arith.constant 16 : index
            %swap3A_269 = tpu.vector_load %arg17[%swap3A_267, %swap3A_268] {strides = array<i32>} : memref<80x144xf32, #tpu.memory_space<vmem>>, vector<16xf32>,
            tpu.vector_store %arg17[%swap3A_267, %swap3A_268], %mul3A_266 {strides = array<i32>} : memref<80x144xf32, #tpu.memory_space<vmem>>, vector<16xf32>,
            %get3A_270 = arith.index_cast %add3A_247 : i32 to index
            %get3A_271 = arith.constant 32 : index
            %get3A_272 = tpu.vector_load %arg17[%get3A_270, %get3A_271] {strides = array<i32>} : memref<80x144xf32, #tpu.memory_space<vmem>>, vector<16xf32>,
            %mul3A_273 = arith.mulf %get3A_272, %exp3A_259 : vector<16xf32>
            %swap3A_274 = arith.index_cast %add3A_247 : i32 to index
            %swap3A_275 = arith.constant 32 : index
            %swap3A_276 = tpu.vector_load %arg17[%swap3A_274, %swap3A_275] {strides = array<i32>} : memref<80x144xf32, #tpu.memory_space<vmem>>, vector<16xf32>,
            tpu.vector_store %arg17[%swap3A_274, %swap3A_275], %mul3A_273 {strides = array<i32>} : memref<80x144xf32, #tpu.memory_space<vmem>>, vector<16xf32>,
            %get3A_277 = arith.index_cast %add3A_247 : i32 to index
            %get3A_278 = arith.constant 48 : index
            %get3A_279 = tpu.vector_load %arg17[%get3A_277, %get3A_278] {strides = array<i32>} : memref<80x144xf32, #tpu.memory_space<vmem>>, vector<16xf32>,
            %mul3A_280 = arith.mulf %get3A_279, %exp3A_259 : vector<16xf32>
            %swap3A_281 = arith.index_cast %add3A_247 : i32 to index
            %swap3A_282 = arith.constant 48 : index
            %swap3A_283 = tpu.vector_load %arg17[%swap3A_281, %swap3A_282] {strides = array<i32>} : memref<80x144xf32, #tpu.memory_space<vmem>>, vector<16xf32>,
            tpu.vector_store %arg17[%swap3A_281, %swap3A_282], %mul3A_280 {strides = array<i32>} : memref<80x144xf32, #tpu.memory_space<vmem>>, vector<16xf32>,
            %get3A_284 = arith.index_cast %add3A_247 : i32 to index
            %get3A_285 = arith.constant 64 : index
            %get3A_286 = tpu.vector_load %arg17[%get3A_284, %get3A_285] {strides = array<i32>} : memref<80x144xf32, #tpu.memory_space<vmem>>, vector<16xf32>,
            %mul3A_287 = arith.mulf %get3A_286, %exp3A_259 : vector<16xf32>
            %swap3A_288 = arith.index_cast %add3A_247 : i32 to index
            %swap3A_289 = arith.constant 64 : index
            %swap3A_290 = tpu.vector_load %arg17[%swap3A_288, %swap3A_289] {strides = array<i32>} : memref<80x144xf32, #tpu.memory_space<vmem>>, vector<16xf32>,
            tpu.vector_store %arg17[%swap3A_288, %swap3A_289], %mul3A_287 {strides = array<i32>} : memref<80x144xf32, #tpu.memory_space<vmem>>, vector<16xf32>,
            %get3A_291 = arith.index_cast %add3A_247 : i32 to index
            %get3A_292 = arith.constant 80 : index
            %get3A_293 = tpu.vector_load %arg17[%get3A_291, %get3A_292] {strides = array<i32>} : memref<80x144xf32, #tpu.memory_space<vmem>>, vector<16xf32>,
            %mul3A_294 = arith.mulf %get3A_293, %exp3A_259 : vector<16xf32>
            %swap3A_295 = arith.index_cast %add3A_247 : i32 to index
            %swap3A_296 = arith.constant 80 : index
            %swap3A_297 = tpu.vector_load %arg17[%swap3A_295, %swap3A_296] {strides = array<i32>} : memref<80x144xf32, #tpu.memory_space<vmem>>, vector<16xf32>,
            tpu.vector_store %arg17[%swap3A_295, %swap3A_296], %mul3A_294 {strides = array<i32>} : memref<80x144xf32, #tpu.memory_space<vmem>>, vector<16xf32>,
            %get3A_298 = arith.index_cast %add3A_247 : i32 to index
            %get3A_299 = arith.constant 96 : index
            %get3A_300 = tpu.vector_load %arg17[%get3A_298, %get3A_299] {strides = array<i32>} : memref<80x144xf32, #tpu.memory_space<vmem>>, vector<16xf32>,
            %mul3A_301 = arith.mulf %get3A_300, %exp3A_259 : vector<16xf32>
            %swap3A_302 = arith.index_cast %add3A_247 : i32 to index
            %swap3A_303 = arith.constant 96 : index
            %swap3A_304 = tpu.vector_load %arg17[%swap3A_302, %swap3A_303] {strides = array<i32>} : memref<80x144xf32, #tpu.memory_space<vmem>>, vector<16xf32>,
            tpu.vector_store %arg17[%swap3A_302, %swap3A_303], %mul3A_301 {strides = array<i32>} : memref<80x144xf32, #tpu.memory_space<vmem>>, vector<16xf32>,
            %get3A_305 = arith.index_cast %add3A_247 : i32 to index
            %get3A_306 = arith.constant 112 : index
            %get3A_307 = tpu.vector_load %arg17[%get3A_305, %get3A_306] {strides = array<i32>} : memref<80x144xf32, #tpu.memory_space<vmem>>, vector<16xf32>,
            %mul3A_308 = arith.mulf %get3A_307, %exp3A_259 : vector<16xf32>
            %swap3A_309 = arith.index_cast %add3A_247 : i32 to index
            %swap3A_310 = arith.constant 112 : index
            %swap3A_311 = tpu.vector_load %arg17[%swap3A_309, %swap3A_310] {strides = array<i32>} : memref<80x144xf32, #tpu.memory_space<vmem>>, vector<16xf32>,
            tpu.vector_store %arg17[%swap3A_309, %swap3A_310], %mul3A_308 {strides = array<i32>} : memref<80x144xf32, #tpu.memory_space<vmem>>, vector<16xf32>,
            %get3A_312 = arith.index_cast %add3A_247 : i32 to index
            %get3A_313 = arith.constant 128 : index
            %get3A_314 = tpu.vector_load %arg17[%get3A_312, %get3A_313] {strides = array<i32>} : memref<80x144xf32, #tpu.memory_space<vmem>>, vector<16xf32>,
            %mul3A_315 = arith.mulf %get3A_314, %exp3A_259 : vector<16xf32>
            %swap3A_316 = arith.index_cast %add3A_247 : i32 to index
            %swap3A_317 = arith.constant 128 : index
            %swap3A_318 = tpu.vector_load %arg17[%swap3A_316, %swap3A_317] {strides = array<i32>} : memref<80x144xf32, #tpu.memory_space<vmem>>, vector<16xf32>,
            tpu.vector_store %arg17[%swap3A_316, %swap3A_317], %mul3A_315 {strides = array<i32>} : memref<80x144xf32, #tpu.memory_space<vmem>>, vector<16xf32>,
            %mul3A_319 = arith.constant 4 : i32
            %mul3A_320 = arith.muli %scan3A_170, %mul3A_319 : i32
            %add3A_321 = arith.constant 2 : i32
            %add3A_322 = arith.addi %mul3A_320, %add3A_321 : i32
            %get3A_323 = arith.index_cast %add3A_322 : i32 to index
            %get3A_324 = arith.constant 0 : index
            %get3A_325 = tpu.vector_load %arg17[%get3A_323, %get3A_324] {strides = array<i32>} : memref<80x144xf32, #tpu.memory_space<vmem>>, vector<16xf32>,
            %get3A_326 = arith.index_cast %add3A_322 : i32 to index
            %get3A_327 = arith.constant 0 : index
            %get3A_328 = tpu.vector_load %arg16[%get3A_326, %get3A_327] {strides = array<i32>} : memref<80x16xf32, #tpu.memory_space<vmem>>, vector<16xf32>,
            %add3A_329 = arith.addf %get3A_325, %get3A_328 : vector<16xf32>
            %mul3A_330 = arith.constant 2.000000e-01 : f32
            %mul3A_331 = vector.broadcast %mul3A_330 : f32 to vector<16xf32>
            %mul3A_332 = arith.mulf %mul3A_331, %add3A_329 : vector<16xf32>
            %max3A_333 = arith.maximumf %add3A_329, %mul3A_332 : vector<16xf32>
            %exp3A_334 = math.exp %max3A_333 : vector<16xf32>
            %swap3A_335 = arith.index_cast %add3A_322 : i32 to index
            %swap3A_336 = arith.constant 0 : index
            %swap3A_337 = tpu.vector_load %arg17[%swap3A_335, %swap3A_336] {strides = array<i32>} : memref<80x144xf32, #tpu.memory_space<vmem>>, vector<16xf32>,
            tpu.vector_store %arg17[%swap3A_335, %swap3A_336], %exp3A_334 {strides = array<i32>} : memref<80x144xf32, #tpu.memory_space<vmem>>, vector<16xf32>,
            %get3A_338 = arith.index_cast %add3A_322 : i32 to index
            %get3A_339 = arith.constant 16 : index
            %get3A_340 = tpu.vector_load %arg17[%get3A_338, %get3A_339] {strides = array<i32>} : memref<80x144xf32, #tpu.memory_space<vmem>>, vector<16xf32>,
            %mul3A_341 = arith.mulf %get3A_340, %exp3A_334 : vector<16xf32>
            %swap3A_342 = arith.index_cast %add3A_322 : i32 to index
            %swap3A_343 = arith.constant 16 : index
            %swap3A_344 = tpu.vector_load %arg17[%swap3A_342, %swap3A_343] {strides = array<i32>} : memref<80x144xf32, #tpu.memory_space<vmem>>, vector<16xf32>,
            tpu.vector_store %arg17[%swap3A_342, %swap3A_343], %mul3A_341 {strides = array<i32>} : memref<80x144xf32, #tpu.memory_space<vmem>>, vector<16xf32>,
            %get3A_345 = arith.index_cast %add3A_322 : i32 to index
            %get3A_346 = arith.constant 32 : index
            %get3A_347 = tpu.vector_load %arg17[%get3A_345, %get3A_346] {strides = array<i32>} : memref<80x144xf32, #tpu.memory_space<vmem>>, vector<16xf32>,
            %mul3A_348 = arith.mulf %get3A_347, %exp3A_334 : vector<16xf32>
            %swap3A_349 = arith.index_cast %add3A_322 : i32 to index
            %swap3A_350 = arith.constant 32 : index
            %swap3A_351 = tpu.vector_load %arg17[%swap3A_349, %swap3A_350] {strides = array<i32>} : memref<80x144xf32, #tpu.memory_space<vmem>>, vector<16xf32>,
            tpu.vector_store %arg17[%swap3A_349, %swap3A_350], %mul3A_348 {strides = array<i32>} : memref<80x144xf32, #tpu.memory_space<vmem>>, vector<16xf32>,
            %get3A_352 = arith.index_cast %add3A_322 : i32 to index
            %get3A_353 = arith.constant 48 : index
            %get3A_354 = tpu.vector_load %arg17[%get3A_352, %get3A_353] {strides = array<i32>} : memref<80x144xf32, #tpu.memory_space<vmem>>, vector<16xf32>,
            %mul3A_355 = arith.mulf %get3A_354, %exp3A_334 : vector<16xf32>
            %swap3A_356 = arith.index_cast %add3A_322 : i32 to index
            %swap3A_357 = arith.constant 48 : index
            %swap3A_358 = tpu.vector_load %arg17[%swap3A_356, %swap3A_357] {strides = array<i32>} : memref<80x144xf32, #tpu.memory_space<vmem>>, vector<16xf32>,
            tpu.vector_store %arg17[%swap3A_356, %swap3A_357], %mul3A_355 {strides = array<i32>} : memref<80x144xf32, #tpu.memory_space<vmem>>, vector<16xf32>,
            %get3A_359 = arith.index_cast %add3A_322 : i32 to index
            %get3A_360 = arith.constant 64 : index
            %get3A_361 = tpu.vector_load %arg17[%get3A_359, %get3A_360] {strides = array<i32>} : memref<80x144xf32, #tpu.memory_space<vmem>>, vector<16xf32>,
            %mul3A_362 = arith.mulf %get3A_361, %exp3A_334 : vector<16xf32>
            %swap3A_363 = arith.index_cast %add3A_322 : i32 to index
            %swap3A_364 = arith.constant 64 : index
            %swap3A_365 = tpu.vector_load %arg17[%swap3A_363, %swap3A_364] {strides = array<i32>} : memref<80x144xf32, #tpu.memory_space<vmem>>, vector<16xf32>,
            tpu.vector_store %arg17[%swap3A_363, %swap3A_364], %mul3A_362 {strides = array<i32>} : memref<80x144xf32, #tpu.memory_space<vmem>>, vector<16xf32>,
            %get3A_366 = arith.index_cast %add3A_322 : i32 to index
            %get3A_367 = arith.constant 80 : index
            %get3A_368 = tpu.vector_load %arg17[%get3A_366, %get3A_367] {strides = array<i32>} : memref<80x144xf32, #tpu.memory_space<vmem>>, vector<16xf32>,
            %mul3A_369 = arith.mulf %get3A_368, %exp3A_334 : vector<16xf32>
            %swap3A_370 = arith.index_cast %add3A_322 : i32 to index
            %swap3A_371 = arith.constant 80 : index
            %swap3A_372 = tpu.vector_load %arg17[%swap3A_370, %swap3A_371] {strides = array<i32>} : memref<80x144xf32, #tpu.memory_space<vmem>>, vector<16xf32>,
            tpu.vector_store %arg17[%swap3A_370, %swap3A_371], %mul3A_369 {strides = array<i32>} : memref<80x144xf32, #tpu.memory_space<vmem>>, vector<16xf32>,
            %get3A_373 = arith.index_cast %add3A_322 : i32 to index
            %get3A_374 = arith.constant 96 : index
            %get3A_375 = tpu.vector_load %arg17[%get3A_373, %get3A_374] {strides = array<i32>} : memref<80x144xf32, #tpu.memory_space<vmem>>, vector<16xf32>,
            %mul3A_376 = arith.mulf %get3A_375, %exp3A_334 : vector<16xf32>
            %swap3A_377 = arith.index_cast %add3A_322 : i32 to index
            %swap3A_378 = arith.constant 96 : index
            %swap3A_379 = tpu.vector_load %arg17[%swap3A_377, %swap3A_378] {strides = array<i32>} : memref<80x144xf32, #tpu.memory_space<vmem>>, vector<16xf32>,
            tpu.vector_store %arg17[%swap3A_377, %swap3A_378], %mul3A_376 {strides = array<i32>} : memref<80x144xf32, #tpu.memory_space<vmem>>, vector<16xf32>,
            %get3A_380 = arith.index_cast %add3A_322 : i32 to index
            %get3A_381 = arith.constant 112 : index
            %get3A_382 = tpu.vector_load %arg17[%get3A_380, %get3A_381] {strides = array<i32>} : memref<80x144xf32, #tpu.memory_space<vmem>>, vector<16xf32>,
            %mul3A_383 = arith.mulf %get3A_382, %exp3A_334 : vector<16xf32>
            %swap3A_384 = arith.index_cast %add3A_322 : i32 to index
            %swap3A_385 = arith.constant 112 : index
            %swap3A_386 = tpu.vector_load %arg17[%swap3A_384, %swap3A_385] {strides = array<i32>} : memref<80x144xf32, #tpu.memory_space<vmem>>, vector<16xf32>,
            tpu.vector_store %arg17[%swap3A_384, %swap3A_385], %mul3A_383 {strides = array<i32>} : memref<80x144xf32, #tpu.memory_space<vmem>>, vector<16xf32>,
            %get3A_387 = arith.index_cast %add3A_322 : i32 to index
            %get3A_388 = arith.constant 128 : index
            %get3A_389 = tpu.vector_load %arg17[%get3A_387, %get3A_388] {strides = array<i32>} : memref<80x144xf32, #tpu.memory_space<vmem>>, vector<16xf32>,
            %mul3A_390 = arith.mulf %get3A_389, %exp3A_334 : vector<16xf32>
            %swap3A_391 = arith.index_cast %add3A_322 : i32 to index
            %swap3A_392 = arith.constant 128 : index
            %swap3A_393 = tpu.vector_load %arg17[%swap3A_391, %swap3A_392] {strides = array<i32>} : memref<80x144xf32, #tpu.memory_space<vmem>>, vector<16xf32>,
            tpu.vector_store %arg17[%swap3A_391, %swap3A_392], %mul3A_390 {strides = array<i32>} : memref<80x144xf32, #tpu.memory_space<vmem>>, vector<16xf32>,
            %mul3A_394 = arith.constant 4 : i32
            %mul3A_395 = arith.muli %scan3A_170, %mul3A_394 : i32
            %add3A_396 = arith.constant 3 : i32
            %add3A_397 = arith.addi %mul3A_395, %add3A_396 : i32
            %get3A_398 = arith.index_cast %add3A_397 : i32 to index
            %get3A_399 = arith.constant 0 : index
            %get3A_400 = tpu.vector_load %arg17[%get3A_398, %get3A_399] {strides = array<i32>} : memref<80x144xf32, #tpu.memory_space<vmem>>, vector<16xf32>,
            %get3A_401 = arith.index_cast %add3A_397 : i32 to index
            %get3A_402 = arith.constant 0 : index
            %get3A_403 = tpu.vector_load %arg16[%get3A_401, %get3A_402] {strides = array<i32>} : memref<80x16xf32, #tpu.memory_space<vmem>>, vector<16xf32>,
            %add3A_404 = arith.addf %get3A_400, %get3A_403 : vector<16xf32>
            %mul3A_405 = arith.constant 2.000000e-01 : f32
            %mul3A_406 = vector.broadcast %mul3A_405 : f32 to vector<16xf32>
            %mul3A_407 = arith.mulf %mul3A_406, %add3A_404 : vector<16xf32>
            %max3A_408 = arith.maximumf %add3A_404, %mul3A_407 : vector<16xf32>
            %exp3A_409 = math.exp %max3A_408 : vector<16xf32>
            %swap3A_410 = arith.index_cast %add3A_397 : i32 to index
            %swap3A_411 = arith.constant 0 : index
            %swap3A_412 = tpu.vector_load %arg17[%swap3A_410, %swap3A_411] {strides = array<i32>} : memref<80x144xf32, #tpu.memory_space<vmem>>, vector<16xf32>,
            tpu.vector_store %arg17[%swap3A_410, %swap3A_411], %exp3A_409 {strides = array<i32>} : memref<80x144xf32, #tpu.memory_space<vmem>>, vector<16xf32>,
            %get3A_413 = arith.index_cast %add3A_397 : i32 to index
            %get3A_414 = arith.constant 16 : index
            %get3A_415 = tpu.vector_load %arg17[%get3A_413, %get3A_414] {strides = array<i32>} : memref<80x144xf32, #tpu.memory_space<vmem>>, vector<16xf32>,
            %mul3A_416 = arith.mulf %get3A_415, %exp3A_409 : vector<16xf32>
            %swap3A_417 = arith.index_cast %add3A_397 : i32 to index
            %swap3A_418 = arith.constant 16 : index
            %swap3A_419 = tpu.vector_load %arg17[%swap3A_417, %swap3A_418] {strides = array<i32>} : memref<80x144xf32, #tpu.memory_space<vmem>>, vector<16xf32>,
            tpu.vector_store %arg17[%swap3A_417, %swap3A_418], %mul3A_416 {strides = array<i32>} : memref<80x144xf32, #tpu.memory_space<vmem>>, vector<16xf32>,
            %get3A_420 = arith.index_cast %add3A_397 : i32 to index
            %get3A_421 = arith.constant 32 : index
            %get3A_422 = tpu.vector_load %arg17[%get3A_420, %get3A_421] {strides = array<i32>} : memref<80x144xf32, #tpu.memory_space<vmem>>, vector<16xf32>,
            %mul3A_423 = arith.mulf %get3A_422, %exp3A_409 : vector<16xf32>
            %swap3A_424 = arith.index_cast %add3A_397 : i32 to index
            %swap3A_425 = arith.constant 32 : index
            %swap3A_426 = tpu.vector_load %arg17[%swap3A_424, %swap3A_425] {strides = array<i32>} : memref<80x144xf32, #tpu.memory_space<vmem>>, vector<16xf32>,
            tpu.vector_store %arg17[%swap3A_424, %swap3A_425], %mul3A_423 {strides = array<i32>} : memref<80x144xf32, #tpu.memory_space<vmem>>, vector<16xf32>,
            %get3A_427 = arith.index_cast %add3A_397 : i32 to index
            %get3A_428 = arith.constant 48 : index
            %get3A_429 = tpu.vector_load %arg17[%get3A_427, %get3A_428] {strides = array<i32>} : memref<80x144xf32, #tpu.memory_space<vmem>>, vector<16xf32>,
            %mul3A_430 = arith.mulf %get3A_429, %exp3A_409 : vector<16xf32>
            %swap3A_431 = arith.index_cast %add3A_397 : i32 to index
            %swap3A_432 = arith.constant 48 : index
            %swap3A_433 = tpu.vector_load %arg17[%swap3A_431, %swap3A_432] {strides = array<i32>} : memref<80x144xf32, #tpu.memory_space<vmem>>, vector<16xf32>,
            tpu.vector_store %arg17[%swap3A_431, %swap3A_432], %mul3A_430 {strides = array<i32>} : memref<80x144xf32, #tpu.memory_space<vmem>>, vector<16xf32>,
            %get3A_434 = arith.index_cast %add3A_397 : i32 to index
            %get3A_435 = arith.constant 64 : index
            %get3A_436 = tpu.vector_load %arg17[%get3A_434, %get3A_435] {strides = array<i32>} : memref<80x144xf32, #tpu.memory_space<vmem>>, vector<16xf32>,
            %mul3A_437 = arith.mulf %get3A_436, %exp3A_409 : vector<16xf32>
            %swap3A_438 = arith.index_cast %add3A_397 : i32 to index
            %swap3A_439 = arith.constant 64 : index
            %swap3A_440 = tpu.vector_load %arg17[%swap3A_438, %swap3A_439] {strides = array<i32>} : memref<80x144xf32, #tpu.memory_space<vmem>>, vector<16xf32>,
            tpu.vector_store %arg17[%swap3A_438, %swap3A_439], %mul3A_437 {strides = array<i32>} : memref<80x144xf32, #tpu.memory_space<vmem>>, vector<16xf32>,
            %get3A_441 = arith.index_cast %add3A_397 : i32 to index
            %get3A_442 = arith.constant 80 : index
            %get3A_443 = tpu.vector_load %arg17[%get3A_441, %get3A_442] {strides = array<i32>} : memref<80x144xf32, #tpu.memory_space<vmem>>, vector<16xf32>,
            %mul3A_444 = arith.mulf %get3A_443, %exp3A_409 : vector<16xf32>
            %swap3A_445 = arith.index_cast %add3A_397 : i32 to index
            %swap3A_446 = arith.constant 80 : index
            %swap3A_447 = tpu.vector_load %arg17[%swap3A_445, %swap3A_446] {strides = array<i32>} : memref<80x144xf32, #tpu.memory_space<vmem>>, vector<16xf32>,
            tpu.vector_store %arg17[%swap3A_445, %swap3A_446], %mul3A_444 {strides = array<i32>} : memref<80x144xf32, #tpu.memory_space<vmem>>, vector<16xf32>,
            %get3A_448 = arith.index_cast %add3A_397 : i32 to index
            %get3A_449 = arith.constant 96 : index
            %get3A_450 = tpu.vector_load %arg17[%get3A_448, %get3A_449] {strides = array<i32>} : memref<80x144xf32, #tpu.memory_space<vmem>>, vector<16xf32>,
            %mul3A_451 = arith.mulf %get3A_450, %exp3A_409 : vector<16xf32>
            %swap3A_452 = arith.index_cast %add3A_397 : i32 to index
            %swap3A_453 = arith.constant 96 : index
            %swap3A_454 = tpu.vector_load %arg17[%swap3A_452, %swap3A_453] {strides = array<i32>} : memref<80x144xf32, #tpu.memory_space<vmem>>, vector<16xf32>,
            tpu.vector_store %arg17[%swap3A_452, %swap3A_453], %mul3A_451 {strides = array<i32>} : memref<80x144xf32, #tpu.memory_space<vmem>>, vector<16xf32>,
            %get3A_455 = arith.index_cast %add3A_397 : i32 to index
            %get3A_456 = arith.constant 112 : index
            %get3A_457 = tpu.vector_load %arg17[%get3A_455, %get3A_456] {strides = array<i32>} : memref<80x144xf32, #tpu.memory_space<vmem>>, vector<16xf32>,
            %mul3A_458 = arith.mulf %get3A_457, %exp3A_409 : vector<16xf32>
            %swap3A_459 = arith.index_cast %add3A_397 : i32 to index
            %swap3A_460 = arith.constant 112 : index
            %swap3A_461 = tpu.vector_load %arg17[%swap3A_459, %swap3A_460] {strides = array<i32>} : memref<80x144xf32, #tpu.memory_space<vmem>>, vector<16xf32>,
            tpu.vector_store %arg17[%swap3A_459, %swap3A_460], %mul3A_458 {strides = array<i32>} : memref<80x144xf32, #tpu.memory_space<vmem>>, vector<16xf32>,
            %get3A_462 = arith.index_cast %add3A_397 : i32 to index
            %get3A_463 = arith.constant 128 : index
            %get3A_464 = tpu.vector_load %arg17[%get3A_462, %get3A_463] {strides = array<i32>} : memref<80x144xf32, #tpu.memory_space<vmem>>, vector<16xf32>,
            %mul3A_465 = arith.mulf %get3A_464, %exp3A_409 : vector<16xf32>
            %swap3A_466 = arith.index_cast %add3A_397 : i32 to index
            %swap3A_467 = arith.constant 128 : index
            %swap3A_468 = tpu.vector_load %arg17[%swap3A_466, %swap3A_467] {strides = array<i32>} : memref<80x144xf32, #tpu.memory_space<vmem>>, vector<16xf32>,
            tpu.vector_store %arg17[%swap3A_466, %swap3A_467], %mul3A_465 {strides = array<i32>} : memref<80x144xf32, #tpu.memory_space<vmem>>, vector<16xf32>,
          }
          %scan3A_148 = arith.constant 20 : i32
          %get3A = arith.constant 0 : index
          %get3A_149 = tpu.vector_load %arg14[%get3A] {strides = array<i32>} : memref<80xi32, #tpu.memory_space<vmem>>, vector<16xi32>,
          %swap3A = arith.constant 0 : index
          %swap3A_150 = tpu.vector_load %arg15[%swap3A] {strides = array<i32>} : memref<80xi32, #tpu.memory_space<vmem>>, vector<16xi32>,
          tpu.vector_store %arg15[%swap3A], %get3A_149 {strides = array<i32>} : memref<80xi32, #tpu.memory_space<vmem>>, vector<16xi32>,
          %get3A_151 = arith.constant 16 : index
          %get3A_152 = tpu.vector_load %arg14[%get3A_151] {strides = array<i32>} : memref<80xi32, #tpu.memory_space<vmem>>, vector<16xi32>,
          %swap3A_153 = arith.constant 16 : index
          %swap3A_154 = tpu.vector_load %arg15[%swap3A_153] {strides = array<i32>} : memref<80xi32, #tpu.memory_space<vmem>>, vector<16xi32>,
          tpu.vector_store %arg15[%swap3A_153], %get3A_152 {strides = array<i32>} : memref<80xi32, #tpu.memory_space<vmem>>, vector<16xi32>,
          %get3A_155 = arith.constant 32 : index
          %get3A_156 = tpu.vector_load %arg14[%get3A_155] {strides = array<i32>} : memref<80xi32, #tpu.memory_space<vmem>>, vector<16xi32>,
          %swap3A_157 = arith.constant 32 : index
          %swap3A_158 = tpu.vector_load %arg15[%swap3A_157] {strides = array<i32>} : memref<80xi32, #tpu.memory_space<vmem>>, vector<16xi32>,
          tpu.vector_store %arg15[%swap3A_157], %get3A_156 {strides = array<i32>} : memref<80xi32, #tpu.memory_space<vmem>>, vector<16xi32>,
          %get3A_159 = arith.constant 48 : index
          %get3A_160 = tpu.vector_load %arg14[%get3A_159] {strides = array<i32>} : memref<80xi32, #tpu.memory_space<vmem>>, vector<16xi32>,
          %swap3A_161 = arith.constant 48 : index
          %swap3A_162 = tpu.vector_load %arg15[%swap3A_161] {strides = array<i32>} : memref<80xi32, #tpu.memory_space<vmem>>, vector<16xi32>,
          tpu.vector_store %arg15[%swap3A_161], %get3A_160 {strides = array<i32>} : memref<80xi32, #tpu.memory_space<vmem>>, vector<16xi32>,
          %get3A_163 = arith.constant 64 : index
          %get3A_164 = tpu.vector_load %arg14[%get3A_163] {strides = array<i32>} : memref<80xi32, #tpu.memory_space<vmem>>, vector<16xi32>,
          %swap3A_165 = arith.constant 64 : index
          %swap3A_166 = tpu.vector_load %arg15[%swap3A_165] {strides = array<i32>} : memref<80xi32, #tpu.memory_space<vmem>>, vector<16xi32>,
          tpu.vector_store %arg15[%swap3A_165], %get3A_164 {strides = array<i32>} : memref<80xi32, #tpu.memory_space<vmem>>, vector<16xi32>,
          %dma_start3A_167 = arith.constant 0 : i32
          %dma_start3A_168 = arith.constant 0 : i32
          %dma_start3A_169 = tpu.memref_slice %arg40[%dma_start3A_167, %dma_start3A_168] : memref<10000x144xf32, #tpu.memory_space<vmem_shared>> -> memref<10000x144xf32, #tpu.memory_space<vmem_shared>>
          tpu.enqueue_indirect_dma source(%arg17 : memref<80x144xf32, #tpu.memory_space<vmem>>) target(%dma_start3A_169 : memref<10000x144xf32, #tpu.memory_space<vmem_shared>>) offsets(%arg15 : memref<80xi32, #tpu.memory_space<vmem>>) semaphore(%arg31 : memref<!tpu.dma_semaphore, #tpu.memory_space<semaphore_mem>>) {add = true}
        } else {
        }
        %jit3A_77 = arith.constant 3 : i32
        %eq3A_78 = arith.constant 0 : i32
        %eq3A_79 = arith.cmpi eq, %jit3A_77, %eq3A_78 : i32
        %jit3A_80 = arith.constant 1 : i32
        %select_n3A_81 = arith.select %eq3A_79, %jit3A_80, %jit3A_77 : i32
        %rem3A_82 = arith.remsi %scan3A_61, %select_n3A_81 : i32
        %ne3A_83 = arith.constant 0 : i32
        %ne3A_84 = arith.cmpi ne, %rem3A_82, %ne3A_83 : i32
        %lt3A_85 = arith.constant 0 : i32
        %lt3A_86 = arith.cmpi slt, %rem3A_82, %lt3A_85 : i32
        %lt3A_87 = arith.constant 0 : i32
        %lt3A_88 = arith.cmpi slt, %select_n3A_81, %lt3A_87 : i32
        %ne3A_89 = arith.xori %lt3A_86, %lt3A_88 : i1
        %and3A_90 = arith.andi %ne3A_89, %ne3A_84 : i1
        %add3A_91 = arith.addi %rem3A_82, %select_n3A_81 : i32
        %select_n3A_92 = arith.select %and3A_90, %add3A_91, %rem3A_82 : i32
        %eq3A_93 = arith.constant 1 : i32
        %eq3A_94 = arith.cmpi eq, %select_n3A_92, %eq3A_93 : i32
        %convert_element_type3A_95 = arith.extui %eq3A_94 : i1 to i32
        %cond3A_96 = arith.constant 0 : i32
        %cond3A_97 = arith.cmpi ne, %convert_element_type3A_95, %cond3A_96 : i32
        scf.if %cond3A_97 {
          %ge3A = arith.constant 2 : i32
          %ge3A_119 = arith.cmpi sge, %scan3A_61, %ge3A : i32
          %convert_element_type3A_120 = arith.extui %ge3A_119 : i1 to i32
          %cond3A_121 = arith.constant 0 : i32
          %cond3A_122 = arith.cmpi ne, %convert_element_type3A_120, %cond3A_121 : i32
          scf.if %cond3A_122 {
            %dma_wait3A_170 = arith.constant 0 : i32
            %dma_wait3A_171 = arith.constant 0 : i32
            %dma_wait3A_172 = tpu.memref_slice %arg40[%dma_wait3A_170, %dma_wait3A_171] : memref<10000x144xf32, #tpu.memory_space<vmem_shared>> -> memref<10000x144xf32, #tpu.memory_space<vmem_shared>>
            tpu.wait_indirect_dma semaphore(%arg39 : memref<!tpu.dma_semaphore, #tpu.memory_space<semaphore_mem>>) src(%arg27 : memref<80x144xf32, #tpu.memory_space<vmem>>) dst(%dma_wait3A_172 : memref<10000x144xf32, #tpu.memory_space<vmem_shared>>)
          } else {
          }
          %add3A_123 = arith.constant 1 : i32
          %add3A_124 = arith.addi %scan3A_61, %add3A_123 : i32
          %lt3A_125 = arith.constant 250 : i32
          %lt3A_126 = arith.cmpi slt, %add3A_124, %lt3A_125 : i32
          %convert_element_type3A_127 = arith.extui %lt3A_126 : i1 to i32
          %cond3A_128 = arith.constant 0 : i32
          %cond3A_129 = arith.cmpi ne, %convert_element_type3A_127, %cond3A_128 : i32
          scf.if %cond3A_129 {
            %add3A_170 = arith.constant 1 : i32
            %add3A_171 = arith.addi %scan3A_61, %add3A_170 : i32
            %mul3A_172 = arith.constant 20000 : i32
            %mul3A_173 = arith.muli %arg1, %mul3A_172 : i32
            %mul3A_174 = arith.constant 80 : i32
            %mul3A_175 = arith.muli %add3A_171, %mul3A_174 : i32
            %add3A_176 = arith.addi %mul3A_173, %mul3A_175 : i32
            %dma_wait3A_177 = tpu.memref_slice %arg4[%add3A_176] : memref<320000xi32, #tpu.memory_space<hbm>> -> memref<80xi32, #tpu.memory_space<hbm>>
            %dma_wait3A_178 = tpu.memref_slice %arg4[%add3A_176] : memref<320000xi32, #tpu.memory_space<hbm>> -> memref<80xi32, #tpu.memory_space<hbm>>
            tpu.wait_dma2 semaphore(%arg36 : memref<!tpu.dma_semaphore, #tpu.memory_space<semaphore_mem>>) src(%dma_wait3A_178 : memref<80xi32, #tpu.memory_space<hbm>>) dst(%arg23 : memref<80xi32, #tpu.memory_space<vmem>>)
            %dma_wait3A_179 = tpu.memref_slice %arg5[%add3A_176] : memref<320000xi32, #tpu.memory_space<hbm>> -> memref<80xi32, #tpu.memory_space<hbm>>
            %dma_wait3A_180 = tpu.memref_slice %arg5[%add3A_176] : memref<320000xi32, #tpu.memory_space<hbm>> -> memref<80xi32, #tpu.memory_space<hbm>>
            tpu.wait_dma2 semaphore(%arg36 : memref<!tpu.dma_semaphore, #tpu.memory_space<semaphore_mem>>) src(%dma_wait3A_180 : memref<80xi32, #tpu.memory_space<hbm>>) dst(%arg24 : memref<80xi32, #tpu.memory_space<vmem>>)
            %dma_start3A_181 = arith.constant 0 : i32
            %dma_start3A_182 = arith.constant 0 : i32
            %dma_start3A_183 = tpu.memref_slice %arg9[%dma_start3A_181, %dma_start3A_182] : memref<10000x16xf32, #tpu.memory_space<hbm>> -> memref<10000x16xf32, #tpu.memory_space<hbm>>
            tpu.enqueue_indirect_dma source(%dma_start3A_183 : memref<10000x16xf32, #tpu.memory_space<hbm>>) target(%arg26 : memref<80x16xf32, #tpu.memory_space<vmem>>) offsets(%arg24 : memref<80xi32, #tpu.memory_space<vmem>>) semaphore(%arg37 : memref<!tpu.dma_semaphore, #tpu.memory_space<semaphore_mem>>)
            %dma_start3A_184 = arith.constant 0 : i32
            %dma_start3A_185 = arith.constant 0 : i32
            %dma_start3A_186 = tpu.memref_slice %arg8[%dma_start3A_184, %dma_start3A_185] : memref<10000x144xf32, #tpu.memory_space<hbm>> -> memref<10000x144xf32, #tpu.memory_space<hbm>>
            tpu.enqueue_indirect_dma source(%dma_start3A_186 : memref<10000x144xf32, #tpu.memory_space<hbm>>) target(%arg27 : memref<80x144xf32, #tpu.memory_space<vmem>>) offsets(%arg23 : memref<80xi32, #tpu.memory_space<vmem>>) semaphore(%arg38 : memref<!tpu.dma_semaphore, #tpu.memory_space<semaphore_mem>>)
          } else {
          }
          %add3A_130 = arith.constant 2 : i32
          %add3A_131 = arith.addi %scan3A_61, %add3A_130 : i32
          %lt3A_132 = arith.constant 250 : i32
          %lt3A_133 = arith.cmpi slt, %add3A_131, %lt3A_132 : i32
          %convert_element_type3A_134 = arith.extui %lt3A_133 : i1 to i32
          %cond3A_135 = arith.constant 0 : i32
          %cond3A_136 = arith.cmpi ne, %convert_element_type3A_134, %cond3A_135 : i32
          scf.if %cond3A_136 {
            %add3A_170 = arith.constant 2 : i32
            %add3A_171 = arith.addi %scan3A_61, %add3A_170 : i32
            %mul3A_172 = arith.constant 20000 : i32
            %mul3A_173 = arith.muli %arg1, %mul3A_172 : i32
            %mul3A_174 = arith.constant 80 : i32
            %mul3A_175 = arith.muli %add3A_171, %mul3A_174 : i32
            %add3A_176 = arith.addi %mul3A_173, %mul3A_175 : i32
            %dma_start3A_177 = tpu.memref_slice %arg4[%add3A_176] : memref<320000xi32, #tpu.memory_space<hbm>> -> memref<80xi32, #tpu.memory_space<hbm>>
            %dma_start3A_178 = tpu.memref_slice %arg4[%add3A_176] : memref<320000xi32, #tpu.memory_space<hbm>> -> memref<80xi32, #tpu.memory_space<hbm>>
            tpu.enqueue_dma source(%dma_start3A_178 : memref<80xi32, #tpu.memory_space<hbm>>) target(%arg13 : memref<80xi32, #tpu.memory_space<vmem>>) target_semaphore(%arg28 : memref<!tpu.dma_semaphore, #tpu.memory_space<semaphore_mem>>)
            %dma_start3A_179 = tpu.memref_slice %arg5[%add3A_176] : memref<320000xi32, #tpu.memory_space<hbm>> -> memref<80xi32, #tpu.memory_space<hbm>>
            %dma_start3A_180 = tpu.memref_slice %arg5[%add3A_176] : memref<320000xi32, #tpu.memory_space<hbm>> -> memref<80xi32, #tpu.memory_space<hbm>>
            tpu.enqueue_dma source(%dma_start3A_180 : memref<80xi32, #tpu.memory_space<hbm>>) target(%arg14 : memref<80xi32, #tpu.memory_space<vmem>>) target_semaphore(%arg28 : memref<!tpu.dma_semaphore, #tpu.memory_space<semaphore_mem>>)
          } else {
          }
          %dma_wait3A_137 = arith.constant 0 : i32
          %dma_wait3A_138 = arith.constant 0 : i32
          %dma_wait3A_139 = tpu.memref_slice %arg9[%dma_wait3A_137, %dma_wait3A_138] : memref<10000x16xf32, #tpu.memory_space<hbm>> -> memref<10000x16xf32, #tpu.memory_space<hbm>>
          tpu.wait_indirect_dma semaphore(%arg33 : memref<!tpu.dma_semaphore, #tpu.memory_space<semaphore_mem>>) src(%dma_wait3A_139 : memref<10000x16xf32, #tpu.memory_space<hbm>>) dst(%arg21 : memref<80x16xf32, #tpu.memory_space<vmem>>)
          %dma_wait3A_140 = arith.constant 0 : i32
          %dma_wait3A_141 = arith.constant 0 : i32
          %dma_wait3A_142 = tpu.memref_slice %arg8[%dma_wait3A_140, %dma_wait3A_141] : memref<10000x144xf32, #tpu.memory_space<hbm>> -> memref<10000x144xf32, #tpu.memory_space<hbm>>
          tpu.wait_indirect_dma semaphore(%arg34 : memref<!tpu.dma_semaphore, #tpu.memory_space<semaphore_mem>>) src(%dma_wait3A_142 : memref<10000x144xf32, #tpu.memory_space<hbm>>) dst(%arg22 : memref<80x144xf32, #tpu.memory_space<vmem>>)
          %scan3A_143 = arith.constant 0 : i32
          %scan3A_144 = arith.constant 0 : i32
          %scan3A_145 = arith.constant 20 : i32
          %scan3A_146 = arith.addi %scan3A_144, %scan3A_145 : i32
          %scan3A_147 = arith.constant 1 : i32
          scf.for %scan3A_170 = %scan3A_144 to %scan3A_146 step %scan3A_147  : i32 {
            %mul3A_171 = arith.constant 4 : i32
            %mul3A_172 = arith.muli %scan3A_170, %mul3A_171 : i32
            %add3A_173 = arith.constant 0 : i32
            %add3A_174 = arith.addi %mul3A_172, %add3A_173 : i32
            %get3A_175 = arith.index_cast %add3A_174 : i32 to index
            %get3A_176 = arith.constant 0 : index
            %get3A_177 = tpu.vector_load %arg22[%get3A_175, %get3A_176] {strides = array<i32>} : memref<80x144xf32, #tpu.memory_space<vmem>>, vector<16xf32>,
            %get3A_178 = arith.index_cast %add3A_174 : i32 to index
            %get3A_179 = arith.constant 0 : index
            %get3A_180 = tpu.vector_load %arg21[%get3A_178, %get3A_179] {strides = array<i32>} : memref<80x16xf32, #tpu.memory_space<vmem>>, vector<16xf32>,
            %add3A_181 = arith.addf %get3A_177, %get3A_180 : vector<16xf32>
            %mul3A_182 = arith.constant 2.000000e-01 : f32
            %mul3A_183 = vector.broadcast %mul3A_182 : f32 to vector<16xf32>
            %mul3A_184 = arith.mulf %mul3A_183, %add3A_181 : vector<16xf32>
            %max3A = arith.maximumf %add3A_181, %mul3A_184 : vector<16xf32>
            %exp3A = math.exp %max3A : vector<16xf32>
            %swap3A_185 = arith.index_cast %add3A_174 : i32 to index
            %swap3A_186 = arith.constant 0 : index
            %swap3A_187 = tpu.vector_load %arg22[%swap3A_185, %swap3A_186] {strides = array<i32>} : memref<80x144xf32, #tpu.memory_space<vmem>>, vector<16xf32>,
            tpu.vector_store %arg22[%swap3A_185, %swap3A_186], %exp3A {strides = array<i32>} : memref<80x144xf32, #tpu.memory_space<vmem>>, vector<16xf32>,
            %get3A_188 = arith.index_cast %add3A_174 : i32 to index
            %get3A_189 = arith.constant 16 : index
            %get3A_190 = tpu.vector_load %arg22[%get3A_188, %get3A_189] {strides = array<i32>} : memref<80x144xf32, #tpu.memory_space<vmem>>, vector<16xf32>,
            %mul3A_191 = arith.mulf %get3A_190, %exp3A : vector<16xf32>
            %swap3A_192 = arith.index_cast %add3A_174 : i32 to index
            %swap3A_193 = arith.constant 16 : index
            %swap3A_194 = tpu.vector_load %arg22[%swap3A_192, %swap3A_193] {strides = array<i32>} : memref<80x144xf32, #tpu.memory_space<vmem>>, vector<16xf32>,
            tpu.vector_store %arg22[%swap3A_192, %swap3A_193], %mul3A_191 {strides = array<i32>} : memref<80x144xf32, #tpu.memory_space<vmem>>, vector<16xf32>,
            %get3A_195 = arith.index_cast %add3A_174 : i32 to index
            %get3A_196 = arith.constant 32 : index
            %get3A_197 = tpu.vector_load %arg22[%get3A_195, %get3A_196] {strides = array<i32>} : memref<80x144xf32, #tpu.memory_space<vmem>>, vector<16xf32>,
            %mul3A_198 = arith.mulf %get3A_197, %exp3A : vector<16xf32>
            %swap3A_199 = arith.index_cast %add3A_174 : i32 to index
            %swap3A_200 = arith.constant 32 : index
            %swap3A_201 = tpu.vector_load %arg22[%swap3A_199, %swap3A_200] {strides = array<i32>} : memref<80x144xf32, #tpu.memory_space<vmem>>, vector<16xf32>,
            tpu.vector_store %arg22[%swap3A_199, %swap3A_200], %mul3A_198 {strides = array<i32>} : memref<80x144xf32, #tpu.memory_space<vmem>>, vector<16xf32>,
            %get3A_202 = arith.index_cast %add3A_174 : i32 to index
            %get3A_203 = arith.constant 48 : index
            %get3A_204 = tpu.vector_load %arg22[%get3A_202, %get3A_203] {strides = array<i32>} : memref<80x144xf32, #tpu.memory_space<vmem>>, vector<16xf32>,
            %mul3A_205 = arith.mulf %get3A_204, %exp3A : vector<16xf32>
            %swap3A_206 = arith.index_cast %add3A_174 : i32 to index
            %swap3A_207 = arith.constant 48 : index
            %swap3A_208 = tpu.vector_load %arg22[%swap3A_206, %swap3A_207] {strides = array<i32>} : memref<80x144xf32, #tpu.memory_space<vmem>>, vector<16xf32>,
            tpu.vector_store %arg22[%swap3A_206, %swap3A_207], %mul3A_205 {strides = array<i32>} : memref<80x144xf32, #tpu.memory_space<vmem>>, vector<16xf32>,
            %get3A_209 = arith.index_cast %add3A_174 : i32 to index
            %get3A_210 = arith.constant 64 : index
            %get3A_211 = tpu.vector_load %arg22[%get3A_209, %get3A_210] {strides = array<i32>} : memref<80x144xf32, #tpu.memory_space<vmem>>, vector<16xf32>,
            %mul3A_212 = arith.mulf %get3A_211, %exp3A : vector<16xf32>
            %swap3A_213 = arith.index_cast %add3A_174 : i32 to index
            %swap3A_214 = arith.constant 64 : index
            %swap3A_215 = tpu.vector_load %arg22[%swap3A_213, %swap3A_214] {strides = array<i32>} : memref<80x144xf32, #tpu.memory_space<vmem>>, vector<16xf32>,
            tpu.vector_store %arg22[%swap3A_213, %swap3A_214], %mul3A_212 {strides = array<i32>} : memref<80x144xf32, #tpu.memory_space<vmem>>, vector<16xf32>,
            %get3A_216 = arith.index_cast %add3A_174 : i32 to index
            %get3A_217 = arith.constant 80 : index
            %get3A_218 = tpu.vector_load %arg22[%get3A_216, %get3A_217] {strides = array<i32>} : memref<80x144xf32, #tpu.memory_space<vmem>>, vector<16xf32>,
            %mul3A_219 = arith.mulf %get3A_218, %exp3A : vector<16xf32>
            %swap3A_220 = arith.index_cast %add3A_174 : i32 to index
            %swap3A_221 = arith.constant 80 : index
            %swap3A_222 = tpu.vector_load %arg22[%swap3A_220, %swap3A_221] {strides = array<i32>} : memref<80x144xf32, #tpu.memory_space<vmem>>, vector<16xf32>,
            tpu.vector_store %arg22[%swap3A_220, %swap3A_221], %mul3A_219 {strides = array<i32>} : memref<80x144xf32, #tpu.memory_space<vmem>>, vector<16xf32>,
            %get3A_223 = arith.index_cast %add3A_174 : i32 to index
            %get3A_224 = arith.constant 96 : index
            %get3A_225 = tpu.vector_load %arg22[%get3A_223, %get3A_224] {strides = array<i32>} : memref<80x144xf32, #tpu.memory_space<vmem>>, vector<16xf32>,
            %mul3A_226 = arith.mulf %get3A_225, %exp3A : vector<16xf32>
            %swap3A_227 = arith.index_cast %add3A_174 : i32 to index
            %swap3A_228 = arith.constant 96 : index
            %swap3A_229 = tpu.vector_load %arg22[%swap3A_227, %swap3A_228] {strides = array<i32>} : memref<80x144xf32, #tpu.memory_space<vmem>>, vector<16xf32>,
            tpu.vector_store %arg22[%swap3A_227, %swap3A_228], %mul3A_226 {strides = array<i32>} : memref<80x144xf32, #tpu.memory_space<vmem>>, vector<16xf32>,
            %get3A_230 = arith.index_cast %add3A_174 : i32 to index
            %get3A_231 = arith.constant 112 : index
            %get3A_232 = tpu.vector_load %arg22[%get3A_230, %get3A_231] {strides = array<i32>} : memref<80x144xf32, #tpu.memory_space<vmem>>, vector<16xf32>,
            %mul3A_233 = arith.mulf %get3A_232, %exp3A : vector<16xf32>
            %swap3A_234 = arith.index_cast %add3A_174 : i32 to index
            %swap3A_235 = arith.constant 112 : index
            %swap3A_236 = tpu.vector_load %arg22[%swap3A_234, %swap3A_235] {strides = array<i32>} : memref<80x144xf32, #tpu.memory_space<vmem>>, vector<16xf32>,
            tpu.vector_store %arg22[%swap3A_234, %swap3A_235], %mul3A_233 {strides = array<i32>} : memref<80x144xf32, #tpu.memory_space<vmem>>, vector<16xf32>,
            %get3A_237 = arith.index_cast %add3A_174 : i32 to index
            %get3A_238 = arith.constant 128 : index
            %get3A_239 = tpu.vector_load %arg22[%get3A_237, %get3A_238] {strides = array<i32>} : memref<80x144xf32, #tpu.memory_space<vmem>>, vector<16xf32>,
            %mul3A_240 = arith.mulf %get3A_239, %exp3A : vector<16xf32>
            %swap3A_241 = arith.index_cast %add3A_174 : i32 to index
            %swap3A_242 = arith.constant 128 : index
            %swap3A_243 = tpu.vector_load %arg22[%swap3A_241, %swap3A_242] {strides = array<i32>} : memref<80x144xf32, #tpu.memory_space<vmem>>, vector<16xf32>,
            tpu.vector_store %arg22[%swap3A_241, %swap3A_242], %mul3A_240 {strides = array<i32>} : memref<80x144xf32, #tpu.memory_space<vmem>>, vector<16xf32>,
            %mul3A_244 = arith.constant 4 : i32
            %mul3A_245 = arith.muli %scan3A_170, %mul3A_244 : i32
            %add3A_246 = arith.constant 1 : i32
            %add3A_247 = arith.addi %mul3A_245, %add3A_246 : i32
            %get3A_248 = arith.index_cast %add3A_247 : i32 to index
            %get3A_249 = arith.constant 0 : index
            %get3A_250 = tpu.vector_load %arg22[%get3A_248, %get3A_249] {strides = array<i32>} : memref<80x144xf32, #tpu.memory_space<vmem>>, vector<16xf32>,
            %get3A_251 = arith.index_cast %add3A_247 : i32 to index
            %get3A_252 = arith.constant 0 : index
            %get3A_253 = tpu.vector_load %arg21[%get3A_251, %get3A_252] {strides = array<i32>} : memref<80x16xf32, #tpu.memory_space<vmem>>, vector<16xf32>,
            %add3A_254 = arith.addf %get3A_250, %get3A_253 : vector<16xf32>
            %mul3A_255 = arith.constant 2.000000e-01 : f32
            %mul3A_256 = vector.broadcast %mul3A_255 : f32 to vector<16xf32>
            %mul3A_257 = arith.mulf %mul3A_256, %add3A_254 : vector<16xf32>
            %max3A_258 = arith.maximumf %add3A_254, %mul3A_257 : vector<16xf32>
            %exp3A_259 = math.exp %max3A_258 : vector<16xf32>
            %swap3A_260 = arith.index_cast %add3A_247 : i32 to index
            %swap3A_261 = arith.constant 0 : index
            %swap3A_262 = tpu.vector_load %arg22[%swap3A_260, %swap3A_261] {strides = array<i32>} : memref<80x144xf32, #tpu.memory_space<vmem>>, vector<16xf32>,
            tpu.vector_store %arg22[%swap3A_260, %swap3A_261], %exp3A_259 {strides = array<i32>} : memref<80x144xf32, #tpu.memory_space<vmem>>, vector<16xf32>,
            %get3A_263 = arith.index_cast %add3A_247 : i32 to index
            %get3A_264 = arith.constant 16 : index
            %get3A_265 = tpu.vector_load %arg22[%get3A_263, %get3A_264] {strides = array<i32>} : memref<80x144xf32, #tpu.memory_space<vmem>>, vector<16xf32>,
            %mul3A_266 = arith.mulf %get3A_265, %exp3A_259 : vector<16xf32>
            %swap3A_267 = arith.index_cast %add3A_247 : i32 to index
            %swap3A_268 = arith.constant 16 : index
            %swap3A_269 = tpu.vector_load %arg22[%swap3A_267, %swap3A_268] {strides = array<i32>} : memref<80x144xf32, #tpu.memory_space<vmem>>, vector<16xf32>,
            tpu.vector_store %arg22[%swap3A_267, %swap3A_268], %mul3A_266 {strides = array<i32>} : memref<80x144xf32, #tpu.memory_space<vmem>>, vector<16xf32>,
            %get3A_270 = arith.index_cast %add3A_247 : i32 to index
            %get3A_271 = arith.constant 32 : index
            %get3A_272 = tpu.vector_load %arg22[%get3A_270, %get3A_271] {strides = array<i32>} : memref<80x144xf32, #tpu.memory_space<vmem>>, vector<16xf32>,
            %mul3A_273 = arith.mulf %get3A_272, %exp3A_259 : vector<16xf32>
            %swap3A_274 = arith.index_cast %add3A_247 : i32 to index
            %swap3A_275 = arith.constant 32 : index
            %swap3A_276 = tpu.vector_load %arg22[%swap3A_274, %swap3A_275] {strides = array<i32>} : memref<80x144xf32, #tpu.memory_space<vmem>>, vector<16xf32>,
            tpu.vector_store %arg22[%swap3A_274, %swap3A_275], %mul3A_273 {strides = array<i32>} : memref<80x144xf32, #tpu.memory_space<vmem>>, vector<16xf32>,
            %get3A_277 = arith.index_cast %add3A_247 : i32 to index
            %get3A_278 = arith.constant 48 : index
            %get3A_279 = tpu.vector_load %arg22[%get3A_277, %get3A_278] {strides = array<i32>} : memref<80x144xf32, #tpu.memory_space<vmem>>, vector<16xf32>,
            %mul3A_280 = arith.mulf %get3A_279, %exp3A_259 : vector<16xf32>
            %swap3A_281 = arith.index_cast %add3A_247 : i32 to index
            %swap3A_282 = arith.constant 48 : index
            %swap3A_283 = tpu.vector_load %arg22[%swap3A_281, %swap3A_282] {strides = array<i32>} : memref<80x144xf32, #tpu.memory_space<vmem>>, vector<16xf32>,
            tpu.vector_store %arg22[%swap3A_281, %swap3A_282], %mul3A_280 {strides = array<i32>} : memref<80x144xf32, #tpu.memory_space<vmem>>, vector<16xf32>,
            %get3A_284 = arith.index_cast %add3A_247 : i32 to index
            %get3A_285 = arith.constant 64 : index
            %get3A_286 = tpu.vector_load %arg22[%get3A_284, %get3A_285] {strides = array<i32>} : memref<80x144xf32, #tpu.memory_space<vmem>>, vector<16xf32>,
            %mul3A_287 = arith.mulf %get3A_286, %exp3A_259 : vector<16xf32>
            %swap3A_288 = arith.index_cast %add3A_247 : i32 to index
            %swap3A_289 = arith.constant 64 : index
            %swap3A_290 = tpu.vector_load %arg22[%swap3A_288, %swap3A_289] {strides = array<i32>} : memref<80x144xf32, #tpu.memory_space<vmem>>, vector<16xf32>,
            tpu.vector_store %arg22[%swap3A_288, %swap3A_289], %mul3A_287 {strides = array<i32>} : memref<80x144xf32, #tpu.memory_space<vmem>>, vector<16xf32>,
            %get3A_291 = arith.index_cast %add3A_247 : i32 to index
            %get3A_292 = arith.constant 80 : index
            %get3A_293 = tpu.vector_load %arg22[%get3A_291, %get3A_292] {strides = array<i32>} : memref<80x144xf32, #tpu.memory_space<vmem>>, vector<16xf32>,
            %mul3A_294 = arith.mulf %get3A_293, %exp3A_259 : vector<16xf32>
            %swap3A_295 = arith.index_cast %add3A_247 : i32 to index
            %swap3A_296 = arith.constant 80 : index
            %swap3A_297 = tpu.vector_load %arg22[%swap3A_295, %swap3A_296] {strides = array<i32>} : memref<80x144xf32, #tpu.memory_space<vmem>>, vector<16xf32>,
            tpu.vector_store %arg22[%swap3A_295, %swap3A_296], %mul3A_294 {strides = array<i32>} : memref<80x144xf32, #tpu.memory_space<vmem>>, vector<16xf32>,
            %get3A_298 = arith.index_cast %add3A_247 : i32 to index
            %get3A_299 = arith.constant 96 : index
            %get3A_300 = tpu.vector_load %arg22[%get3A_298, %get3A_299] {strides = array<i32>} : memref<80x144xf32, #tpu.memory_space<vmem>>, vector<16xf32>,
            %mul3A_301 = arith.mulf %get3A_300, %exp3A_259 : vector<16xf32>
            %swap3A_302 = arith.index_cast %add3A_247 : i32 to index
            %swap3A_303 = arith.constant 96 : index
            %swap3A_304 = tpu.vector_load %arg22[%swap3A_302, %swap3A_303] {strides = array<i32>} : memref<80x144xf32, #tpu.memory_space<vmem>>, vector<16xf32>,
            tpu.vector_store %arg22[%swap3A_302, %swap3A_303], %mul3A_301 {strides = array<i32>} : memref<80x144xf32, #tpu.memory_space<vmem>>, vector<16xf32>,
            %get3A_305 = arith.index_cast %add3A_247 : i32 to index
            %get3A_306 = arith.constant 112 : index
            %get3A_307 = tpu.vector_load %arg22[%get3A_305, %get3A_306] {strides = array<i32>} : memref<80x144xf32, #tpu.memory_space<vmem>>, vector<16xf32>,
            %mul3A_308 = arith.mulf %get3A_307, %exp3A_259 : vector<16xf32>
            %swap3A_309 = arith.index_cast %add3A_247 : i32 to index
            %swap3A_310 = arith.constant 112 : index
            %swap3A_311 = tpu.vector_load %arg22[%swap3A_309, %swap3A_310] {strides = array<i32>} : memref<80x144xf32, #tpu.memory_space<vmem>>, vector<16xf32>,
            tpu.vector_store %arg22[%swap3A_309, %swap3A_310], %mul3A_308 {strides = array<i32>} : memref<80x144xf32, #tpu.memory_space<vmem>>, vector<16xf32>,
            %get3A_312 = arith.index_cast %add3A_247 : i32 to index
            %get3A_313 = arith.constant 128 : index
            %get3A_314 = tpu.vector_load %arg22[%get3A_312, %get3A_313] {strides = array<i32>} : memref<80x144xf32, #tpu.memory_space<vmem>>, vector<16xf32>,
            %mul3A_315 = arith.mulf %get3A_314, %exp3A_259 : vector<16xf32>
            %swap3A_316 = arith.index_cast %add3A_247 : i32 to index
            %swap3A_317 = arith.constant 128 : index
            %swap3A_318 = tpu.vector_load %arg22[%swap3A_316, %swap3A_317] {strides = array<i32>} : memref<80x144xf32, #tpu.memory_space<vmem>>, vector<16xf32>,
            tpu.vector_store %arg22[%swap3A_316, %swap3A_317], %mul3A_315 {strides = array<i32>} : memref<80x144xf32, #tpu.memory_space<vmem>>, vector<16xf32>,
            %mul3A_319 = arith.constant 4 : i32
            %mul3A_320 = arith.muli %scan3A_170, %mul3A_319 : i32
            %add3A_321 = arith.constant 2 : i32
            %add3A_322 = arith.addi %mul3A_320, %add3A_321 : i32
            %get3A_323 = arith.index_cast %add3A_322 : i32 to index
            %get3A_324 = arith.constant 0 : index
            %get3A_325 = tpu.vector_load %arg22[%get3A_323, %get3A_324] {strides = array<i32>} : memref<80x144xf32, #tpu.memory_space<vmem>>, vector<16xf32>,
            %get3A_326 = arith.index_cast %add3A_322 : i32 to index
            %get3A_327 = arith.constant 0 : index
            %get3A_328 = tpu.vector_load %arg21[%get3A_326, %get3A_327] {strides = array<i32>} : memref<80x16xf32, #tpu.memory_space<vmem>>, vector<16xf32>,
            %add3A_329 = arith.addf %get3A_325, %get3A_328 : vector<16xf32>
            %mul3A_330 = arith.constant 2.000000e-01 : f32
            %mul3A_331 = vector.broadcast %mul3A_330 : f32 to vector<16xf32>
            %mul3A_332 = arith.mulf %mul3A_331, %add3A_329 : vector<16xf32>
            %max3A_333 = arith.maximumf %add3A_329, %mul3A_332 : vector<16xf32>
            %exp3A_334 = math.exp %max3A_333 : vector<16xf32>
            %swap3A_335 = arith.index_cast %add3A_322 : i32 to index
            %swap3A_336 = arith.constant 0 : index
            %swap3A_337 = tpu.vector_load %arg22[%swap3A_335, %swap3A_336] {strides = array<i32>} : memref<80x144xf32, #tpu.memory_space<vmem>>, vector<16xf32>,
            tpu.vector_store %arg22[%swap3A_335, %swap3A_336], %exp3A_334 {strides = array<i32>} : memref<80x144xf32, #tpu.memory_space<vmem>>, vector<16xf32>,
            %get3A_338 = arith.index_cast %add3A_322 : i32 to index
            %get3A_339 = arith.constant 16 : index
            %get3A_340 = tpu.vector_load %arg22[%get3A_338, %get3A_339] {strides = array<i32>} : memref<80x144xf32, #tpu.memory_space<vmem>>, vector<16xf32>,
            %mul3A_341 = arith.mulf %get3A_340, %exp3A_334 : vector<16xf32>
            %swap3A_342 = arith.index_cast %add3A_322 : i32 to index
            %swap3A_343 = arith.constant 16 : index
            %swap3A_344 = tpu.vector_load %arg22[%swap3A_342, %swap3A_343] {strides = array<i32>} : memref<80x144xf32, #tpu.memory_space<vmem>>, vector<16xf32>,
            tpu.vector_store %arg22[%swap3A_342, %swap3A_343], %mul3A_341 {strides = array<i32>} : memref<80x144xf32, #tpu.memory_space<vmem>>, vector<16xf32>,
            %get3A_345 = arith.index_cast %add3A_322 : i32 to index
            %get3A_346 = arith.constant 32 : index
            %get3A_347 = tpu.vector_load %arg22[%get3A_345, %get3A_346] {strides = array<i32>} : memref<80x144xf32, #tpu.memory_space<vmem>>, vector<16xf32>,
            %mul3A_348 = arith.mulf %get3A_347, %exp3A_334 : vector<16xf32>
            %swap3A_349 = arith.index_cast %add3A_322 : i32 to index
            %swap3A_350 = arith.constant 32 : index
            %swap3A_351 = tpu.vector_load %arg22[%swap3A_349, %swap3A_350] {strides = array<i32>} : memref<80x144xf32, #tpu.memory_space<vmem>>, vector<16xf32>,
            tpu.vector_store %arg22[%swap3A_349, %swap3A_350], %mul3A_348 {strides = array<i32>} : memref<80x144xf32, #tpu.memory_space<vmem>>, vector<16xf32>,
            %get3A_352 = arith.index_cast %add3A_322 : i32 to index
            %get3A_353 = arith.constant 48 : index
            %get3A_354 = tpu.vector_load %arg22[%get3A_352, %get3A_353] {strides = array<i32>} : memref<80x144xf32, #tpu.memory_space<vmem>>, vector<16xf32>,
            %mul3A_355 = arith.mulf %get3A_354, %exp3A_334 : vector<16xf32>
            %swap3A_356 = arith.index_cast %add3A_322 : i32 to index
            %swap3A_357 = arith.constant 48 : index
            %swap3A_358 = tpu.vector_load %arg22[%swap3A_356, %swap3A_357] {strides = array<i32>} : memref<80x144xf32, #tpu.memory_space<vmem>>, vector<16xf32>,
            tpu.vector_store %arg22[%swap3A_356, %swap3A_357], %mul3A_355 {strides = array<i32>} : memref<80x144xf32, #tpu.memory_space<vmem>>, vector<16xf32>,
            %get3A_359 = arith.index_cast %add3A_322 : i32 to index
            %get3A_360 = arith.constant 64 : index
            %get3A_361 = tpu.vector_load %arg22[%get3A_359, %get3A_360] {strides = array<i32>} : memref<80x144xf32, #tpu.memory_space<vmem>>, vector<16xf32>,
            %mul3A_362 = arith.mulf %get3A_361, %exp3A_334 : vector<16xf32>
            %swap3A_363 = arith.index_cast %add3A_322 : i32 to index
            %swap3A_364 = arith.constant 64 : index
            %swap3A_365 = tpu.vector_load %arg22[%swap3A_363, %swap3A_364] {strides = array<i32>} : memref<80x144xf32, #tpu.memory_space<vmem>>, vector<16xf32>,
            tpu.vector_store %arg22[%swap3A_363, %swap3A_364], %mul3A_362 {strides = array<i32>} : memref<80x144xf32, #tpu.memory_space<vmem>>, vector<16xf32>,
            %get3A_366 = arith.index_cast %add3A_322 : i32 to index
            %get3A_367 = arith.constant 80 : index
            %get3A_368 = tpu.vector_load %arg22[%get3A_366, %get3A_367] {strides = array<i32>} : memref<80x144xf32, #tpu.memory_space<vmem>>, vector<16xf32>,
            %mul3A_369 = arith.mulf %get3A_368, %exp3A_334 : vector<16xf32>
            %swap3A_370 = arith.index_cast %add3A_322 : i32 to index
            %swap3A_371 = arith.constant 80 : index
            %swap3A_372 = tpu.vector_load %arg22[%swap3A_370, %swap3A_371] {strides = array<i32>} : memref<80x144xf32, #tpu.memory_space<vmem>>, vector<16xf32>,
            tpu.vector_store %arg22[%swap3A_370, %swap3A_371], %mul3A_369 {strides = array<i32>} : memref<80x144xf32, #tpu.memory_space<vmem>>, vector<16xf32>,
            %get3A_373 = arith.index_cast %add3A_322 : i32 to index
            %get3A_374 = arith.constant 96 : index
            %get3A_375 = tpu.vector_load %arg22[%get3A_373, %get3A_374] {strides = array<i32>} : memref<80x144xf32, #tpu.memory_space<vmem>>, vector<16xf32>,
            %mul3A_376 = arith.mulf %get3A_375, %exp3A_334 : vector<16xf32>
            %swap3A_377 = arith.index_cast %add3A_322 : i32 to index
            %swap3A_378 = arith.constant 96 : index
            %swap3A_379 = tpu.vector_load %arg22[%swap3A_377, %swap3A_378] {strides = array<i32>} : memref<80x144xf32, #tpu.memory_space<vmem>>, vector<16xf32>,
            tpu.vector_store %arg22[%swap3A_377, %swap3A_378], %mul3A_376 {strides = array<i32>} : memref<80x144xf32, #tpu.memory_space<vmem>>, vector<16xf32>,
            %get3A_380 = arith.index_cast %add3A_322 : i32 to index
            %get3A_381 = arith.constant 112 : index
            %get3A_382 = tpu.vector_load %arg22[%get3A_380, %get3A_381] {strides = array<i32>} : memref<80x144xf32, #tpu.memory_space<vmem>>, vector<16xf32>,
            %mul3A_383 = arith.mulf %get3A_382, %exp3A_334 : vector<16xf32>
            %swap3A_384 = arith.index_cast %add3A_322 : i32 to index
            %swap3A_385 = arith.constant 112 : index
            %swap3A_386 = tpu.vector_load %arg22[%swap3A_384, %swap3A_385] {strides = array<i32>} : memref<80x144xf32, #tpu.memory_space<vmem>>, vector<16xf32>,
            tpu.vector_store %arg22[%swap3A_384, %swap3A_385], %mul3A_383 {strides = array<i32>} : memref<80x144xf32, #tpu.memory_space<vmem>>, vector<16xf32>,
            %get3A_387 = arith.index_cast %add3A_322 : i32 to index
            %get3A_388 = arith.constant 128 : index
            %get3A_389 = tpu.vector_load %arg22[%get3A_387, %get3A_388] {strides = array<i32>} : memref<80x144xf32, #tpu.memory_space<vmem>>, vector<16xf32>,
            %mul3A_390 = arith.mulf %get3A_389, %exp3A_334 : vector<16xf32>
            %swap3A_391 = arith.index_cast %add3A_322 : i32 to index
            %swap3A_392 = arith.constant 128 : index
            %swap3A_393 = tpu.vector_load %arg22[%swap3A_391, %swap3A_392] {strides = array<i32>} : memref<80x144xf32, #tpu.memory_space<vmem>>, vector<16xf32>,
            tpu.vector_store %arg22[%swap3A_391, %swap3A_392], %mul3A_390 {strides = array<i32>} : memref<80x144xf32, #tpu.memory_space<vmem>>, vector<16xf32>,
            %mul3A_394 = arith.constant 4 : i32
            %mul3A_395 = arith.muli %scan3A_170, %mul3A_394 : i32
            %add3A_396 = arith.constant 3 : i32
            %add3A_397 = arith.addi %mul3A_395, %add3A_396 : i32
            %get3A_398 = arith.index_cast %add3A_397 : i32 to index
            %get3A_399 = arith.constant 0 : index
            %get3A_400 = tpu.vector_load %arg22[%get3A_398, %get3A_399] {strides = array<i32>} : memref<80x144xf32, #tpu.memory_space<vmem>>, vector<16xf32>,
            %get3A_401 = arith.index_cast %add3A_397 : i32 to index
            %get3A_402 = arith.constant 0 : index
            %get3A_403 = tpu.vector_load %arg21[%get3A_401, %get3A_402] {strides = array<i32>} : memref<80x16xf32, #tpu.memory_space<vmem>>, vector<16xf32>,
            %add3A_404 = arith.addf %get3A_400, %get3A_403 : vector<16xf32>
            %mul3A_405 = arith.constant 2.000000e-01 : f32
            %mul3A_406 = vector.broadcast %mul3A_405 : f32 to vector<16xf32>
            %mul3A_407 = arith.mulf %mul3A_406, %add3A_404 : vector<16xf32>
            %max3A_408 = arith.maximumf %add3A_404, %mul3A_407 : vector<16xf32>
            %exp3A_409 = math.exp %max3A_408 : vector<16xf32>
            %swap3A_410 = arith.index_cast %add3A_397 : i32 to index
            %swap3A_411 = arith.constant 0 : index
            %swap3A_412 = tpu.vector_load %arg22[%swap3A_410, %swap3A_411] {strides = array<i32>} : memref<80x144xf32, #tpu.memory_space<vmem>>, vector<16xf32>,
            tpu.vector_store %arg22[%swap3A_410, %swap3A_411], %exp3A_409 {strides = array<i32>} : memref<80x144xf32, #tpu.memory_space<vmem>>, vector<16xf32>,
            %get3A_413 = arith.index_cast %add3A_397 : i32 to index
            %get3A_414 = arith.constant 16 : index
            %get3A_415 = tpu.vector_load %arg22[%get3A_413, %get3A_414] {strides = array<i32>} : memref<80x144xf32, #tpu.memory_space<vmem>>, vector<16xf32>,
            %mul3A_416 = arith.mulf %get3A_415, %exp3A_409 : vector<16xf32>
            %swap3A_417 = arith.index_cast %add3A_397 : i32 to index
            %swap3A_418 = arith.constant 16 : index
            %swap3A_419 = tpu.vector_load %arg22[%swap3A_417, %swap3A_418] {strides = array<i32>} : memref<80x144xf32, #tpu.memory_space<vmem>>, vector<16xf32>,
            tpu.vector_store %arg22[%swap3A_417, %swap3A_418], %mul3A_416 {strides = array<i32>} : memref<80x144xf32, #tpu.memory_space<vmem>>, vector<16xf32>,
            %get3A_420 = arith.index_cast %add3A_397 : i32 to index
            %get3A_421 = arith.constant 32 : index
            %get3A_422 = tpu.vector_load %arg22[%get3A_420, %get3A_421] {strides = array<i32>} : memref<80x144xf32, #tpu.memory_space<vmem>>, vector<16xf32>,
            %mul3A_423 = arith.mulf %get3A_422, %exp3A_409 : vector<16xf32>
            %swap3A_424 = arith.index_cast %add3A_397 : i32 to index
            %swap3A_425 = arith.constant 32 : index
            %swap3A_426 = tpu.vector_load %arg22[%swap3A_424, %swap3A_425] {strides = array<i32>} : memref<80x144xf32, #tpu.memory_space<vmem>>, vector<16xf32>,
            tpu.vector_store %arg22[%swap3A_424, %swap3A_425], %mul3A_423 {strides = array<i32>} : memref<80x144xf32, #tpu.memory_space<vmem>>, vector<16xf32>,
            %get3A_427 = arith.index_cast %add3A_397 : i32 to index
            %get3A_428 = arith.constant 48 : index
            %get3A_429 = tpu.vector_load %arg22[%get3A_427, %get3A_428] {strides = array<i32>} : memref<80x144xf32, #tpu.memory_space<vmem>>, vector<16xf32>,
            %mul3A_430 = arith.mulf %get3A_429, %exp3A_409 : vector<16xf32>
            %swap3A_431 = arith.index_cast %add3A_397 : i32 to index
            %swap3A_432 = arith.constant 48 : index
            %swap3A_433 = tpu.vector_load %arg22[%swap3A_431, %swap3A_432] {strides = array<i32>} : memref<80x144xf32, #tpu.memory_space<vmem>>, vector<16xf32>,
            tpu.vector_store %arg22[%swap3A_431, %swap3A_432], %mul3A_430 {strides = array<i32>} : memref<80x144xf32, #tpu.memory_space<vmem>>, vector<16xf32>,
            %get3A_434 = arith.index_cast %add3A_397 : i32 to index
            %get3A_435 = arith.constant 64 : index
            %get3A_436 = tpu.vector_load %arg22[%get3A_434, %get3A_435] {strides = array<i32>} : memref<80x144xf32, #tpu.memory_space<vmem>>, vector<16xf32>,
            %mul3A_437 = arith.mulf %get3A_436, %exp3A_409 : vector<16xf32>
            %swap3A_438 = arith.index_cast %add3A_397 : i32 to index
            %swap3A_439 = arith.constant 64 : index
            %swap3A_440 = tpu.vector_load %arg22[%swap3A_438, %swap3A_439] {strides = array<i32>} : memref<80x144xf32, #tpu.memory_space<vmem>>, vector<16xf32>,
            tpu.vector_store %arg22[%swap3A_438, %swap3A_439], %mul3A_437 {strides = array<i32>} : memref<80x144xf32, #tpu.memory_space<vmem>>, vector<16xf32>,
            %get3A_441 = arith.index_cast %add3A_397 : i32 to index
            %get3A_442 = arith.constant 80 : index
            %get3A_443 = tpu.vector_load %arg22[%get3A_441, %get3A_442] {strides = array<i32>} : memref<80x144xf32, #tpu.memory_space<vmem>>, vector<16xf32>,
            %mul3A_444 = arith.mulf %get3A_443, %exp3A_409 : vector<16xf32>
            %swap3A_445 = arith.index_cast %add3A_397 : i32 to index
            %swap3A_446 = arith.constant 80 : index
            %swap3A_447 = tpu.vector_load %arg22[%swap3A_445, %swap3A_446] {strides = array<i32>} : memref<80x144xf32, #tpu.memory_space<vmem>>, vector<16xf32>,
            tpu.vector_store %arg22[%swap3A_445, %swap3A_446], %mul3A_444 {strides = array<i32>} : memref<80x144xf32, #tpu.memory_space<vmem>>, vector<16xf32>,
            %get3A_448 = arith.index_cast %add3A_397 : i32 to index
            %get3A_449 = arith.constant 96 : index
            %get3A_450 = tpu.vector_load %arg22[%get3A_448, %get3A_449] {strides = array<i32>} : memref<80x144xf32, #tpu.memory_space<vmem>>, vector<16xf32>,
            %mul3A_451 = arith.mulf %get3A_450, %exp3A_409 : vector<16xf32>
            %swap3A_452 = arith.index_cast %add3A_397 : i32 to index
            %swap3A_453 = arith.constant 96 : index
            %swap3A_454 = tpu.vector_load %arg22[%swap3A_452, %swap3A_453] {strides = array<i32>} : memref<80x144xf32, #tpu.memory_space<vmem>>, vector<16xf32>,
            tpu.vector_store %arg22[%swap3A_452, %swap3A_453], %mul3A_451 {strides = array<i32>} : memref<80x144xf32, #tpu.memory_space<vmem>>, vector<16xf32>,
            %get3A_455 = arith.index_cast %add3A_397 : i32 to index
            %get3A_456 = arith.constant 112 : index
            %get3A_457 = tpu.vector_load %arg22[%get3A_455, %get3A_456] {strides = array<i32>} : memref<80x144xf32, #tpu.memory_space<vmem>>, vector<16xf32>,
            %mul3A_458 = arith.mulf %get3A_457, %exp3A_409 : vector<16xf32>
            %swap3A_459 = arith.index_cast %add3A_397 : i32 to index
            %swap3A_460 = arith.constant 112 : index
            %swap3A_461 = tpu.vector_load %arg22[%swap3A_459, %swap3A_460] {strides = array<i32>} : memref<80x144xf32, #tpu.memory_space<vmem>>, vector<16xf32>,
            tpu.vector_store %arg22[%swap3A_459, %swap3A_460], %mul3A_458 {strides = array<i32>} : memref<80x144xf32, #tpu.memory_space<vmem>>, vector<16xf32>,
            %get3A_462 = arith.index_cast %add3A_397 : i32 to index
            %get3A_463 = arith.constant 128 : index
            %get3A_464 = tpu.vector_load %arg22[%get3A_462, %get3A_463] {strides = array<i32>} : memref<80x144xf32, #tpu.memory_space<vmem>>, vector<16xf32>,
            %mul3A_465 = arith.mulf %get3A_464, %exp3A_409 : vector<16xf32>
            %swap3A_466 = arith.index_cast %add3A_397 : i32 to index
            %swap3A_467 = arith.constant 128 : index
            %swap3A_468 = tpu.vector_load %arg22[%swap3A_466, %swap3A_467] {strides = array<i32>} : memref<80x144xf32, #tpu.memory_space<vmem>>, vector<16xf32>,
            tpu.vector_store %arg22[%swap3A_466, %swap3A_467], %mul3A_465 {strides = array<i32>} : memref<80x144xf32, #tpu.memory_space<vmem>>, vector<16xf32>,
          }
          %scan3A_148 = arith.constant 20 : i32
          %get3A = arith.constant 0 : index
          %get3A_149 = tpu.vector_load %arg19[%get3A] {strides = array<i32>} : memref<80xi32, #tpu.memory_space<vmem>>, vector<16xi32>,
          %swap3A = arith.constant 0 : index
          %swap3A_150 = tpu.vector_load %arg20[%swap3A] {strides = array<i32>} : memref<80xi32, #tpu.memory_space<vmem>>, vector<16xi32>,
          tpu.vector_store %arg20[%swap3A], %get3A_149 {strides = array<i32>} : memref<80xi32, #tpu.memory_space<vmem>>, vector<16xi32>,
          %get3A_151 = arith.constant 16 : index
          %get3A_152 = tpu.vector_load %arg19[%get3A_151] {strides = array<i32>} : memref<80xi32, #tpu.memory_space<vmem>>, vector<16xi32>,
          %swap3A_153 = arith.constant 16 : index
          %swap3A_154 = tpu.vector_load %arg20[%swap3A_153] {strides = array<i32>} : memref<80xi32, #tpu.memory_space<vmem>>, vector<16xi32>,
          tpu.vector_store %arg20[%swap3A_153], %get3A_152 {strides = array<i32>} : memref<80xi32, #tpu.memory_space<vmem>>, vector<16xi32>,
          %get3A_155 = arith.constant 32 : index
          %get3A_156 = tpu.vector_load %arg19[%get3A_155] {strides = array<i32>} : memref<80xi32, #tpu.memory_space<vmem>>, vector<16xi32>,
          %swap3A_157 = arith.constant 32 : index
          %swap3A_158 = tpu.vector_load %arg20[%swap3A_157] {strides = array<i32>} : memref<80xi32, #tpu.memory_space<vmem>>, vector<16xi32>,
          tpu.vector_store %arg20[%swap3A_157], %get3A_156 {strides = array<i32>} : memref<80xi32, #tpu.memory_space<vmem>>, vector<16xi32>,
          %get3A_159 = arith.constant 48 : index
          %get3A_160 = tpu.vector_load %arg19[%get3A_159] {strides = array<i32>} : memref<80xi32, #tpu.memory_space<vmem>>, vector<16xi32>,
          %swap3A_161 = arith.constant 48 : index
          %swap3A_162 = tpu.vector_load %arg20[%swap3A_161] {strides = array<i32>} : memref<80xi32, #tpu.memory_space<vmem>>, vector<16xi32>,
          tpu.vector_store %arg20[%swap3A_161], %get3A_160 {strides = array<i32>} : memref<80xi32, #tpu.memory_space<vmem>>, vector<16xi32>,
          %get3A_163 = arith.constant 64 : index
          %get3A_164 = tpu.vector_load %arg19[%get3A_163] {strides = array<i32>} : memref<80xi32, #tpu.memory_space<vmem>>, vector<16xi32>,
          %swap3A_165 = arith.constant 64 : index
          %swap3A_166 = tpu.vector_load %arg20[%swap3A_165] {strides = array<i32>} : memref<80xi32, #tpu.memory_space<vmem>>, vector<16xi32>,
          tpu.vector_store %arg20[%swap3A_165], %get3A_164 {strides = array<i32>} : memref<80xi32, #tpu.memory_space<vmem>>, vector<16xi32>,
          %dma_start3A_167 = arith.constant 0 : i32
          %dma_start3A_168 = arith.constant 0 : i32
          %dma_start3A_169 = tpu.memref_slice %arg40[%dma_start3A_167, %dma_start3A_168] : memref<10000x144xf32, #tpu.memory_space<vmem_shared>> -> memref<10000x144xf32, #tpu.memory_space<vmem_shared>>
          tpu.enqueue_indirect_dma source(%arg22 : memref<80x144xf32, #tpu.memory_space<vmem>>) target(%dma_start3A_169 : memref<10000x144xf32, #tpu.memory_space<vmem_shared>>) offsets(%arg20 : memref<80xi32, #tpu.memory_space<vmem>>) semaphore(%arg35 : memref<!tpu.dma_semaphore, #tpu.memory_space<semaphore_mem>>) {add = true}
        } else {
        }
        %jit3A_98 = arith.constant 3 : i32
        %eq3A_99 = arith.constant 0 : i32
        %eq3A_100 = arith.cmpi eq, %jit3A_98, %eq3A_99 : i32
        %jit3A_101 = arith.constant 1 : i32
        %select_n3A_102 = arith.select %eq3A_100, %jit3A_101, %jit3A_98 : i32
        %rem3A_103 = arith.remsi %scan3A_61, %select_n3A_102 : i32
        %ne3A_104 = arith.constant 0 : i32
        %ne3A_105 = arith.cmpi ne, %rem3A_103, %ne3A_104 : i32
        %lt3A_106 = arith.constant 0 : i32
        %lt3A_107 = arith.cmpi slt, %rem3A_103, %lt3A_106 : i32
        %lt3A_108 = arith.constant 0 : i32
        %lt3A_109 = arith.cmpi slt, %select_n3A_102, %lt3A_108 : i32
        %ne3A_110 = arith.xori %lt3A_107, %lt3A_109 : i1
        %and3A_111 = arith.andi %ne3A_110, %ne3A_105 : i1
        %add3A_112 = arith.addi %rem3A_103, %select_n3A_102 : i32
        %select_n3A_113 = arith.select %and3A_111, %add3A_112, %rem3A_103 : i32
        %eq3A_114 = arith.constant 2 : i32
        %eq3A_115 = arith.cmpi eq, %select_n3A_113, %eq3A_114 : i32
        %convert_element_type3A_116 = arith.extui %eq3A_115 : i1 to i32
        %cond3A_117 = arith.constant 0 : i32
        %cond3A_118 = arith.cmpi ne, %convert_element_type3A_116, %cond3A_117 : i32
        scf.if %cond3A_118 {
          %ge3A = arith.constant 2 : i32
          %ge3A_119 = arith.cmpi sge, %scan3A_61, %ge3A : i32
          %convert_element_type3A_120 = arith.extui %ge3A_119 : i1 to i32
          %cond3A_121 = arith.constant 0 : i32
          %cond3A_122 = arith.cmpi ne, %convert_element_type3A_120, %cond3A_121 : i32
          scf.if %cond3A_122 {
            %dma_wait3A_170 = arith.constant 0 : i32
            %dma_wait3A_171 = arith.constant 0 : i32
            %dma_wait3A_172 = tpu.memref_slice %arg40[%dma_wait3A_170, %dma_wait3A_171] : memref<10000x144xf32, #tpu.memory_space<vmem_shared>> -> memref<10000x144xf32, #tpu.memory_space<vmem_shared>>
            tpu.wait_indirect_dma semaphore(%arg31 : memref<!tpu.dma_semaphore, #tpu.memory_space<semaphore_mem>>) src(%arg17 : memref<80x144xf32, #tpu.memory_space<vmem>>) dst(%dma_wait3A_172 : memref<10000x144xf32, #tpu.memory_space<vmem_shared>>)
          } else {
          }
          %add3A_123 = arith.constant 1 : i32
          %add3A_124 = arith.addi %scan3A_61, %add3A_123 : i32
          %lt3A_125 = arith.constant 250 : i32
          %lt3A_126 = arith.cmpi slt, %add3A_124, %lt3A_125 : i32
          %convert_element_type3A_127 = arith.extui %lt3A_126 : i1 to i32
          %cond3A_128 = arith.constant 0 : i32
          %cond3A_129 = arith.cmpi ne, %convert_element_type3A_127, %cond3A_128 : i32
          scf.if %cond3A_129 {
            %add3A_170 = arith.constant 1 : i32
            %add3A_171 = arith.addi %scan3A_61, %add3A_170 : i32
            %mul3A_172 = arith.constant 20000 : i32
            %mul3A_173 = arith.muli %arg1, %mul3A_172 : i32
            %mul3A_174 = arith.constant 80 : i32
            %mul3A_175 = arith.muli %add3A_171, %mul3A_174 : i32
            %add3A_176 = arith.addi %mul3A_173, %mul3A_175 : i32
            %dma_wait3A_177 = tpu.memref_slice %arg4[%add3A_176] : memref<320000xi32, #tpu.memory_space<hbm>> -> memref<80xi32, #tpu.memory_space<hbm>>
            %dma_wait3A_178 = tpu.memref_slice %arg4[%add3A_176] : memref<320000xi32, #tpu.memory_space<hbm>> -> memref<80xi32, #tpu.memory_space<hbm>>
            tpu.wait_dma2 semaphore(%arg28 : memref<!tpu.dma_semaphore, #tpu.memory_space<semaphore_mem>>) src(%dma_wait3A_178 : memref<80xi32, #tpu.memory_space<hbm>>) dst(%arg13 : memref<80xi32, #tpu.memory_space<vmem>>)
            %dma_wait3A_179 = tpu.memref_slice %arg5[%add3A_176] : memref<320000xi32, #tpu.memory_space<hbm>> -> memref<80xi32, #tpu.memory_space<hbm>>
            %dma_wait3A_180 = tpu.memref_slice %arg5[%add3A_176] : memref<320000xi32, #tpu.memory_space<hbm>> -> memref<80xi32, #tpu.memory_space<hbm>>
            tpu.wait_dma2 semaphore(%arg28 : memref<!tpu.dma_semaphore, #tpu.memory_space<semaphore_mem>>) src(%dma_wait3A_180 : memref<80xi32, #tpu.memory_space<hbm>>) dst(%arg14 : memref<80xi32, #tpu.memory_space<vmem>>)
            %dma_start3A_181 = arith.constant 0 : i32
            %dma_start3A_182 = arith.constant 0 : i32
            %dma_start3A_183 = tpu.memref_slice %arg9[%dma_start3A_181, %dma_start3A_182] : memref<10000x16xf32, #tpu.memory_space<hbm>> -> memref<10000x16xf32, #tpu.memory_space<hbm>>
            tpu.enqueue_indirect_dma source(%dma_start3A_183 : memref<10000x16xf32, #tpu.memory_space<hbm>>) target(%arg16 : memref<80x16xf32, #tpu.memory_space<vmem>>) offsets(%arg14 : memref<80xi32, #tpu.memory_space<vmem>>) semaphore(%arg29 : memref<!tpu.dma_semaphore, #tpu.memory_space<semaphore_mem>>)
            %dma_start3A_184 = arith.constant 0 : i32
            %dma_start3A_185 = arith.constant 0 : i32
            %dma_start3A_186 = tpu.memref_slice %arg8[%dma_start3A_184, %dma_start3A_185] : memref<10000x144xf32, #tpu.memory_space<hbm>> -> memref<10000x144xf32, #tpu.memory_space<hbm>>
            tpu.enqueue_indirect_dma source(%dma_start3A_186 : memref<10000x144xf32, #tpu.memory_space<hbm>>) target(%arg17 : memref<80x144xf32, #tpu.memory_space<vmem>>) offsets(%arg13 : memref<80xi32, #tpu.memory_space<vmem>>) semaphore(%arg30 : memref<!tpu.dma_semaphore, #tpu.memory_space<semaphore_mem>>)
          } else {
          }
          %add3A_130 = arith.constant 2 : i32
          %add3A_131 = arith.addi %scan3A_61, %add3A_130 : i32
          %lt3A_132 = arith.constant 250 : i32
          %lt3A_133 = arith.cmpi slt, %add3A_131, %lt3A_132 : i32
          %convert_element_type3A_134 = arith.extui %lt3A_133 : i1 to i32
          %cond3A_135 = arith.constant 0 : i32
          %cond3A_136 = arith.cmpi ne, %convert_element_type3A_134, %cond3A_135 : i32
          scf.if %cond3A_136 {
            %add3A_170 = arith.constant 2 : i32
            %add3A_171 = arith.addi %scan3A_61, %add3A_170 : i32
            %mul3A_172 = arith.constant 20000 : i32
            %mul3A_173 = arith.muli %arg1, %mul3A_172 : i32
            %mul3A_174 = arith.constant 80 : i32
            %mul3A_175 = arith.muli %add3A_171, %mul3A_174 : i32
            %add3A_176 = arith.addi %mul3A_173, %mul3A_175 : i32
            %dma_start3A_177 = tpu.memref_slice %arg4[%add3A_176] : memref<320000xi32, #tpu.memory_space<hbm>> -> memref<80xi32, #tpu.memory_space<hbm>>
            %dma_start3A_178 = tpu.memref_slice %arg4[%add3A_176] : memref<320000xi32, #tpu.memory_space<hbm>> -> memref<80xi32, #tpu.memory_space<hbm>>
            tpu.enqueue_dma source(%dma_start3A_178 : memref<80xi32, #tpu.memory_space<hbm>>) target(%arg18 : memref<80xi32, #tpu.memory_space<vmem>>) target_semaphore(%arg32 : memref<!tpu.dma_semaphore, #tpu.memory_space<semaphore_mem>>)
            %dma_start3A_179 = tpu.memref_slice %arg5[%add3A_176] : memref<320000xi32, #tpu.memory_space<hbm>> -> memref<80xi32, #tpu.memory_space<hbm>>
            %dma_start3A_180 = tpu.memref_slice %arg5[%add3A_176] : memref<320000xi32, #tpu.memory_space<hbm>> -> memref<80xi32, #tpu.memory_space<hbm>>
            tpu.enqueue_dma source(%dma_start3A_180 : memref<80xi32, #tpu.memory_space<hbm>>) target(%arg19 : memref<80xi32, #tpu.memory_space<vmem>>) target_semaphore(%arg32 : memref<!tpu.dma_semaphore, #tpu.memory_space<semaphore_mem>>)
          } else {
          }
          %dma_wait3A_137 = arith.constant 0 : i32
          %dma_wait3A_138 = arith.constant 0 : i32
          %dma_wait3A_139 = tpu.memref_slice %arg9[%dma_wait3A_137, %dma_wait3A_138] : memref<10000x16xf32, #tpu.memory_space<hbm>> -> memref<10000x16xf32, #tpu.memory_space<hbm>>
          tpu.wait_indirect_dma semaphore(%arg37 : memref<!tpu.dma_semaphore, #tpu.memory_space<semaphore_mem>>) src(%dma_wait3A_139 : memref<10000x16xf32, #tpu.memory_space<hbm>>) dst(%arg26 : memref<80x16xf32, #tpu.memory_space<vmem>>)
          %dma_wait3A_140 = arith.constant 0 : i32
          %dma_wait3A_141 = arith.constant 0 : i32
          %dma_wait3A_142 = tpu.memref_slice %arg8[%dma_wait3A_140, %dma_wait3A_141] : memref<10000x144xf32, #tpu.memory_space<hbm>> -> memref<10000x144xf32, #tpu.memory_space<hbm>>
          tpu.wait_indirect_dma semaphore(%arg38 : memref<!tpu.dma_semaphore, #tpu.memory_space<semaphore_mem>>) src(%dma_wait3A_142 : memref<10000x144xf32, #tpu.memory_space<hbm>>) dst(%arg27 : memref<80x144xf32, #tpu.memory_space<vmem>>)
          %scan3A_143 = arith.constant 0 : i32
          %scan3A_144 = arith.constant 0 : i32
          %scan3A_145 = arith.constant 20 : i32
          %scan3A_146 = arith.addi %scan3A_144, %scan3A_145 : i32
          %scan3A_147 = arith.constant 1 : i32
          scf.for %scan3A_170 = %scan3A_144 to %scan3A_146 step %scan3A_147  : i32 {
            %mul3A_171 = arith.constant 4 : i32
            %mul3A_172 = arith.muli %scan3A_170, %mul3A_171 : i32
            %add3A_173 = arith.constant 0 : i32
            %add3A_174 = arith.addi %mul3A_172, %add3A_173 : i32
            %get3A_175 = arith.index_cast %add3A_174 : i32 to index
            %get3A_176 = arith.constant 0 : index
            %get3A_177 = tpu.vector_load %arg27[%get3A_175, %get3A_176] {strides = array<i32>} : memref<80x144xf32, #tpu.memory_space<vmem>>, vector<16xf32>,
            %get3A_178 = arith.index_cast %add3A_174 : i32 to index
            %get3A_179 = arith.constant 0 : index
            %get3A_180 = tpu.vector_load %arg26[%get3A_178, %get3A_179] {strides = array<i32>} : memref<80x16xf32, #tpu.memory_space<vmem>>, vector<16xf32>,
            %add3A_181 = arith.addf %get3A_177, %get3A_180 : vector<16xf32>
            %mul3A_182 = arith.constant 2.000000e-01 : f32
            %mul3A_183 = vector.broadcast %mul3A_182 : f32 to vector<16xf32>
            %mul3A_184 = arith.mulf %mul3A_183, %add3A_181 : vector<16xf32>
            %max3A = arith.maximumf %add3A_181, %mul3A_184 : vector<16xf32>
            %exp3A = math.exp %max3A : vector<16xf32>
            %swap3A_185 = arith.index_cast %add3A_174 : i32 to index
            %swap3A_186 = arith.constant 0 : index
            %swap3A_187 = tpu.vector_load %arg27[%swap3A_185, %swap3A_186] {strides = array<i32>} : memref<80x144xf32, #tpu.memory_space<vmem>>, vector<16xf32>,
            tpu.vector_store %arg27[%swap3A_185, %swap3A_186], %exp3A {strides = array<i32>} : memref<80x144xf32, #tpu.memory_space<vmem>>, vector<16xf32>,
            %get3A_188 = arith.index_cast %add3A_174 : i32 to index
            %get3A_189 = arith.constant 16 : index
            %get3A_190 = tpu.vector_load %arg27[%get3A_188, %get3A_189] {strides = array<i32>} : memref<80x144xf32, #tpu.memory_space<vmem>>, vector<16xf32>,
            %mul3A_191 = arith.mulf %get3A_190, %exp3A : vector<16xf32>
            %swap3A_192 = arith.index_cast %add3A_174 : i32 to index
            %swap3A_193 = arith.constant 16 : index
            %swap3A_194 = tpu.vector_load %arg27[%swap3A_192, %swap3A_193] {strides = array<i32>} : memref<80x144xf32, #tpu.memory_space<vmem>>, vector<16xf32>,
            tpu.vector_store %arg27[%swap3A_192, %swap3A_193], %mul3A_191 {strides = array<i32>} : memref<80x144xf32, #tpu.memory_space<vmem>>, vector<16xf32>,
            %get3A_195 = arith.index_cast %add3A_174 : i32 to index
            %get3A_196 = arith.constant 32 : index
            %get3A_197 = tpu.vector_load %arg27[%get3A_195, %get3A_196] {strides = array<i32>} : memref<80x144xf32, #tpu.memory_space<vmem>>, vector<16xf32>,
            %mul3A_198 = arith.mulf %get3A_197, %exp3A : vector<16xf32>
            %swap3A_199 = arith.index_cast %add3A_174 : i32 to index
            %swap3A_200 = arith.constant 32 : index
            %swap3A_201 = tpu.vector_load %arg27[%swap3A_199, %swap3A_200] {strides = array<i32>} : memref<80x144xf32, #tpu.memory_space<vmem>>, vector<16xf32>,
            tpu.vector_store %arg27[%swap3A_199, %swap3A_200], %mul3A_198 {strides = array<i32>} : memref<80x144xf32, #tpu.memory_space<vmem>>, vector<16xf32>,
            %get3A_202 = arith.index_cast %add3A_174 : i32 to index
            %get3A_203 = arith.constant 48 : index
            %get3A_204 = tpu.vector_load %arg27[%get3A_202, %get3A_203] {strides = array<i32>} : memref<80x144xf32, #tpu.memory_space<vmem>>, vector<16xf32>,
            %mul3A_205 = arith.mulf %get3A_204, %exp3A : vector<16xf32>
            %swap3A_206 = arith.index_cast %add3A_174 : i32 to index
            %swap3A_207 = arith.constant 48 : index
            %swap3A_208 = tpu.vector_load %arg27[%swap3A_206, %swap3A_207] {strides = array<i32>} : memref<80x144xf32, #tpu.memory_space<vmem>>, vector<16xf32>,
            tpu.vector_store %arg27[%swap3A_206, %swap3A_207], %mul3A_205 {strides = array<i32>} : memref<80x144xf32, #tpu.memory_space<vmem>>, vector<16xf32>,
            %get3A_209 = arith.index_cast %add3A_174 : i32 to index
            %get3A_210 = arith.constant 64 : index
            %get3A_211 = tpu.vector_load %arg27[%get3A_209, %get3A_210] {strides = array<i32>} : memref<80x144xf32, #tpu.memory_space<vmem>>, vector<16xf32>,
            %mul3A_212 = arith.mulf %get3A_211, %exp3A : vector<16xf32>
            %swap3A_213 = arith.index_cast %add3A_174 : i32 to index
            %swap3A_214 = arith.constant 64 : index
            %swap3A_215 = tpu.vector_load %arg27[%swap3A_213, %swap3A_214] {strides = array<i32>} : memref<80x144xf32, #tpu.memory_space<vmem>>, vector<16xf32>,
            tpu.vector_store %arg27[%swap3A_213, %swap3A_214], %mul3A_212 {strides = array<i32>} : memref<80x144xf32, #tpu.memory_space<vmem>>, vector<16xf32>,
            %get3A_216 = arith.index_cast %add3A_174 : i32 to index
            %get3A_217 = arith.constant 80 : index
            %get3A_218 = tpu.vector_load %arg27[%get3A_216, %get3A_217] {strides = array<i32>} : memref<80x144xf32, #tpu.memory_space<vmem>>, vector<16xf32>,
            %mul3A_219 = arith.mulf %get3A_218, %exp3A : vector<16xf32>
            %swap3A_220 = arith.index_cast %add3A_174 : i32 to index
            %swap3A_221 = arith.constant 80 : index
            %swap3A_222 = tpu.vector_load %arg27[%swap3A_220, %swap3A_221] {strides = array<i32>} : memref<80x144xf32, #tpu.memory_space<vmem>>, vector<16xf32>,
            tpu.vector_store %arg27[%swap3A_220, %swap3A_221], %mul3A_219 {strides = array<i32>} : memref<80x144xf32, #tpu.memory_space<vmem>>, vector<16xf32>,
            %get3A_223 = arith.index_cast %add3A_174 : i32 to index
            %get3A_224 = arith.constant 96 : index
            %get3A_225 = tpu.vector_load %arg27[%get3A_223, %get3A_224] {strides = array<i32>} : memref<80x144xf32, #tpu.memory_space<vmem>>, vector<16xf32>,
            %mul3A_226 = arith.mulf %get3A_225, %exp3A : vector<16xf32>
            %swap3A_227 = arith.index_cast %add3A_174 : i32 to index
            %swap3A_228 = arith.constant 96 : index
            %swap3A_229 = tpu.vector_load %arg27[%swap3A_227, %swap3A_228] {strides = array<i32>} : memref<80x144xf32, #tpu.memory_space<vmem>>, vector<16xf32>,
            tpu.vector_store %arg27[%swap3A_227, %swap3A_228], %mul3A_226 {strides = array<i32>} : memref<80x144xf32, #tpu.memory_space<vmem>>, vector<16xf32>,
            %get3A_230 = arith.index_cast %add3A_174 : i32 to index
            %get3A_231 = arith.constant 112 : index
            %get3A_232 = tpu.vector_load %arg27[%get3A_230, %get3A_231] {strides = array<i32>} : memref<80x144xf32, #tpu.memory_space<vmem>>, vector<16xf32>,
            %mul3A_233 = arith.mulf %get3A_232, %exp3A : vector<16xf32>
            %swap3A_234 = arith.index_cast %add3A_174 : i32 to index
            %swap3A_235 = arith.constant 112 : index
            %swap3A_236 = tpu.vector_load %arg27[%swap3A_234, %swap3A_235] {strides = array<i32>} : memref<80x144xf32, #tpu.memory_space<vmem>>, vector<16xf32>,
            tpu.vector_store %arg27[%swap3A_234, %swap3A_235], %mul3A_233 {strides = array<i32>} : memref<80x144xf32, #tpu.memory_space<vmem>>, vector<16xf32>,
            %get3A_237 = arith.index_cast %add3A_174 : i32 to index
            %get3A_238 = arith.constant 128 : index
            %get3A_239 = tpu.vector_load %arg27[%get3A_237, %get3A_238] {strides = array<i32>} : memref<80x144xf32, #tpu.memory_space<vmem>>, vector<16xf32>,
            %mul3A_240 = arith.mulf %get3A_239, %exp3A : vector<16xf32>
            %swap3A_241 = arith.index_cast %add3A_174 : i32 to index
            %swap3A_242 = arith.constant 128 : index
            %swap3A_243 = tpu.vector_load %arg27[%swap3A_241, %swap3A_242] {strides = array<i32>} : memref<80x144xf32, #tpu.memory_space<vmem>>, vector<16xf32>,
            tpu.vector_store %arg27[%swap3A_241, %swap3A_242], %mul3A_240 {strides = array<i32>} : memref<80x144xf32, #tpu.memory_space<vmem>>, vector<16xf32>,
            %mul3A_244 = arith.constant 4 : i32
            %mul3A_245 = arith.muli %scan3A_170, %mul3A_244 : i32
            %add3A_246 = arith.constant 1 : i32
            %add3A_247 = arith.addi %mul3A_245, %add3A_246 : i32
            %get3A_248 = arith.index_cast %add3A_247 : i32 to index
            %get3A_249 = arith.constant 0 : index
            %get3A_250 = tpu.vector_load %arg27[%get3A_248, %get3A_249] {strides = array<i32>} : memref<80x144xf32, #tpu.memory_space<vmem>>, vector<16xf32>,
            %get3A_251 = arith.index_cast %add3A_247 : i32 to index
            %get3A_252 = arith.constant 0 : index
            %get3A_253 = tpu.vector_load %arg26[%get3A_251, %get3A_252] {strides = array<i32>} : memref<80x16xf32, #tpu.memory_space<vmem>>, vector<16xf32>,
            %add3A_254 = arith.addf %get3A_250, %get3A_253 : vector<16xf32>
            %mul3A_255 = arith.constant 2.000000e-01 : f32
            %mul3A_256 = vector.broadcast %mul3A_255 : f32 to vector<16xf32>
            %mul3A_257 = arith.mulf %mul3A_256, %add3A_254 : vector<16xf32>
            %max3A_258 = arith.maximumf %add3A_254, %mul3A_257 : vector<16xf32>
            %exp3A_259 = math.exp %max3A_258 : vector<16xf32>
            %swap3A_260 = arith.index_cast %add3A_247 : i32 to index
            %swap3A_261 = arith.constant 0 : index
            %swap3A_262 = tpu.vector_load %arg27[%swap3A_260, %swap3A_261] {strides = array<i32>} : memref<80x144xf32, #tpu.memory_space<vmem>>, vector<16xf32>,
            tpu.vector_store %arg27[%swap3A_260, %swap3A_261], %exp3A_259 {strides = array<i32>} : memref<80x144xf32, #tpu.memory_space<vmem>>, vector<16xf32>,
            %get3A_263 = arith.index_cast %add3A_247 : i32 to index
            %get3A_264 = arith.constant 16 : index
            %get3A_265 = tpu.vector_load %arg27[%get3A_263, %get3A_264] {strides = array<i32>} : memref<80x144xf32, #tpu.memory_space<vmem>>, vector<16xf32>,
            %mul3A_266 = arith.mulf %get3A_265, %exp3A_259 : vector<16xf32>
            %swap3A_267 = arith.index_cast %add3A_247 : i32 to index
            %swap3A_268 = arith.constant 16 : index
            %swap3A_269 = tpu.vector_load %arg27[%swap3A_267, %swap3A_268] {strides = array<i32>} : memref<80x144xf32, #tpu.memory_space<vmem>>, vector<16xf32>,
            tpu.vector_store %arg27[%swap3A_267, %swap3A_268], %mul3A_266 {strides = array<i32>} : memref<80x144xf32, #tpu.memory_space<vmem>>, vector<16xf32>,
            %get3A_270 = arith.index_cast %add3A_247 : i32 to index
            %get3A_271 = arith.constant 32 : index
            %get3A_272 = tpu.vector_load %arg27[%get3A_270, %get3A_271] {strides = array<i32>} : memref<80x144xf32, #tpu.memory_space<vmem>>, vector<16xf32>,
            %mul3A_273 = arith.mulf %get3A_272, %exp3A_259 : vector<16xf32>
            %swap3A_274 = arith.index_cast %add3A_247 : i32 to index
            %swap3A_275 = arith.constant 32 : index
            %swap3A_276 = tpu.vector_load %arg27[%swap3A_274, %swap3A_275] {strides = array<i32>} : memref<80x144xf32, #tpu.memory_space<vmem>>, vector<16xf32>,
            tpu.vector_store %arg27[%swap3A_274, %swap3A_275], %mul3A_273 {strides = array<i32>} : memref<80x144xf32, #tpu.memory_space<vmem>>, vector<16xf32>,
            %get3A_277 = arith.index_cast %add3A_247 : i32 to index
            %get3A_278 = arith.constant 48 : index
            %get3A_279 = tpu.vector_load %arg27[%get3A_277, %get3A_278] {strides = array<i32>} : memref<80x144xf32, #tpu.memory_space<vmem>>, vector<16xf32>,
            %mul3A_280 = arith.mulf %get3A_279, %exp3A_259 : vector<16xf32>
            %swap3A_281 = arith.index_cast %add3A_247 : i32 to index
            %swap3A_282 = arith.constant 48 : index
            %swap3A_283 = tpu.vector_load %arg27[%swap3A_281, %swap3A_282] {strides = array<i32>} : memref<80x144xf32, #tpu.memory_space<vmem>>, vector<16xf32>,
            tpu.vector_store %arg27[%swap3A_281, %swap3A_282], %mul3A_280 {strides = array<i32>} : memref<80x144xf32, #tpu.memory_space<vmem>>, vector<16xf32>,
            %get3A_284 = arith.index_cast %add3A_247 : i32 to index
            %get3A_285 = arith.constant 64 : index
            %get3A_286 = tpu.vector_load %arg27[%get3A_284, %get3A_285] {strides = array<i32>} : memref<80x144xf32, #tpu.memory_space<vmem>>, vector<16xf32>,
            %mul3A_287 = arith.mulf %get3A_286, %exp3A_259 : vector<16xf32>
            %swap3A_288 = arith.index_cast %add3A_247 : i32 to index
            %swap3A_289 = arith.constant 64 : index
            %swap3A_290 = tpu.vector_load %arg27[%swap3A_288, %swap3A_289] {strides = array<i32>} : memref<80x144xf32, #tpu.memory_space<vmem>>, vector<16xf32>,
            tpu.vector_store %arg27[%swap3A_288, %swap3A_289], %mul3A_287 {strides = array<i32>} : memref<80x144xf32, #tpu.memory_space<vmem>>, vector<16xf32>,
            %get3A_291 = arith.index_cast %add3A_247 : i32 to index
            %get3A_292 = arith.constant 80 : index
            %get3A_293 = tpu.vector_load %arg27[%get3A_291, %get3A_292] {strides = array<i32>} : memref<80x144xf32, #tpu.memory_space<vmem>>, vector<16xf32>,
            %mul3A_294 = arith.mulf %get3A_293, %exp3A_259 : vector<16xf32>
            %swap3A_295 = arith.index_cast %add3A_247 : i32 to index
            %swap3A_296 = arith.constant 80 : index
            %swap3A_297 = tpu.vector_load %arg27[%swap3A_295, %swap3A_296] {strides = array<i32>} : memref<80x144xf32, #tpu.memory_space<vmem>>, vector<16xf32>,
            tpu.vector_store %arg27[%swap3A_295, %swap3A_296], %mul3A_294 {strides = array<i32>} : memref<80x144xf32, #tpu.memory_space<vmem>>, vector<16xf32>,
            %get3A_298 = arith.index_cast %add3A_247 : i32 to index
            %get3A_299 = arith.constant 96 : index
            %get3A_300 = tpu.vector_load %arg27[%get3A_298, %get3A_299] {strides = array<i32>} : memref<80x144xf32, #tpu.memory_space<vmem>>, vector<16xf32>,
            %mul3A_301 = arith.mulf %get3A_300, %exp3A_259 : vector<16xf32>
            %swap3A_302 = arith.index_cast %add3A_247 : i32 to index
            %swap3A_303 = arith.constant 96 : index
            %swap3A_304 = tpu.vector_load %arg27[%swap3A_302, %swap3A_303] {strides = array<i32>} : memref<80x144xf32, #tpu.memory_space<vmem>>, vector<16xf32>,
            tpu.vector_store %arg27[%swap3A_302, %swap3A_303], %mul3A_301 {strides = array<i32>} : memref<80x144xf32, #tpu.memory_space<vmem>>, vector<16xf32>,
            %get3A_305 = arith.index_cast %add3A_247 : i32 to index
            %get3A_306 = arith.constant 112 : index
            %get3A_307 = tpu.vector_load %arg27[%get3A_305, %get3A_306] {strides = array<i32>} : memref<80x144xf32, #tpu.memory_space<vmem>>, vector<16xf32>,
            %mul3A_308 = arith.mulf %get3A_307, %exp3A_259 : vector<16xf32>
            %swap3A_309 = arith.index_cast %add3A_247 : i32 to index
            %swap3A_310 = arith.constant 112 : index
            %swap3A_311 = tpu.vector_load %arg27[%swap3A_309, %swap3A_310] {strides = array<i32>} : memref<80x144xf32, #tpu.memory_space<vmem>>, vector<16xf32>,
            tpu.vector_store %arg27[%swap3A_309, %swap3A_310], %mul3A_308 {strides = array<i32>} : memref<80x144xf32, #tpu.memory_space<vmem>>, vector<16xf32>,
            %get3A_312 = arith.index_cast %add3A_247 : i32 to index
            %get3A_313 = arith.constant 128 : index
            %get3A_314 = tpu.vector_load %arg27[%get3A_312, %get3A_313] {strides = array<i32>} : memref<80x144xf32, #tpu.memory_space<vmem>>, vector<16xf32>,
            %mul3A_315 = arith.mulf %get3A_314, %exp3A_259 : vector<16xf32>
            %swap3A_316 = arith.index_cast %add3A_247 : i32 to index
            %swap3A_317 = arith.constant 128 : index
            %swap3A_318 = tpu.vector_load %arg27[%swap3A_316, %swap3A_317] {strides = array<i32>} : memref<80x144xf32, #tpu.memory_space<vmem>>, vector<16xf32>,
            tpu.vector_store %arg27[%swap3A_316, %swap3A_317], %mul3A_315 {strides = array<i32>} : memref<80x144xf32, #tpu.memory_space<vmem>>, vector<16xf32>,
            %mul3A_319 = arith.constant 4 : i32
            %mul3A_320 = arith.muli %scan3A_170, %mul3A_319 : i32
            %add3A_321 = arith.constant 2 : i32
            %add3A_322 = arith.addi %mul3A_320, %add3A_321 : i32
            %get3A_323 = arith.index_cast %add3A_322 : i32 to index
            %get3A_324 = arith.constant 0 : index
            %get3A_325 = tpu.vector_load %arg27[%get3A_323, %get3A_324] {strides = array<i32>} : memref<80x144xf32, #tpu.memory_space<vmem>>, vector<16xf32>,
            %get3A_326 = arith.index_cast %add3A_322 : i32 to index
            %get3A_327 = arith.constant 0 : index
            %get3A_328 = tpu.vector_load %arg26[%get3A_326, %get3A_327] {strides = array<i32>} : memref<80x16xf32, #tpu.memory_space<vmem>>, vector<16xf32>,
            %add3A_329 = arith.addf %get3A_325, %get3A_328 : vector<16xf32>
            %mul3A_330 = arith.constant 2.000000e-01 : f32
            %mul3A_331 = vector.broadcast %mul3A_330 : f32 to vector<16xf32>
            %mul3A_332 = arith.mulf %mul3A_331, %add3A_329 : vector<16xf32>
            %max3A_333 = arith.maximumf %add3A_329, %mul3A_332 : vector<16xf32>
            %exp3A_334 = math.exp %max3A_333 : vector<16xf32>
            %swap3A_335 = arith.index_cast %add3A_322 : i32 to index
            %swap3A_336 = arith.constant 0 : index
            %swap3A_337 = tpu.vector_load %arg27[%swap3A_335, %swap3A_336] {strides = array<i32>} : memref<80x144xf32, #tpu.memory_space<vmem>>, vector<16xf32>,
            tpu.vector_store %arg27[%swap3A_335, %swap3A_336], %exp3A_334 {strides = array<i32>} : memref<80x144xf32, #tpu.memory_space<vmem>>, vector<16xf32>,
            %get3A_338 = arith.index_cast %add3A_322 : i32 to index
            %get3A_339 = arith.constant 16 : index
            %get3A_340 = tpu.vector_load %arg27[%get3A_338, %get3A_339] {strides = array<i32>} : memref<80x144xf32, #tpu.memory_space<vmem>>, vector<16xf32>,
            %mul3A_341 = arith.mulf %get3A_340, %exp3A_334 : vector<16xf32>
            %swap3A_342 = arith.index_cast %add3A_322 : i32 to index
            %swap3A_343 = arith.constant 16 : index
            %swap3A_344 = tpu.vector_load %arg27[%swap3A_342, %swap3A_343] {strides = array<i32>} : memref<80x144xf32, #tpu.memory_space<vmem>>, vector<16xf32>,
            tpu.vector_store %arg27[%swap3A_342, %swap3A_343], %mul3A_341 {strides = array<i32>} : memref<80x144xf32, #tpu.memory_space<vmem>>, vector<16xf32>,
            %get3A_345 = arith.index_cast %add3A_322 : i32 to index
            %get3A_346 = arith.constant 32 : index
            %get3A_347 = tpu.vector_load %arg27[%get3A_345, %get3A_346] {strides = array<i32>} : memref<80x144xf32, #tpu.memory_space<vmem>>, vector<16xf32>,
            %mul3A_348 = arith.mulf %get3A_347, %exp3A_334 : vector<16xf32>
            %swap3A_349 = arith.index_cast %add3A_322 : i32 to index
            %swap3A_350 = arith.constant 32 : index
            %swap3A_351 = tpu.vector_load %arg27[%swap3A_349, %swap3A_350] {strides = array<i32>} : memref<80x144xf32, #tpu.memory_space<vmem>>, vector<16xf32>,
            tpu.vector_store %arg27[%swap3A_349, %swap3A_350], %mul3A_348 {strides = array<i32>} : memref<80x144xf32, #tpu.memory_space<vmem>>, vector<16xf32>,
            %get3A_352 = arith.index_cast %add3A_322 : i32 to index
            %get3A_353 = arith.constant 48 : index
            %get3A_354 = tpu.vector_load %arg27[%get3A_352, %get3A_353] {strides = array<i32>} : memref<80x144xf32, #tpu.memory_space<vmem>>, vector<16xf32>,
            %mul3A_355 = arith.mulf %get3A_354, %exp3A_334 : vector<16xf32>
            %swap3A_356 = arith.index_cast %add3A_322 : i32 to index
            %swap3A_357 = arith.constant 48 : index
            %swap3A_358 = tpu.vector_load %arg27[%swap3A_356, %swap3A_357] {strides = array<i32>} : memref<80x144xf32, #tpu.memory_space<vmem>>, vector<16xf32>,
            tpu.vector_store %arg27[%swap3A_356, %swap3A_357], %mul3A_355 {strides = array<i32>} : memref<80x144xf32, #tpu.memory_space<vmem>>, vector<16xf32>,
            %get3A_359 = arith.index_cast %add3A_322 : i32 to index
            %get3A_360 = arith.constant 64 : index
            %get3A_361 = tpu.vector_load %arg27[%get3A_359, %get3A_360] {strides = array<i32>} : memref<80x144xf32, #tpu.memory_space<vmem>>, vector<16xf32>,
            %mul3A_362 = arith.mulf %get3A_361, %exp3A_334 : vector<16xf32>
            %swap3A_363 = arith.index_cast %add3A_322 : i32 to index
            %swap3A_364 = arith.constant 64 : index
            %swap3A_365 = tpu.vector_load %arg27[%swap3A_363, %swap3A_364] {strides = array<i32>} : memref<80x144xf32, #tpu.memory_space<vmem>>, vector<16xf32>,
            tpu.vector_store %arg27[%swap3A_363, %swap3A_364], %mul3A_362 {strides = array<i32>} : memref<80x144xf32, #tpu.memory_space<vmem>>, vector<16xf32>,
            %get3A_366 = arith.index_cast %add3A_322 : i32 to index
            %get3A_367 = arith.constant 80 : index
            %get3A_368 = tpu.vector_load %arg27[%get3A_366, %get3A_367] {strides = array<i32>} : memref<80x144xf32, #tpu.memory_space<vmem>>, vector<16xf32>,
            %mul3A_369 = arith.mulf %get3A_368, %exp3A_334 : vector<16xf32>
            %swap3A_370 = arith.index_cast %add3A_322 : i32 to index
            %swap3A_371 = arith.constant 80 : index
            %swap3A_372 = tpu.vector_load %arg27[%swap3A_370, %swap3A_371] {strides = array<i32>} : memref<80x144xf32, #tpu.memory_space<vmem>>, vector<16xf32>,
            tpu.vector_store %arg27[%swap3A_370, %swap3A_371], %mul3A_369 {strides = array<i32>} : memref<80x144xf32, #tpu.memory_space<vmem>>, vector<16xf32>,
            %get3A_373 = arith.index_cast %add3A_322 : i32 to index
            %get3A_374 = arith.constant 96 : index
            %get3A_375 = tpu.vector_load %arg27[%get3A_373, %get3A_374] {strides = array<i32>} : memref<80x144xf32, #tpu.memory_space<vmem>>, vector<16xf32>,
            %mul3A_376 = arith.mulf %get3A_375, %exp3A_334 : vector<16xf32>
            %swap3A_377 = arith.index_cast %add3A_322 : i32 to index
            %swap3A_378 = arith.constant 96 : index
            %swap3A_379 = tpu.vector_load %arg27[%swap3A_377, %swap3A_378] {strides = array<i32>} : memref<80x144xf32, #tpu.memory_space<vmem>>, vector<16xf32>,
            tpu.vector_store %arg27[%swap3A_377, %swap3A_378], %mul3A_376 {strides = array<i32>} : memref<80x144xf32, #tpu.memory_space<vmem>>, vector<16xf32>,
            %get3A_380 = arith.index_cast %add3A_322 : i32 to index
            %get3A_381 = arith.constant 112 : index
            %get3A_382 = tpu.vector_load %arg27[%get3A_380, %get3A_381] {strides = array<i32>} : memref<80x144xf32, #tpu.memory_space<vmem>>, vector<16xf32>,
            %mul3A_383 = arith.mulf %get3A_382, %exp3A_334 : vector<16xf32>
            %swap3A_384 = arith.index_cast %add3A_322 : i32 to index
            %swap3A_385 = arith.constant 112 : index
            %swap3A_386 = tpu.vector_load %arg27[%swap3A_384, %swap3A_385] {strides = array<i32>} : memref<80x144xf32, #tpu.memory_space<vmem>>, vector<16xf32>,
            tpu.vector_store %arg27[%swap3A_384, %swap3A_385], %mul3A_383 {strides = array<i32>} : memref<80x144xf32, #tpu.memory_space<vmem>>, vector<16xf32>,
            %get3A_387 = arith.index_cast %add3A_322 : i32 to index
            %get3A_388 = arith.constant 128 : index
            %get3A_389 = tpu.vector_load %arg27[%get3A_387, %get3A_388] {strides = array<i32>} : memref<80x144xf32, #tpu.memory_space<vmem>>, vector<16xf32>,
            %mul3A_390 = arith.mulf %get3A_389, %exp3A_334 : vector<16xf32>
            %swap3A_391 = arith.index_cast %add3A_322 : i32 to index
            %swap3A_392 = arith.constant 128 : index
            %swap3A_393 = tpu.vector_load %arg27[%swap3A_391, %swap3A_392] {strides = array<i32>} : memref<80x144xf32, #tpu.memory_space<vmem>>, vector<16xf32>,
            tpu.vector_store %arg27[%swap3A_391, %swap3A_392], %mul3A_390 {strides = array<i32>} : memref<80x144xf32, #tpu.memory_space<vmem>>, vector<16xf32>,
            %mul3A_394 = arith.constant 4 : i32
            %mul3A_395 = arith.muli %scan3A_170, %mul3A_394 : i32
            %add3A_396 = arith.constant 3 : i32
            %add3A_397 = arith.addi %mul3A_395, %add3A_396 : i32
            %get3A_398 = arith.index_cast %add3A_397 : i32 to index
            %get3A_399 = arith.constant 0 : index
            %get3A_400 = tpu.vector_load %arg27[%get3A_398, %get3A_399] {strides = array<i32>} : memref<80x144xf32, #tpu.memory_space<vmem>>, vector<16xf32>,
            %get3A_401 = arith.index_cast %add3A_397 : i32 to index
            %get3A_402 = arith.constant 0 : index
            %get3A_403 = tpu.vector_load %arg26[%get3A_401, %get3A_402] {strides = array<i32>} : memref<80x16xf32, #tpu.memory_space<vmem>>, vector<16xf32>,
            %add3A_404 = arith.addf %get3A_400, %get3A_403 : vector<16xf32>
            %mul3A_405 = arith.constant 2.000000e-01 : f32
            %mul3A_406 = vector.broadcast %mul3A_405 : f32 to vector<16xf32>
            %mul3A_407 = arith.mulf %mul3A_406, %add3A_404 : vector<16xf32>
            %max3A_408 = arith.maximumf %add3A_404, %mul3A_407 : vector<16xf32>
            %exp3A_409 = math.exp %max3A_408 : vector<16xf32>
            %swap3A_410 = arith.index_cast %add3A_397 : i32 to index
            %swap3A_411 = arith.constant 0 : index
            %swap3A_412 = tpu.vector_load %arg27[%swap3A_410, %swap3A_411] {strides = array<i32>} : memref<80x144xf32, #tpu.memory_space<vmem>>, vector<16xf32>,
            tpu.vector_store %arg27[%swap3A_410, %swap3A_411], %exp3A_409 {strides = array<i32>} : memref<80x144xf32, #tpu.memory_space<vmem>>, vector<16xf32>,
            %get3A_413 = arith.index_cast %add3A_397 : i32 to index
            %get3A_414 = arith.constant 16 : index
            %get3A_415 = tpu.vector_load %arg27[%get3A_413, %get3A_414] {strides = array<i32>} : memref<80x144xf32, #tpu.memory_space<vmem>>, vector<16xf32>,
            %mul3A_416 = arith.mulf %get3A_415, %exp3A_409 : vector<16xf32>
            %swap3A_417 = arith.index_cast %add3A_397 : i32 to index
            %swap3A_418 = arith.constant 16 : index
            %swap3A_419 = tpu.vector_load %arg27[%swap3A_417, %swap3A_418] {strides = array<i32>} : memref<80x144xf32, #tpu.memory_space<vmem>>, vector<16xf32>,
            tpu.vector_store %arg27[%swap3A_417, %swap3A_418], %mul3A_416 {strides = array<i32>} : memref<80x144xf32, #tpu.memory_space<vmem>>, vector<16xf32>,
            %get3A_420 = arith.index_cast %add3A_397 : i32 to index
            %get3A_421 = arith.constant 32 : index
            %get3A_422 = tpu.vector_load %arg27[%get3A_420, %get3A_421] {strides = array<i32>} : memref<80x144xf32, #tpu.memory_space<vmem>>, vector<16xf32>,
            %mul3A_423 = arith.mulf %get3A_422, %exp3A_409 : vector<16xf32>
            %swap3A_424 = arith.index_cast %add3A_397 : i32 to index
            %swap3A_425 = arith.constant 32 : index
            %swap3A_426 = tpu.vector_load %arg27[%swap3A_424, %swap3A_425] {strides = array<i32>} : memref<80x144xf32, #tpu.memory_space<vmem>>, vector<16xf32>,
            tpu.vector_store %arg27[%swap3A_424, %swap3A_425], %mul3A_423 {strides = array<i32>} : memref<80x144xf32, #tpu.memory_space<vmem>>, vector<16xf32>,
            %get3A_427 = arith.index_cast %add3A_397 : i32 to index
            %get3A_428 = arith.constant 48 : index
            %get3A_429 = tpu.vector_load %arg27[%get3A_427, %get3A_428] {strides = array<i32>} : memref<80x144xf32, #tpu.memory_space<vmem>>, vector<16xf32>,
            %mul3A_430 = arith.mulf %get3A_429, %exp3A_409 : vector<16xf32>
            %swap3A_431 = arith.index_cast %add3A_397 : i32 to index
            %swap3A_432 = arith.constant 48 : index
            %swap3A_433 = tpu.vector_load %arg27[%swap3A_431, %swap3A_432] {strides = array<i32>} : memref<80x144xf32, #tpu.memory_space<vmem>>, vector<16xf32>,
            tpu.vector_store %arg27[%swap3A_431, %swap3A_432], %mul3A_430 {strides = array<i32>} : memref<80x144xf32, #tpu.memory_space<vmem>>, vector<16xf32>,
            %get3A_434 = arith.index_cast %add3A_397 : i32 to index
            %get3A_435 = arith.constant 64 : index
            %get3A_436 = tpu.vector_load %arg27[%get3A_434, %get3A_435] {strides = array<i32>} : memref<80x144xf32, #tpu.memory_space<vmem>>, vector<16xf32>,
            %mul3A_437 = arith.mulf %get3A_436, %exp3A_409 : vector<16xf32>
            %swap3A_438 = arith.index_cast %add3A_397 : i32 to index
            %swap3A_439 = arith.constant 64 : index
            %swap3A_440 = tpu.vector_load %arg27[%swap3A_438, %swap3A_439] {strides = array<i32>} : memref<80x144xf32, #tpu.memory_space<vmem>>, vector<16xf32>,
            tpu.vector_store %arg27[%swap3A_438, %swap3A_439], %mul3A_437 {strides = array<i32>} : memref<80x144xf32, #tpu.memory_space<vmem>>, vector<16xf32>,
            %get3A_441 = arith.index_cast %add3A_397 : i32 to index
            %get3A_442 = arith.constant 80 : index
            %get3A_443 = tpu.vector_load %arg27[%get3A_441, %get3A_442] {strides = array<i32>} : memref<80x144xf32, #tpu.memory_space<vmem>>, vector<16xf32>,
            %mul3A_444 = arith.mulf %get3A_443, %exp3A_409 : vector<16xf32>
            %swap3A_445 = arith.index_cast %add3A_397 : i32 to index
            %swap3A_446 = arith.constant 80 : index
            %swap3A_447 = tpu.vector_load %arg27[%swap3A_445, %swap3A_446] {strides = array<i32>} : memref<80x144xf32, #tpu.memory_space<vmem>>, vector<16xf32>,
            tpu.vector_store %arg27[%swap3A_445, %swap3A_446], %mul3A_444 {strides = array<i32>} : memref<80x144xf32, #tpu.memory_space<vmem>>, vector<16xf32>,
            %get3A_448 = arith.index_cast %add3A_397 : i32 to index
            %get3A_449 = arith.constant 96 : index
            %get3A_450 = tpu.vector_load %arg27[%get3A_448, %get3A_449] {strides = array<i32>} : memref<80x144xf32, #tpu.memory_space<vmem>>, vector<16xf32>,
            %mul3A_451 = arith.mulf %get3A_450, %exp3A_409 : vector<16xf32>
            %swap3A_452 = arith.index_cast %add3A_397 : i32 to index
            %swap3A_453 = arith.constant 96 : index
            %swap3A_454 = tpu.vector_load %arg27[%swap3A_452, %swap3A_453] {strides = array<i32>} : memref<80x144xf32, #tpu.memory_space<vmem>>, vector<16xf32>,
            tpu.vector_store %arg27[%swap3A_452, %swap3A_453], %mul3A_451 {strides = array<i32>} : memref<80x144xf32, #tpu.memory_space<vmem>>, vector<16xf32>,
            %get3A_455 = arith.index_cast %add3A_397 : i32 to index
            %get3A_456 = arith.constant 112 : index
            %get3A_457 = tpu.vector_load %arg27[%get3A_455, %get3A_456] {strides = array<i32>} : memref<80x144xf32, #tpu.memory_space<vmem>>, vector<16xf32>,
            %mul3A_458 = arith.mulf %get3A_457, %exp3A_409 : vector<16xf32>
            %swap3A_459 = arith.index_cast %add3A_397 : i32 to index
            %swap3A_460 = arith.constant 112 : index
            %swap3A_461 = tpu.vector_load %arg27[%swap3A_459, %swap3A_460] {strides = array<i32>} : memref<80x144xf32, #tpu.memory_space<vmem>>, vector<16xf32>,
            tpu.vector_store %arg27[%swap3A_459, %swap3A_460], %mul3A_458 {strides = array<i32>} : memref<80x144xf32, #tpu.memory_space<vmem>>, vector<16xf32>,
            %get3A_462 = arith.index_cast %add3A_397 : i32 to index
            %get3A_463 = arith.constant 128 : index
            %get3A_464 = tpu.vector_load %arg27[%get3A_462, %get3A_463] {strides = array<i32>} : memref<80x144xf32, #tpu.memory_space<vmem>>, vector<16xf32>,
            %mul3A_465 = arith.mulf %get3A_464, %exp3A_409 : vector<16xf32>
            %swap3A_466 = arith.index_cast %add3A_397 : i32 to index
            %swap3A_467 = arith.constant 128 : index
            %swap3A_468 = tpu.vector_load %arg27[%swap3A_466, %swap3A_467] {strides = array<i32>} : memref<80x144xf32, #tpu.memory_space<vmem>>, vector<16xf32>,
            tpu.vector_store %arg27[%swap3A_466, %swap3A_467], %mul3A_465 {strides = array<i32>} : memref<80x144xf32, #tpu.memory_space<vmem>>, vector<16xf32>,
          }
          %scan3A_148 = arith.constant 20 : i32
          %get3A = arith.constant 0 : index
          %get3A_149 = tpu.vector_load %arg24[%get3A] {strides = array<i32>} : memref<80xi32, #tpu.memory_space<vmem>>, vector<16xi32>,
          %swap3A = arith.constant 0 : index
          %swap3A_150 = tpu.vector_load %arg25[%swap3A] {strides = array<i32>} : memref<80xi32, #tpu.memory_space<vmem>>, vector<16xi32>,
          tpu.vector_store %arg25[%swap3A], %get3A_149 {strides = array<i32>} : memref<80xi32, #tpu.memory_space<vmem>>, vector<16xi32>,
          %get3A_151 = arith.constant 16 : index
          %get3A_152 = tpu.vector_load %arg24[%get3A_151] {strides = array<i32>} : memref<80xi32, #tpu.memory_space<vmem>>, vector<16xi32>,
          %swap3A_153 = arith.constant 16 : index
          %swap3A_154 = tpu.vector_load %arg25[%swap3A_153] {strides = array<i32>} : memref<80xi32, #tpu.memory_space<vmem>>, vector<16xi32>,
          tpu.vector_store %arg25[%swap3A_153], %get3A_152 {strides = array<i32>} : memref<80xi32, #tpu.memory_space<vmem>>, vector<16xi32>,
          %get3A_155 = arith.constant 32 : index
          %get3A_156 = tpu.vector_load %arg24[%get3A_155] {strides = array<i32>} : memref<80xi32, #tpu.memory_space<vmem>>, vector<16xi32>,
          %swap3A_157 = arith.constant 32 : index
          %swap3A_158 = tpu.vector_load %arg25[%swap3A_157] {strides = array<i32>} : memref<80xi32, #tpu.memory_space<vmem>>, vector<16xi32>,
          tpu.vector_store %arg25[%swap3A_157], %get3A_156 {strides = array<i32>} : memref<80xi32, #tpu.memory_space<vmem>>, vector<16xi32>,
          %get3A_159 = arith.constant 48 : index
          %get3A_160 = tpu.vector_load %arg24[%get3A_159] {strides = array<i32>} : memref<80xi32, #tpu.memory_space<vmem>>, vector<16xi32>,
          %swap3A_161 = arith.constant 48 : index
          %swap3A_162 = tpu.vector_load %arg25[%swap3A_161] {strides = array<i32>} : memref<80xi32, #tpu.memory_space<vmem>>, vector<16xi32>,
          tpu.vector_store %arg25[%swap3A_161], %get3A_160 {strides = array<i32>} : memref<80xi32, #tpu.memory_space<vmem>>, vector<16xi32>,
          %get3A_163 = arith.constant 64 : index
          %get3A_164 = tpu.vector_load %arg24[%get3A_163] {strides = array<i32>} : memref<80xi32, #tpu.memory_space<vmem>>, vector<16xi32>,
          %swap3A_165 = arith.constant 64 : index
          %swap3A_166 = tpu.vector_load %arg25[%swap3A_165] {strides = array<i32>} : memref<80xi32, #tpu.memory_space<vmem>>, vector<16xi32>,
          tpu.vector_store %arg25[%swap3A_165], %get3A_164 {strides = array<i32>} : memref<80xi32, #tpu.memory_space<vmem>>, vector<16xi32>,
          %dma_start3A_167 = arith.constant 0 : i32
          %dma_start3A_168 = arith.constant 0 : i32
          %dma_start3A_169 = tpu.memref_slice %arg40[%dma_start3A_167, %dma_start3A_168] : memref<10000x144xf32, #tpu.memory_space<vmem_shared>> -> memref<10000x144xf32, #tpu.memory_space<vmem_shared>>
          tpu.enqueue_indirect_dma source(%arg27 : memref<80x144xf32, #tpu.memory_space<vmem>>) target(%dma_start3A_169 : memref<10000x144xf32, #tpu.memory_space<vmem_shared>>) offsets(%arg25 : memref<80xi32, #tpu.memory_space<vmem>>) semaphore(%arg39 : memref<!tpu.dma_semaphore, #tpu.memory_space<semaphore_mem>>) {add = true}
        } else {
        }
      }
      %scan3A_44 = arith.constant 250 : i32
      %dma_wait3A_45 = arith.constant 0 : i32
      %dma_wait3A_46 = arith.constant 0 : i32
      %dma_wait3A_47 = tpu.memref_slice %arg40[%dma_wait3A_45, %dma_wait3A_46] : memref<10000x144xf32, #tpu.memory_space<vmem_shared>> -> memref<10000x144xf32, #tpu.memory_space<vmem_shared>>
      tpu.wait_indirect_dma semaphore(%arg39 : memref<!tpu.dma_semaphore, #tpu.memory_space<semaphore_mem>>) src(%arg27 : memref<80x144xf32, #tpu.memory_space<vmem>>) dst(%dma_wait3A_47 : memref<10000x144xf32, #tpu.memory_space<vmem_shared>>)
      %dma_wait3A_48 = arith.constant 0 : i32
      %dma_wait3A_49 = arith.constant 0 : i32
      %dma_wait3A_50 = tpu.memref_slice %arg40[%dma_wait3A_48, %dma_wait3A_49] : memref<10000x144xf32, #tpu.memory_space<vmem_shared>> -> memref<10000x144xf32, #tpu.memory_space<vmem_shared>>
      tpu.wait_indirect_dma semaphore(%arg31 : memref<!tpu.dma_semaphore, #tpu.memory_space<semaphore_mem>>) src(%arg17 : memref<80x144xf32, #tpu.memory_space<vmem>>) dst(%dma_wait3A_50 : memref<10000x144xf32, #tpu.memory_space<vmem_shared>>)
      %barrier3A_51 = arith.constant 0 : index
      tpu.barrier barrier_id(%barrier3A_51)
      %mul3A_52 = arith.constant 624 : i32
      %mul3A_53 = arith.muli %arg1, %mul3A_52 : i32
      %mul3A_54 = arith.constant 624 : i32
      %mul3A_55 = arith.muli %arg1, %mul3A_54 : i32
      "tpu.region"() ({
        %run_scoped3A = tpu.sem_alloc : memref<!tpu.dma_semaphore, #tpu.memory_space<semaphore_mem>>
        %dma_start3A_61 = arith.constant 0 : i32
        %dma_start3A_62 = tpu.memref_slice %arg12[%mul3A_55, %dma_start3A_61] : memref<10000x144xf32, #tpu.memory_space<hbm>> -> memref<624x144xf32, #tpu.memory_space<hbm>>
        %dma_start3A_63 = arith.constant 0 : i32
        %dma_start3A_64 = tpu.memref_slice %arg40[%mul3A_53, %dma_start3A_63] : memref<10000x144xf32, #tpu.memory_space<vmem_shared>> -> memref<624x144xf32, #tpu.memory_space<vmem_shared>>
        tpu.enqueue_dma source(%dma_start3A_64 : memref<624x144xf32, #tpu.memory_space<vmem_shared>>) target(%dma_start3A_62 : memref<624x144xf32, #tpu.memory_space<hbm>>) target_semaphore(%run_scoped3A : memref<!tpu.dma_semaphore, #tpu.memory_space<semaphore_mem>>)
        %dma_wait3A_65 = arith.constant 0 : i32
        %dma_wait3A_66 = tpu.memref_slice %arg12[%mul3A_55, %dma_wait3A_65] : memref<10000x144xf32, #tpu.memory_space<hbm>> -> memref<624x144xf32, #tpu.memory_space<hbm>>
        %dma_wait3A_67 = arith.constant 0 : i32
        %dma_wait3A_68 = tpu.memref_slice %arg40[%mul3A_53, %dma_wait3A_67] : memref<10000x144xf32, #tpu.memory_space<vmem_shared>> -> memref<624x144xf32, #tpu.memory_space<vmem_shared>>
        tpu.wait_dma2 semaphore(%run_scoped3A : memref<!tpu.dma_semaphore, #tpu.memory_space<semaphore_mem>>) src(%dma_wait3A_68 : memref<624x144xf32, #tpu.memory_space<vmem_shared>>) dst(%dma_wait3A_66 : memref<624x144xf32, #tpu.memory_space<hbm>>)
        tpu.yield
      }) : () -> ()
      %eq3A_56 = arith.constant 15 : i32
      %eq3A_57 = arith.cmpi eq, %arg1, %eq3A_56 : i32
      %convert_element_type3A_58 = arith.extui %eq3A_57 : i1 to i32
      %cond3A_59 = arith.constant 0 : i32
      %cond3A_60 = arith.cmpi ne, %convert_element_type3A_58, %cond3A_59 : i32
      scf.if %cond3A_60 {
        "tpu.region"() ({
          %run_scoped3A = tpu.sem_alloc : memref<!tpu.dma_semaphore, #tpu.memory_space<semaphore_mem>>
          %dma_start3A_61 = arith.constant 9984 : i32
          %dma_start3A_62 = arith.constant 0 : i32
          %dma_start3A_63 = tpu.memref_slice %arg12[%dma_start3A_61, %dma_start3A_62] : memref<10000x144xf32, #tpu.memory_space<hbm>> -> memref<16x144xf32, #tpu.memory_space<hbm>>
          %dma_start3A_64 = arith.constant 9984 : i32
          %dma_start3A_65 = arith.constant 0 : i32
          %dma_start3A_66 = tpu.memref_slice %arg40[%dma_start3A_64, %dma_start3A_65] : memref<10000x144xf32, #tpu.memory_space<vmem_shared>> -> memref<16x144xf32, #tpu.memory_space<vmem_shared>>
          tpu.enqueue_dma source(%dma_start3A_66 : memref<16x144xf32, #tpu.memory_space<vmem_shared>>) target(%dma_start3A_63 : memref<16x144xf32, #tpu.memory_space<hbm>>) target_semaphore(%run_scoped3A : memref<!tpu.dma_semaphore, #tpu.memory_space<semaphore_mem>>)
          %dma_wait3A_67 = arith.constant 9984 : i32
          %dma_wait3A_68 = arith.constant 0 : i32
          %dma_wait3A_69 = tpu.memref_slice %arg12[%dma_wait3A_67, %dma_wait3A_68] : memref<10000x144xf32, #tpu.memory_space<hbm>> -> memref<16x144xf32, #tpu.memory_space<hbm>>
          %dma_wait3A_70 = arith.constant 9984 : i32
          %dma_wait3A_71 = arith.constant 0 : i32
          %dma_wait3A_72 = tpu.memref_slice %arg40[%dma_wait3A_70, %dma_wait3A_71] : memref<10000x144xf32, #tpu.memory_space<vmem_shared>> -> memref<16x144xf32, #tpu.memory_space<vmem_shared>>
          tpu.wait_dma2 semaphore(%run_scoped3A : memref<!tpu.dma_semaphore, #tpu.memory_space<semaphore_mem>>) src(%dma_wait3A_72 : memref<16x144xf32, #tpu.memory_space<vmem_shared>>) dst(%dma_wait3A_69 : memref<16x144xf32, #tpu.memory_space<hbm>>)
          tpu.yield
        }) : () -> ()
      } else {
      }
    } else {
    }
    return
  }
}

module attributes {stable_mosaic.version = 14 : i64} {
  func.func @_prep_body(%arg0: i32, %arg1: memref<1000x128xf32, #tpu.memory_space<vmem>>, %arg2: memref<128x128xf32, #tpu.memory_space<vmem>>, %arg3: memref<128x128xf32, #tpu.memory_space<vmem>>, %arg4: memref<128x144xf32, #tpu.memory_space<vmem>>, %arg5: memref<128x16xf32, #tpu.memory_space<vmem>>, %arg6: memref<128x144xf32, #tpu.memory_space<vmem>>, %arg7: memref<128x16xf32, #tpu.memory_space<vmem>>, %arg8: memref<1000x144xf32, #tpu.memory_space<vmem>>, %arg9: memref<1000x16xf32, #tpu.memory_space<vmem>>, %arg10: memref<1000x144xf32, #tpu.memory_space<vmem>>, %arg11: memref<1000x16xf32, #tpu.memory_space<vmem>>) attributes {dimension_semantics = [#tpu.dimension_semantics<arbitrary>], iteration_bounds = array<i64: 10>, scalar_prefetch = 0 : i64, scratch_operands = 0 : i64, tpu.core_type = #tpu.core_type<tc>, window_params = [{transform_indices = @transform_0, window_bounds = array<i64: 1000, 128>}, {pipeline_mode = #tpu.pipeline_mode<synchronous>, transform_indices = @transform_1, window_bounds = array<i64: 128, 128>}, {pipeline_mode = #tpu.pipeline_mode<synchronous>, transform_indices = @transform_2, window_bounds = array<i64: 128, 128>}, {pipeline_mode = #tpu.pipeline_mode<synchronous>, transform_indices = @transform_3, window_bounds = array<i64: 128, 144>}, {pipeline_mode = #tpu.pipeline_mode<synchronous>, transform_indices = @transform_4, window_bounds = array<i64: 128, 16>}, {pipeline_mode = #tpu.pipeline_mode<synchronous>, transform_indices = @transform_5, window_bounds = array<i64: 128, 144>}, {pipeline_mode = #tpu.pipeline_mode<synchronous>, transform_indices = @transform_6, window_bounds = array<i64: 128, 16>}, {transform_indices = @transform_7, window_bounds = array<i64: 1000, 144>}, {transform_indices = @transform_8, window_bounds = array<i64: 1000, 16>}, {transform_indices = @transform_9, window_bounds = array<i64: 1000, 144>}, {transform_indices = @transform_10, window_bounds = array<i64: 1000, 16>}]} {
    %get3A = arith.constant 0 : index
    %get3A_0 = arith.constant 0 : index
    %get3A_1 = vector.load %arg1[%get3A, %get3A_0] : memref<1000x128xf32, #tpu.memory_space<vmem>>, vector<1000x128xf32>
    %get3A_2 = arith.constant 0 : index
    %get3A_3 = arith.constant 0 : index
    %get3A_4 = vector.load %arg2[%get3A_2, %get3A_3] : memref<128x128xf32, #tpu.memory_space<vmem>>, vector<128x128xf32>
    %dot_general3A = arith.constant dense<0.000000e+00> : vector<1000x128xf32>
    %dot_general3A_5 = tpu.matmul %get3A_1, %get3A_4, %dot_general3A {dimension_numbers = #tpu.dot_dimension_numbers<[1], [0], [0], [1], [0, 0, 1, 1], [], []>, transpose_lhs_hint = false} : vector<1000x128xf32>, vector<128x128xf32>, vector<1000x128xf32> -> vector<1000x128xf32>
    %get3A_6 = arith.constant 0 : index
    %get3A_7 = arith.constant 0 : index
    %get3A_8 = vector.load %arg5[%get3A_6, %get3A_7] : memref<128x16xf32, #tpu.memory_space<vmem>>, vector<128x16xf32>
    %dot_general3A_9 = arith.constant dense<0.000000e+00> : vector<1000x16xf32>
    %dot_general3A_10 = tpu.matmul %dot_general3A_5, %get3A_8, %dot_general3A_9 {dimension_numbers = #tpu.dot_dimension_numbers<[1], [0], [0], [1], [0, 0, 1, 1], [], []>, transpose_lhs_hint = false} : vector<1000x128xf32>, vector<128x16xf32>, vector<1000x16xf32> -> vector<1000x16xf32>
    %swap3A = arith.constant 0 : index
    %swap3A_11 = arith.constant 0 : index
    %swap3A_12 = vector.load %arg9[%swap3A, %swap3A_11] : memref<1000x16xf32, #tpu.memory_space<vmem>>, vector<1000x16xf32>
    tpu.vector_store %arg9[%swap3A, %swap3A_11], %dot_general3A_10 {strides = array<i32>} : memref<1000x16xf32, #tpu.memory_space<vmem>>, vector<1000x16xf32>,
    %get3A_13 = arith.constant 0 : index
    %get3A_14 = arith.constant 0 : index
    %get3A_15 = vector.load %arg4[%get3A_13, %get3A_14] : memref<128x144xf32, #tpu.memory_space<vmem>>, vector<128x144xf32>
    %dot_general3A_16 = arith.constant dense<0.000000e+00> : vector<1000x144xf32>
    %dot_general3A_17 = tpu.matmul %dot_general3A_5, %get3A_15, %dot_general3A_16 {dimension_numbers = #tpu.dot_dimension_numbers<[1], [0], [0], [1], [0, 0, 1, 1], [], []>, transpose_lhs_hint = false} : vector<1000x128xf32>, vector<128x144xf32>, vector<1000x144xf32> -> vector<1000x144xf32>
    %swap3A_18 = arith.constant 0 : index
    %swap3A_19 = arith.constant 0 : index
    %swap3A_20 = vector.load %arg8[%swap3A_18, %swap3A_19] : memref<1000x144xf32, #tpu.memory_space<vmem>>, vector<1000x144xf32>
    tpu.vector_store %arg8[%swap3A_18, %swap3A_19], %dot_general3A_17 {strides = array<i32>} : memref<1000x144xf32, #tpu.memory_space<vmem>>, vector<1000x144xf32>,
    %get3A_21 = arith.constant 0 : index
    %get3A_22 = arith.constant 0 : index
    %get3A_23 = vector.load %arg3[%get3A_21, %get3A_22] : memref<128x128xf32, #tpu.memory_space<vmem>>, vector<128x128xf32>
    %dot_general3A_24 = arith.constant dense<0.000000e+00> : vector<1000x128xf32>
    %dot_general3A_25 = tpu.matmul %get3A_1, %get3A_23, %dot_general3A_24 {dimension_numbers = #tpu.dot_dimension_numbers<[1], [0], [0], [1], [0, 0, 1, 1], [], []>, transpose_lhs_hint = false} : vector<1000x128xf32>, vector<128x128xf32>, vector<1000x128xf32> -> vector<1000x128xf32>
    %get3A_26 = arith.constant 0 : index
    %get3A_27 = arith.constant 0 : index
    %get3A_28 = vector.load %arg7[%get3A_26, %get3A_27] : memref<128x16xf32, #tpu.memory_space<vmem>>, vector<128x16xf32>
    %dot_general3A_29 = arith.constant dense<0.000000e+00> : vector<1000x16xf32>
    %dot_general3A_30 = tpu.matmul %dot_general3A_25, %get3A_28, %dot_general3A_29 {dimension_numbers = #tpu.dot_dimension_numbers<[1], [0], [0], [1], [0, 0, 1, 1], [], []>, transpose_lhs_hint = false} : vector<1000x128xf32>, vector<128x16xf32>, vector<1000x16xf32> -> vector<1000x16xf32>
    %swap3A_31 = arith.constant 0 : index
    %swap3A_32 = arith.constant 0 : index
    %swap3A_33 = vector.load %arg11[%swap3A_31, %swap3A_32] : memref<1000x16xf32, #tpu.memory_space<vmem>>, vector<1000x16xf32>
    tpu.vector_store %arg11[%swap3A_31, %swap3A_32], %dot_general3A_30 {strides = array<i32>} : memref<1000x16xf32, #tpu.memory_space<vmem>>, vector<1000x16xf32>,
    %get3A_34 = arith.constant 0 : index
    %get3A_35 = arith.constant 0 : index
    %get3A_36 = vector.load %arg6[%get3A_34, %get3A_35] : memref<128x144xf32, #tpu.memory_space<vmem>>, vector<128x144xf32>
    %dot_general3A_37 = arith.constant dense<0.000000e+00> : vector<1000x144xf32>
    %dot_general3A_38 = tpu.matmul %dot_general3A_25, %get3A_36, %dot_general3A_37 {dimension_numbers = #tpu.dot_dimension_numbers<[1], [0], [0], [1], [0, 0, 1, 1], [], []>, transpose_lhs_hint = false} : vector<1000x128xf32>, vector<128x144xf32>, vector<1000x144xf32> -> vector<1000x144xf32>
    %swap3A_39 = arith.constant 0 : index
    %swap3A_40 = arith.constant 0 : index
    %swap3A_41 = vector.load %arg10[%swap3A_39, %swap3A_40] : memref<1000x144xf32, #tpu.memory_space<vmem>>, vector<1000x144xf32>
    tpu.vector_store %arg10[%swap3A_39, %swap3A_40], %dot_general3A_38 {strides = array<i32>} : memref<1000x144xf32, #tpu.memory_space<vmem>>, vector<1000x144xf32>,
    return
  }
  func.func @transform_0(%arg0: i32) -> (i32, i32) {
    %c0_i32 = arith.constant 0 : i32
    %c0_i32_0 = arith.constant 0 : i32
    return %arg0, %c0_i32 : i32, i32
  }
  func.func @transform_1(%arg0: i32) -> (i32, i32) {
    %c0_i32 = arith.constant 0 : i32
    %c0_i32_0 = arith.constant 0 : i32
    %c0_i32_1 = arith.constant 0 : i32
    return %c0_i32, %c0_i32_0 : i32, i32
  }
  func.func @transform_2(%arg0: i32) -> (i32, i32) {
    %c0_i32 = arith.constant 0 : i32
    %c0_i32_0 = arith.constant 0 : i32
    %c0_i32_1 = arith.constant 0 : i32
    return %c0_i32, %c0_i32_0 : i32, i32
  }
  func.func @transform_3(%arg0: i32) -> (i32, i32) {
    %c0_i32 = arith.constant 0 : i32
    %c0_i32_0 = arith.constant 0 : i32
    %c0_i32_1 = arith.constant 0 : i32
    return %c0_i32, %c0_i32_0 : i32, i32
  }
  func.func @transform_4(%arg0: i32) -> (i32, i32) {
    %c0_i32 = arith.constant 0 : i32
    %c0_i32_0 = arith.constant 0 : i32
    %c0_i32_1 = arith.constant 0 : i32
    return %c0_i32, %c0_i32_0 : i32, i32
  }
  func.func @transform_5(%arg0: i32) -> (i32, i32) {
    %c0_i32 = arith.constant 0 : i32
    %c0_i32_0 = arith.constant 0 : i32
    %c0_i32_1 = arith.constant 0 : i32
    return %c0_i32, %c0_i32_0 : i32, i32
  }
  func.func @transform_6(%arg0: i32) -> (i32, i32) {
    %c0_i32 = arith.constant 0 : i32
    %c0_i32_0 = arith.constant 0 : i32
    %c0_i32_1 = arith.constant 0 : i32
    return %c0_i32, %c0_i32_0 : i32, i32
  }
  func.func @transform_7(%arg0: i32) -> (i32, i32) {
    %c0_i32 = arith.constant 0 : i32
    %c0_i32_0 = arith.constant 0 : i32
    return %arg0, %c0_i32 : i32, i32
  }
  func.func @transform_8(%arg0: i32) -> (i32, i32) {
    %c0_i32 = arith.constant 0 : i32
    %c0_i32_0 = arith.constant 0 : i32
    return %arg0, %c0_i32 : i32, i32
  }
  func.func @transform_9(%arg0: i32) -> (i32, i32) {
    %c0_i32 = arith.constant 0 : i32
    %c0_i32_0 = arith.constant 0 : i32
    return %arg0, %c0_i32 : i32, i32
  }
  func.func @transform_10(%arg0: i32) -> (i32, i32) {
    %c0_i32 = arith.constant 0 : i32
    %c0_i32_0 = arith.constant 0 : i32
    return %arg0, %c0_i32 : i32, i32
  }
}

module attributes {stable_mosaic.version = 14 : i64} {
  func.func @_post_body(%arg0: i32, %arg1: memref<1000x16xf32, #tpu.memory_space<vmem>>, %arg2: memref<1000x128xf32, #tpu.memory_space<vmem>>, %arg3: memref<1000x16xf32, #tpu.memory_space<vmem>>, %arg4: memref<1000x128xf32, #tpu.memory_space<vmem>>, %arg5: memref<1x128xf32, #tpu.memory_space<vmem>>, %arg6: memref<1x128xf32, #tpu.memory_space<vmem>>, %arg7: memref<128x128xf32, #tpu.memory_space<vmem>>, %arg8: memref<1x128xf32, #tpu.memory_space<vmem>>, %arg9: memref<1x128xf32, #tpu.memory_space<vmem>>, %arg10: memref<16x128xf32, #tpu.memory_space<vmem>>, %arg11: memref<128x128xf32, #tpu.memory_space<vmem>>, %arg12: memref<1000x128xf32, #tpu.memory_space<vmem>>) attributes {dimension_semantics = [#tpu.dimension_semantics<arbitrary>], iteration_bounds = array<i64: 10>, scalar_prefetch = 0 : i64, scratch_operands = 0 : i64, tpu.core_type = #tpu.core_type<tc>, window_params = [{transform_indices = @transform_0, window_bounds = array<i64: 1000, 16>}, {transform_indices = @transform_1, window_bounds = array<i64: 1000, 128>}, {transform_indices = @transform_2, window_bounds = array<i64: 1000, 16>}, {transform_indices = @transform_3, window_bounds = array<i64: 1000, 128>}, {pipeline_mode = #tpu.pipeline_mode<synchronous>, transform_indices = @transform_4, window_bounds = array<i64: 1, 128>}, {pipeline_mode = #tpu.pipeline_mode<synchronous>, transform_indices = @transform_5, window_bounds = array<i64: 1, 128>}, {pipeline_mode = #tpu.pipeline_mode<synchronous>, transform_indices = @transform_6, window_bounds = array<i64: 128, 128>}, {pipeline_mode = #tpu.pipeline_mode<synchronous>, transform_indices = @transform_7, window_bounds = array<i64: 1, 128>}, {pipeline_mode = #tpu.pipeline_mode<synchronous>, transform_indices = @transform_8, window_bounds = array<i64: 1, 128>}, {pipeline_mode = #tpu.pipeline_mode<synchronous>, transform_indices = @transform_9, window_bounds = array<i64: 16, 128>}, {pipeline_mode = #tpu.pipeline_mode<synchronous>, transform_indices = @transform_10, window_bounds = array<i64: 128, 128>}, {transform_indices = @transform_11, window_bounds = array<i64: 1000, 128>}]} {
    %get3A = arith.constant 0 : index
    %get3A_0 = arith.constant 0 : index
    %get3A_1 = vector.load %arg10[%get3A, %get3A_0] : memref<16x128xf32, #tpu.memory_space<vmem>>, vector<16x128xf32>
    %get3A_2 = arith.constant 0 : index
    %get3A_3 = arith.constant 0 : index
    %get3A_4 = vector.load %arg1[%get3A_2, %get3A_3] : memref<1000x16xf32, #tpu.memory_space<vmem>>, vector<1000x16xf32>
    %gt3A = arith.constant 0.000000e+00 : f32
    %gt3A_5 = vector.broadcast %gt3A : f32 to vector<1000x16xf32>
    %gt3A_6 = arith.cmpf ogt, %get3A_4, %gt3A_5 : vector<1000x16xf32>
    %jit3A = arith.constant 1.000000e+00 : f32
    %broadcast_in_dim3A = vector.broadcast %jit3A : f32 to vector<1000x16xf32>
    %select_n3A = arith.select %gt3A_6, %get3A_4, %broadcast_in_dim3A : vector<1000x16xi1>, vector<1000x16xf32>
    %div3A = arith.constant 1.000000e+00 : f32
    %div3A_7 = vector.broadcast %div3A : f32 to vector<1000x16xf32>
    %div3A_8 = arith.divf %div3A_7, %select_n3A : vector<1000x16xf32>
    %get3A_9 = arith.constant 0 : index
    %get3A_10 = arith.constant 0 : index
    %get3A_11 = vector.load %arg2[%get3A_9, %get3A_10] : memref<1000x128xf32, #tpu.memory_space<vmem>>, vector<1000x128xf32>
    %dot_general3A = arith.constant dense<0.000000e+00> : vector<1000x128xf32>
    %dot_general3A_12 = tpu.matmul %div3A_8, %get3A_1, %dot_general3A {dimension_numbers = #tpu.dot_dimension_numbers<[1], [0], [0], [1], [0, 0, 1, 1], [], []>, transpose_lhs_hint = false} : vector<1000x16xf32>, vector<16x128xf32>, vector<1000x128xf32> -> vector<1000x128xf32>
    %mul3A = arith.mulf %get3A_11, %dot_general3A_12 : vector<1000x128xf32>
    %get3A_13 = arith.constant 0 : index
    %get3A_14 = arith.constant 0 : index
    %get3A_15 = vector.load %arg5[%get3A_13, %get3A_14] : memref<1x128xf32, #tpu.memory_space<vmem>>, vector<1x128xf32>
    %add3A = vector.broadcast %get3A_15 : vector<1x128xf32> to vector<1000x128xf32>
    %add3A_16 = arith.addf %mul3A, %add3A : vector<1000x128xf32>
    %gt3A_17 = arith.constant 0.000000e+00 : f32
    %gt3A_18 = vector.broadcast %gt3A_17 : f32 to vector<1000x128xf32>
    %gt3A_19 = arith.cmpf ogt, %add3A_16, %gt3A_18 : vector<1000x128xf32>
    %min3A = arith.constant 0.000000e+00 : f32
    %min3A_20 = vector.broadcast %min3A : f32 to vector<1000x128xf32>
    %min3A_21 = arith.minimumf %add3A_16, %min3A_20 : vector<1000x128xf32>
    %exp3A = math.exp %min3A_21 : vector<1000x128xf32>
    %sub3A = arith.constant 1.000000e+00 : f32
    %sub3A_22 = vector.broadcast %sub3A : f32 to vector<1000x128xf32>
    %sub3A_23 = arith.subf %exp3A, %sub3A_22 : vector<1000x128xf32>
    %select_n3A_24 = arith.select %gt3A_19, %add3A_16, %sub3A_23 : vector<1000x128xi1>, vector<1000x128xf32>
    %get3A_25 = arith.constant 0 : index
    %get3A_26 = arith.constant 0 : index
    %get3A_27 = vector.load %arg7[%get3A_25, %get3A_26] : memref<128x128xf32, #tpu.memory_space<vmem>>, vector<128x128xf32>
    %dot_general3A_28 = arith.constant dense<0.000000e+00> : vector<1000x128xf32>
    %dot_general3A_29 = tpu.matmul %select_n3A_24, %get3A_27, %dot_general3A_28 {dimension_numbers = #tpu.dot_dimension_numbers<[1], [0], [0], [1], [0, 0, 1, 1], [], []>, transpose_lhs_hint = false} : vector<1000x128xf32>, vector<128x128xf32>, vector<1000x128xf32> -> vector<1000x128xf32>
    %get3A_30 = arith.constant 0 : index
    %get3A_31 = arith.constant 0 : index
    %get3A_32 = vector.load %arg8[%get3A_30, %get3A_31] : memref<1x128xf32, #tpu.memory_space<vmem>>, vector<1x128xf32>
    %add3A_33 = vector.broadcast %get3A_32 : vector<1x128xf32> to vector<1000x128xf32>
    %add3A_34 = arith.addf %dot_general3A_29, %add3A_33 : vector<1000x128xf32>
    %tanh3A = math.tanh %add3A_34 : vector<1000x128xf32>
    %get3A_35 = arith.constant 0 : index
    %get3A_36 = arith.constant 0 : index
    %get3A_37 = vector.load %arg9[%get3A_35, %get3A_36] : memref<1x128xf32, #tpu.memory_space<vmem>>, vector<1x128xf32>
    %mul3A_38 = vector.broadcast %get3A_37 : vector<1x128xf32> to vector<1000x128xf32>
    %mul3A_39 = arith.mulf %tanh3A, %mul3A_38 : vector<1000x128xf32>
    %reduce_sum3A = arith.constant dense<0.000000e+00> : vector<1000xf32>
    %reduce_sum3A_40 = vector.multi_reduction <add>, %mul3A_39, %reduce_sum3A [1] : vector<1000x128xf32> to vector<1000xf32>
    %broadcast_in_dim3A_41 = vector.shape_cast %reduce_sum3A_40 : vector<1000xf32> to vector<1000x1xf32>
    %get3A_42 = arith.constant 0 : index
    %get3A_43 = arith.constant 0 : index
    %get3A_44 = vector.load %arg3[%get3A_42, %get3A_43] : memref<1000x16xf32, #tpu.memory_space<vmem>>, vector<1000x16xf32>
    %gt3A_45 = arith.constant 0.000000e+00 : f32
    %gt3A_46 = vector.broadcast %gt3A_45 : f32 to vector<1000x16xf32>
    %gt3A_47 = arith.cmpf ogt, %get3A_44, %gt3A_46 : vector<1000x16xf32>
    %jit3A_48 = arith.constant 1.000000e+00 : f32
    %broadcast_in_dim3A_49 = vector.broadcast %jit3A_48 : f32 to vector<1000x16xf32>
    %select_n3A_50 = arith.select %gt3A_47, %get3A_44, %broadcast_in_dim3A_49 : vector<1000x16xi1>, vector<1000x16xf32>
    %div3A_51 = arith.constant 1.000000e+00 : f32
    %div3A_52 = vector.broadcast %div3A_51 : f32 to vector<1000x16xf32>
    %div3A_53 = arith.divf %div3A_52, %select_n3A_50 : vector<1000x16xf32>
    %get3A_54 = arith.constant 0 : index
    %get3A_55 = arith.constant 0 : index
    %get3A_56 = vector.load %arg4[%get3A_54, %get3A_55] : memref<1000x128xf32, #tpu.memory_space<vmem>>, vector<1000x128xf32>
    %dot_general3A_57 = arith.constant dense<0.000000e+00> : vector<1000x128xf32>
    %dot_general3A_58 = tpu.matmul %div3A_53, %get3A_1, %dot_general3A_57 {dimension_numbers = #tpu.dot_dimension_numbers<[1], [0], [0], [1], [0, 0, 1, 1], [], []>, transpose_lhs_hint = false} : vector<1000x16xf32>, vector<16x128xf32>, vector<1000x128xf32> -> vector<1000x128xf32>
    %mul3A_59 = arith.mulf %get3A_56, %dot_general3A_58 : vector<1000x128xf32>
    %get3A_60 = arith.constant 0 : index
    %get3A_61 = arith.constant 0 : index
    %get3A_62 = vector.load %arg6[%get3A_60, %get3A_61] : memref<1x128xf32, #tpu.memory_space<vmem>>, vector<1x128xf32>
    %add3A_63 = vector.broadcast %get3A_62 : vector<1x128xf32> to vector<1000x128xf32>
    %add3A_64 = arith.addf %mul3A_59, %add3A_63 : vector<1000x128xf32>
    %gt3A_65 = arith.constant 0.000000e+00 : f32
    %gt3A_66 = vector.broadcast %gt3A_65 : f32 to vector<1000x128xf32>
    %gt3A_67 = arith.cmpf ogt, %add3A_64, %gt3A_66 : vector<1000x128xf32>
    %min3A_68 = arith.constant 0.000000e+00 : f32
    %min3A_69 = vector.broadcast %min3A_68 : f32 to vector<1000x128xf32>
    %min3A_70 = arith.minimumf %add3A_64, %min3A_69 : vector<1000x128xf32>
    %exp3A_71 = math.exp %min3A_70 : vector<1000x128xf32>
    %sub3A_72 = arith.constant 1.000000e+00 : f32
    %sub3A_73 = vector.broadcast %sub3A_72 : f32 to vector<1000x128xf32>
    %sub3A_74 = arith.subf %exp3A_71, %sub3A_73 : vector<1000x128xf32>
    %select_n3A_75 = arith.select %gt3A_67, %add3A_64, %sub3A_74 : vector<1000x128xi1>, vector<1000x128xf32>
    %get3A_76 = arith.constant 0 : index
    %get3A_77 = arith.constant 0 : index
    %get3A_78 = vector.load %arg7[%get3A_76, %get3A_77] : memref<128x128xf32, #tpu.memory_space<vmem>>, vector<128x128xf32>
    %dot_general3A_79 = arith.constant dense<0.000000e+00> : vector<1000x128xf32>
    %dot_general3A_80 = tpu.matmul %select_n3A_75, %get3A_78, %dot_general3A_79 {dimension_numbers = #tpu.dot_dimension_numbers<[1], [0], [0], [1], [0, 0, 1, 1], [], []>, transpose_lhs_hint = false} : vector<1000x128xf32>, vector<128x128xf32>, vector<1000x128xf32> -> vector<1000x128xf32>
    %get3A_81 = arith.constant 0 : index
    %get3A_82 = arith.constant 0 : index
    %get3A_83 = vector.load %arg8[%get3A_81, %get3A_82] : memref<1x128xf32, #tpu.memory_space<vmem>>, vector<1x128xf32>
    %add3A_84 = vector.broadcast %get3A_83 : vector<1x128xf32> to vector<1000x128xf32>
    %add3A_85 = arith.addf %dot_general3A_80, %add3A_84 : vector<1000x128xf32>
    %tanh3A_86 = math.tanh %add3A_85 : vector<1000x128xf32>
    %get3A_87 = arith.constant 0 : index
    %get3A_88 = arith.constant 0 : index
    %get3A_89 = vector.load %arg9[%get3A_87, %get3A_88] : memref<1x128xf32, #tpu.memory_space<vmem>>, vector<1x128xf32>
    %mul3A_90 = vector.broadcast %get3A_89 : vector<1x128xf32> to vector<1000x128xf32>
    %mul3A_91 = arith.mulf %tanh3A_86, %mul3A_90 : vector<1000x128xf32>
    %reduce_sum3A_92 = arith.constant dense<0.000000e+00> : vector<1000xf32>
    %reduce_sum3A_93 = vector.multi_reduction <add>, %mul3A_91, %reduce_sum3A_92 [1] : vector<1000x128xf32> to vector<1000xf32>
    %broadcast_in_dim3A_94 = vector.shape_cast %reduce_sum3A_93 : vector<1000xf32> to vector<1000x1xf32>
    %max3A = arith.maximumf %broadcast_in_dim3A_41, %broadcast_in_dim3A_94 : vector<1000x1xf32>
    %sub3A_95 = arith.subf %broadcast_in_dim3A_41, %max3A : vector<1000x1xf32>
    %exp3A_96 = math.exp %sub3A_95 : vector<1000x1xf32>
    %sub3A_97 = arith.subf %broadcast_in_dim3A_94, %max3A : vector<1000x1xf32>
    %exp3A_98 = math.exp %sub3A_97 : vector<1000x1xf32>
    %mul3A_99 = vector.broadcast %exp3A_96 : vector<1000x1xf32> to vector<1000x128xf32>
    %mul3A_100 = arith.mulf %mul3A_99, %select_n3A_24 : vector<1000x128xf32>
    %mul3A_101 = vector.broadcast %exp3A_98 : vector<1000x1xf32> to vector<1000x128xf32>
    %mul3A_102 = arith.mulf %mul3A_101, %select_n3A_75 : vector<1000x128xf32>
    %add3A_103 = arith.addf %mul3A_100, %mul3A_102 : vector<1000x128xf32>
    %add3A_104 = arith.addf %exp3A_96, %exp3A_98 : vector<1000x1xf32>
    %div3A_105 = vector.broadcast %add3A_104 : vector<1000x1xf32> to vector<1000x128xf32>
    %div3A_106 = arith.divf %add3A_103, %div3A_105 : vector<1000x128xf32>
    %get3A_107 = arith.constant 0 : index
    %get3A_108 = arith.constant 0 : index
    %get3A_109 = vector.load %arg11[%get3A_107, %get3A_108] : memref<128x128xf32, #tpu.memory_space<vmem>>, vector<128x128xf32>
    %dot_general3A_110 = arith.constant dense<0.000000e+00> : vector<1000x128xf32>
    %dot_general3A_111 = tpu.matmul %div3A_106, %get3A_109, %dot_general3A_110 {dimension_numbers = #tpu.dot_dimension_numbers<[1], [0], [0], [1], [0, 0, 1, 1], [], []>, transpose_lhs_hint = false} : vector<1000x128xf32>, vector<128x128xf32>, vector<1000x128xf32> -> vector<1000x128xf32>
    %swap3A = arith.constant 0 : index
    %swap3A_112 = arith.constant 0 : index
    %swap3A_113 = vector.load %arg12[%swap3A, %swap3A_112] : memref<1000x128xf32, #tpu.memory_space<vmem>>, vector<1000x128xf32>
    tpu.vector_store %arg12[%swap3A, %swap3A_112], %dot_general3A_111 {strides = array<i32>} : memref<1000x128xf32, #tpu.memory_space<vmem>>, vector<1000x128xf32>,
    return
  }
  func.func @transform_0(%arg0: i32) -> (i32, i32) {
    %c0_i32 = arith.constant 0 : i32
    %c0_i32_0 = arith.constant 0 : i32
    return %arg0, %c0_i32 : i32, i32
  }
  func.func @transform_1(%arg0: i32) -> (i32, i32) {
    %c0_i32 = arith.constant 0 : i32
    %c0_i32_0 = arith.constant 0 : i32
    return %arg0, %c0_i32 : i32, i32
  }
  func.func @transform_2(%arg0: i32) -> (i32, i32) {
    %c0_i32 = arith.constant 0 : i32
    %c0_i32_0 = arith.constant 0 : i32
    return %arg0, %c0_i32 : i32, i32
  }
  func.func @transform_3(%arg0: i32) -> (i32, i32) {
    %c0_i32 = arith.constant 0 : i32
    %c0_i32_0 = arith.constant 0 : i32
    return %arg0, %c0_i32 : i32, i32
  }
  func.func @transform_4(%arg0: i32) -> (i32, i32) {
    %c0_i32 = arith.constant 0 : i32
    %c0_i32_0 = arith.constant 0 : i32
    %c0_i32_1 = arith.constant 0 : i32
    return %c0_i32, %c0_i32_0 : i32, i32
  }
  func.func @transform_5(%arg0: i32) -> (i32, i32) {
    %c0_i32 = arith.constant 0 : i32
    %c0_i32_0 = arith.constant 0 : i32
    %c0_i32_1 = arith.constant 0 : i32
    return %c0_i32, %c0_i32_0 : i32, i32
  }
  func.func @transform_6(%arg0: i32) -> (i32, i32) {
    %c0_i32 = arith.constant 0 : i32
    %c0_i32_0 = arith.constant 0 : i32
    %c0_i32_1 = arith.constant 0 : i32
    return %c0_i32, %c0_i32_0 : i32, i32
  }
  func.func @transform_7(%arg0: i32) -> (i32, i32) {
    %c0_i32 = arith.constant 0 : i32
    %c0_i32_0 = arith.constant 0 : i32
    %c0_i32_1 = arith.constant 0 : i32
    return %c0_i32, %c0_i32_0 : i32, i32
  }
  func.func @transform_8(%arg0: i32) -> (i32, i32) {
    %c0_i32 = arith.constant 0 : i32
    %c0_i32_0 = arith.constant 0 : i32
    %c0_i32_1 = arith.constant 0 : i32
    return %c0_i32, %c0_i32_0 : i32, i32
  }
  func.func @transform_9(%arg0: i32) -> (i32, i32) {
    %c0_i32 = arith.constant 0 : i32
    %c0_i32_0 = arith.constant 0 : i32
    %c0_i32_1 = arith.constant 0 : i32
    return %c0_i32, %c0_i32_0 : i32, i32
  }
  func.func @transform_10(%arg0: i32) -> (i32, i32) {
    %c0_i32 = arith.constant 0 : i32
    %c0_i32_0 = arith.constant 0 : i32
    %c0_i32_1 = arith.constant 0 : i32
    return %c0_i32, %c0_i32_0 : i32, i32
  }
  func.func @transform_11(%arg0: i32) -> (i32, i32) {
    %c0_i32 = arith.constant 0 : i32
    %c0_i32_0 = arith.constant 0 : i32
    return %arg0, %c0_i32 : i32, i32
  }
}

</mosaic_0001>

<sc_bundles>
// kernel: kernel.5.cloned.1.call-start
scs
__scs_entry_jumppad:
0x0: {  	(pc) =	sbr.rel $0x88, $3  }
0x1: {  	(tag) =	ssettag $0x0;
	lr =	simm.s32 $0x1  }
0x2: {  	[smem:$0x3F93] =	sst lr;
	_ =	strace $0xD0000000  }
0x3: {  	_ = 	snop  }
0x4: {  	_ = 	snop  }
0x5: {  	_ = 	snop  }
0x6: {  	_ = 	snop  }
0x7: {  	_ = 	snop  }
__scs_overlays_trampoline_lowered:
0x8: {  	[smem:$0x3FA2] =	sst s0  }
0x9: {  	[smem:$0x3FA3] =	sst s1  }
0xa: {  	[smem:$0x3FA4] =	sst s2  }
0xb: {  	[smem:$0x3FA5] =	sst s3  }
0xc: {  	[smem:$0x3FA6] =	sst s4  }
0xd: {  	[smem:$0x3FA7] =	sst s5  }
0xe: {  	[smem:$0x3FA8] =	sst s6  }
0xf: {  	[smem:$0x3FA9] =	sst s7  }
0x10: {  	[smem:$0x3FAA] =	sst s8  }
0x11: {  	[smem:$0x3FAB] =	sst s9;
	s0 =	simm.s32 @!p0 $0x0  }
0x12: {  	s1 =	sld [smem:$0x3F91];
	s0 =	simm.s32 @p0 $0x1  }
0x13: {  	[smem:$0x3FAC] =	sst s0;
	s0 =	simm.s32 @!p1 $0x0  }
0x14: {  	s2 =	sld [smem:$0x3F90];
	s0 =	simm.s32 @p1 $0x1  }
0x15: {  	[smem:$0x3FAD] =	sst s0;
	s0 =	simm.s32 @!p2 $0x0  }
0x16: {  	s3 =	sld [smem:$0x3FDB];
	s0 =	simm.s32 @p2 $0x1  }
0x17: {  	s4 =	simm.s32 $0x1BF5;
	[smem:$0x3FAF] =	sst s0  }
0x18: {  	s0 =	sld [smem:$0x3F92];
	_ =	swait.ge [sflag:s4], $0x0  }
0x19: {  	s7 =	sld [smem:$0x3F93]  }
0x1a: {  	s8 =	sadd.s32 $0xFFFFE003, lr  }
0x1b: {  	s9 =	sadd.s32 $0xFFFFFEF7, lr;
	s5 =	simm.s32 $0xFFFFFFFF;
	p2 =	slt.u32 s8, $0xFFFFF086  }
0x1c: {  	p1 =	slt.u32 s9, $0xF7A;
	s5 =	simm.s32 @!p2 $0x0  }
0x1d: {  	s5 =	simm.s32 @p1 $0x1;
	p0 =	seq.s32 s7, s2  }
0x1e: {  	s7 =	smul.u32 @!p0 $0xF7A, s2;
	p2 =	seq.s32 @!p0 s5, $0x0  }
0x1f: {  	s9 =	smul.u32 $0xF7A, s1;
	s8 =	simm.s32 @!p0 $0x1BF5;
	p2 =	por !p2, p0  }
0x20: {  	[sflag:s8] =	ssyncset.s32 @!p0 $0xFFFFF086;
	s6 =	sadd.s32 @!p0 s3, s7;
	s7 =	simm.s32 @!p0 $0x108  }
0x21: {  	s3 =	sadd.s32 s3, s9;
	s6 =	sadd.s32 @!p0 $0x88, s6;
	s7 =	simm.s32 @p2 $0x1082  }
0x22: {  	[simem:s7], [sflag:s8] =	dma.local @!p0 [hbm:s6], $0xF7A  }
0x23: {  	s9 =	sor.u32 $0xD0000000, s2;
	s6 =	simm.s32 $0x108;
	_ =	swait.ge @!p0 [sflag:s8], $0x0  }
0x24: {  	s3 =	sadd.s32 $0x88, s3;
	s6 =	simm.s32 @!p1 $0x1082;
	[sflag:s4] =	ssyncset.s32 $0xFFFFF086  }
0x25: {  	[simem:s6], [sflag:s4] =	dma.local [hbm:s3], $0xF7A  }
0x26: {  	[smem:$0x3F93] =	sst s1;
	(tag) =	ssettag s2;
	_ =	strace s9  }
0x27: {  	s1 =	sld [smem:$0x3FA3]  }
0x28: {  	s2 =	sld [smem:$0x3FA4]  }
0x29: {  	s4 =	sld [smem:$0x3FA6]  }
0x2a: {  	p0 =	seq.s32 s5, $0x0;
	s5 =	sld [smem:$0x3FA7]  }
0x2b: {  	s6 =	sld [smem:$0x3FA8]  }
0x2c: {  	s7 =	sld [smem:$0x3FA9]  }
0x2d: {  	s3 =	simm.s32 $0x108;
	s8 =	sld [smem:$0x3FAA]  }
0x2e: {  	s3 =	simm.s32 @!p0 $0x1082;
	s9 =	sld [smem:$0x3FAB]  }
0x2f: {  	lr =	sadd.s32 s0, s3;
	s0 =	sld [smem:$0x3FA2]  }
0x30: {  	s3 =	sld [smem:$0x3FA5]  }
0x31: {  	[smem:$0x3FAE] =	sst s10  }
0x32: {  	s10 =	sld [smem:$0x3FAC];
	_ =	sdelay $0x3  }
0x33: {  	p0 =	seq.s32 s10, $0x1;
	s10 =	sld [smem:$0x3FAE];
	_ =	sdelay $0x3  }
0x34: {  	[smem:$0x3FAE] =	sst s10  }
0x35: {  	s10 =	sld [smem:$0x3FAD];
	_ =	sdelay $0x3  }
0x36: {  	p1 =	seq.s32 s10, $0x1;
	s10 =	sld [smem:$0x3FAE];
	_ =	sdelay $0x3  }
0x37: {  	[smem:$0x3FAE] =	sst s10  }
0x38: {  	s10 =	sld [smem:$0x3FAF]  }
0x39: {  	_ = 	snop;
	(pc) =	sbr.ind lr, $3  }
0x3a: {  	_ = 	snop  }
0x3b: {  	_ = 	snop  }
0x3c: {  	p2 =	seq.s32 s10, $0x1;
	s10 =	sld [smem:$0x3FAE]  }
0x3d: {  	_ =	shalt  }
0x3e: {  	_ =	shalt  }
0x3f: {  	_ =	shalt  }
0x40: {  	_ =	shalt  }
0x41: {  	_ =	shalt  }
0x42: {  	_ =	shalt  }
0x43: {  	_ =	shalt  }
0x44: {  	_ =	shalt  }
0x45: {  	_ =	shalt  }
0x46: {  	_ =	shalt  }
0x47: {  	_ =	shalt  }
0x48: {  	_ =	shalt  }
0x49: {  	_ =	shalt  }
0x4a: {  	_ =	shalt  }
0x4b: {  	_ =	shalt  }
0x4c: {  	_ =	shalt  }
0x4d: {  	_ =	shalt  }
0x4e: {  	_ =	shalt  }
0x4f: {  	_ =	shalt  }
0x50: {  	_ =	shalt  }
0x51: {  	_ =	shalt  }
0x52: {  	_ =	shalt  }
0x53: {  	_ =	shalt  }
0x54: {  	_ =	shalt  }
0x55: {  	_ =	shalt  }
0x56: {  	_ =	shalt  }
0x57: {  	_ =	shalt  }
0x58: {  	_ =	shalt  }
0x59: {  	_ =	shalt  }
0x5a: {  	_ =	shalt  }
0x5b: {  	_ =	shalt  }
0x5c: {  	_ =	shalt  }
0x5d: {  	_ =	shalt  }
0x5e: {  	_ =	shalt  }
0x5f: {  	_ =	shalt  }
0x60: {  	_ =	shalt  }
0x61: {  	_ =	shalt  }
0x62: {  	_ =	shalt  }
0x63: {  	_ =	shalt  }
0x64: {  	_ =	shalt  }
0x65: {  	_ =	shalt  }
0x66: {  	_ =	shalt  }
0x67: {  	_ =	shalt  }
0x68: {  	_ =	shalt  }
0x69: {  	_ =	shalt  }
0x6a: {  	_ =	shalt  }
0x6b: {  	_ =	shalt  }
0x6c: {  	_ =	shalt  }
0x6d: {  	_ =	shalt  }
0x6e: {  	_ =	shalt  }
0x6f: {  	_ =	shalt  }
0x70: {  	_ =	shalt  }
0x71: {  	_ =	shalt  }
0x72: {  	_ =	shalt  }
0x73: {  	_ =	shalt  }
0x74: {  	_ =	shalt  }
0x75: {  	_ =	shalt  }
0x76: {  	_ =	shalt  }
0x77: {  	_ =	shalt  }
0x78: {  	_ =	shalt  }
0x79: {  	_ =	shalt  }
0x7a: {  	_ =	shalt  }
0x7b: {  	_ =	shalt  }
0x7c: {  	_ =	shalt  }
0x7d: {  	_ =	shalt  }
0x7e: {  	_ =	shalt  }
0x7f: {  	_ =	shalt  }
0x80: {  	_ =	shalt  }
0x81: {  	_ =	shalt  }
0x82: {  	_ =	shalt  }
0x83: {  	_ =	shalt  }
0x84: {  	_ =	shalt  }
0x85: {  	_ =	shalt  }
0x86: {  	_ =	shalt  }
0x87: {  	_ =	shalt  }
.Lfunc_end0:
.L_simem_size_0:
called_computation_lowered:
.L_overlay_start_0:
0x88: {  	s2 =	sld [smem:$0x3FD9]  }
0x89: {  	s3 =	sld [smem:$0x3FFE];
	_ =	sdelay $0x1  }
0x8a: {  	s1 =	srdreg.scid  }
0x8b: {  	s0 =	sand.u32 $0x1, s1  }
0x8c: {  	s17 =	sshll.u32 s0, $0xA;
	s2 =	sadd.s32 s3, s2  }
0x8d: {  	s2 =	sadd.s32 s2, s17  }
0x8e: {  	[smem:$0x3FBA] =	sst s2  }
0x8f: {  	_ = 	snop  }
0x90: {  	s2 =	sld [smem:$0x3FD0];
	(tm) =	ssettm $0x1  }
0x91: {  	s18 =	sld [smem:$0x3FFB];
	_ =	sdelay $0x3  }
0x92: {  	_ =	strace s18  }
0x93: {  	s3 =	sld [smem:$0x3FFC];
	_ =	sdelay $0x3  }
0x94: {  	_ =	strace s3  }
0x95: {  	s3 =	sld [smem:$0x3FFD];
	_ =	sdelay $0x3  }
0x96: {  	_ =	strace s3  }
0x97: {  	_ =	strace $0x8FFFFFFF  }
0x98: {  	s19 =	sld [smem:$0x3FDB];
	_ =	sdelay $0x1  }
0x99: {  	s4 =	simm.s32 $_scs_section_size  }
0x9a: {  	s5 =	simm.s32 $_size__tile_overlayer_lowered;
	s6 =	simm.s32 $_tile_overlayer_lowered  }
0x9b: {  	s22 =	simm.s32 $0x1BFF;
	s21 =	sshll.u32 s6, $0x1;
	s3 =	sadd.s32 s4, s19  }
0x9c: {  	s7 =	simm.s32 $0x0;
	s20 =	sshll.u32 s5, $0x1;
	s5 =	sadd.s32 s21, s3  }
0x9d: {  	[timem:s7], [sflag:s22] =	dma.local [hbm:s5], s20  }
0x9e: {  	_ =	swait.ge [sflag:s22], s20  }
0x9f: {  	s4 =	ssub.s32 $0x0, s20;
	[sflag:s22] =	ssyncset.done $0x0  }
0xa0: {  	[sflag:s22] =	ssyncadd.s32 s4;
	_ =	sdelay $0x1  }
0xa1: {  	s23 =	simm.s32 $0x1B8B  }
0xa2: {  	_ =	swait.ge [sflag:s23], $0x1  }
0xa3: {  	[sflag:s23] =	ssyncset.done $0x0  }
0xa4: {  	s25 =	simm.s32 $0x1B8E;
	s24 =	sld [smem:$0x3FFE];
	[sflag:s23] =	ssyncadd.s32 $0xFFFFFFFF  }
0xa5: {  	s26 =	simm.s32 $execute0_lowered;
	[smem:$0x3FD2] =	sst s25  }
0xa6: {  	s5 =	sshll.u32 s26, $0x1;
	_ =	strace $0x80000046;
	[dreg:$0x1] =	wrdreg $0xFFFFFFFF  }
0xa7: {  	s28 =	simm.s32 $_size_execute0_lowered;
	s3 =	sadd.s32 s3, s5;
	[dreg:$0x0] =	wrdreg $0x0  }
0xa8: {  	s5 =	sshll.u32 s28, $0x1;
	[dreg:$0x2] =	wrdreg s3  }
0xa9: {  	[dreg:$0x3] =	wrdreg s5  }
0xaa: {  	[dreg:$0x4] =	wrdreg $0xC0  }
0xab: {  	_ =	task [dreg:s7], $0x5FFFF  }
0xac: {  	[dreg:$0x1] =	wrdreg $0xFFFFFFFF  }
0xad: {  	[dreg:$0x0] =	wrdreg $0x60  }
0xae: {  	[dreg:$0x2] =	wrdreg s24  }
0xaf: {  	[dreg:$0x3] =	wrdreg s2  }
0xb0: {  	[dreg:$0x4] =	wrdreg $0x98D00  }
0xb1: {  	[dreg:$0x5] =	wrdreg $0x9  }
0xb2: {  	_ =	task.clear_ibuf [dreg:s7], $0x6FFFF;
	_ =	strace $0x90000046  }
0xb3: {  	s29 =	simm.s32 $0x9;
	_ =	strace $0x80000048  }
0xb4: {  	_ =	swait.ge [sflag:s29], $0x1  }
0xb5: {  	[sflag:s29] =	ssyncadd.s32 $0xFFFFFFFF  }
0xb6: {  	_ =	strace $0x90000048  }
0xb7: {  	_ =	sfence  }
0xb8: {  	s30 =	sld [smem:$0x0];
	_ =	sdelay $0x2  }
0xb9: {  	s31 =	sshll.u32 s1, $0xD;
	s1 =	sshrl.u32 s1, $0x2  }
0xba: {  	s3 =	sand.u32 $0x4000, s31;
	s1 =	sadd.s32 s1, s30  }
0xbb: {  	s0 =	sor.u32 s3, s0;
	s1 =	sshll.u32 s1, $0x11  }
0xbc: {  	s0 =	sor.u32 s1, s0  }
0xbd: {  	s0 =	sadd.s32 $0x8F2B, s0  }
0xbe: {  	[sflag:s0] =	ssyncadd.remote.s32 $0x1  }
0xbf: {  	_ =	sfence.sel $0xFFFF  }
0xc0: {  	[dreg:$0x0] =	wrdreg $0xFFFFFFFF;
	(pc) =	sbr.abs _section_cstart, $3  }
0xc1: {  	[dreg:$0x1] =	wrdreg $0xFFFFFFFF  }
0xc2: {  	_ =	task.clear_ibuf [dreg:s7], $0x2FFFF;
	_ =	strace $0x9FFFFFFF  }
0xc3: {  	(tm) =	ssettm $0x7FFFFFFF  }
tec
execute0_lowered:
.L_overlay_start_1:
0x0: {  	(tag) =	ssettag $0x1  }
0x1: {  	s0 =	rddreg [dreg:$0x0]  }
0x2: {  	s15 =	rddreg [dreg:$0x1]  }
0x3: {  	s2 =	rddreg [dreg:$0x2]  }
0x4: {  	s3 =	simm.s32 $0x0;
	s1 =	srdreg.scid;
	s16 =	stileid.u32  }
0x5: {  	s28 =	simm.s32 $0x6;
	s29 =	simm.s32 $0x9;
	s30 =	simm.s32 $0x3  }
0x6: {  	[smem:$0x7FF] =	sst s3;
	s4 =	sadd.s32 $0x37200, s0;
	s5 =	sadd.s32 $0x4AE00, s0  }
0x7: {  	s6 =	sadd.s32 $0x41000, s0;
	s8 =	sadd.s32 $0x1200, s0;
	s9 =	sadd.s32 $0x32200, s0  }
0x8: {  	s10 =	sadd.s32 $0x9D600, s0;
	s1 =	sand.u32 $0x1, s1;
	s12 =	smul.u32 $0x15F00, s16  }
0x9: {  	s11 =	sadd.s32 $0x2D200, s0;
	s13 =	sadd.s32 $0x54C00, s0;
	s14 =	smul.u32 $0x4E20, s16  }
0xa: {  	s17 =	sadd.s32 $0x57800, s0;
	s18 =	sadd.s32 $0xC9600, s0;
	s22 =	sshll.u32 s16, $0x6  }
0xb: {  	p1 =	sne.s32 s16, $0xF;
	_ =	strace $0x80000047;
	[dreg:$0x4] =	wrdreg s13  }
0xc: {  	p2 =	seq.s32 s16, $0xF;
	s7 =	ssub.s32 $0x2, s1;
	[dreg:$0x5] =	wrdreg s17  }
0xd: {  	s19 =	sor.u32 $0x1C0D, s22;
	p0 =	seq.s32 s1, $0x1;
	[dreg:$0x6] =	wrdreg s18  }
0xe: {  	s13 =	simm.s32 $0x7;
	s20 =	sshrl.u32 s7, $0x1;
	s21 =	sadd.s32 s12, s2  }
0xf: {  	s23 =	sshrl.u32 s14, $0x3;
	s31 =	sshrl.u32 s12, $0x3;
	s12 =	simm.s32 $0xA0  }
0x10: {  	s0 =	ssub.s32 s7, s20;
	[dreg:$0x7] =	wrdreg s21;
	s24 =	sadd.s32 s4, s23  }
0x11: {  	s1 =	sadd.s32 $0xA, s23;
	s25 =	sadd.s32 s15, s23;
	[dreg:$0x9] =	wrdreg s24  }
0x12: {  	s20 =	sadd.s32 $0xA0, s14;
	s14 =	sadd.s32 s5, s23;
	[dreg:$0xa] =	wrdreg s25  }
0x13: {  	s21 =	sadd.s32 s6, s23;
	s7 =	simm.s32 $0x5;
	[dreg:$0xc] =	wrdreg s14  }
0x14: {  	s26 =	sadd.s32 s4, s1;
	[dreg:$0xd] =	wrdreg s21;
	s24 =	smov.u32 s15  }
0x15: {  	s22 =	sadd.s32 s15, s1;
	s23 =	sadd.s32 s5, s1;
	[dreg:$0xb] =	wrdreg s26  }
0x16: {  	s1 =	sadd.s32 s6, s1;
	s25 =	sadd.s32 s17, s31;
	[dreg:$0xe] =	wrdreg s22  }
0x17: {  	s0 =	smax.u32 s0, $0x1;
	s17 =	simm.s32 $0x5F0;
	[dreg:$0xf] =	wrdreg s23  }
0x18: {  	s21 =	simm.s32 $0x4;
	s14 =	simm.s32 $0x3390;
	[dreg:$0x10] =	wrdreg s1  }
.Ltmp0:
0x19: {  	s15 =	simm.s32 $0x38E0;
	[dreg:$0x11] =	wrdreg s25;
	(pc) =	sbr.rel .LBB2_1-.Ltmp0, $4  }
0x1a: {  	s26 =	sadd.s32 s18, s31;
	s18 =	smov.u32 s19;
	[dreg:$0x13] =	wrdreg s0  }
0x1b: {  	s31 =	sadd.s32 $0x15F000, s2;
	s0 =	simm.s32 $0x50;
	[dreg:$0x12] =	wrdreg s26  }
0x1c: {  	s22 =	simm.s32 $0xA;
	s23 =	simm.s32 $0xB;
	[dreg:$0x14] =	wrdreg s31  }
0x1d: {  	s25 =	simm.s32 $0x6BD0;
	s26 =	simm.s32 $0x2;
	[dreg:$0x8] =	wrdreg s18  }
.LBB2_38:
0x1e: {  	s16 =	rddreg [dreg:$0x14]  }
0x1f: {  	s1 =	sadd.s32 $0x2BE00, s1;
	s31 =	simm.s32 $0xD;
	s16 =	sshrl.u32 s16, $0x3  }
0x20: {  	[hbm:s1], [sflag:s18] =	dma.local [spmem:s16], $0x120  }
0x21: {  	_ =	swait.ge [sflag:s31], $0x120  }
0x22: {  	[sflag:s31] =	ssyncset.done $0x0  }
0x23: {  	[sflag:s31] =	ssyncadd.s32 $0xFFFFFEE0  }
.LBB2_39:
0x24: {  	s3 =	sadd.s32 $0x1, s3;
	s1 =	rddreg [dreg:$0x13]  }
0x25: {  	p3 =	sne.s32 s3, s1  }
.Ltmp1:
0x26: {  	_ = 	snop;
	(pc) =	sbr.rel @!p3 .LBB2_40-.Ltmp1, $1  }
0x27: {  	_ =	sdelay $0x3  }
.LBB2_1:
0x28: {  	s1 =	rddreg [dreg:$0x7]  }
0x29: {  	s16 =	rddreg [dreg:$0x4];
	s1 =	sshrl.u32 s1, $0x3  }
0x2a: {  	s31 =	simm.s32 $0xD;
	[dreg:$0x15] =	wrdreg s1  }
0x2b: {  	[spmem:s1], [sflag:s18] =	dma.local [hbm:s16], $0x2BE0  }
0x2c: {  	_ =	swait.ge [sflag:s31], $0x2BE0  }
0x2d: {  	[sflag:s31] =	ssyncset.done $0x0;
	s1 =	rddreg [dreg:$0x14]  }
0x2e: {  	[sflag:s31] =	ssyncadd.s32 $0xFFFFD420;
	s1 =	sshrl.u32 @!p1 s1, $0x3  }
0x2f: {  	[spmem:s1], [sflag:s18] =	dma.local @!p1 [hbm:s16], $0x120  }
0x30: {  	s1 =	simm.s32 @!p1 $0xD  }
.Ltmp2:
0x31: {  	_ =	swait.ge @!p1 [sflag:s1], $0x120;
	(pc) =	sbr.rel @!p0 .LBB2_2-.Ltmp2, $4  }
0x32: {  	[sflag:s1] =	ssyncset.done @!p1 $0x0  }
0x33: {  	[sflag:s1] =	ssyncadd.s32 @!p1 $0xFFFFFEE0  }
0x34: {  	[bflag:$0x0] =	sbarrier.arrive $0xFFFF  }
0x35: {  	s18 =	simm.s32 $0x0  }
0x36: {  	s1 =	rddreg [dreg:$0xc]  }
0x37: {  	[tilespmem:s18], [sflag:$0x1] =	stream.linear.gather [hbm4b:s1+s18], $0x50, $0x38;
	[tilespmem:$0x1F860] =	vst v63  }
0x38: {  	s31 =	rddreg [dreg:$0xd];
	s16 =	simm.s32 $0x1  }
0x39: {  	[tilespmem:s0], [sflag:$0x1] =	stream.linear.gather [hbm4b:s31+s18], $0x50, $0x38;
	[tilespmem:$0x1F860] =	vst v63  }
0x3a: {  	_ =	swait.ge [sflag:s16], $0x50  }
0x3b: {  	[sflag:s16] =	ssyncset.done $0x0  }
0x3c: {  	[sflag:s16] =	ssyncadd.s32 $0xFFFFFFB0  }
0x3d: {  	_ =	swait.ge [sflag:s16], $0x50  }
0x3e: {  	[sflag:s16] =	ssyncset.done $0x0  }
0x3f: {  	s19 =	simm.s32 $0xF0;
	[sflag:s16] =	ssyncadd.s32 $0xFFFFFFB0  }
0x40: {  	[tilespmem:s19], [sflag:$0x2] =	stream.indirect.gather [hbm4b:s11+s0], $0x10, s0, s0, $0xb8;
	[tilespmem:$0x1F860] =	vst v63  }
0x41: {  	_ = 	snop  }
0x42: {  	[tilespmem:s17], [sflag:$0x3] =	stream.indirect.gather [hbm4b:s10+s0], $0x90, s18, s0, $0xb8;
	[tilespmem:$0x1F860] =	vst v63  }
.Ltmp3:
0x43: {  	_ = 	snop;
	(pc) =	sbr.rel .LBB2_21-.Ltmp3, $4  }
0x44: {  	s31 =	rddreg [dreg:$0xf];
	s16 =	simm.s32 $0x32F0  }
0x45: {  	[tilespmem:s16], [sflag:$0x5] =	stream.linear.gather [hbm4b:s31+s18], $0x50, $0x38;
	[tilespmem:$0x1F860] =	vst v63  }
0x46: {  	s19 =	rddreg [dreg:$0x10];
	s31 =	simm.s32 $0x3340  }
0x47: {  	[tilespmem:s31], [sflag:$0x5] =	stream.linear.gather [hbm4b:s19+s18], $0x50, $0x38;
	[tilespmem:$0x1F860] =	vst v63  }
.LBB2_36:
0x48: {  	s18 =	sadd.s32 $0x1, s18  }
0x49: {  	p3 =	sne.s32 s18, $0xFA  }
.Ltmp4:
0x4a: {  	_ = 	snop;
	(pc) =	sbr.rel @!p3 .LBB2_37-.Ltmp4, $1  }
0x4b: {  	_ =	sdelay $0x3  }
.LBB2_21:
0x4c: {  	s1 =	smul.u32 $0xAB, s18;
	_ =	sdelay $0x1  }
0x4d: {  	s1 =	sshrl.u32 s1, $0x9  }
0x4e: {  	s1 =	sand.u32 $0x7F, s1  }
0x4f: {  	s1 =	smul.u32 $0x3, s1;
	_ =	sdelay $0x1  }
0x50: {  	s1 =	ssub.s32 s18, s1  }
0x51: {  	s1 =	sand.u32 $0xFF, s1  }
0x52: {  	p3 =	seq.s32 s1, $0x2  }
.Ltmp5:
0x53: {  	_ = 	snop;
	(pc) =	sbr.rel @p3 .LBB2_33-.Ltmp5, $1  }
0x54: {  	_ =	sdelay $0x3  }
0x55: {  	p5 =	seq.s32 s1, $0x1  }
.Ltmp6:
0x56: {  	_ = 	snop;
	(pc) =	sbr.rel @!p5 .LBB2_23-.Ltmp6, $3  }
0x57: {  	_ =	sdelay $0x1  }
0x58: {  	p3 =	slt.u32 s18, $0x2  }
0x59: {  	p4 =	seq.s32 @!p3 s18, $0xF9  }
0x5a: {  	p4 =	por p3, !p4  }
.Ltmp7:
0x5b: {  	_ = 	snop;
	(pc) =	sbr.rel @!p4 .LBB2_30-.Ltmp7, $4  }
0x5c: {  	s1 =	simm.s32 @!p3 $0xC  }
0x5d: {  	_ =	swait.ge @!p3 [sflag:s1], $0x2D00  }
0x5e: {  	[sflag:s1] =	ssyncset.done @!p3 $0x0  }
0x5f: {  	[sflag:s1] =	ssyncadd.s32 @!p3 $0xFFFFD300  }
0x60: {  	_ =	swait.ge [sflag:s29], $0x50  }
0x61: {  	[sflag:s29] =	ssyncset.done $0x0  }
0x62: {  	[sflag:s29] =	ssyncadd.s32 $0xFFFFFFB0  }
0x63: {  	_ =	swait.ge [sflag:s29], $0x50  }
0x64: {  	s1 =	simm.s32 $0x6630;
	[sflag:s29] =	ssyncset.done $0x0  }
0x65: {  	s16 =	simm.s32 $0x66D0;
	p3 =	sgt.u32 s18, $0xF7;
	[sflag:s29] =	ssyncadd.s32 $0xFFFFFFB0  }
0x66: {  	[tilespmem:s16], [sflag:$0xA] =	stream.indirect.gather [hbm4b:s11+s0], $0x10, s1, s0, $0xb8;
	[tilespmem:$0x1F860] =	vst v63  }
0x67: {  	s31 =	simm.s32 $0x65E0;
	s1 =	smul.u32 @!p3 $0x50, s18  }
0x68: {  	[tilespmem:s25], [sflag:$0xB] =	stream.indirect.gather [hbm4b:s10+s0], $0x90, s31, s0, $0xb8;
	[tilespmem:$0x1F860] =	vst v63  }
0x69: {  	s1 =	sadd.s32 @!p3 s1, s20  }
0x6a: {  	s1 =	sshrl.u32 @!p3 s1, $0x3  }
0x6b: {  	s19 =	simm.s32 @!p3 $0x0;
	s16 =	sadd.s32 @!p3 s5, s1  }
0x6c: {  	[tilespmem:s19], [sflag:$0x1] =	stream.linear.gather @!p3 [hbm4b:s16+s19], $0x50, $0x38;
	[tilespmem:$0x1F860] =	vst v63  }
0x6d: {  	s1 =	sadd.s32 @!p3 s6, s1;
	s16 =	simm.s32 @!p3 $0x50  }
0x6e: {  	[tilespmem:s16], [sflag:$0x1] =	stream.linear.gather @!p3 [hbm4b:s1+s19], $0x50, $0x38;
	[tilespmem:$0x1F860] =	vst v63  }
.LBB2_30:
0x6f: {  	_ =	swait.ge [sflag:s28], $0x500  }
0x70: {  	[sflag:s28] =	ssyncset.done $0x0  }
0x71: {  	[sflag:s28] =	ssyncadd.s32 $0xFFFFFB00  }
0x72: {  	_ =	swait.ge [sflag:s13], $0x2D00  }
0x73: {  	[sflag:s13] =	ssyncset.done $0x0  }
0x74: {  	s19 =	simm.s32 $0x3A00;
	[sflag:s13] =	ssyncadd.s32 $0xFFFFD300  }
0x75: {  	s1 =	simm.s32 $0x30;
	v0 =	vld [tilespmem:s19+$0xFFFFFEE0]  }
0x76: {  	v1 =	vld [tilespmem:s1+$0x33B0];
	_ =	sdelay $0x4  }
0x77: {  	v0 =	vadd.f32 v1, v0;
	_ =	sdelay $0x1  }
0x78: {  	v1 =	vmul.f32 $2.000000030e-01, v0;
	_ =	sdelay $0x1  }
0x79: {  	v0 =	vmax.f32 v0, v1  }
0x7a: {  	v0 =	vmul.f32 $1.442695020e+00, v0;
	_ =	sdelay $0x1  }
0x7b: {  	(erf) = vpow2.f32 v0;
	_ =	sdelay $0x4  }
0x7c: {  	v1 =	vld [tilespmem:s19+$0xFFFFFF00]  }
0x7d: {  	v2 =	vld [tilespmem:s19+$0xFFFFFF10]  }
0x7e: {  	v3 =	vld [tilespmem:s19+$0xFFFFFF40]  }
0x7f: {  	v0 =	vld [tilespmem:s19+$0xFFFFFF60]  }
0x80: {  	v4 =	vld [tilespmem:s19+$0xFFFFFEF0];
	v6 =	vpop (erf)  }
0x81: {  	v5 =	vld [tilespmem:s19+$0xFFFFFF30];
	v1 =	vmul.f32 v6, v1  }
0x82: {  	v7 =	vld [tilespmem:s19+$0xFFFFFF20];
	[tilespmem:s19+$0xFFFFFEE0] =	vst v6;
	v2 =	vmul.f32 v2, v6  }
0x83: {  	v8 =	vld [tilespmem:s19+$0xFFFFFF50];
	v3 =	vmul.f32 v3, v6;
	[tilespmem:s19+$0xFFFFFF00] =	vst v1  }
0x84: {  	v0 =	vmul.f32 v0, v6;
	[tilespmem:s19+$0xFFFFFF10] =	vst v2  }
0x85: {  	v1 =	vmul.f32 v6, v4;
	[tilespmem:s19+$0xFFFFFF40] =	vst v3  }
0x86: {  	v2 =	vmul.f32 v5, v6;
	[tilespmem:s19+$0xFFFFFF60] =	vst v0  }
0x87: {  	v0 =	vmul.f32 v7, v6;
	[tilespmem:s19+$0xFFFFFEF0] =	vst v1  }
0x88: {  	v1 =	vmul.f32 v8, v6;
	[tilespmem:s19+$0xFFFFFF30] =	vst v2  }
0x89: {  	[tilespmem:s19+$0xFFFFFF20] =	vst v0  }
0x8a: {  	v0 =	vld [tilespmem:s19+$0xFFFFFF70];
	[tilespmem:s19+$0xFFFFFF50] =	vst v1  }
0x8b: {  	v1 =	vld [tilespmem:s1+$0x33C0];
	_ =	sdelay $0x4  }
0x8c: {  	v0 =	vadd.f32 v1, v0;
	_ =	sdelay $0x1  }
0x8d: {  	v1 =	vmul.f32 $2.000000030e-01, v0;
	_ =	sdelay $0x1  }
0x8e: {  	v0 =	vmax.f32 v0, v1  }
0x8f: {  	v0 =	vmul.f32 $1.442695020e+00, v0;
	_ =	sdelay $0x1  }
0x90: {  	(erf) = vpow2.f32 v0;
	_ =	sdelay $0x4  }
0x91: {  	v1 =	vld [tilespmem:s19+$0xFFFFFF90]  }
0x92: {  	v2 =	vld [tilespmem:s19+$0xFFFFFFB0]  }
0x93: {  	v0 =	vld [tilespmem:s19+$0xFFFFFFF0]  }
0x94: {  	v3 =	vld [tilespmem:s19+$0xFFFFFFC0]  }
0x95: {  	v54 =	vld [tilespmem:s19+$0xFFFFFF80];
	v56 =	vpop (erf)  }
0x96: {  	v55 =	vld [tilespmem:s19+$0xFFFFFFA0];
	v1 =	vmul.f32 v56, v1  }
0x97: {  	v57 =	vld [tilespmem:s19+$0xFFFFFFE0];
	[tilespmem:s19+$0xFFFFFF70] =	vst v56;
	v2 =	vmul.f32 v2, v56  }
0x98: {  	v58 =	vld [tilespmem:s19+$0xFFFFFFD0];
	v0 =	vmul.f32 v0, v56;
	[tilespmem:s19+$0xFFFFFF90] =	vst v1  }
0x99: {  	v1 =	vmul.f32 v3, v56;
	[tilespmem:s19+$0xFFFFFFB0] =	vst v2  }
0x9a: {  	v2 =	vmul.f32 v56, v54;
	[tilespmem:s19+$0xFFFFFFF0] =	vst v0  }
0x9b: {  	v0 =	vmul.f32 v55, v56;
	[tilespmem:s19+$0xFFFFFFC0] =	vst v1  }
0x9c: {  	v1 =	vmul.f32 v57, v56;
	[tilespmem:s19+$0xFFFFFF80] =	vst v2  }
0x9d: {  	v2 =	vmul.f32 v58, v56;
	[tilespmem:s19+$0xFFFFFFA0] =	vst v0  }
0x9e: {  	[tilespmem:s19+$0xFFFFFFE0] =	vst v1  }
0x9f: {  	v0 =	vld [tilespmem:s19+$0x0];
	[tilespmem:s19+$0xFFFFFFD0] =	vst v2  }
0xa0: {  	v1 =	vld [tilespmem:s1+$0x33D0];
	_ =	sdelay $0x4  }
0xa1: {  	v0 =	vadd.f32 v1, v0;
	_ =	sdelay $0x1  }
0xa2: {  	v1 =	vmul.f32 $2.000000030e-01, v0;
	_ =	sdelay $0x1  }
0xa3: {  	v0 =	vmax.f32 v0, v1  }
0xa4: {  	v0 =	vmul.f32 $1.442695020e+00, v0;
	_ =	sdelay $0x1  }
0xa5: {  	(erf) = vpow2.f32 v0;
	_ =	sdelay $0x4  }
0xa6: {  	v0 =	vld [tilespmem:s19+$0x10]  }
0xa7: {  	v1 =	vld [tilespmem:s19+$0x20]  }
0xa8: {  	v2 =	vld [tilespmem:s19+$0x30]  }
0xa9: {  	v3 =	vld [tilespmem:s19+$0x50]  }
0xaa: {  	v59 =	vld [tilespmem:s19+$0x40];
	v60 =	vpop (erf)  }
0xab: {  	v61 =	vld [tilespmem:s19+$0x80];
	v0 =	vmul.f32 v60, v0  }
0xac: {  	v62 =	vld [tilespmem:s19+$0x60];
	[tilespmem:s19+$0x0] =	vst v60;
	v1 =	vmul.f32 v60, v1  }
0xad: {  	v63 =	vld [tilespmem:s19+$0x70];
	v2 =	vmul.f32 v2, v60;
	[tilespmem:s19+$0x10] =	vst v0  }
0xae: {  	v0 =	vmul.f32 v3, v60;
	[tilespmem:s19+$0x20] =	vst v1  }
0xaf: {  	v1 =	vmul.f32 v59, v60;
	[tilespmem:s19+$0x30] =	vst v2  }
0xb0: {  	v2 =	vmul.f32 v61, v60;
	[tilespmem:s19+$0x50] =	vst v0  }
0xb1: {  	v0 =	vmul.f32 v62, v60;
	[tilespmem:s19+$0x40] =	vst v1  }
0xb2: {  	v1 =	vmul.f32 v63, v60;
	[tilespmem:s19+$0x80] =	vst v2  }
0xb3: {  	[tilespmem:s19+$0x60] =	vst v0  }
0xb4: {  	[tilespmem:s19+$0x70] =	vst v1;
	v0 =	vld [tilespmem:s19+$0x90]  }
0xb5: {  	s31 =	simm.s32 $0x1C0;
	s16 =	simm.s32 $0x3A00;
	v1 =	vld [tilespmem:s1+$0x33E0]  }
.LBB2_31:
0xb6: {  	p3 =	sne.s32 s31, $0x13C0  }
0xb7: {  	s19 =	sadd.s32 $0x240, s19;
	s1 =	smov.u32 s31;
	s31 =	sadd.s32 $0x100, s31  }
0xb8: {  	_ =	sdelay $0x2  }
0xb9: {  	v0 =	vadd.f32 v1, v0;
	_ =	sdelay $0x1  }
0xba: {  	v1 =	vmul.f32 $2.000000030e-01, v0;
	_ =	sdelay $0x1  }
0xbb: {  	v0 =	vmax.f32 v0, v1  }
0xbc: {  	v0 =	vmul.f32 $1.442695020e+00, v0;
	_ =	sdelay $0x1  }
0xbd: {  	(erf) = vpow2.f32 v0  }
0xbe: {  	v0 =	vld [tilespmem:s16+$0xF0]  }
0xbf: {  	v1 =	vld [tilespmem:s16+$0xA0]  }
0xc0: {  	v2 =	vld [tilespmem:s16+$0x110]  }
0xc1: {  	v3 =	vld [tilespmem:s16+$0xC0]  }
0xc2: {  	v4 =	vld [tilespmem:s16+$0xB0]  }
0xc3: {  	v5 =	vld [tilespmem:s16+$0xD0]  }
0xc4: {  	v6 =	vld [tilespmem:s16+$0xE0]  }
0xc5: {  	v7 =	vld [tilespmem:s16+$0x100]  }
0xc6: {  	v8 =	vpop (erf)  }
0xc7: {  	[tilespmem:s16+$0x90] =	vst v8;
	v1 =	vmul.f32 v8, v1;
	v4 =	vmul.f32 v8, v4  }
0xc8: {  	v3 =	vmul.f32 v3, v8;
	v5 =	vmul.f32 v5, v8  }
0xc9: {  	v0 =	vmul.f32 v0, v8;
	[tilespmem:s16+$0xA0] =	vst v1;
	v1 =	vmul.f32 v6, v8  }
0xca: {  	v2 =	vmul.f32 v2, v8;
	[tilespmem:s16+$0xB0] =	vst v4;
	v4 =	vmul.f32 v7, v8  }
0xcb: {  	[tilespmem:s16+$0xE0] =	vst v1  }
0xcc: {  	[tilespmem:s16+$0xF0] =	vst v0  }
0xcd: {  	[tilespmem:s16+$0x100] =	vst v4  }
0xce: {  	s1 =	sshra.s32 s1, $0x2;
	[tilespmem:s16+$0x110] =	vst v2  }
0xcf: {  	[tilespmem:s16+$0xC0] =	vst v3  }
0xd0: {  	v0 =	vld [tilespmem:s19+$0xFFFFFEE0];
	[tilespmem:s16+$0xD0] =	vst v5;
	s16 =	smov.u32 s19  }
0xd1: {  	v1 =	vld [tilespmem:s1+$0x33B0];
	_ =	sdelay $0x4  }
0xd2: {  	v0 =	vadd.f32 v1, v0;
	_ =	sdelay $0x1  }
0xd3: {  	v1 =	vmul.f32 $2.000000030e-01, v0;
	_ =	sdelay $0x1  }
0xd4: {  	v0 =	vmax.f32 v0, v1  }
0xd5: {  	v0 =	vmul.f32 $1.442695020e+00, v0;
	_ =	sdelay $0x1  }
0xd6: {  	(erf) = vpow2.f32 v0  }
0xd7: {  	v0 =	vld [tilespmem:s19+$0xFFFFFF60]  }
0xd8: {  	v1 =	vld [tilespmem:s19+$0xFFFFFF30]  }
0xd9: {  	v2 =	vld [tilespmem:s19+$0xFFFFFF20]  }
0xda: {  	v3 =	vld [tilespmem:s19+$0xFFFFFF40]  }
0xdb: {  	v4 =	vld [tilespmem:s19+$0xFFFFFF00]  }
0xdc: {  	v5 =	vld [tilespmem:s19+$0xFFFFFF10]  }
0xdd: {  	v6 =	vld [tilespmem:s19+$0xFFFFFEF0]  }
0xde: {  	v7 =	vld [tilespmem:s19+$0xFFFFFF50]  }
0xdf: {  	v8 =	vpop (erf)  }
0xe0: {  	[tilespmem:s19+$0xFFFFFEE0] =	vst v8;
	v4 =	vmul.f32 v8, v4;
	v3 =	vmul.f32 v3, v8  }
0xe1: {  	v2 =	vmul.f32 v2, v8;
	v5 =	vmul.f32 v5, v8  }
0xe2: {  	v1 =	vmul.f32 v1, v8;
	v6 =	vmul.f32 v8, v6;
	[tilespmem:s19+$0xFFFFFF00] =	vst v4  }
0xe3: {  	v0 =	vmul.f32 v0, v8;
	[tilespmem:s19+$0xFFFFFF10] =	vst v5;
	v4 =	vmul.f32 v7, v8  }
0xe4: {  	[tilespmem:s19+$0xFFFFFF40] =	vst v3  }
0xe5: {  	[tilespmem:s19+$0xFFFFFEF0] =	vst v6  }
0xe6: {  	[tilespmem:s19+$0xFFFFFF60] =	vst v0  }
0xe7: {  	[tilespmem:s19+$0xFFFFFF30] =	vst v1  }
0xe8: {  	[tilespmem:s19+$0xFFFFFF50] =	vst v4  }
0xe9: {  	[tilespmem:s19+$0xFFFFFF20] =	vst v2;
	v0 =	vld [tilespmem:s19+$0xFFFFFF70]  }
0xea: {  	v1 =	vld [tilespmem:s1+$0x33C0];
	_ =	sdelay $0x4  }
0xeb: {  	v0 =	vadd.f32 v1, v0;
	_ =	sdelay $0x1  }
0xec: {  	v1 =	vmul.f32 $2.000000030e-01, v0;
	_ =	sdelay $0x1  }
0xed: {  	v0 =	vmax.f32 v0, v1  }
0xee: {  	v0 =	vmul.f32 $1.442695020e+00, v0;
	_ =	sdelay $0x1  }
0xef: {  	(erf) = vpow2.f32 v0  }
0xf0: {  	v0 =	vld [tilespmem:s19+$0xFFFFFFF0]  }
0xf1: {  	v1 =	vld [tilespmem:s19+$0xFFFFFFD0]  }
0xf2: {  	v2 =	vld [tilespmem:s19+$0xFFFFFFB0]  }
0xf3: {  	v3 =	vld [tilespmem:s19+$0xFFFFFF90]  }
0xf4: {  	v4 =	vld [tilespmem:s19+$0xFFFFFF80]  }
0xf5: {  	v5 =	vld [tilespmem:s19+$0xFFFFFFA0]  }
0xf6: {  	v6 =	vld [tilespmem:s19+$0xFFFFFFC0]  }
0xf7: {  	v7 =	vld [tilespmem:s19+$0xFFFFFFE0]  }
0xf8: {  	v8 =	vpop (erf)  }
0xf9: {  	[tilespmem:s19+$0xFFFFFF70] =	vst v8;
	v4 =	vmul.f32 v8, v4;
	v3 =	vmul.f32 v8, v3  }
0xfa: {  	v2 =	vmul.f32 v2, v8;
	v5 =	vmul.f32 v5, v8  }
0xfb: {  	v1 =	vmul.f32 v1, v8;
	[tilespmem:s19+$0xFFFFFF90] =	vst v3;
	v3 =	vmul.f32 v6, v8  }
0xfc: {  	v0 =	vmul.f32 v0, v8;
	[tilespmem:s19+$0xFFFFFFB0] =	vst v2;
	v2 =	vmul.f32 v7, v8  }
0xfd: {  	[tilespmem:s19+$0xFFFFFFC0] =	vst v3  }
0xfe: {  	[tilespmem:s19+$0xFFFFFFF0] =	vst v0  }
0xff: {  	[tilespmem:s19+$0xFFFFFF80] =	vst v4  }
0x100: {  	[tilespmem:s19+$0xFFFFFFE0] =	vst v2  }
0x101: {  	[tilespmem:s19+$0xFFFFFFA0] =	vst v5  }
0x102: {  	[tilespmem:s19+$0xFFFFFFD0] =	vst v1;
	v0 =	vld [tilespmem:s19+$0x0]  }
0x103: {  	v1 =	vld [tilespmem:s1+$0x33D0];
	_ =	sdelay $0x4  }
0x104: {  	v0 =	vadd.f32 v1, v0;
	_ =	sdelay $0x1  }
0x105: {  	v1 =	vmul.f32 $2.000000030e-01, v0;
	_ =	sdelay $0x1  }
0x106: {  	v0 =	vmax.f32 v0, v1  }
0x107: {  	v0 =	vmul.f32 $1.442695020e+00, v0;
	_ =	sdelay $0x1  }
0x108: {  	(erf) = vpow2.f32 v0  }
0x109: {  	v0 =	vld [tilespmem:s19+$0x80]  }
0x10a: {  	v1 =	vld [tilespmem:s19+$0x60]  }
0x10b: {  	v2 =	vld [tilespmem:s19+$0x40]  }
0x10c: {  	v3 =	vld [tilespmem:s19+$0x20]  }
0x10d: {  	v4 =	vld [tilespmem:s19+$0x10]  }
0x10e: {  	v5 =	vld [tilespmem:s19+$0x30]  }
0x10f: {  	v6 =	vld [tilespmem:s19+$0x50]  }
0x110: {  	v7 =	vld [tilespmem:s19+$0x70]  }
0x111: {  	v8 =	vpop (erf)  }
0x112: {  	[tilespmem:s19+$0x0] =	vst v8;
	v4 =	vmul.f32 v8, v4;
	v3 =	vmul.f32 v8, v3  }
0x113: {  	v2 =	vmul.f32 v2, v8;
	v5 =	vmul.f32 v5, v8  }
0x114: {  	v1 =	vmul.f32 v1, v8;
	[tilespmem:s19+$0x10] =	vst v4;
	v4 =	vmul.f32 v6, v8  }
0x115: {  	v0 =	vmul.f32 v0, v8;
	[tilespmem:s19+$0x20] =	vst v3;
	v3 =	vmul.f32 v7, v8  }
0x116: {  	[tilespmem:s19+$0x30] =	vst v5  }
0x117: {  	[tilespmem:s19+$0x50] =	vst v4  }
.Ltmp8:
0x118: {  	[tilespmem:s19+$0x40] =	vst v2;
	(pc) =	sbr.rel @p3 .LBB2_31-.Ltmp8, $4  }
0x119: {  	[tilespmem:s19+$0x80] =	vst v0  }
0x11a: {  	[tilespmem:s19+$0x60] =	vst v1  }
0x11b: {  	[tilespmem:s19+$0x70] =	vst v3;
	v0 =	vld [tilespmem:s19+$0x90]  }
0x11c: {  	v1 =	vld [tilespmem:s1+$0x33E0]  }
0x11d: {  	_ =	sdelay $0x3  }
0x11e: {  	v0 =	vadd.f32 v1, v0;
	_ =	sdelay $0x1  }
0x11f: {  	v1 =	vmul.f32 $2.000000030e-01, v0;
	_ =	sdelay $0x1  }
0x120: {  	v0 =	vmax.f32 v0, v1  }
0x121: {  	v0 =	vmul.f32 $1.442695020e+00, v0;
	_ =	sdelay $0x1  }
0x122: {  	(erf) = vpow2.f32 v0;
	_ =	sdelay $0x4  }
0x123: {  	v56 =	vld [tilespmem:s16+$0xA0]  }
0x124: {  	v2 =	vld [tilespmem:s16+$0xB0]  }
0x125: {  	v3 =	vld [tilespmem:s16+$0xE0]  }
0x126: {  	v55 =	vld [tilespmem:s16+$0xF0]  }
0x127: {  	v5 =	vld [tilespmem:s16+$0x100];
	v6 =	vpop (erf)  }
0x128: {  	v4 =	vld [tilespmem:s16+$0x110];
	v1 =	vmul.f32 v6, v56  }
0x129: {  	v7 =	vld [tilespmem:s16+$0xC0];
	[tilespmem:s16+$0x90] =	vst v6;
	v2 =	vmul.f32 v6, v2  }
0x12a: {  	v8 =	vld [tilespmem:s16+$0xD0];
	v57 =	vmul.f32 v3, v6;
	[tilespmem:s16+$0xA0] =	vst v1  }
0x12b: {  	v0 =	vmul.f32 v55, v6;
	[tilespmem:s16+$0xB0] =	vst v2  }
0x12c: {  	v58 =	vmul.f32 v5, v6;
	[tilespmem:s16+$0xE0] =	vst v57  }
0x12d: {  	v59 =	vmul.f32 v4, v6;
	[tilespmem:s16+$0xF0] =	vst v0  }
0x12e: {  	v60 =	vmul.f32 v7, v6;
	[tilespmem:s16+$0x100] =	vst v58  }
0x12f: {  	v61 =	vmul.f32 v8, v6;
	[tilespmem:s16+$0x110] =	vst v59  }
0x130: {  	[tilespmem:s16+$0xC0] =	vst v60  }
0x131: {  	[tilespmem:s16+$0xD0] =	vst v61  }
0x132: {  	v0 =	vld [tilespmem:$0x3340]  }
0x133: {  	v1 =	vld [tilespmem:$0x3350]  }
0x134: {  	v2 =	vld [tilespmem:$0x3360]  }
0x135: {  	v62 =	vld [tilespmem:$0x3370]  }
0x136: {  	v63 =	vld [tilespmem:$0x3380]  }
0x137: {  	[tilespmem:$0x3390] =	vst v0  }
.Ltmp9:
0x138: {  	[tilespmem:$0x33A0] =	vst v1;
	(pc) =	sbr.rel .LBB2_36-.Ltmp9, $4  }
0x139: {  	[tilespmem:$0x33B0] =	vst v2  }
0x13a: {  	[tilespmem:$0x33C0] =	vst v62  }
0x13b: {  	[tilespmem:$0x33D0] =	vst v63  }
0x13c: {  	[spmem:s2] =	stream.indirect.scatter.add.f32 [tilespmem:s15], [sflag:$0x8], $0x90, s14, s0, $0xb8;
	[tilespmem:$0x1F860] =	vst v63  }
.LBB2_33:
0x13d: {  	_ =	swait.ge [sflag:s21], $0x2D00  }
0x13e: {  	p3 =	seq.s32 s18, $0xF9;
	[sflag:s21] =	ssyncset.done $0x0  }
0x13f: {  	s1 =	simm.s32 @!p3 $0x1;
	[sflag:s21] =	ssyncadd.s32 $0xFFFFD300  }
0x140: {  	_ =	swait.ge @!p3 [sflag:s1], $0x50  }
0x141: {  	[sflag:s1] =	ssyncset.done @!p3 $0x0  }
0x142: {  	[sflag:s1] =	ssyncadd.s32 @!p3 $0xFFFFFFB0  }
0x143: {  	_ =	swait.ge @!p3 [sflag:s1], $0x50  }
0x144: {  	s16 =	simm.s32 @!p3 $0xF0;
	p4 =	sgt.u32 @!p3 s18, $0xF7;
	[sflag:s1] =	ssyncset.done @!p3 $0x0  }
0x145: {  	p4 =	por p4, p3;
	[sflag:s1] =	ssyncadd.s32 @!p3 $0xFFFFFFB0;
	s1 =	simm.s32 @!p3 $0x50  }
0x146: {  	[tilespmem:s16], [sflag:$0x2] =	stream.indirect.gather @!p3 [hbm4b:s11+s1], $0x10, s1, s1, $0xb8;
	[tilespmem:$0x1F860] =	vst v63  }
0x147: {  	s19 =	simm.s32 @!p3 $0x5F0;
	s31 =	smul.u32 @!p4 $0x50, s18;
	s16 =	simm.s32 @!p3 $0x0  }
0x148: {  	[tilespmem:s19], [sflag:$0x3] =	stream.indirect.gather @!p3 [hbm4b:s10+s1], $0x90, s16, s1, $0xb8;
	[tilespmem:$0x1F860] =	vst v63  }
0x149: {  	s1 =	sadd.s32 @!p4 s31, s20  }
0x14a: {  	s1 =	sshrl.u32 @!p4 s1, $0x3  }
0x14b: {  	s19 =	simm.s32 @!p4 $0x0;
	s31 =	simm.s32 @!p4 $0x32F0;
	s16 =	sadd.s32 @!p4 s5, s1  }
0x14c: {  	[tilespmem:s31], [sflag:$0x5] =	stream.linear.gather @!p4 [hbm4b:s16+s19], $0x50, $0x38;
	[tilespmem:$0x1F860] =	vst v63  }
0x14d: {  	s1 =	sadd.s32 @!p4 s6, s1;
	s16 =	simm.s32 @!p4 $0x3340  }
0x14e: {  	[tilespmem:s16], [sflag:$0x5] =	stream.linear.gather @!p4 [hbm4b:s1+s19], $0x50, $0x38;
	[tilespmem:$0x1F860] =	vst v63  }
0x14f: {  	_ =	swait.ge [sflag:s22], $0x500  }
0x150: {  	[sflag:s22] =	ssyncset.done $0x0  }
0x151: {  	[sflag:s22] =	ssyncadd.s32 $0xFFFFFB00  }
0x152: {  	_ =	swait.ge [sflag:s23], $0x2D00  }
0x153: {  	[sflag:s23] =	ssyncset.done $0x0  }
0x154: {  	s19 =	simm.s32 $0x6CF0;
	[sflag:s23] =	ssyncadd.s32 $0xFFFFD300  }
0x155: {  	s16 =	simm.s32 $0x30;
	v0 =	vld [tilespmem:s19+$0xFFFFFEE0]  }
0x156: {  	v1 =	vld [tilespmem:s16+$0x66A0];
	_ =	sdelay $0x4  }
0x157: {  	v0 =	vadd.f32 v1, v0;
	_ =	sdelay $0x1  }
0x158: {  	v1 =	vmul.f32 $2.000000030e-01, v0;
	_ =	sdelay $0x1  }
0x159: {  	v0 =	vmax.f32 v0, v1  }
0x15a: {  	v0 =	vmul.f32 $1.442695020e+00, v0;
	_ =	sdelay $0x1  }
0x15b: {  	(erf) = vpow2.f32 v0;
	_ =	sdelay $0x4  }
0x15c: {  	v1 =	vld [tilespmem:s19+$0xFFFFFF00]  }
0x15d: {  	v2 =	vld [tilespmem:s19+$0xFFFFFF10]  }
0x15e: {  	v3 =	vld [tilespmem:s19+$0xFFFFFF40]  }
0x15f: {  	v0 =	vld [tilespmem:s19+$0xFFFFFF60]  }
0x160: {  	v4 =	vld [tilespmem:s19+$0xFFFFFEF0];
	v6 =	vpop (erf)  }
0x161: {  	v5 =	vld [tilespmem:s19+$0xFFFFFF30];
	v1 =	vmul.f32 v6, v1  }
0x162: {  	v7 =	vld [tilespmem:s19+$0xFFFFFF20];
	[tilespmem:s19+$0xFFFFFEE0] =	vst v6;
	v2 =	vmul.f32 v2, v6  }
0x163: {  	v8 =	vld [tilespmem:s19+$0xFFFFFF50];
	v3 =	vmul.f32 v3, v6;
	[tilespmem:s19+$0xFFFFFF00] =	vst v1  }
0x164: {  	v0 =	vmul.f32 v0, v6;
	[tilespmem:s19+$0xFFFFFF10] =	vst v2  }
0x165: {  	v1 =	vmul.f32 v6, v4;
	[tilespmem:s19+$0xFFFFFF40] =	vst v3  }
0x166: {  	v2 =	vmul.f32 v5, v6;
	[tilespmem:s19+$0xFFFFFF60] =	vst v0  }
0x167: {  	v0 =	vmul.f32 v7, v6;
	[tilespmem:s19+$0xFFFFFEF0] =	vst v1  }
0x168: {  	v1 =	vmul.f32 v8, v6;
	[tilespmem:s19+$0xFFFFFF30] =	vst v2  }
0x169: {  	[tilespmem:s19+$0xFFFFFF20] =	vst v0  }
0x16a: {  	v0 =	vld [tilespmem:s19+$0xFFFFFF70];
	[tilespmem:s19+$0xFFFFFF50] =	vst v1  }
0x16b: {  	v1 =	vld [tilespmem:s16+$0x66B0];
	_ =	sdelay $0x4  }
0x16c: {  	v0 =	vadd.f32 v1, v0;
	_ =	sdelay $0x1  }
0x16d: {  	v1 =	vmul.f32 $2.000000030e-01, v0;
	_ =	sdelay $0x1  }
0x16e: {  	v0 =	vmax.f32 v0, v1  }
0x16f: {  	v0 =	vmul.f32 $1.442695020e+00, v0;
	_ =	sdelay $0x1  }
0x170: {  	(erf) = vpow2.f32 v0;
	_ =	sdelay $0x4  }
0x171: {  	v1 =	vld [tilespmem:s19+$0xFFFFFF90]  }
0x172: {  	v2 =	vld [tilespmem:s19+$0xFFFFFFB0]  }
0x173: {  	v0 =	vld [tilespmem:s19+$0xFFFFFFF0]  }
0x174: {  	v3 =	vld [tilespmem:s19+$0xFFFFFFC0]  }
0x175: {  	v54 =	vld [tilespmem:s19+$0xFFFFFF80];
	v56 =	vpop (erf)  }
0x176: {  	v55 =	vld [tilespmem:s19+$0xFFFFFFA0];
	v1 =	vmul.f32 v56, v1  }
0x177: {  	v57 =	vld [tilespmem:s19+$0xFFFFFFE0];
	[tilespmem:s19+$0xFFFFFF70] =	vst v56;
	v2 =	vmul.f32 v2, v56  }
0x178: {  	v58 =	vld [tilespmem:s19+$0xFFFFFFD0];
	v0 =	vmul.f32 v0, v56;
	[tilespmem:s19+$0xFFFFFF90] =	vst v1  }
0x179: {  	v1 =	vmul.f32 v3, v56;
	[tilespmem:s19+$0xFFFFFFB0] =	vst v2  }
0x17a: {  	v2 =	vmul.f32 v56, v54;
	[tilespmem:s19+$0xFFFFFFF0] =	vst v0  }
0x17b: {  	v0 =	vmul.f32 v55, v56;
	[tilespmem:s19+$0xFFFFFFC0] =	vst v1  }
0x17c: {  	v1 =	vmul.f32 v57, v56;
	[tilespmem:s19+$0xFFFFFF80] =	vst v2  }
0x17d: {  	v2 =	vmul.f32 v58, v56;
	[tilespmem:s19+$0xFFFFFFA0] =	vst v0  }
0x17e: {  	[tilespmem:s19+$0xFFFFFFE0] =	vst v1  }
0x17f: {  	v0 =	vld [tilespmem:s19+$0x0];
	[tilespmem:s19+$0xFFFFFFD0] =	vst v2  }
0x180: {  	v1 =	vld [tilespmem:s16+$0x66C0];
	_ =	sdelay $0x4  }
0x181: {  	v0 =	vadd.f32 v1, v0;
	_ =	sdelay $0x1  }
0x182: {  	v1 =	vmul.f32 $2.000000030e-01, v0;
	_ =	sdelay $0x1  }
0x183: {  	v0 =	vmax.f32 v0, v1  }
0x184: {  	v0 =	vmul.f32 $1.442695020e+00, v0;
	_ =	sdelay $0x1  }
0x185: {  	(erf) = vpow2.f32 v0;
	_ =	sdelay $0x4  }
0x186: {  	v0 =	vld [tilespmem:s19+$0x10]  }
0x187: {  	v1 =	vld [tilespmem:s19+$0x20]  }
0x188: {  	v2 =	vld [tilespmem:s19+$0x30]  }
0x189: {  	v3 =	vld [tilespmem:s19+$0x50]  }
0x18a: {  	v59 =	vld [tilespmem:s19+$0x40];
	v60 =	vpop (erf)  }
0x18b: {  	v61 =	vld [tilespmem:s19+$0x80];
	v0 =	vmul.f32 v60, v0  }
0x18c: {  	v62 =	vld [tilespmem:s19+$0x60];
	[tilespmem:s19+$0x0] =	vst v60;
	v1 =	vmul.f32 v60, v1  }
0x18d: {  	v63 =	vld [tilespmem:s19+$0x70];
	v2 =	vmul.f32 v2, v60;
	[tilespmem:s19+$0x10] =	vst v0  }
0x18e: {  	v0 =	vmul.f32 v3, v60;
	[tilespmem:s19+$0x20] =	vst v1  }
0x18f: {  	v1 =	vmul.f32 v59, v60;
	[tilespmem:s19+$0x30] =	vst v2  }
0x190: {  	v2 =	vmul.f32 v61, v60;
	[tilespmem:s19+$0x50] =	vst v0  }
0x191: {  	v0 =	vmul.f32 v62, v60;
	[tilespmem:s19+$0x40] =	vst v1  }
0x192: {  	v1 =	vmul.f32 v63, v60;
	[tilespmem:s19+$0x80] =	vst v2  }
0x193: {  	[tilespmem:s19+$0x60] =	vst v0  }
0x194: {  	[tilespmem:s19+$0x70] =	vst v1;
	v0 =	vld [tilespmem:s19+$0x90]  }
0x195: {  	s31 =	simm.s32 $0x1C0;
	v1 =	vld [tilespmem:s16+$0x66D0];
	s16 =	simm.s32 $0x6CF0  }
.LBB2_34:
0x196: {  	p3 =	sne.s32 s31, $0x13C0  }
0x197: {  	s19 =	sadd.s32 $0x240, s19;
	s1 =	smov.u32 s31;
	s31 =	sadd.s32 $0x100, s31  }
0x198: {  	_ =	sdelay $0x2  }
0x199: {  	v0 =	vadd.f32 v1, v0;
	_ =	sdelay $0x1  }
0x19a: {  	v1 =	vmul.f32 $2.000000030e-01, v0;
	_ =	sdelay $0x1  }
0x19b: {  	v0 =	vmax.f32 v0, v1  }
0x19c: {  	v0 =	vmul.f32 $1.442695020e+00, v0;
	_ =	sdelay $0x1  }
0x19d: {  	(erf) = vpow2.f32 v0  }
0x19e: {  	v0 =	vld [tilespmem:s16+$0xF0]  }
0x19f: {  	v1 =	vld [tilespmem:s16+$0xA0]  }
0x1a0: {  	v2 =	vld [tilespmem:s16+$0x110]  }
0x1a1: {  	v3 =	vld [tilespmem:s16+$0xC0]  }
0x1a2: {  	v4 =	vld [tilespmem:s16+$0xB0]  }
0x1a3: {  	v5 =	vld [tilespmem:s16+$0xD0]  }
0x1a4: {  	v6 =	vld [tilespmem:s16+$0xE0]  }
0x1a5: {  	v7 =	vld [tilespmem:s16+$0x100]  }
0x1a6: {  	v8 =	vpop (erf)  }
0x1a7: {  	[tilespmem:s16+$0x90] =	vst v8;
	v1 =	vmul.f32 v8, v1;
	v4 =	vmul.f32 v8, v4  }
0x1a8: {  	v3 =	vmul.f32 v3, v8;
	v5 =	vmul.f32 v5, v8  }
0x1a9: {  	v0 =	vmul.f32 v0, v8;
	[tilespmem:s16+$0xA0] =	vst v1;
	v1 =	vmul.f32 v6, v8  }
0x1aa: {  	v2 =	vmul.f32 v2, v8;
	[tilespmem:s16+$0xB0] =	vst v4;
	v4 =	vmul.f32 v7, v8  }
0x1ab: {  	[tilespmem:s16+$0xE0] =	vst v1  }
0x1ac: {  	[tilespmem:s16+$0xF0] =	vst v0  }
0x1ad: {  	[tilespmem:s16+$0x100] =	vst v4  }
0x1ae: {  	s1 =	sshra.s32 s1, $0x2;
	[tilespmem:s16+$0x110] =	vst v2  }
0x1af: {  	[tilespmem:s16+$0xC0] =	vst v3  }
0x1b0: {  	v0 =	vld [tilespmem:s19+$0xFFFFFEE0];
	[tilespmem:s16+$0xD0] =	vst v5;
	s16 =	smov.u32 s19  }
0x1b1: {  	v1 =	vld [tilespmem:s1+$0x66A0];
	_ =	sdelay $0x4  }
0x1b2: {  	v0 =	vadd.f32 v1, v0;
	_ =	sdelay $0x1  }
0x1b3: {  	v1 =	vmul.f32 $2.000000030e-01, v0;
	_ =	sdelay $0x1  }
0x1b4: {  	v0 =	vmax.f32 v0, v1  }
0x1b5: {  	v0 =	vmul.f32 $1.442695020e+00, v0;
	_ =	sdelay $0x1  }
0x1b6: {  	(erf) = vpow2.f32 v0  }
0x1b7: {  	v0 =	vld [tilespmem:s19+$0xFFFFFF60]  }
0x1b8: {  	v1 =	vld [tilespmem:s19+$0xFFFFFF30]  }
0x1b9: {  	v2 =	vld [tilespmem:s19+$0xFFFFFF20]  }
0x1ba: {  	v3 =	vld [tilespmem:s19+$0xFFFFFF40]  }
0x1bb: {  	v4 =	vld [tilespmem:s19+$0xFFFFFF00]  }
0x1bc: {  	v5 =	vld [tilespmem:s19+$0xFFFFFF10]  }
0x1bd: {  	v6 =	vld [tilespmem:s19+$0xFFFFFEF0]  }
0x1be: {  	v7 =	vld [tilespmem:s19+$0xFFFFFF50]  }
0x1bf: {  	v8 =	vpop (erf)  }
0x1c0: {  	[tilespmem:s19+$0xFFFFFEE0] =	vst v8;
	v4 =	vmul.f32 v8, v4;
	v3 =	vmul.f32 v3, v8  }
0x1c1: {  	v2 =	vmul.f32 v2, v8;
	v5 =	vmul.f32 v5, v8  }
0x1c2: {  	v1 =	vmul.f32 v1, v8;
	v6 =	vmul.f32 v8, v6;
	[tilespmem:s19+$0xFFFFFF00] =	vst v4  }
0x1c3: {  	v0 =	vmul.f32 v0, v8;
	[tilespmem:s19+$0xFFFFFF10] =	vst v5;
	v4 =	vmul.f32 v7, v8  }
0x1c4: {  	[tilespmem:s19+$0xFFFFFF40] =	vst v3  }
0x1c5: {  	[tilespmem:s19+$0xFFFFFEF0] =	vst v6  }
0x1c6: {  	[tilespmem:s19+$0xFFFFFF60] =	vst v0  }
0x1c7: {  	[tilespmem:s19+$0xFFFFFF30] =	vst v1  }
0x1c8: {  	[tilespmem:s19+$0xFFFFFF50] =	vst v4  }
0x1c9: {  	[tilespmem:s19+$0xFFFFFF20] =	vst v2;
	v0 =	vld [tilespmem:s19+$0xFFFFFF70]  }
0x1ca: {  	v1 =	vld [tilespmem:s1+$0x66B0];
	_ =	sdelay $0x4  }
0x1cb: {  	v0 =	vadd.f32 v1, v0;
	_ =	sdelay $0x1  }
0x1cc: {  	v1 =	vmul.f32 $2.000000030e-01, v0;
	_ =	sdelay $0x1  }
0x1cd: {  	v0 =	vmax.f32 v0, v1  }
0x1ce: {  	v0 =	vmul.f32 $1.442695020e+00, v0;
	_ =	sdelay $0x1  }
0x1cf: {  	(erf) = vpow2.f32 v0  }
0x1d0: {  	v0 =	vld [tilespmem:s19+$0xFFFFFFF0]  }
0x1d1: {  	v1 =	vld [tilespmem:s19+$0xFFFFFFD0]  }
0x1d2: {  	v2 =	vld [tilespmem:s19+$0xFFFFFFB0]  }
0x1d3: {  	v3 =	vld [tilespmem:s19+$0xFFFFFF90]  }
0x1d4: {  	v4 =	vld [tilespmem:s19+$0xFFFFFF80]  }
0x1d5: {  	v5 =	vld [tilespmem:s19+$0xFFFFFFA0]  }
0x1d6: {  	v6 =	vld [tilespmem:s19+$0xFFFFFFC0]  }
0x1d7: {  	v7 =	vld [tilespmem:s19+$0xFFFFFFE0]  }
0x1d8: {  	v8 =	vpop (erf)  }
0x1d9: {  	[tilespmem:s19+$0xFFFFFF70] =	vst v8;
	v4 =	vmul.f32 v8, v4;
	v3 =	vmul.f32 v8, v3  }
0x1da: {  	v2 =	vmul.f32 v2, v8;
	v5 =	vmul.f32 v5, v8  }
0x1db: {  	v1 =	vmul.f32 v1, v8;
	[tilespmem:s19+$0xFFFFFF90] =	vst v3;
	v3 =	vmul.f32 v6, v8  }
0x1dc: {  	v0 =	vmul.f32 v0, v8;
	[tilespmem:s19+$0xFFFFFFB0] =	vst v2;
	v2 =	vmul.f32 v7, v8  }
0x1dd: {  	[tilespmem:s19+$0xFFFFFFC0] =	vst v3  }
0x1de: {  	[tilespmem:s19+$0xFFFFFFF0] =	vst v0  }
0x1df: {  	[tilespmem:s19+$0xFFFFFF80] =	vst v4  }
0x1e0: {  	[tilespmem:s19+$0xFFFFFFE0] =	vst v2  }
0x1e1: {  	[tilespmem:s19+$0xFFFFFFA0] =	vst v5  }
0x1e2: {  	[tilespmem:s19+$0xFFFFFFD0] =	vst v1;
	v0 =	vld [tilespmem:s19+$0x0]  }
0x1e3: {  	v1 =	vld [tilespmem:s1+$0x66C0];
	_ =	sdelay $0x4  }
0x1e4: {  	v0 =	vadd.f32 v1, v0;
	_ =	sdelay $0x1  }
0x1e5: {  	v1 =	vmul.f32 $2.000000030e-01, v0;
	_ =	sdelay $0x1  }
0x1e6: {  	v0 =	vmax.f32 v0, v1  }
0x1e7: {  	v0 =	vmul.f32 $1.442695020e+00, v0;
	_ =	sdelay $0x1  }
0x1e8: {  	(erf) = vpow2.f32 v0  }
0x1e9: {  	v0 =	vld [tilespmem:s19+$0x80]  }
0x1ea: {  	v1 =	vld [tilespmem:s19+$0x60]  }
0x1eb: {  	v2 =	vld [tilespmem:s19+$0x40]  }
0x1ec: {  	v3 =	vld [tilespmem:s19+$0x20]  }
0x1ed: {  	v4 =	vld [tilespmem:s19+$0x10]  }
0x1ee: {  	v5 =	vld [tilespmem:s19+$0x30]  }
0x1ef: {  	v6 =	vld [tilespmem:s19+$0x50]  }
0x1f0: {  	v7 =	vld [tilespmem:s19+$0x70]  }
0x1f1: {  	v8 =	vpop (erf)  }
0x1f2: {  	[tilespmem:s19+$0x0] =	vst v8;
	v4 =	vmul.f32 v8, v4;
	v3 =	vmul.f32 v8, v3  }
0x1f3: {  	v2 =	vmul.f32 v2, v8;
	v5 =	vmul.f32 v5, v8  }
0x1f4: {  	v1 =	vmul.f32 v1, v8;
	[tilespmem:s19+$0x10] =	vst v4;
	v4 =	vmul.f32 v6, v8  }
0x1f5: {  	v0 =	vmul.f32 v0, v8;
	[tilespmem:s19+$0x20] =	vst v3;
	v3 =	vmul.f32 v7, v8  }
0x1f6: {  	[tilespmem:s19+$0x30] =	vst v5  }
0x1f7: {  	[tilespmem:s19+$0x50] =	vst v4  }
.Ltmp10:
0x1f8: {  	[tilespmem:s19+$0x40] =	vst v2;
	(pc) =	sbr.rel @p3 .LBB2_34-.Ltmp10, $4  }
0x1f9: {  	[tilespmem:s19+$0x80] =	vst v0  }
0x1fa: {  	[tilespmem:s19+$0x60] =	vst v1  }
0x1fb: {  	[tilespmem:s19+$0x70] =	vst v3;
	v0 =	vld [tilespmem:s19+$0x90]  }
0x1fc: {  	v1 =	vld [tilespmem:s1+$0x66D0]  }
0x1fd: {  	_ =	sdelay $0x3  }
0x1fe: {  	v0 =	vadd.f32 v1, v0;
	_ =	sdelay $0x1  }
0x1ff: {  	v1 =	vmul.f32 $2.000000030e-01, v0;
	_ =	sdelay $0x1  }
0x200: {  	v0 =	vmax.f32 v0, v1  }
0x201: {  	v0 =	vmul.f32 $1.442695020e+00, v0;
	_ =	sdelay $0x1  }
0x202: {  	(erf) = vpow2.f32 v0;
	_ =	sdelay $0x4  }
0x203: {  	v56 =	vld [tilespmem:s16+$0xA0]  }
0x204: {  	v2 =	vld [tilespmem:s16+$0xB0]  }
0x205: {  	v3 =	vld [tilespmem:s16+$0xE0]  }
0x206: {  	v55 =	vld [tilespmem:s16+$0xF0]  }
0x207: {  	v5 =	vld [tilespmem:s16+$0x100];
	v6 =	vpop (erf)  }
0x208: {  	v4 =	vld [tilespmem:s16+$0x110];
	v1 =	vmul.f32 v6, v56  }
0x209: {  	v7 =	vld [tilespmem:s16+$0xC0];
	[tilespmem:s16+$0x90] =	vst v6;
	v2 =	vmul.f32 v6, v2  }
0x20a: {  	v8 =	vld [tilespmem:s16+$0xD0];
	v57 =	vmul.f32 v3, v6;
	[tilespmem:s16+$0xA0] =	vst v1  }
0x20b: {  	v0 =	vmul.f32 v55, v6;
	[tilespmem:s16+$0xB0] =	vst v2  }
0x20c: {  	v58 =	vmul.f32 v5, v6;
	[tilespmem:s16+$0xE0] =	vst v57  }
0x20d: {  	v59 =	vmul.f32 v4, v6;
	[tilespmem:s16+$0xF0] =	vst v0  }
0x20e: {  	v60 =	vmul.f32 v7, v6;
	[tilespmem:s16+$0x100] =	vst v58  }
0x20f: {  	v61 =	vmul.f32 v8, v6;
	[tilespmem:s16+$0x110] =	vst v59  }
0x210: {  	[tilespmem:s16+$0xC0] =	vst v60  }
0x211: {  	[tilespmem:s16+$0xD0] =	vst v61  }
0x212: {  	v0 =	vld [tilespmem:$0x6630]  }
0x213: {  	v1 =	vld [tilespmem:$0x6640]  }
0x214: {  	v2 =	vld [tilespmem:$0x6650]  }
0x215: {  	v62 =	vld [tilespmem:$0x6660]  }
0x216: {  	v63 =	vld [tilespmem:$0x6670]  }
0x217: {  	[tilespmem:$0x6680] =	vst v0  }
.Ltmp11:
0x218: {  	[tilespmem:$0x6690] =	vst v1;
	(pc) =	sbr.rel .LBB2_36-.Ltmp11, $4  }
0x219: {  	[tilespmem:$0x66A0] =	vst v2  }
0x21a: {  	[tilespmem:$0x66B0] =	vst v62  }
0x21b: {  	s1 =	simm.s32 $0x6680;
	[tilespmem:$0x66C0] =	vst v63  }
0x21c: {  	[spmem:s2] =	stream.indirect.scatter.add.f32 [tilespmem:s25], [sflag:$0xC], $0x90, s1, s0, $0xb8;
	[tilespmem:$0x1F860] =	vst v63  }
.LBB2_23:
0x21d: {  	p4 =	por p3, !p4  }
.Ltmp12:
0x21e: {  	_ = 	snop;
	(pc) =	sbr.rel @!p4 .LBB2_25-.Ltmp12, $4  }
0x21f: {  	s1 =	simm.s32 @!p3 $0x8  }
0x220: {  	_ =	swait.ge @!p3 [sflag:s1], $0x2D00  }
0x221: {  	[sflag:s1] =	ssyncset.done @!p3 $0x0  }
0x222: {  	[sflag:s1] =	ssyncadd.s32 @!p3 $0xFFFFD300  }
0x223: {  	_ =	swait.ge [sflag:s7], $0x50  }
0x224: {  	[sflag:s7] =	ssyncset.done $0x0  }
0x225: {  	[sflag:s7] =	ssyncadd.s32 $0xFFFFFFB0  }
0x226: {  	_ =	swait.ge [sflag:s7], $0x50  }
0x227: {  	s1 =	simm.s32 $0x3340;
	[sflag:s7] =	ssyncset.done $0x0  }
0x228: {  	s16 =	simm.s32 $0x33E0;
	p3 =	sgt.u32 s18, $0xF7;
	[sflag:s7] =	ssyncadd.s32 $0xFFFFFFB0  }
0x229: {  	[tilespmem:s16], [sflag:$0x6] =	stream.indirect.gather [hbm4b:s11+s0], $0x10, s1, s0, $0xb8;
	[tilespmem:$0x1F860] =	vst v63  }
0x22a: {  	s31 =	simm.s32 $0x32F0;
	s1 =	smul.u32 @!p3 $0x50, s18  }
0x22b: {  	[tilespmem:s15], [sflag:$0x7] =	stream.indirect.gather [hbm4b:s10+s0], $0x90, s31, s0, $0xb8;
	[tilespmem:$0x1F860] =	vst v63  }
0x22c: {  	s1 =	sadd.s32 @!p3 s1, s20  }
0x22d: {  	s1 =	sshrl.u32 @!p3 s1, $0x3  }
0x22e: {  	s19 =	simm.s32 @!p3 $0x0;
	s31 =	simm.s32 @!p3 $0x65E0;
	s16 =	sadd.s32 @!p3 s5, s1  }
0x22f: {  	[tilespmem:s31], [sflag:$0x9] =	stream.linear.gather @!p3 [hbm4b:s16+s19], $0x50, $0x38;
	[tilespmem:$0x1F860] =	vst v63  }
0x230: {  	s1 =	sadd.s32 @!p3 s6, s1;
	s16 =	simm.s32 @!p3 $0x6630  }
0x231: {  	[tilespmem:s16], [sflag:$0x9] =	stream.linear.gather @!p3 [hbm4b:s1+s19], $0x50, $0x38;
	[tilespmem:$0x1F860] =	vst v63  }
.LBB2_25:
0x232: {  	_ =	swait.ge [sflag:s26], $0x500  }
0x233: {  	[sflag:s26] =	ssyncset.done $0x0  }
0x234: {  	[sflag:s26] =	ssyncadd.s32 $0xFFFFFB00  }
0x235: {  	_ =	swait.ge [sflag:s30], $0x2D00  }
0x236: {  	[sflag:s30] =	ssyncset.done $0x0  }
0x237: {  	s19 =	simm.s32 $0x710;
	[sflag:s30] =	ssyncadd.s32 $0xFFFFD300  }
0x238: {  	s1 =	simm.s32 $0x30;
	v0 =	vld [tilespmem:s19+$0xFFFFFEE0]  }
0x239: {  	v1 =	vld [tilespmem:s1+$0xC0];
	_ =	sdelay $0x4  }
0x23a: {  	v0 =	vadd.f32 v1, v0;
	_ =	sdelay $0x1  }
0x23b: {  	v1 =	vmul.f32 $2.000000030e-01, v0;
	_ =	sdelay $0x1  }
0x23c: {  	v0 =	vmax.f32 v0, v1  }
0x23d: {  	v0 =	vmul.f32 $1.442695020e+00, v0;
	_ =	sdelay $0x1  }
0x23e: {  	(erf) = vpow2.f32 v0;
	_ =	sdelay $0x4  }
0x23f: {  	v1 =	vld [tilespmem:s19+$0xFFFFFF00]  }
0x240: {  	v2 =	vld [tilespmem:s19+$0xFFFFFF10]  }
0x241: {  	v3 =	vld [tilespmem:s19+$0xFFFFFF40]  }
0x242: {  	v0 =	vld [tilespmem:s19+$0xFFFFFF60]  }
0x243: {  	v4 =	vld [tilespmem:s19+$0xFFFFFEF0];
	v6 =	vpop (erf)  }
0x244: {  	v5 =	vld [tilespmem:s19+$0xFFFFFF30];
	v1 =	vmul.f32 v6, v1  }
0x245: {  	v7 =	vld [tilespmem:s19+$0xFFFFFF20];
	[tilespmem:s19+$0xFFFFFEE0] =	vst v6;
	v2 =	vmul.f32 v2, v6  }
0x246: {  	v8 =	vld [tilespmem:s19+$0xFFFFFF50];
	v3 =	vmul.f32 v3, v6;
	[tilespmem:s19+$0xFFFFFF00] =	vst v1  }
0x247: {  	v0 =	vmul.f32 v0, v6;
	[tilespmem:s19+$0xFFFFFF10] =	vst v2  }
0x248: {  	v1 =	vmul.f32 v6, v4;
	[tilespmem:s19+$0xFFFFFF40] =	vst v3  }
0x249: {  	v2 =	vmul.f32 v5, v6;
	[tilespmem:s19+$0xFFFFFF60] =	vst v0  }
0x24a: {  	v0 =	vmul.f32 v7, v6;
	[tilespmem:s19+$0xFFFFFEF0] =	vst v1  }
0x24b: {  	v1 =	vmul.f32 v8, v6;
	[tilespmem:s19+$0xFFFFFF30] =	vst v2  }
0x24c: {  	[tilespmem:s19+$0xFFFFFF20] =	vst v0  }
0x24d: {  	v0 =	vld [tilespmem:s19+$0xFFFFFF70];
	[tilespmem:s19+$0xFFFFFF50] =	vst v1  }
0x24e: {  	v1 =	vld [tilespmem:s1+$0xD0];
	_ =	sdelay $0x4  }
0x24f: {  	v0 =	vadd.f32 v1, v0;
	_ =	sdelay $0x1  }
0x250: {  	v1 =	vmul.f32 $2.000000030e-01, v0;
	_ =	sdelay $0x1  }
0x251: {  	v0 =	vmax.f32 v0, v1  }
0x252: {  	v0 =	vmul.f32 $1.442695020e+00, v0;
	_ =	sdelay $0x1  }
0x253: {  	(erf) = vpow2.f32 v0;
	_ =	sdelay $0x4  }
0x254: {  	v1 =	vld [tilespmem:s19+$0xFFFFFF90]  }
0x255: {  	v2 =	vld [tilespmem:s19+$0xFFFFFFB0]  }
0x256: {  	v0 =	vld [tilespmem:s19+$0xFFFFFFF0]  }
0x257: {  	v3 =	vld [tilespmem:s19+$0xFFFFFFC0]  }
0x258: {  	v54 =	vld [tilespmem:s19+$0xFFFFFF80];
	v56 =	vpop (erf)  }
0x259: {  	v55 =	vld [tilespmem:s19+$0xFFFFFFA0];
	v1 =	vmul.f32 v56, v1  }
0x25a: {  	v57 =	vld [tilespmem:s19+$0xFFFFFFE0];
	[tilespmem:s19+$0xFFFFFF70] =	vst v56;
	v2 =	vmul.f32 v2, v56  }
0x25b: {  	v58 =	vld [tilespmem:s19+$0xFFFFFFD0];
	v0 =	vmul.f32 v0, v56;
	[tilespmem:s19+$0xFFFFFF90] =	vst v1  }
0x25c: {  	v1 =	vmul.f32 v3, v56;
	[tilespmem:s19+$0xFFFFFFB0] =	vst v2  }
0x25d: {  	v2 =	vmul.f32 v56, v54;
	[tilespmem:s19+$0xFFFFFFF0] =	vst v0  }
0x25e: {  	v0 =	vmul.f32 v55, v56;
	[tilespmem:s19+$0xFFFFFFC0] =	vst v1  }
0x25f: {  	v1 =	vmul.f32 v57, v56;
	[tilespmem:s19+$0xFFFFFF80] =	vst v2  }
0x260: {  	v2 =	vmul.f32 v58, v56;
	[tilespmem:s19+$0xFFFFFFA0] =	vst v0  }
0x261: {  	[tilespmem:s19+$0xFFFFFFE0] =	vst v1  }
0x262: {  	v0 =	vld [tilespmem:s19+$0x0];
	[tilespmem:s19+$0xFFFFFFD0] =	vst v2  }
0x263: {  	v1 =	vld [tilespmem:s1+$0xE0];
	_ =	sdelay $0x4  }
0x264: {  	v0 =	vadd.f32 v1, v0;
	_ =	sdelay $0x1  }
0x265: {  	v1 =	vmul.f32 $2.000000030e-01, v0;
	_ =	sdelay $0x1  }
0x266: {  	v0 =	vmax.f32 v0, v1  }
0x267: {  	v0 =	vmul.f32 $1.442695020e+00, v0;
	_ =	sdelay $0x1  }
0x268: {  	(erf) = vpow2.f32 v0;
	_ =	sdelay $0x4  }
0x269: {  	v0 =	vld [tilespmem:s19+$0x10]  }
0x26a: {  	v1 =	vld [tilespmem:s19+$0x20]  }
0x26b: {  	v2 =	vld [tilespmem:s19+$0x30]  }
0x26c: {  	v3 =	vld [tilespmem:s19+$0x50]  }
0x26d: {  	v59 =	vld [tilespmem:s19+$0x40];
	v60 =	vpop (erf)  }
0x26e: {  	v61 =	vld [tilespmem:s19+$0x80];
	v0 =	vmul.f32 v60, v0  }
0x26f: {  	v62 =	vld [tilespmem:s19+$0x60];
	[tilespmem:s19+$0x0] =	vst v60;
	v1 =	vmul.f32 v60, v1  }
0x270: {  	v63 =	vld [tilespmem:s19+$0x70];
	v2 =	vmul.f32 v2, v60;
	[tilespmem:s19+$0x10] =	vst v0  }
0x271: {  	v0 =	vmul.f32 v3, v60;
	[tilespmem:s19+$0x20] =	vst v1  }
0x272: {  	v1 =	vmul.f32 v59, v60;
	[tilespmem:s19+$0x30] =	vst v2  }
0x273: {  	v2 =	vmul.f32 v61, v60;
	[tilespmem:s19+$0x50] =	vst v0  }
0x274: {  	v0 =	vmul.f32 v62, v60;
	[tilespmem:s19+$0x40] =	vst v1  }
0x275: {  	v1 =	vmul.f32 v63, v60;
	[tilespmem:s19+$0x80] =	vst v2  }
0x276: {  	[tilespmem:s19+$0x60] =	vst v0  }
0x277: {  	[tilespmem:s19+$0x70] =	vst v1;
	v0 =	vld [tilespmem:s19+$0x90]  }
0x278: {  	s31 =	simm.s32 $0x1C0;
	s16 =	simm.s32 $0x710;
	v1 =	vld [tilespmem:s1+$0xF0]  }
.LBB2_26:
0x279: {  	p3 =	sne.s32 s31, $0x13C0  }
0x27a: {  	s19 =	sadd.s32 $0x240, s19;
	s1 =	smov.u32 s31;
	s31 =	sadd.s32 $0x100, s31  }
0x27b: {  	_ =	sdelay $0x2  }
0x27c: {  	v0 =	vadd.f32 v1, v0;
	_ =	sdelay $0x1  }
0x27d: {  	v1 =	vmul.f32 $2.000000030e-01, v0;
	_ =	sdelay $0x1  }
0x27e: {  	v0 =	vmax.f32 v0, v1  }
0x27f: {  	v0 =	vmul.f32 $1.442695020e+00, v0;
	_ =	sdelay $0x1  }
0x280: {  	(erf) = vpow2.f32 v0  }
0x281: {  	v0 =	vld [tilespmem:s16+$0xF0]  }
0x282: {  	v1 =	vld [tilespmem:s16+$0xA0]  }
0x283: {  	v2 =	vld [tilespmem:s16+$0x110]  }
0x284: {  	v3 =	vld [tilespmem:s16+$0xC0]  }
0x285: {  	v4 =	vld [tilespmem:s16+$0xB0]  }
0x286: {  	v5 =	vld [tilespmem:s16+$0xD0]  }
0x287: {  	v6 =	vld [tilespmem:s16+$0xE0]  }
0x288: {  	v7 =	vld [tilespmem:s16+$0x100]  }
0x289: {  	v8 =	vpop (erf)  }
0x28a: {  	[tilespmem:s16+$0x90] =	vst v8;
	v1 =	vmul.f32 v8, v1;
	v4 =	vmul.f32 v8, v4  }
0x28b: {  	v3 =	vmul.f32 v3, v8;
	v5 =	vmul.f32 v5, v8  }
0x28c: {  	v0 =	vmul.f32 v0, v8;
	[tilespmem:s16+$0xA0] =	vst v1;
	v1 =	vmul.f32 v6, v8  }
0x28d: {  	v2 =	vmul.f32 v2, v8;
	[tilespmem:s16+$0xB0] =	vst v4;
	v4 =	vmul.f32 v7, v8  }
0x28e: {  	[tilespmem:s16+$0xE0] =	vst v1  }
0x28f: {  	[tilespmem:s16+$0xF0] =	vst v0  }
0x290: {  	[tilespmem:s16+$0x100] =	vst v4  }
0x291: {  	s1 =	sshra.s32 s1, $0x2;
	[tilespmem:s16+$0x110] =	vst v2  }
0x292: {  	[tilespmem:s16+$0xC0] =	vst v3  }
0x293: {  	v0 =	vld [tilespmem:s19+$0xFFFFFEE0];
	[tilespmem:s16+$0xD0] =	vst v5;
	s16 =	smov.u32 s19  }
0x294: {  	v1 =	vld [tilespmem:s1+$0xC0];
	_ =	sdelay $0x4  }
0x295: {  	v0 =	vadd.f32 v1, v0;
	_ =	sdelay $0x1  }
0x296: {  	v1 =	vmul.f32 $2.000000030e-01, v0;
	_ =	sdelay $0x1  }
0x297: {  	v0 =	vmax.f32 v0, v1  }
0x298: {  	v0 =	vmul.f32 $1.442695020e+00, v0;
	_ =	sdelay $0x1  }
0x299: {  	(erf) = vpow2.f32 v0  }
0x29a: {  	v0 =	vld [tilespmem:s19+$0xFFFFFF60]  }
0x29b: {  	v1 =	vld [tilespmem:s19+$0xFFFFFF30]  }
0x29c: {  	v2 =	vld [tilespmem:s19+$0xFFFFFF20]  }
0x29d: {  	v3 =	vld [tilespmem:s19+$0xFFFFFF40]  }
0x29e: {  	v4 =	vld [tilespmem:s19+$0xFFFFFF00]  }
0x29f: {  	v5 =	vld [tilespmem:s19+$0xFFFFFF10]  }
0x2a0: {  	v6 =	vld [tilespmem:s19+$0xFFFFFEF0]  }
0x2a1: {  	v7 =	vld [tilespmem:s19+$0xFFFFFF50]  }
0x2a2: {  	v8 =	vpop (erf)  }
0x2a3: {  	[tilespmem:s19+$0xFFFFFEE0] =	vst v8;
	v4 =	vmul.f32 v8, v4;
	v3 =	vmul.f32 v3, v8  }
0x2a4: {  	v2 =	vmul.f32 v2, v8;
	v5 =	vmul.f32 v5, v8  }
0x2a5: {  	v1 =	vmul.f32 v1, v8;
	v6 =	vmul.f32 v8, v6;
	[tilespmem:s19+$0xFFFFFF00] =	vst v4  }
0x2a6: {  	v0 =	vmul.f32 v0, v8;
	[tilespmem:s19+$0xFFFFFF10] =	vst v5;
	v4 =	vmul.f32 v7, v8  }
0x2a7: {  	[tilespmem:s19+$0xFFFFFF40] =	vst v3  }
0x2a8: {  	[tilespmem:s19+$0xFFFFFEF0] =	vst v6  }
0x2a9: {  	[tilespmem:s19+$0xFFFFFF60] =	vst v0  }
0x2aa: {  	[tilespmem:s19+$0xFFFFFF30] =	vst v1  }
0x2ab: {  	[tilespmem:s19+$0xFFFFFF50] =	vst v4  }
0x2ac: {  	[tilespmem:s19+$0xFFFFFF20] =	vst v2;
	v0 =	vld [tilespmem:s19+$0xFFFFFF70]  }
0x2ad: {  	v1 =	vld [tilespmem:s1+$0xD0];
	_ =	sdelay $0x4  }
0x2ae: {  	v0 =	vadd.f32 v1, v0;
	_ =	sdelay $0x1  }
0x2af: {  	v1 =	vmul.f32 $2.000000030e-01, v0;
	_ =	sdelay $0x1  }
0x2b0: {  	v0 =	vmax.f32 v0, v1  }
0x2b1: {  	v0 =	vmul.f32 $1.442695020e+00, v0;
	_ =	sdelay $0x1  }
0x2b2: {  	(erf) = vpow2.f32 v0  }
0x2b3: {  	v0 =	vld [tilespmem:s19+$0xFFFFFFF0]  }
0x2b4: {  	v1 =	vld [tilespmem:s19+$0xFFFFFFD0]  }
0x2b5: {  	v2 =	vld [tilespmem:s19+$0xFFFFFFB0]  }
0x2b6: {  	v3 =	vld [tilespmem:s19+$0xFFFFFF90]  }
0x2b7: {  	v4 =	vld [tilespmem:s19+$0xFFFFFF80]  }
0x2b8: {  	v5 =	vld [tilespmem:s19+$0xFFFFFFA0]  }
0x2b9: {  	v6 =	vld [tilespmem:s19+$0xFFFFFFC0]  }
0x2ba: {  	v7 =	vld [tilespmem:s19+$0xFFFFFFE0]  }
0x2bb: {  	v8 =	vpop (erf)  }
0x2bc: {  	[tilespmem:s19+$0xFFFFFF70] =	vst v8;
	v4 =	vmul.f32 v8, v4;
	v3 =	vmul.f32 v8, v3  }
0x2bd: {  	v2 =	vmul.f32 v2, v8;
	v5 =	vmul.f32 v5, v8  }
0x2be: {  	v1 =	vmul.f32 v1, v8;
	[tilespmem:s19+$0xFFFFFF90] =	vst v3;
	v3 =	vmul.f32 v6, v8  }
0x2bf: {  	v0 =	vmul.f32 v0, v8;
	[tilespmem:s19+$0xFFFFFFB0] =	vst v2;
	v2 =	vmul.f32 v7, v8  }
0x2c0: {  	[tilespmem:s19+$0xFFFFFFC0] =	vst v3  }
0x2c1: {  	[tilespmem:s19+$0xFFFFFFF0] =	vst v0  }
0x2c2: {  	[tilespmem:s19+$0xFFFFFF80] =	vst v4  }
0x2c3: {  	[tilespmem:s19+$0xFFFFFFE0] =	vst v2  }
0x2c4: {  	[tilespmem:s19+$0xFFFFFFA0] =	vst v5  }
0x2c5: {  	[tilespmem:s19+$0xFFFFFFD0] =	vst v1;
	v0 =	vld [tilespmem:s19+$0x0]  }
0x2c6: {  	v1 =	vld [tilespmem:s1+$0xE0];
	_ =	sdelay $0x4  }
0x2c7: {  	v0 =	vadd.f32 v1, v0;
	_ =	sdelay $0x1  }
0x2c8: {  	v1 =	vmul.f32 $2.000000030e-01, v0;
	_ =	sdelay $0x1  }
0x2c9: {  	v0 =	vmax.f32 v0, v1  }
0x2ca: {  	v0 =	vmul.f32 $1.442695020e+00, v0;
	_ =	sdelay $0x1  }
0x2cb: {  	(erf) = vpow2.f32 v0  }
0x2cc: {  	v0 =	vld [tilespmem:s19+$0x80]  }
0x2cd: {  	v1 =	vld [tilespmem:s19+$0x60]  }
0x2ce: {  	v2 =	vld [tilespmem:s19+$0x40]  }
0x2cf: {  	v3 =	vld [tilespmem:s19+$0x20]  }
0x2d0: {  	v4 =	vld [tilespmem:s19+$0x10]  }
0x2d1: {  	v5 =	vld [tilespmem:s19+$0x30]  }
0x2d2: {  	v6 =	vld [tilespmem:s19+$0x50]  }
0x2d3: {  	v7 =	vld [tilespmem:s19+$0x70]  }
0x2d4: {  	v8 =	vpop (erf)  }
0x2d5: {  	[tilespmem:s19+$0x0] =	vst v8;
	v4 =	vmul.f32 v8, v4;
	v3 =	vmul.f32 v8, v3  }
0x2d6: {  	v2 =	vmul.f32 v2, v8;
	v5 =	vmul.f32 v5, v8  }
0x2d7: {  	v1 =	vmul.f32 v1, v8;
	[tilespmem:s19+$0x10] =	vst v4;
	v4 =	vmul.f32 v6, v8  }
0x2d8: {  	v0 =	vmul.f32 v0, v8;
	[tilespmem:s19+$0x20] =	vst v3;
	v3 =	vmul.f32 v7, v8  }
0x2d9: {  	[tilespmem:s19+$0x30] =	vst v5  }
0x2da: {  	[tilespmem:s19+$0x50] =	vst v4  }
.Ltmp13:
0x2db: {  	[tilespmem:s19+$0x40] =	vst v2;
	(pc) =	sbr.rel @p3 .LBB2_26-.Ltmp13, $4  }
0x2dc: {  	[tilespmem:s19+$0x80] =	vst v0  }
0x2dd: {  	[tilespmem:s19+$0x60] =	vst v1  }
0x2de: {  	[tilespmem:s19+$0x70] =	vst v3;
	v0 =	vld [tilespmem:s19+$0x90]  }
0x2df: {  	v1 =	vld [tilespmem:s1+$0xF0]  }
0x2e0: {  	_ =	sdelay $0x3  }
0x2e1: {  	v0 =	vadd.f32 v1, v0;
	_ =	sdelay $0x1  }
0x2e2: {  	v1 =	vmul.f32 $2.000000030e-01, v0;
	_ =	sdelay $0x1  }
0x2e3: {  	v0 =	vmax.f32 v0, v1  }
0x2e4: {  	v0 =	vmul.f32 $1.442695020e+00, v0;
	_ =	sdelay $0x1  }
0x2e5: {  	(erf) = vpow2.f32 v0;
	_ =	sdelay $0x4  }
0x2e6: {  	v56 =	vld [tilespmem:s16+$0xA0]  }
0x2e7: {  	v2 =	vld [tilespmem:s16+$0xB0]  }
0x2e8: {  	v3 =	vld [tilespmem:s16+$0xE0]  }
0x2e9: {  	v55 =	vld [tilespmem:s16+$0xF0]  }
0x2ea: {  	v5 =	vld [tilespmem:s16+$0x100];
	v6 =	vpop (erf)  }
0x2eb: {  	v4 =	vld [tilespmem:s16+$0x110];
	v1 =	vmul.f32 v6, v56  }
0x2ec: {  	v7 =	vld [tilespmem:s16+$0xC0];
	[tilespmem:s16+$0x90] =	vst v6;
	v2 =	vmul.f32 v6, v2  }
0x2ed: {  	v8 =	vld [tilespmem:s16+$0xD0];
	v57 =	vmul.f32 v3, v6;
	[tilespmem:s16+$0xA0] =	vst v1  }
0x2ee: {  	v0 =	vmul.f32 v55, v6;
	[tilespmem:s16+$0xB0] =	vst v2  }
0x2ef: {  	v58 =	vmul.f32 v5, v6;
	[tilespmem:s16+$0xE0] =	vst v57  }
0x2f0: {  	v59 =	vmul.f32 v4, v6;
	[tilespmem:s16+$0xF0] =	vst v0  }
0x2f1: {  	v60 =	vmul.f32 v7, v6;
	[tilespmem:s16+$0x100] =	vst v58  }
0x2f2: {  	v61 =	vmul.f32 v8, v6;
	[tilespmem:s16+$0x110] =	vst v59  }
0x2f3: {  	[tilespmem:s16+$0xC0] =	vst v60  }
0x2f4: {  	[tilespmem:s16+$0xD0] =	vst v61  }
0x2f5: {  	v0 =	vld [tilespmem:$0x50]  }
0x2f6: {  	v1 =	vld [tilespmem:$0x60]  }
0x2f7: {  	v2 =	vld [tilespmem:$0x70]  }
0x2f8: {  	v62 =	vld [tilespmem:$0x80]  }
0x2f9: {  	v63 =	vld [tilespmem:$0x90]  }
0x2fa: {  	[tilespmem:$0xA0] =	vst v0  }
.Ltmp14:
0x2fb: {  	[tilespmem:$0xB0] =	vst v1;
	(pc) =	sbr.rel .LBB2_36-.Ltmp14, $4  }
0x2fc: {  	[tilespmem:$0xC0] =	vst v2  }
0x2fd: {  	[tilespmem:$0xD0] =	vst v62  }
0x2fe: {  	[tilespmem:$0xE0] =	vst v63  }
0x2ff: {  	[spmem:s2] =	stream.indirect.scatter.add.f32 [tilespmem:s17], [sflag:$0x4], $0x90, s12, s0, $0xb8;
	[tilespmem:$0x1F860] =	vst v63  }
.LBB2_2:
0x300: {  	s1 =	rddreg [dreg:$0x9]  }
0x301: {  	[tilespmem:s18], [sflag:$0x1] =	stream.linear.gather [hbm4b:s1+s18], $0x50, $0x38;
	[tilespmem:$0x1F860] =	vst v63  }
0x302: {  	s31 =	rddreg [dreg:$0xa];
	s16 =	simm.s32 $0x1  }
0x303: {  	[tilespmem:s0], [sflag:$0x1] =	stream.linear.gather [hbm4b:s31+s18], $0x50, $0x38;
	[tilespmem:$0x1F860] =	vst v63  }
0x304: {  	_ =	swait.ge [sflag:s16], $0x50  }
0x305: {  	[sflag:s16] =	ssyncset.done $0x0  }
0x306: {  	[sflag:s16] =	ssyncadd.s32 $0xFFFFFFB0  }
0x307: {  	_ =	swait.ge [sflag:s16], $0x50  }
0x308: {  	[sflag:s16] =	ssyncset.done $0x0  }
0x309: {  	s19 =	simm.s32 $0xF0;
	[sflag:s16] =	ssyncadd.s32 $0xFFFFFFB0  }
0x30a: {  	[tilespmem:s19], [sflag:$0x2] =	stream.indirect.gather [hbm4b:s9+s0], $0x10, s0, s0, $0xb8;
	[tilespmem:$0x1F860] =	vst v63  }
0x30b: {  	_ = 	snop  }
0x30c: {  	[tilespmem:s17], [sflag:$0x3] =	stream.indirect.gather [hbm4b:s8+s0], $0x90, s18, s0, $0xb8;
	[tilespmem:$0x1F860] =	vst v63  }
.Ltmp15:
0x30d: {  	_ = 	snop;
	(pc) =	sbr.rel .LBB2_3-.Ltmp15, $4  }
0x30e: {  	s31 =	rddreg [dreg:$0xb];
	s16 =	simm.s32 $0x32F0  }
0x30f: {  	[tilespmem:s16], [sflag:$0x5] =	stream.linear.gather [hbm4b:s31+s18], $0x50, $0x38;
	[tilespmem:$0x1F860] =	vst v63  }
0x310: {  	s19 =	rddreg [dreg:$0xe];
	s31 =	simm.s32 $0x3340  }
0x311: {  	[tilespmem:s31], [sflag:$0x5] =	stream.linear.gather [hbm4b:s19+s18], $0x50, $0x38;
	[tilespmem:$0x1F860] =	vst v63  }
.LBB2_18:
0x312: {  	s18 =	sadd.s32 $0x1, s18  }
0x313: {  	p3 =	sne.s32 s18, $0xFA  }
.Ltmp16:
0x314: {  	_ = 	snop;
	(pc) =	sbr.rel @!p3 .LBB2_19-.Ltmp16, $1  }
0x315: {  	_ =	sdelay $0x3  }
.LBB2_3:
0x316: {  	s1 =	smul.u32 $0xAB, s18;
	_ =	sdelay $0x1  }
0x317: {  	s1 =	sshrl.u32 s1, $0x9  }
0x318: {  	s1 =	sand.u32 $0x7F, s1  }
0x319: {  	s1 =	smul.u32 $0x3, s1;
	_ =	sdelay $0x1  }
0x31a: {  	s1 =	ssub.s32 s18, s1  }
0x31b: {  	s1 =	sand.u32 $0xFF, s1  }
0x31c: {  	p3 =	seq.s32 s1, $0x2  }
.Ltmp17:
0x31d: {  	_ = 	snop;
	(pc) =	sbr.rel @p3 .LBB2_15-.Ltmp17, $1  }
0x31e: {  	_ =	sdelay $0x3  }
0x31f: {  	p5 =	seq.s32 s1, $0x1  }
.Ltmp18:
0x320: {  	_ = 	snop;
	(pc) =	sbr.rel @!p5 .LBB2_5-.Ltmp18, $3  }
0x321: {  	_ =	sdelay $0x1  }
0x322: {  	p3 =	slt.u32 s18, $0x2  }
0x323: {  	p4 =	seq.s32 @!p3 s18, $0xF9  }
0x324: {  	p4 =	por p3, !p4  }
.Ltmp19:
0x325: {  	_ = 	snop;
	(pc) =	sbr.rel @!p4 .LBB2_12-.Ltmp19, $4  }
0x326: {  	s1 =	simm.s32 @!p3 $0xC  }
0x327: {  	_ =	swait.ge @!p3 [sflag:s1], $0x2D00  }
0x328: {  	[sflag:s1] =	ssyncset.done @!p3 $0x0  }
0x329: {  	[sflag:s1] =	ssyncadd.s32 @!p3 $0xFFFFD300  }
0x32a: {  	_ =	swait.ge [sflag:s29], $0x50  }
0x32b: {  	[sflag:s29] =	ssyncset.done $0x0  }
0x32c: {  	[sflag:s29] =	ssyncadd.s32 $0xFFFFFFB0  }
0x32d: {  	_ =	swait.ge [sflag:s29], $0x50  }
0x32e: {  	s1 =	simm.s32 $0x6630;
	[sflag:s29] =	ssyncset.done $0x0  }
0x32f: {  	s16 =	simm.s32 $0x66D0;
	p3 =	sgt.u32 s18, $0xF7;
	[sflag:s29] =	ssyncadd.s32 $0xFFFFFFB0  }
0x330: {  	[tilespmem:s16], [sflag:$0xA] =	stream.indirect.gather [hbm4b:s9+s0], $0x10, s1, s0, $0xb8;
	[tilespmem:$0x1F860] =	vst v63  }
0x331: {  	s31 =	simm.s32 $0x65E0;
	s1 =	smul.u32 @!p3 $0x50, s18  }
0x332: {  	[tilespmem:s25], [sflag:$0xB] =	stream.indirect.gather [hbm4b:s8+s0], $0x90, s31, s0, $0xb8;
	[tilespmem:$0x1F860] =	vst v63  }
0x333: {  	s1 =	sadd.s32 @!p3 s1, s20  }
0x334: {  	s1 =	sshrl.u32 @!p3 s1, $0x3  }
0x335: {  	s19 =	simm.s32 @!p3 $0x0;
	s16 =	sadd.s32 @!p3 s4, s1  }
0x336: {  	[tilespmem:s19], [sflag:$0x1] =	stream.linear.gather @!p3 [hbm4b:s16+s19], $0x50, $0x38;
	[tilespmem:$0x1F860] =	vst v63  }
0x337: {  	s1 =	sadd.s32 @!p3 s24, s1;
	s16 =	simm.s32 @!p3 $0x50  }
0x338: {  	[tilespmem:s16], [sflag:$0x1] =	stream.linear.gather @!p3 [hbm4b:s1+s19], $0x50, $0x38;
	[tilespmem:$0x1F860] =	vst v63  }
.LBB2_12:
0x339: {  	_ =	swait.ge [sflag:s28], $0x500  }
0x33a: {  	[sflag:s28] =	ssyncset.done $0x0  }
0x33b: {  	[sflag:s28] =	ssyncadd.s32 $0xFFFFFB00  }
0x33c: {  	_ =	swait.ge [sflag:s13], $0x2D00  }
0x33d: {  	[sflag:s13] =	ssyncset.done $0x0  }
0x33e: {  	s19 =	simm.s32 $0x3A00;
	[sflag:s13] =	ssyncadd.s32 $0xFFFFD300  }
0x33f: {  	s1 =	simm.s32 $0x30;
	v0 =	vld [tilespmem:s19+$0xFFFFFEE0]  }
0x340: {  	v1 =	vld [tilespmem:s1+$0x33B0];
	_ =	sdelay $0x4  }
0x341: {  	v0 =	vadd.f32 v1, v0;
	_ =	sdelay $0x1  }
0x342: {  	v1 =	vmul.f32 $2.000000030e-01, v0;
	_ =	sdelay $0x1  }
0x343: {  	v0 =	vmax.f32 v0, v1  }
0x344: {  	v0 =	vmul.f32 $1.442695020e+00, v0;
	_ =	sdelay $0x1  }
0x345: {  	(erf) = vpow2.f32 v0;
	_ =	sdelay $0x4  }
0x346: {  	v1 =	vld [tilespmem:s19+$0xFFFFFF00]  }
0x347: {  	v2 =	vld [tilespmem:s19+$0xFFFFFF10]  }
0x348: {  	v3 =	vld [tilespmem:s19+$0xFFFFFF40]  }
0x349: {  	v0 =	vld [tilespmem:s19+$0xFFFFFF60]  }
0x34a: {  	v4 =	vld [tilespmem:s19+$0xFFFFFEF0];
	v6 =	vpop (erf)  }
0x34b: {  	v5 =	vld [tilespmem:s19+$0xFFFFFF30];
	v1 =	vmul.f32 v6, v1  }
0x34c: {  	v7 =	vld [tilespmem:s19+$0xFFFFFF20];
	[tilespmem:s19+$0xFFFFFEE0] =	vst v6;
	v2 =	vmul.f32 v2, v6  }
0x34d: {  	v8 =	vld [tilespmem:s19+$0xFFFFFF50];
	v3 =	vmul.f32 v3, v6;
	[tilespmem:s19+$0xFFFFFF00] =	vst v1  }
0x34e: {  	v0 =	vmul.f32 v0, v6;
	[tilespmem:s19+$0xFFFFFF10] =	vst v2  }
0x34f: {  	v1 =	vmul.f32 v6, v4;
	[tilespmem:s19+$0xFFFFFF40] =	vst v3  }
0x350: {  	v2 =	vmul.f32 v5, v6;
	[tilespmem:s19+$0xFFFFFF60] =	vst v0  }
0x351: {  	v0 =	vmul.f32 v7, v6;
	[tilespmem:s19+$0xFFFFFEF0] =	vst v1  }
0x352: {  	v1 =	vmul.f32 v8, v6;
	[tilespmem:s19+$0xFFFFFF30] =	vst v2  }
0x353: {  	[tilespmem:s19+$0xFFFFFF20] =	vst v0  }
0x354: {  	v0 =	vld [tilespmem:s19+$0xFFFFFF70];
	[tilespmem:s19+$0xFFFFFF50] =	vst v1  }
0x355: {  	v1 =	vld [tilespmem:s1+$0x33C0];
	_ =	sdelay $0x4  }
0x356: {  	v0 =	vadd.f32 v1, v0;
	_ =	sdelay $0x1  }
0x357: {  	v1 =	vmul.f32 $2.000000030e-01, v0;
	_ =	sdelay $0x1  }
0x358: {  	v0 =	vmax.f32 v0, v1  }
0x359: {  	v0 =	vmul.f32 $1.442695020e+00, v0;
	_ =	sdelay $0x1  }
0x35a: {  	(erf) = vpow2.f32 v0;
	_ =	sdelay $0x4  }
0x35b: {  	v1 =	vld [tilespmem:s19+$0xFFFFFF90]  }
0x35c: {  	v2 =	vld [tilespmem:s19+$0xFFFFFFB0]  }
0x35d: {  	v0 =	vld [tilespmem:s19+$0xFFFFFFF0]  }
0x35e: {  	v3 =	vld [tilespmem:s19+$0xFFFFFFC0]  }
0x35f: {  	v54 =	vld [tilespmem:s19+$0xFFFFFF80];
	v56 =	vpop (erf)  }
0x360: {  	v55 =	vld [tilespmem:s19+$0xFFFFFFA0];
	v1 =	vmul.f32 v56, v1  }
0x361: {  	v57 =	vld [tilespmem:s19+$0xFFFFFFE0];
	[tilespmem:s19+$0xFFFFFF70] =	vst v56;
	v2 =	vmul.f32 v2, v56  }
0x362: {  	v58 =	vld [tilespmem:s19+$0xFFFFFFD0];
	v0 =	vmul.f32 v0, v56;
	[tilespmem:s19+$0xFFFFFF90] =	vst v1  }
0x363: {  	v1 =	vmul.f32 v3, v56;
	[tilespmem:s19+$0xFFFFFFB0] =	vst v2  }
0x364: {  	v2 =	vmul.f32 v56, v54;
	[tilespmem:s19+$0xFFFFFFF0] =	vst v0  }
0x365: {  	v0 =	vmul.f32 v55, v56;
	[tilespmem:s19+$0xFFFFFFC0] =	vst v1  }
0x366: {  	v1 =	vmul.f32 v57, v56;
	[tilespmem:s19+$0xFFFFFF80] =	vst v2  }
0x367: {  	v2 =	vmul.f32 v58, v56;
	[tilespmem:s19+$0xFFFFFFA0] =	vst v0  }
0x368: {  	[tilespmem:s19+$0xFFFFFFE0] =	vst v1  }
0x369: {  	v0 =	vld [tilespmem:s19+$0x0];
	[tilespmem:s19+$0xFFFFFFD0] =	vst v2  }
0x36a: {  	v1 =	vld [tilespmem:s1+$0x33D0];
	_ =	sdelay $0x4  }
0x36b: {  	v0 =	vadd.f32 v1, v0;
	_ =	sdelay $0x1  }
0x36c: {  	v1 =	vmul.f32 $2.000000030e-01, v0;
	_ =	sdelay $0x1  }
0x36d: {  	v0 =	vmax.f32 v0, v1  }
0x36e: {  	v0 =	vmul.f32 $1.442695020e+00, v0;
	_ =	sdelay $0x1  }
0x36f: {  	(erf) = vpow2.f32 v0;
	_ =	sdelay $0x4  }
0x370: {  	v0 =	vld [tilespmem:s19+$0x10]  }
0x371: {  	v1 =	vld [tilespmem:s19+$0x20]  }
0x372: {  	v2 =	vld [tilespmem:s19+$0x30]  }
0x373: {  	v3 =	vld [tilespmem:s19+$0x50]  }
0x374: {  	v59 =	vld [tilespmem:s19+$0x40];
	v60 =	vpop (erf)  }
0x375: {  	v61 =	vld [tilespmem:s19+$0x80];
	v0 =	vmul.f32 v60, v0  }
0x376: {  	v62 =	vld [tilespmem:s19+$0x60];
	[tilespmem:s19+$0x0] =	vst v60;
	v1 =	vmul.f32 v60, v1  }
0x377: {  	v63 =	vld [tilespmem:s19+$0x70];
	v2 =	vmul.f32 v2, v60;
	[tilespmem:s19+$0x10] =	vst v0  }
0x378: {  	v0 =	vmul.f32 v3, v60;
	[tilespmem:s19+$0x20] =	vst v1  }
0x379: {  	v1 =	vmul.f32 v59, v60;
	[tilespmem:s19+$0x30] =	vst v2  }
0x37a: {  	v2 =	vmul.f32 v61, v60;
	[tilespmem:s19+$0x50] =	vst v0  }
0x37b: {  	v0 =	vmul.f32 v62, v60;
	[tilespmem:s19+$0x40] =	vst v1  }
0x37c: {  	v1 =	vmul.f32 v63, v60;
	[tilespmem:s19+$0x80] =	vst v2  }
0x37d: {  	[tilespmem:s19+$0x60] =	vst v0  }
0x37e: {  	[tilespmem:s19+$0x70] =	vst v1;
	v0 =	vld [tilespmem:s19+$0x90]  }
0x37f: {  	s31 =	simm.s32 $0x1C0;
	s16 =	simm.s32 $0x3A00;
	v1 =	vld [tilespmem:s1+$0x33E0]  }
.LBB2_13:
0x380: {  	p3 =	sne.s32 s31, $0x13C0  }
0x381: {  	s19 =	sadd.s32 $0x240, s19;
	s1 =	smov.u32 s31;
	s31 =	sadd.s32 $0x100, s31  }
0x382: {  	_ =	sdelay $0x2  }
0x383: {  	v0 =	vadd.f32 v1, v0;
	_ =	sdelay $0x1  }
0x384: {  	v1 =	vmul.f32 $2.000000030e-01, v0;
	_ =	sdelay $0x1  }
0x385: {  	v0 =	vmax.f32 v0, v1  }
0x386: {  	v0 =	vmul.f32 $1.442695020e+00, v0;
	_ =	sdelay $0x1  }
0x387: {  	(erf) = vpow2.f32 v0  }
0x388: {  	v0 =	vld [tilespmem:s16+$0xF0]  }
0x389: {  	v1 =	vld [tilespmem:s16+$0xA0]  }
0x38a: {  	v2 =	vld [tilespmem:s16+$0x110]  }
0x38b: {  	v3 =	vld [tilespmem:s16+$0xC0]  }
0x38c: {  	v4 =	vld [tilespmem:s16+$0xB0]  }
0x38d: {  	v5 =	vld [tilespmem:s16+$0xD0]  }
0x38e: {  	v6 =	vld [tilespmem:s16+$0xE0]  }
0x38f: {  	v7 =	vld [tilespmem:s16+$0x100]  }
0x390: {  	v8 =	vpop (erf)  }
0x391: {  	[tilespmem:s16+$0x90] =	vst v8;
	v1 =	vmul.f32 v8, v1;
	v4 =	vmul.f32 v8, v4  }
0x392: {  	v3 =	vmul.f32 v3, v8;
	v5 =	vmul.f32 v5, v8  }
0x393: {  	v0 =	vmul.f32 v0, v8;
	[tilespmem:s16+$0xA0] =	vst v1;
	v1 =	vmul.f32 v6, v8  }
0x394: {  	v2 =	vmul.f32 v2, v8;
	[tilespmem:s16+$0xB0] =	vst v4;
	v4 =	vmul.f32 v7, v8  }
0x395: {  	[tilespmem:s16+$0xE0] =	vst v1  }
0x396: {  	[tilespmem:s16+$0xF0] =	vst v0  }
0x397: {  	[tilespmem:s16+$0x100] =	vst v4  }
0x398: {  	s1 =	sshra.s32 s1, $0x2;
	[tilespmem:s16+$0x110] =	vst v2  }
0x399: {  	[tilespmem:s16+$0xC0] =	vst v3  }
0x39a: {  	v0 =	vld [tilespmem:s19+$0xFFFFFEE0];
	[tilespmem:s16+$0xD0] =	vst v5;
	s16 =	smov.u32 s19  }
0x39b: {  	v1 =	vld [tilespmem:s1+$0x33B0];
	_ =	sdelay $0x4  }
0x39c: {  	v0 =	vadd.f32 v1, v0;
	_ =	sdelay $0x1  }
0x39d: {  	v1 =	vmul.f32 $2.000000030e-01, v0;
	_ =	sdelay $0x1  }
0x39e: {  	v0 =	vmax.f32 v0, v1  }
0x39f: {  	v0 =	vmul.f32 $1.442695020e+00, v0;
	_ =	sdelay $0x1  }
0x3a0: {  	(erf) = vpow2.f32 v0  }
0x3a1: {  	v0 =	vld [tilespmem:s19+$0xFFFFFF60]  }
0x3a2: {  	v1 =	vld [tilespmem:s19+$0xFFFFFF30]  }
0x3a3: {  	v2 =	vld [tilespmem:s19+$0xFFFFFF20]  }
0x3a4: {  	v3 =	vld [tilespmem:s19+$0xFFFFFF40]  }
0x3a5: {  	v4 =	vld [tilespmem:s19+$0xFFFFFF00]  }
0x3a6: {  	v5 =	vld [tilespmem:s19+$0xFFFFFF10]  }
0x3a7: {  	v6 =	vld [tilespmem:s19+$0xFFFFFEF0]  }
0x3a8: {  	v7 =	vld [tilespmem:s19+$0xFFFFFF50]  }
0x3a9: {  	v8 =	vpop (erf)  }
0x3aa: {  	[tilespmem:s19+$0xFFFFFEE0] =	vst v8;
	v4 =	vmul.f32 v8, v4;
	v3 =	vmul.f32 v3, v8  }
0x3ab: {  	v2 =	vmul.f32 v2, v8;
	v5 =	vmul.f32 v5, v8  }
0x3ac: {  	v1 =	vmul.f32 v1, v8;
	v6 =	vmul.f32 v8, v6;
	[tilespmem:s19+$0xFFFFFF00] =	vst v4  }
0x3ad: {  	v0 =	vmul.f32 v0, v8;
	[tilespmem:s19+$0xFFFFFF10] =	vst v5;
	v4 =	vmul.f32 v7, v8  }
0x3ae: {  	[tilespmem:s19+$0xFFFFFF40] =	vst v3  }
0x3af: {  	[tilespmem:s19+$0xFFFFFEF0] =	vst v6  }
0x3b0: {  	[tilespmem:s19+$0xFFFFFF60] =	vst v0  }
0x3b1: {  	[tilespmem:s19+$0xFFFFFF30] =	vst v1  }
0x3b2: {  	[tilespmem:s19+$0xFFFFFF50] =	vst v4  }
0x3b3: {  	[tilespmem:s19+$0xFFFFFF20] =	vst v2;
	v0 =	vld [tilespmem:s19+$0xFFFFFF70]  }
0x3b4: {  	v1 =	vld [tilespmem:s1+$0x33C0];
	_ =	sdelay $0x4  }
0x3b5: {  	v0 =	vadd.f32 v1, v0;
	_ =	sdelay $0x1  }
0x3b6: {  	v1 =	vmul.f32 $2.000000030e-01, v0;
	_ =	sdelay $0x1  }
0x3b7: {  	v0 =	vmax.f32 v0, v1  }
0x3b8: {  	v0 =	vmul.f32 $1.442695020e+00, v0;
	_ =	sdelay $0x1  }
0x3b9: {  	(erf) = vpow2.f32 v0  }
0x3ba: {  	v0 =	vld [tilespmem:s19+$0xFFFFFFF0]  }
0x3bb: {  	v1 =	vld [tilespmem:s19+$0xFFFFFFD0]  }
0x3bc: {  	v2 =	vld [tilespmem:s19+$0xFFFFFFB0]  }
0x3bd: {  	v3 =	vld [tilespmem:s19+$0xFFFFFF90]  }
0x3be: {  	v4 =	vld [tilespmem:s19+$0xFFFFFF80]  }
0x3bf: {  	v5 =	vld [tilespmem:s19+$0xFFFFFFA0]  }
0x3c0: {  	v6 =	vld [tilespmem:s19+$0xFFFFFFC0]  }
0x3c1: {  	v7 =	vld [tilespmem:s19+$0xFFFFFFE0]  }
0x3c2: {  	v8 =	vpop (erf)  }
0x3c3: {  	[tilespmem:s19+$0xFFFFFF70] =	vst v8;
	v4 =	vmul.f32 v8, v4;
	v3 =	vmul.f32 v8, v3  }
0x3c4: {  	v2 =	vmul.f32 v2, v8;
	v5 =	vmul.f32 v5, v8  }
0x3c5: {  	v1 =	vmul.f32 v1, v8;
	[tilespmem:s19+$0xFFFFFF90] =	vst v3;
	v3 =	vmul.f32 v6, v8  }
0x3c6: {  	v0 =	vmul.f32 v0, v8;
	[tilespmem:s19+$0xFFFFFFB0] =	vst v2;
	v2 =	vmul.f32 v7, v8  }
0x3c7: {  	[tilespmem:s19+$0xFFFFFFC0] =	vst v3  }
0x3c8: {  	[tilespmem:s19+$0xFFFFFFF0] =	vst v0  }
0x3c9: {  	[tilespmem:s19+$0xFFFFFF80] =	vst v4  }
0x3ca: {  	[tilespmem:s19+$0xFFFFFFE0] =	vst v2  }
0x3cb: {  	[tilespmem:s19+$0xFFFFFFA0] =	vst v5  }
0x3cc: {  	[tilespmem:s19+$0xFFFFFFD0] =	vst v1;
	v0 =	vld [tilespmem:s19+$0x0]  }
0x3cd: {  	v1 =	vld [tilespmem:s1+$0x33D0];
	_ =	sdelay $0x4  }
0x3ce: {  	v0 =	vadd.f32 v1, v0;
	_ =	sdelay $0x1  }
0x3cf: {  	v1 =	vmul.f32 $2.000000030e-01, v0;
	_ =	sdelay $0x1  }
0x3d0: {  	v0 =	vmax.f32 v0, v1  }
0x3d1: {  	v0 =	vmul.f32 $1.442695020e+00, v0;
	_ =	sdelay $0x1  }
0x3d2: {  	(erf) = vpow2.f32 v0  }
0x3d3: {  	v0 =	vld [tilespmem:s19+$0x80]  }
0x3d4: {  	v1 =	vld [tilespmem:s19+$0x60]  }
0x3d5: {  	v2 =	vld [tilespmem:s19+$0x40]  }
0x3d6: {  	v3 =	vld [tilespmem:s19+$0x20]  }
0x3d7: {  	v4 =	vld [tilespmem:s19+$0x10]  }
0x3d8: {  	v5 =	vld [tilespmem:s19+$0x30]  }
0x3d9: {  	v6 =	vld [tilespmem:s19+$0x50]  }
0x3da: {  	v7 =	vld [tilespmem:s19+$0x70]  }
0x3db: {  	v8 =	vpop (erf)  }
0x3dc: {  	[tilespmem:s19+$0x0] =	vst v8;
	v4 =	vmul.f32 v8, v4;
	v3 =	vmul.f32 v8, v3  }
0x3dd: {  	v2 =	vmul.f32 v2, v8;
	v5 =	vmul.f32 v5, v8  }
0x3de: {  	v1 =	vmul.f32 v1, v8;
	[tilespmem:s19+$0x10] =	vst v4;
	v4 =	vmul.f32 v6, v8  }
0x3df: {  	v0 =	vmul.f32 v0, v8;
	[tilespmem:s19+$0x20] =	vst v3;
	v3 =	vmul.f32 v7, v8  }
0x3e0: {  	[tilespmem:s19+$0x30] =	vst v5  }
0x3e1: {  	[tilespmem:s19+$0x50] =	vst v4  }
.Ltmp20:
0x3e2: {  	[tilespmem:s19+$0x40] =	vst v2;
	(pc) =	sbr.rel @p3 .LBB2_13-.Ltmp20, $4  }
0x3e3: {  	[tilespmem:s19+$0x80] =	vst v0  }
0x3e4: {  	[tilespmem:s19+$0x60] =	vst v1  }
0x3e5: {  	[tilespmem:s19+$0x70] =	vst v3;
	v0 =	vld [tilespmem:s19+$0x90]  }
0x3e6: {  	v1 =	vld [tilespmem:s1+$0x33E0]  }
0x3e7: {  	_ =	sdelay $0x3  }
0x3e8: {  	v0 =	vadd.f32 v1, v0;
	_ =	sdelay $0x1  }
0x3e9: {  	v1 =	vmul.f32 $2.000000030e-01, v0;
	_ =	sdelay $0x1  }
0x3ea: {  	v0 =	vmax.f32 v0, v1  }
0x3eb: {  	v0 =	vmul.f32 $1.442695020e+00, v0;
	_ =	sdelay $0x1  }
0x3ec: {  	(erf) = vpow2.f32 v0;
	_ =	sdelay $0x4  }
0x3ed: {  	v56 =	vld [tilespmem:s16+$0xA0]  }
0x3ee: {  	v2 =	vld [tilespmem:s16+$0xB0]  }
0x3ef: {  	v3 =	vld [tilespmem:s16+$0xE0]  }
0x3f0: {  	v55 =	vld [tilespmem:s16+$0xF0]  }
0x3f1: {  	v5 =	vld [tilespmem:s16+$0x100];
	v6 =	vpop (erf)  }
0x3f2: {  	v4 =	vld [tilespmem:s16+$0x110];
	v1 =	vmul.f32 v6, v56  }
0x3f3: {  	v7 =	vld [tilespmem:s16+$0xC0];
	[tilespmem:s16+$0x90] =	vst v6;
	v2 =	vmul.f32 v6, v2  }
0x3f4: {  	v8 =	vld [tilespmem:s16+$0xD0];
	v57 =	vmul.f32 v3, v6;
	[tilespmem:s16+$0xA0] =	vst v1  }
0x3f5: {  	v0 =	vmul.f32 v55, v6;
	[tilespmem:s16+$0xB0] =	vst v2  }
0x3f6: {  	v58 =	vmul.f32 v5, v6;
	[tilespmem:s16+$0xE0] =	vst v57  }
0x3f7: {  	v59 =	vmul.f32 v4, v6;
	[tilespmem:s16+$0xF0] =	vst v0  }
0x3f8: {  	v60 =	vmul.f32 v7, v6;
	[tilespmem:s16+$0x100] =	vst v58  }
0x3f9: {  	v61 =	vmul.f32 v8, v6;
	[tilespmem:s16+$0x110] =	vst v59  }
0x3fa: {  	[tilespmem:s16+$0xC0] =	vst v60  }
0x3fb: {  	[tilespmem:s16+$0xD0] =	vst v61  }
0x3fc: {  	v0 =	vld [tilespmem:$0x3340]  }
0x3fd: {  	v1 =	vld [tilespmem:$0x3350]  }
0x3fe: {  	v2 =	vld [tilespmem:$0x3360]  }
0x3ff: {  	v62 =	vld [tilespmem:$0x3370]  }
0x400: {  	v63 =	vld [tilespmem:$0x3380]  }
0x401: {  	[tilespmem:$0x3390] =	vst v0  }
.Ltmp21:
0x402: {  	[tilespmem:$0x33A0] =	vst v1;
	(pc) =	sbr.rel .LBB2_18-.Ltmp21, $4  }
0x403: {  	[tilespmem:$0x33B0] =	vst v2  }
0x404: {  	[tilespmem:$0x33C0] =	vst v62  }
0x405: {  	[tilespmem:$0x33D0] =	vst v63  }
0x406: {  	[spmem:s2] =	stream.indirect.scatter.add.f32 [tilespmem:s15], [sflag:$0x8], $0x90, s14, s0, $0xb8;
	[tilespmem:$0x1F860] =	vst v63  }
.LBB2_15:
0x407: {  	_ =	swait.ge [sflag:s21], $0x2D00  }
0x408: {  	p3 =	seq.s32 s18, $0xF9;
	[sflag:s21] =	ssyncset.done $0x0  }
0x409: {  	s1 =	simm.s32 @!p3 $0x1;
	[sflag:s21] =	ssyncadd.s32 $0xFFFFD300  }
0x40a: {  	_ =	swait.ge @!p3 [sflag:s1], $0x50  }
0x40b: {  	[sflag:s1] =	ssyncset.done @!p3 $0x0  }
0x40c: {  	[sflag:s1] =	ssyncadd.s32 @!p3 $0xFFFFFFB0  }
0x40d: {  	_ =	swait.ge @!p3 [sflag:s1], $0x50  }
0x40e: {  	s16 =	simm.s32 @!p3 $0xF0;
	p4 =	sgt.u32 @!p3 s18, $0xF7;
	[sflag:s1] =	ssyncset.done @!p3 $0x0  }
0x40f: {  	p4 =	por p4, p3;
	[sflag:s1] =	ssyncadd.s32 @!p3 $0xFFFFFFB0;
	s1 =	simm.s32 @!p3 $0x50  }
0x410: {  	[tilespmem:s16], [sflag:$0x2] =	stream.indirect.gather @!p3 [hbm4b:s9+s1], $0x10, s1, s1, $0xb8;
	[tilespmem:$0x1F860] =	vst v63  }
0x411: {  	s19 =	simm.s32 @!p3 $0x5F0;
	s31 =	smul.u32 @!p4 $0x50, s18;
	s16 =	simm.s32 @!p3 $0x0  }
0x412: {  	[tilespmem:s19], [sflag:$0x3] =	stream.indirect.gather @!p3 [hbm4b:s8+s1], $0x90, s16, s1, $0xb8;
	[tilespmem:$0x1F860] =	vst v63  }
0x413: {  	s1 =	sadd.s32 @!p4 s31, s20  }
0x414: {  	s1 =	sshrl.u32 @!p4 s1, $0x3  }
0x415: {  	s19 =	simm.s32 @!p4 $0x0;
	s31 =	simm.s32 @!p4 $0x32F0;
	s16 =	sadd.s32 @!p4 s4, s1  }
0x416: {  	[tilespmem:s31], [sflag:$0x5] =	stream.linear.gather @!p4 [hbm4b:s16+s19], $0x50, $0x38;
	[tilespmem:$0x1F860] =	vst v63  }
0x417: {  	s1 =	sadd.s32 @!p4 s24, s1;
	s16 =	simm.s32 @!p4 $0x3340  }
0x418: {  	[tilespmem:s16], [sflag:$0x5] =	stream.linear.gather @!p4 [hbm4b:s1+s19], $0x50, $0x38;
	[tilespmem:$0x1F860] =	vst v63  }
0x419: {  	_ =	swait.ge [sflag:s22], $0x500  }
0x41a: {  	[sflag:s22] =	ssyncset.done $0x0  }
0x41b: {  	[sflag:s22] =	ssyncadd.s32 $0xFFFFFB00  }
0x41c: {  	_ =	swait.ge [sflag:s23], $0x2D00  }
0x41d: {  	[sflag:s23] =	ssyncset.done $0x0  }
0x41e: {  	s19 =	simm.s32 $0x6CF0;
	[sflag:s23] =	ssyncadd.s32 $0xFFFFD300  }
0x41f: {  	s16 =	simm.s32 $0x30;
	v0 =	vld [tilespmem:s19+$0xFFFFFEE0]  }
0x420: {  	v1 =	vld [tilespmem:s16+$0x66A0];
	_ =	sdelay $0x4  }
0x421: {  	v0 =	vadd.f32 v1, v0;
	_ =	sdelay $0x1  }
0x422: {  	v1 =	vmul.f32 $2.000000030e-01, v0;
	_ =	sdelay $0x1  }
0x423: {  	v0 =	vmax.f32 v0, v1  }
0x424: {  	v0 =	vmul.f32 $1.442695020e+00, v0;
	_ =	sdelay $0x1  }
0x425: {  	(erf) = vpow2.f32 v0;
	_ =	sdelay $0x4  }
0x426: {  	v1 =	vld [tilespmem:s19+$0xFFFFFF00]  }
0x427: {  	v2 =	vld [tilespmem:s19+$0xFFFFFF10]  }
0x428: {  	v3 =	vld [tilespmem:s19+$0xFFFFFF40]  }
0x429: {  	v0 =	vld [tilespmem:s19+$0xFFFFFF60]  }
0x42a: {  	v4 =	vld [tilespmem:s19+$0xFFFFFEF0];
	v6 =	vpop (erf)  }
0x42b: {  	v5 =	vld [tilespmem:s19+$0xFFFFFF30];
	v1 =	vmul.f32 v6, v1  }
0x42c: {  	v7 =	vld [tilespmem:s19+$0xFFFFFF20];
	[tilespmem:s19+$0xFFFFFEE0] =	vst v6;
	v2 =	vmul.f32 v2, v6  }
0x42d: {  	v8 =	vld [tilespmem:s19+$0xFFFFFF50];
	v3 =	vmul.f32 v3, v6;
	[tilespmem:s19+$0xFFFFFF00] =	vst v1  }
0x42e: {  	v0 =	vmul.f32 v0, v6;
	[tilespmem:s19+$0xFFFFFF10] =	vst v2  }
0x42f: {  	v1 =	vmul.f32 v6, v4;
	[tilespmem:s19+$0xFFFFFF40] =	vst v3  }
0x430: {  	v2 =	vmul.f32 v5, v6;
	[tilespmem:s19+$0xFFFFFF60] =	vst v0  }
0x431: {  	v0 =	vmul.f32 v7, v6;
	[tilespmem:s19+$0xFFFFFEF0] =	vst v1  }
0x432: {  	v1 =	vmul.f32 v8, v6;
	[tilespmem:s19+$0xFFFFFF30] =	vst v2  }
0x433: {  	[tilespmem:s19+$0xFFFFFF20] =	vst v0  }
0x434: {  	v0 =	vld [tilespmem:s19+$0xFFFFFF70];
	[tilespmem:s19+$0xFFFFFF50] =	vst v1  }
0x435: {  	v1 =	vld [tilespmem:s16+$0x66B0];
	_ =	sdelay $0x4  }
0x436: {  	v0 =	vadd.f32 v1, v0;
	_ =	sdelay $0x1  }
0x437: {  	v1 =	vmul.f32 $2.000000030e-01, v0;
	_ =	sdelay $0x1  }
0x438: {  	v0 =	vmax.f32 v0, v1  }
0x439: {  	v0 =	vmul.f32 $1.442695020e+00, v0;
	_ =	sdelay $0x1  }
0x43a: {  	(erf) = vpow2.f32 v0;
	_ =	sdelay $0x4  }
0x43b: {  	v1 =	vld [tilespmem:s19+$0xFFFFFF90]  }
0x43c: {  	v2 =	vld [tilespmem:s19+$0xFFFFFFB0]  }
0x43d: {  	v0 =	vld [tilespmem:s19+$0xFFFFFFF0]  }
0x43e: {  	v3 =	vld [tilespmem:s19+$0xFFFFFFC0]  }
0x43f: {  	v54 =	vld [tilespmem:s19+$0xFFFFFF80];
	v56 =	vpop (erf)  }
0x440: {  	v55 =	vld [tilespmem:s19+$0xFFFFFFA0];
	v1 =	vmul.f32 v56, v1  }
0x441: {  	v57 =	vld [tilespmem:s19+$0xFFFFFFE0];
	[tilespmem:s19+$0xFFFFFF70] =	vst v56;
	v2 =	vmul.f32 v2, v56  }
0x442: {  	v58 =	vld [tilespmem:s19+$0xFFFFFFD0];
	v0 =	vmul.f32 v0, v56;
	[tilespmem:s19+$0xFFFFFF90] =	vst v1  }
0x443: {  	v1 =	vmul.f32 v3, v56;
	[tilespmem:s19+$0xFFFFFFB0] =	vst v2  }
0x444: {  	v2 =	vmul.f32 v56, v54;
	[tilespmem:s19+$0xFFFFFFF0] =	vst v0  }
0x445: {  	v0 =	vmul.f32 v55, v56;
	[tilespmem:s19+$0xFFFFFFC0] =	vst v1  }
0x446: {  	v1 =	vmul.f32 v57, v56;
	[tilespmem:s19+$0xFFFFFF80] =	vst v2  }
0x447: {  	v2 =	vmul.f32 v58, v56;
	[tilespmem:s19+$0xFFFFFFA0] =	vst v0  }
0x448: {  	[tilespmem:s19+$0xFFFFFFE0] =	vst v1  }
0x449: {  	v0 =	vld [tilespmem:s19+$0x0];
	[tilespmem:s19+$0xFFFFFFD0] =	vst v2  }
0x44a: {  	v1 =	vld [tilespmem:s16+$0x66C0];
	_ =	sdelay $0x4  }
0x44b: {  	v0 =	vadd.f32 v1, v0;
	_ =	sdelay $0x1  }
0x44c: {  	v1 =	vmul.f32 $2.000000030e-01, v0;
	_ =	sdelay $0x1  }
0x44d: {  	v0 =	vmax.f32 v0, v1  }
0x44e: {  	v0 =	vmul.f32 $1.442695020e+00, v0;
	_ =	sdelay $0x1  }
0x44f: {  	(erf) = vpow2.f32 v0;
	_ =	sdelay $0x4  }
0x450: {  	v0 =	vld [tilespmem:s19+$0x10]  }
0x451: {  	v1 =	vld [tilespmem:s19+$0x20]  }
0x452: {  	v2 =	vld [tilespmem:s19+$0x30]  }
0x453: {  	v3 =	vld [tilespmem:s19+$0x50]  }
0x454: {  	v59 =	vld [tilespmem:s19+$0x40];
	v60 =	vpop (erf)  }
0x455: {  	v61 =	vld [tilespmem:s19+$0x80];
	v0 =	vmul.f32 v60, v0  }
0x456: {  	v62 =	vld [tilespmem:s19+$0x60];
	[tilespmem:s19+$0x0] =	vst v60;
	v1 =	vmul.f32 v60, v1  }
0x457: {  	v63 =	vld [tilespmem:s19+$0x70];
	v2 =	vmul.f32 v2, v60;
	[tilespmem:s19+$0x10] =	vst v0  }
0x458: {  	v0 =	vmul.f32 v3, v60;
	[tilespmem:s19+$0x20] =	vst v1  }
0x459: {  	v1 =	vmul.f32 v59, v60;
	[tilespmem:s19+$0x30] =	vst v2  }
0x45a: {  	v2 =	vmul.f32 v61, v60;
	[tilespmem:s19+$0x50] =	vst v0  }
0x45b: {  	v0 =	vmul.f32 v62, v60;
	[tilespmem:s19+$0x40] =	vst v1  }
0x45c: {  	v1 =	vmul.f32 v63, v60;
	[tilespmem:s19+$0x80] =	vst v2  }
0x45d: {  	[tilespmem:s19+$0x60] =	vst v0  }
0x45e: {  	[tilespmem:s19+$0x70] =	vst v1;
	v0 =	vld [tilespmem:s19+$0x90]  }
0x45f: {  	s31 =	simm.s32 $0x1C0;
	v1 =	vld [tilespmem:s16+$0x66D0];
	s16 =	simm.s32 $0x6CF0  }
.LBB2_16:
0x460: {  	p3 =	sne.s32 s31, $0x13C0  }
0x461: {  	s19 =	sadd.s32 $0x240, s19;
	s1 =	smov.u32 s31;
	s31 =	sadd.s32 $0x100, s31  }
0x462: {  	_ =	sdelay $0x2  }
0x463: {  	v0 =	vadd.f32 v1, v0;
	_ =	sdelay $0x1  }
0x464: {  	v1 =	vmul.f32 $2.000000030e-01, v0;
	_ =	sdelay $0x1  }
0x465: {  	v0 =	vmax.f32 v0, v1  }
0x466: {  	v0 =	vmul.f32 $1.442695020e+00, v0;
	_ =	sdelay $0x1  }
0x467: {  	(erf) = vpow2.f32 v0  }
0x468: {  	v0 =	vld [tilespmem:s16+$0xF0]  }
0x469: {  	v1 =	vld [tilespmem:s16+$0xA0]  }
0x46a: {  	v2 =	vld [tilespmem:s16+$0x110]  }
0x46b: {  	v3 =	vld [tilespmem:s16+$0xC0]  }
0x46c: {  	v4 =	vld [tilespmem:s16+$0xB0]  }
0x46d: {  	v5 =	vld [tilespmem:s16+$0xD0]  }
0x46e: {  	v6 =	vld [tilespmem:s16+$0xE0]  }
0x46f: {  	v7 =	vld [tilespmem:s16+$0x100]  }
0x470: {  	v8 =	vpop (erf)  }
0x471: {  	[tilespmem:s16+$0x90] =	vst v8;
	v1 =	vmul.f32 v8, v1;
	v4 =	vmul.f32 v8, v4  }
0x472: {  	v3 =	vmul.f32 v3, v8;
	v5 =	vmul.f32 v5, v8  }
0x473: {  	v0 =	vmul.f32 v0, v8;
	[tilespmem:s16+$0xA0] =	vst v1;
	v1 =	vmul.f32 v6, v8  }
0x474: {  	v2 =	vmul.f32 v2, v8;
	[tilespmem:s16+$0xB0] =	vst v4;
	v4 =	vmul.f32 v7, v8  }
0x475: {  	[tilespmem:s16+$0xE0] =	vst v1  }
0x476: {  	[tilespmem:s16+$0xF0] =	vst v0  }
0x477: {  	[tilespmem:s16+$0x100] =	vst v4  }
0x478: {  	s1 =	sshra.s32 s1, $0x2;
	[tilespmem:s16+$0x110] =	vst v2  }
0x479: {  	[tilespmem:s16+$0xC0] =	vst v3  }
0x47a: {  	v0 =	vld [tilespmem:s19+$0xFFFFFEE0];
	[tilespmem:s16+$0xD0] =	vst v5;
	s16 =	smov.u32 s19  }
0x47b: {  	v1 =	vld [tilespmem:s1+$0x66A0];
	_ =	sdelay $0x4  }
0x47c: {  	v0 =	vadd.f32 v1, v0;
	_ =	sdelay $0x1  }
0x47d: {  	v1 =	vmul.f32 $2.000000030e-01, v0;
	_ =	sdelay $0x1  }
0x47e: {  	v0 =	vmax.f32 v0, v1  }
0x47f: {  	v0 =	vmul.f32 $1.442695020e+00, v0;
	_ =	sdelay $0x1  }
0x480: {  	(erf) = vpow2.f32 v0  }
0x481: {  	v0 =	vld [tilespmem:s19+$0xFFFFFF60]  }
0x482: {  	v1 =	vld [tilespmem:s19+$0xFFFFFF30]  }
0x483: {  	v2 =	vld [tilespmem:s19+$0xFFFFFF20]  }
0x484: {  	v3 =	vld [tilespmem:s19+$0xFFFFFF40]  }
0x485: {  	v4 =	vld [tilespmem:s19+$0xFFFFFF00]  }
0x486: {  	v5 =	vld [tilespmem:s19+$0xFFFFFF10]  }
0x487: {  	v6 =	vld [tilespmem:s19+$0xFFFFFEF0]  }
0x488: {  	v7 =	vld [tilespmem:s19+$0xFFFFFF50]  }
0x489: {  	v8 =	vpop (erf)  }
0x48a: {  	[tilespmem:s19+$0xFFFFFEE0] =	vst v8;
	v4 =	vmul.f32 v8, v4;
	v3 =	vmul.f32 v3, v8  }
0x48b: {  	v2 =	vmul.f32 v2, v8;
	v5 =	vmul.f32 v5, v8  }
0x48c: {  	v1 =	vmul.f32 v1, v8;
	v6 =	vmul.f32 v8, v6;
	[tilespmem:s19+$0xFFFFFF00] =	vst v4  }
0x48d: {  	v0 =	vmul.f32 v0, v8;
	[tilespmem:s19+$0xFFFFFF10] =	vst v5;
	v4 =	vmul.f32 v7, v8  }
0x48e: {  	[tilespmem:s19+$0xFFFFFF40] =	vst v3  }
0x48f: {  	[tilespmem:s19+$0xFFFFFEF0] =	vst v6  }
0x490: {  	[tilespmem:s19+$0xFFFFFF60] =	vst v0  }
0x491: {  	[tilespmem:s19+$0xFFFFFF30] =	vst v1  }
0x492: {  	[tilespmem:s19+$0xFFFFFF50] =	vst v4  }
0x493: {  	[tilespmem:s19+$0xFFFFFF20] =	vst v2;
	v0 =	vld [tilespmem:s19+$0xFFFFFF70]  }
0x494: {  	v1 =	vld [tilespmem:s1+$0x66B0];
	_ =	sdelay $0x4  }
0x495: {  	v0 =	vadd.f32 v1, v0;
	_ =	sdelay $0x1  }
0x496: {  	v1 =	vmul.f32 $2.000000030e-01, v0;
	_ =	sdelay $0x1  }
0x497: {  	v0 =	vmax.f32 v0, v1  }
0x498: {  	v0 =	vmul.f32 $1.442695020e+00, v0;
	_ =	sdelay $0x1  }
0x499: {  	(erf) = vpow2.f32 v0  }
0x49a: {  	v0 =	vld [tilespmem:s19+$0xFFFFFFF0]  }
0x49b: {  	v1 =	vld [tilespmem:s19+$0xFFFFFFD0]  }
0x49c: {  	v2 =	vld [tilespmem:s19+$0xFFFFFFB0]  }
0x49d: {  	v3 =	vld [tilespmem:s19+$0xFFFFFF90]  }
0x49e: {  	v4 =	vld [tilespmem:s19+$0xFFFFFF80]  }
0x49f: {  	v5 =	vld [tilespmem:s19+$0xFFFFFFA0]  }
0x4a0: {  	v6 =	vld [tilespmem:s19+$0xFFFFFFC0]  }
0x4a1: {  	v7 =	vld [tilespmem:s19+$0xFFFFFFE0]  }
0x4a2: {  	v8 =	vpop (erf)  }
0x4a3: {  	[tilespmem:s19+$0xFFFFFF70] =	vst v8;
	v4 =	vmul.f32 v8, v4;
	v3 =	vmul.f32 v8, v3  }
0x4a4: {  	v2 =	vmul.f32 v2, v8;
	v5 =	vmul.f32 v5, v8  }
0x4a5: {  	v1 =	vmul.f32 v1, v8;
	[tilespmem:s19+$0xFFFFFF90] =	vst v3;
	v3 =	vmul.f32 v6, v8  }
0x4a6: {  	v0 =	vmul.f32 v0, v8;
	[tilespmem:s19+$0xFFFFFFB0] =	vst v2;
	v2 =	vmul.f32 v7, v8  }
0x4a7: {  	[tilespmem:s19+$0xFFFFFFC0] =	vst v3  }
0x4a8: {  	[tilespmem:s19+$0xFFFFFFF0] =	vst v0  }
0x4a9: {  	[tilespmem:s19+$0xFFFFFF80] =	vst v4  }
0x4aa: {  	[tilespmem:s19+$0xFFFFFFE0] =	vst v2  }
0x4ab: {  	[tilespmem:s19+$0xFFFFFFA0] =	vst v5  }
0x4ac: {  	[tilespmem:s19+$0xFFFFFFD0] =	vst v1;
	v0 =	vld [tilespmem:s19+$0x0]  }
0x4ad: {  	v1 =	vld [tilespmem:s1+$0x66C0];
	_ =	sdelay $0x4  }
0x4ae: {  	v0 =	vadd.f32 v1, v0;
	_ =	sdelay $0x1  }
0x4af: {  	v1 =	vmul.f32 $2.000000030e-01, v0;
	_ =	sdelay $0x1  }
0x4b0: {  	v0 =	vmax.f32 v0, v1  }
0x4b1: {  	v0 =	vmul.f32 $1.442695020e+00, v0;
	_ =	sdelay $0x1  }
0x4b2: {  	(erf) = vpow2.f32 v0  }
0x4b3: {  	v0 =	vld [tilespmem:s19+$0x80]  }
0x4b4: {  	v1 =	vld [tilespmem:s19+$0x60]  }
0x4b5: {  	v2 =	vld [tilespmem:s19+$0x40]  }
0x4b6: {  	v3 =	vld [tilespmem:s19+$0x20]  }
0x4b7: {  	v4 =	vld [tilespmem:s19+$0x10]  }
0x4b8: {  	v5 =	vld [tilespmem:s19+$0x30]  }
0x4b9: {  	v6 =	vld [tilespmem:s19+$0x50]  }
0x4ba: {  	v7 =	vld [tilespmem:s19+$0x70]  }
0x4bb: {  	v8 =	vpop (erf)  }
0x4bc: {  	[tilespmem:s19+$0x0] =	vst v8;
	v4 =	vmul.f32 v8, v4;
	v3 =	vmul.f32 v8, v3  }
0x4bd: {  	v2 =	vmul.f32 v2, v8;
	v5 =	vmul.f32 v5, v8  }
0x4be: {  	v1 =	vmul.f32 v1, v8;
	[tilespmem:s19+$0x10] =	vst v4;
	v4 =	vmul.f32 v6, v8  }
0x4bf: {  	v0 =	vmul.f32 v0, v8;
	[tilespmem:s19+$0x20] =	vst v3;
	v3 =	vmul.f32 v7, v8  }
0x4c0: {  	[tilespmem:s19+$0x30] =	vst v5  }
0x4c1: {  	[tilespmem:s19+$0x50] =	vst v4  }
.Ltmp22:
0x4c2: {  	[tilespmem:s19+$0x40] =	vst v2;
	(pc) =	sbr.rel @p3 .LBB2_16-.Ltmp22, $4  }
0x4c3: {  	[tilespmem:s19+$0x80] =	vst v0  }
0x4c4: {  	[tilespmem:s19+$0x60] =	vst v1  }
0x4c5: {  	[tilespmem:s19+$0x70] =	vst v3;
	v0 =	vld [tilespmem:s19+$0x90]  }
0x4c6: {  	v1 =	vld [tilespmem:s1+$0x66D0]  }
0x4c7: {  	_ =	sdelay $0x3  }
0x4c8: {  	v0 =	vadd.f32 v1, v0;
	_ =	sdelay $0x1  }
0x4c9: {  	v1 =	vmul.f32 $2.000000030e-01, v0;
	_ =	sdelay $0x1  }
0x4ca: {  	v0 =	vmax.f32 v0, v1  }
0x4cb: {  	v0 =	vmul.f32 $1.442695020e+00, v0;
	_ =	sdelay $0x1  }
0x4cc: {  	(erf) = vpow2.f32 v0;
	_ =	sdelay $0x4  }
0x4cd: {  	v56 =	vld [tilespmem:s16+$0xA0]  }
0x4ce: {  	v2 =	vld [tilespmem:s16+$0xB0]  }
0x4cf: {  	v3 =	vld [tilespmem:s16+$0xE0]  }
0x4d0: {  	v55 =	vld [tilespmem:s16+$0xF0]  }
0x4d1: {  	v5 =	vld [tilespmem:s16+$0x100];
	v6 =	vpop (erf)  }
0x4d2: {  	v4 =	vld [tilespmem:s16+$0x110];
	v1 =	vmul.f32 v6, v56  }
0x4d3: {  	v7 =	vld [tilespmem:s16+$0xC0];
	[tilespmem:s16+$0x90] =	vst v6;
	v2 =	vmul.f32 v6, v2  }
0x4d4: {  	v8 =	vld [tilespmem:s16+$0xD0];
	v57 =	vmul.f32 v3, v6;
	[tilespmem:s16+$0xA0] =	vst v1  }
0x4d5: {  	v0 =	vmul.f32 v55, v6;
	[tilespmem:s16+$0xB0] =	vst v2  }
0x4d6: {  	v58 =	vmul.f32 v5, v6;
	[tilespmem:s16+$0xE0] =	vst v57  }
0x4d7: {  	v59 =	vmul.f32 v4, v6;
	[tilespmem:s16+$0xF0] =	vst v0  }
0x4d8: {  	v60 =	vmul.f32 v7, v6;
	[tilespmem:s16+$0x100] =	vst v58  }
0x4d9: {  	v61 =	vmul.f32 v8, v6;
	[tilespmem:s16+$0x110] =	vst v59  }
0x4da: {  	[tilespmem:s16+$0xC0] =	vst v60  }
0x4db: {  	[tilespmem:s16+$0xD0] =	vst v61  }
0x4dc: {  	v0 =	vld [tilespmem:$0x6630]  }
0x4dd: {  	v1 =	vld [tilespmem:$0x6640]  }
0x4de: {  	v2 =	vld [tilespmem:$0x6650]  }
0x4df: {  	v62 =	vld [tilespmem:$0x6660]  }
0x4e0: {  	v63 =	vld [tilespmem:$0x6670]  }
0x4e1: {  	[tilespmem:$0x6680] =	vst v0  }
.Ltmp23:
0x4e2: {  	[tilespmem:$0x6690] =	vst v1;
	(pc) =	sbr.rel .LBB2_18-.Ltmp23, $4  }
0x4e3: {  	[tilespmem:$0x66A0] =	vst v2  }
0x4e4: {  	[tilespmem:$0x66B0] =	vst v62  }
0x4e5: {  	s1 =	simm.s32 $0x6680;
	[tilespmem:$0x66C0] =	vst v63  }
0x4e6: {  	[spmem:s2] =	stream.indirect.scatter.add.f32 [tilespmem:s25], [sflag:$0xC], $0x90, s1, s0, $0xb8;
	[tilespmem:$0x1F860] =	vst v63  }
.LBB2_5:
0x4e7: {  	p4 =	por p3, !p4  }
.Ltmp24:
0x4e8: {  	_ = 	snop;
	(pc) =	sbr.rel @!p4 .LBB2_7-.Ltmp24, $4  }
0x4e9: {  	s1 =	simm.s32 @!p3 $0x8  }
0x4ea: {  	_ =	swait.ge @!p3 [sflag:s1], $0x2D00  }
0x4eb: {  	[sflag:s1] =	ssyncset.done @!p3 $0x0  }
0x4ec: {  	[sflag:s1] =	ssyncadd.s32 @!p3 $0xFFFFD300  }
0x4ed: {  	_ =	swait.ge [sflag:s7], $0x50  }
0x4ee: {  	[sflag:s7] =	ssyncset.done $0x0  }
0x4ef: {  	[sflag:s7] =	ssyncadd.s32 $0xFFFFFFB0  }
0x4f0: {  	_ =	swait.ge [sflag:s7], $0x50  }
0x4f1: {  	s1 =	simm.s32 $0x3340;
	[sflag:s7] =	ssyncset.done $0x0  }
0x4f2: {  	s16 =	simm.s32 $0x33E0;
	p3 =	sgt.u32 s18, $0xF7;
	[sflag:s7] =	ssyncadd.s32 $0xFFFFFFB0  }
0x4f3: {  	[tilespmem:s16], [sflag:$0x6] =	stream.indirect.gather [hbm4b:s9+s0], $0x10, s1, s0, $0xb8;
	[tilespmem:$0x1F860] =	vst v63  }
0x4f4: {  	s31 =	simm.s32 $0x32F0;
	s1 =	smul.u32 @!p3 $0x50, s18  }
0x4f5: {  	[tilespmem:s15], [sflag:$0x7] =	stream.indirect.gather [hbm4b:s8+s0], $0x90, s31, s0, $0xb8;
	[tilespmem:$0x1F860] =	vst v63  }
0x4f6: {  	s1 =	sadd.s32 @!p3 s1, s20  }
0x4f7: {  	s1 =	sshrl.u32 @!p3 s1, $0x3  }
0x4f8: {  	s19 =	simm.s32 @!p3 $0x0;
	s31 =	simm.s32 @!p3 $0x65E0;
	s16 =	sadd.s32 @!p3 s4, s1  }
0x4f9: {  	[tilespmem:s31], [sflag:$0x9] =	stream.linear.gather @!p3 [hbm4b:s16+s19], $0x50, $0x38;
	[tilespmem:$0x1F860] =	vst v63  }
0x4fa: {  	s1 =	sadd.s32 @!p3 s24, s1;
	s16 =	simm.s32 @!p3 $0x6630  }
0x4fb: {  	[tilespmem:s16], [sflag:$0x9] =	stream.linear.gather @!p3 [hbm4b:s1+s19], $0x50, $0x38;
	[tilespmem:$0x1F860] =	vst v63  }
.LBB2_7:
0x4fc: {  	_ =	swait.ge [sflag:s26], $0x500  }
0x4fd: {  	[sflag:s26] =	ssyncset.done $0x0  }
0x4fe: {  	[sflag:s26] =	ssyncadd.s32 $0xFFFFFB00  }
0x4ff: {  	_ =	swait.ge [sflag:s30], $0x2D00  }
0x500: {  	[sflag:s30] =	ssyncset.done $0x0  }
0x501: {  	s19 =	simm.s32 $0x710;
	[sflag:s30] =	ssyncadd.s32 $0xFFFFD300  }
0x502: {  	s1 =	simm.s32 $0x30;
	v0 =	vld [tilespmem:s19+$0xFFFFFEE0]  }
0x503: {  	v1 =	vld [tilespmem:s1+$0xC0];
	_ =	sdelay $0x4  }
0x504: {  	v0 =	vadd.f32 v1, v0;
	_ =	sdelay $0x1  }
0x505: {  	v1 =	vmul.f32 $2.000000030e-01, v0;
	_ =	sdelay $0x1  }
0x506: {  	v0 =	vmax.f32 v0, v1  }
0x507: {  	v0 =	vmul.f32 $1.442695020e+00, v0;
	_ =	sdelay $0x1  }
0x508: {  	(erf) = vpow2.f32 v0;
	_ =	sdelay $0x4  }
0x509: {  	v1 =	vld [tilespmem:s19+$0xFFFFFF00]  }
0x50a: {  	v2 =	vld [tilespmem:s19+$0xFFFFFF10]  }
0x50b: {  	v3 =	vld [tilespmem:s19+$0xFFFFFF40]  }
0x50c: {  	v0 =	vld [tilespmem:s19+$0xFFFFFF60]  }
0x50d: {  	v4 =	vld [tilespmem:s19+$0xFFFFFEF0];
	v6 =	vpop (erf)  }
0x50e: {  	v5 =	vld [tilespmem:s19+$0xFFFFFF30];
	v1 =	vmul.f32 v6, v1  }
0x50f: {  	v7 =	vld [tilespmem:s19+$0xFFFFFF20];
	[tilespmem:s19+$0xFFFFFEE0] =	vst v6;
	v2 =	vmul.f32 v2, v6  }
0x510: {  	v8 =	vld [tilespmem:s19+$0xFFFFFF50];
	v3 =	vmul.f32 v3, v6;
	[tilespmem:s19+$0xFFFFFF00] =	vst v1  }
0x511: {  	v0 =	vmul.f32 v0, v6;
	[tilespmem:s19+$0xFFFFFF10] =	vst v2  }
0x512: {  	v1 =	vmul.f32 v6, v4;
	[tilespmem:s19+$0xFFFFFF40] =	vst v3  }
0x513: {  	v2 =	vmul.f32 v5, v6;
	[tilespmem:s19+$0xFFFFFF60] =	vst v0  }
0x514: {  	v0 =	vmul.f32 v7, v6;
	[tilespmem:s19+$0xFFFFFEF0] =	vst v1  }
0x515: {  	v1 =	vmul.f32 v8, v6;
	[tilespmem:s19+$0xFFFFFF30] =	vst v2  }
0x516: {  	[tilespmem:s19+$0xFFFFFF20] =	vst v0  }
0x517: {  	v0 =	vld [tilespmem:s19+$0xFFFFFF70];
	[tilespmem:s19+$0xFFFFFF50] =	vst v1  }
0x518: {  	v1 =	vld [tilespmem:s1+$0xD0];
	_ =	sdelay $0x4  }
0x519: {  	v0 =	vadd.f32 v1, v0;
	_ =	sdelay $0x1  }
0x51a: {  	v1 =	vmul.f32 $2.000000030e-01, v0;
	_ =	sdelay $0x1  }
0x51b: {  	v0 =	vmax.f32 v0, v1  }
0x51c: {  	v0 =	vmul.f32 $1.442695020e+00, v0;
	_ =	sdelay $0x1  }
0x51d: {  	(erf) = vpow2.f32 v0;
	_ =	sdelay $0x4  }
0x51e: {  	v1 =	vld [tilespmem:s19+$0xFFFFFF90]  }
0x51f: {  	v2 =	vld [tilespmem:s19+$0xFFFFFFB0]  }
0x520: {  	v0 =	vld [tilespmem:s19+$0xFFFFFFF0]  }
0x521: {  	v3 =	vld [tilespmem:s19+$0xFFFFFFC0]  }
0x522: {  	v54 =	vld [tilespmem:s19+$0xFFFFFF80];
	v56 =	vpop (erf)  }
0x523: {  	v55 =	vld [tilespmem:s19+$0xFFFFFFA0];
	v1 =	vmul.f32 v56, v1  }
0x524: {  	v57 =	vld [tilespmem:s19+$0xFFFFFFE0];
	[tilespmem:s19+$0xFFFFFF70] =	vst v56;
	v2 =	vmul.f32 v2, v56  }
0x525: {  	v58 =	vld [tilespmem:s19+$0xFFFFFFD0];
	v0 =	vmul.f32 v0, v56;
	[tilespmem:s19+$0xFFFFFF90] =	vst v1  }
0x526: {  	v1 =	vmul.f32 v3, v56;
	[tilespmem:s19+$0xFFFFFFB0] =	vst v2  }
0x527: {  	v2 =	vmul.f32 v56, v54;
	[tilespmem:s19+$0xFFFFFFF0] =	vst v0  }
0x528: {  	v0 =	vmul.f32 v55, v56;
	[tilespmem:s19+$0xFFFFFFC0] =	vst v1  }
0x529: {  	v1 =	vmul.f32 v57, v56;
	[tilespmem:s19+$0xFFFFFF80] =	vst v2  }
0x52a: {  	v2 =	vmul.f32 v58, v56;
	[tilespmem:s19+$0xFFFFFFA0] =	vst v0  }
0x52b: {  	[tilespmem:s19+$0xFFFFFFE0] =	vst v1  }
0x52c: {  	v0 =	vld [tilespmem:s19+$0x0];
	[tilespmem:s19+$0xFFFFFFD0] =	vst v2  }
0x52d: {  	v1 =	vld [tilespmem:s1+$0xE0];
	_ =	sdelay $0x4  }
0x52e: {  	v0 =	vadd.f32 v1, v0;
	_ =	sdelay $0x1  }
0x52f: {  	v1 =	vmul.f32 $2.000000030e-01, v0;
	_ =	sdelay $0x1  }
0x530: {  	v0 =	vmax.f32 v0, v1  }
0x531: {  	v0 =	vmul.f32 $1.442695020e+00, v0;
	_ =	sdelay $0x1  }
0x532: {  	(erf) = vpow2.f32 v0;
	_ =	sdelay $0x4  }
0x533: {  	v0 =	vld [tilespmem:s19+$0x10]  }
0x534: {  	v1 =	vld [tilespmem:s19+$0x20]  }
0x535: {  	v2 =	vld [tilespmem:s19+$0x30]  }
0x536: {  	v3 =	vld [tilespmem:s19+$0x50]  }
0x537: {  	v59 =	vld [tilespmem:s19+$0x40];
	v60 =	vpop (erf)  }
0x538: {  	v61 =	vld [tilespmem:s19+$0x80];
	v0 =	vmul.f32 v60, v0  }
0x539: {  	v62 =	vld [tilespmem:s19+$0x60];
	[tilespmem:s19+$0x0] =	vst v60;
	v1 =	vmul.f32 v60, v1  }
0x53a: {  	v63 =	vld [tilespmem:s19+$0x70];
	v2 =	vmul.f32 v2, v60;
	[tilespmem:s19+$0x10] =	vst v0  }
0x53b: {  	v0 =	vmul.f32 v3, v60;
	[tilespmem:s19+$0x20] =	vst v1  }
0x53c: {  	v1 =	vmul.f32 v59, v60;
	[tilespmem:s19+$0x30] =	vst v2  }
0x53d: {  	v2 =	vmul.f32 v61, v60;
	[tilespmem:s19+$0x50] =	vst v0  }
0x53e: {  	v0 =	vmul.f32 v62, v60;
	[tilespmem:s19+$0x40] =	vst v1  }
0x53f: {  	v1 =	vmul.f32 v63, v60;
	[tilespmem:s19+$0x80] =	vst v2  }
0x540: {  	[tilespmem:s19+$0x60] =	vst v0  }
0x541: {  	[tilespmem:s19+$0x70] =	vst v1;
	v0 =	vld [tilespmem:s19+$0x90]  }
0x542: {  	s31 =	simm.s32 $0x1C0;
	s16 =	simm.s32 $0x710;
	v1 =	vld [tilespmem:s1+$0xF0]  }
.LBB2_8:
0x543: {  	p3 =	sne.s32 s31, $0x13C0  }
0x544: {  	s19 =	sadd.s32 $0x240, s19;
	s1 =	smov.u32 s31;
	s31 =	sadd.s32 $0x100, s31  }
0x545: {  	_ =	sdelay $0x2  }
0x546: {  	v0 =	vadd.f32 v1, v0;
	_ =	sdelay $0x1  }
0x547: {  	v1 =	vmul.f32 $2.000000030e-01, v0;
	_ =	sdelay $0x1  }
0x548: {  	v0 =	vmax.f32 v0, v1  }
0x549: {  	v0 =	vmul.f32 $1.442695020e+00, v0;
	_ =	sdelay $0x1  }
0x54a: {  	(erf) = vpow2.f32 v0  }
0x54b: {  	v0 =	vld [tilespmem:s16+$0xF0]  }
0x54c: {  	v1 =	vld [tilespmem:s16+$0xA0]  }
0x54d: {  	v2 =	vld [tilespmem:s16+$0x110]  }
0x54e: {  	v3 =	vld [tilespmem:s16+$0xC0]  }
0x54f: {  	v4 =	vld [tilespmem:s16+$0xB0]  }
0x550: {  	v5 =	vld [tilespmem:s16+$0xD0]  }
0x551: {  	v6 =	vld [tilespmem:s16+$0xE0]  }
0x552: {  	v7 =	vld [tilespmem:s16+$0x100]  }
0x553: {  	v8 =	vpop (erf)  }
0x554: {  	[tilespmem:s16+$0x90] =	vst v8;
	v1 =	vmul.f32 v8, v1;
	v4 =	vmul.f32 v8, v4  }
0x555: {  	v3 =	vmul.f32 v3, v8;
	v5 =	vmul.f32 v5, v8  }
0x556: {  	v0 =	vmul.f32 v0, v8;
	[tilespmem:s16+$0xA0] =	vst v1;
	v1 =	vmul.f32 v6, v8  }
0x557: {  	v2 =	vmul.f32 v2, v8;
	[tilespmem:s16+$0xB0] =	vst v4;
	v4 =	vmul.f32 v7, v8  }
0x558: {  	[tilespmem:s16+$0xE0] =	vst v1  }
0x559: {  	[tilespmem:s16+$0xF0] =	vst v0  }
0x55a: {  	[tilespmem:s16+$0x100] =	vst v4  }
0x55b: {  	s1 =	sshra.s32 s1, $0x2;
	[tilespmem:s16+$0x110] =	vst v2  }
0x55c: {  	[tilespmem:s16+$0xC0] =	vst v3  }
0x55d: {  	v0 =	vld [tilespmem:s19+$0xFFFFFEE0];
	[tilespmem:s16+$0xD0] =	vst v5;
	s16 =	smov.u32 s19  }
0x55e: {  	v1 =	vld [tilespmem:s1+$0xC0];
	_ =	sdelay $0x4  }
0x55f: {  	v0 =	vadd.f32 v1, v0;
	_ =	sdelay $0x1  }
0x560: {  	v1 =	vmul.f32 $2.000000030e-01, v0;
	_ =	sdelay $0x1  }
0x561: {  	v0 =	vmax.f32 v0, v1  }
0x562: {  	v0 =	vmul.f32 $1.442695020e+00, v0;
	_ =	sdelay $0x1  }
0x563: {  	(erf) = vpow2.f32 v0  }
0x564: {  	v0 =	vld [tilespmem:s19+$0xFFFFFF60]  }
0x565: {  	v1 =	vld [tilespmem:s19+$0xFFFFFF30]  }
0x566: {  	v2 =	vld [tilespmem:s19+$0xFFFFFF20]  }
0x567: {  	v3 =	vld [tilespmem:s19+$0xFFFFFF40]  }
0x568: {  	v4 =	vld [tilespmem:s19+$0xFFFFFF00]  }
0x569: {  	v5 =	vld [tilespmem:s19+$0xFFFFFF10]  }
0x56a: {  	v6 =	vld [tilespmem:s19+$0xFFFFFEF0]  }
0x56b: {  	v7 =	vld [tilespmem:s19+$0xFFFFFF50]  }
0x56c: {  	v8 =	vpop (erf)  }
0x56d: {  	[tilespmem:s19+$0xFFFFFEE0] =	vst v8;
	v4 =	vmul.f32 v8, v4;
	v3 =	vmul.f32 v3, v8  }
0x56e: {  	v2 =	vmul.f32 v2, v8;
	v5 =	vmul.f32 v5, v8  }
0x56f: {  	v1 =	vmul.f32 v1, v8;
	v6 =	vmul.f32 v8, v6;
	[tilespmem:s19+$0xFFFFFF00] =	vst v4  }
0x570: {  	v0 =	vmul.f32 v0, v8;
	[tilespmem:s19+$0xFFFFFF10] =	vst v5;
	v4 =	vmul.f32 v7, v8  }
0x571: {  	[tilespmem:s19+$0xFFFFFF40] =	vst v3  }
0x572: {  	[tilespmem:s19+$0xFFFFFEF0] =	vst v6  }
0x573: {  	[tilespmem:s19+$0xFFFFFF60] =	vst v0  }
0x574: {  	[tilespmem:s19+$0xFFFFFF30] =	vst v1  }
0x575: {  	[tilespmem:s19+$0xFFFFFF50] =	vst v4  }
0x576: {  	[tilespmem:s19+$0xFFFFFF20] =	vst v2;
	v0 =	vld [tilespmem:s19+$0xFFFFFF70]  }
0x577: {  	v1 =	vld [tilespmem:s1+$0xD0];
	_ =	sdelay $0x4  }
0x578: {  	v0 =	vadd.f32 v1, v0;
	_ =	sdelay $0x1  }
0x579: {  	v1 =	vmul.f32 $2.000000030e-01, v0;
	_ =	sdelay $0x1  }
0x57a: {  	v0 =	vmax.f32 v0, v1  }
0x57b: {  	v0 =	vmul.f32 $1.442695020e+00, v0;
	_ =	sdelay $0x1  }
0x57c: {  	(erf) = vpow2.f32 v0  }
0x57d: {  	v0 =	vld [tilespmem:s19+$0xFFFFFFF0]  }
0x57e: {  	v1 =	vld [tilespmem:s19+$0xFFFFFFD0]  }
0x57f: {  	v2 =	vld [tilespmem:s19+$0xFFFFFFB0]  }
0x580: {  	v3 =	vld [tilespmem:s19+$0xFFFFFF90]  }
0x581: {  	v4 =	vld [tilespmem:s19+$0xFFFFFF80]  }
0x582: {  	v5 =	vld [tilespmem:s19+$0xFFFFFFA0]  }
0x583: {  	v6 =	vld [tilespmem:s19+$0xFFFFFFC0]  }
0x584: {  	v7 =	vld [tilespmem:s19+$0xFFFFFFE0]  }
0x585: {  	v8 =	vpop (erf)  }
0x586: {  	[tilespmem:s19+$0xFFFFFF70] =	vst v8;
	v4 =	vmul.f32 v8, v4;
	v3 =	vmul.f32 v8, v3  }
0x587: {  	v2 =	vmul.f32 v2, v8;
	v5 =	vmul.f32 v5, v8  }
0x588: {  	v1 =	vmul.f32 v1, v8;
	[tilespmem:s19+$0xFFFFFF90] =	vst v3;
	v3 =	vmul.f32 v6, v8  }
0x589: {  	v0 =	vmul.f32 v0, v8;
	[tilespmem:s19+$0xFFFFFFB0] =	vst v2;
	v2 =	vmul.f32 v7, v8  }
0x58a: {  	[tilespmem:s19+$0xFFFFFFC0] =	vst v3  }
0x58b: {  	[tilespmem:s19+$0xFFFFFFF0] =	vst v0  }
0x58c: {  	[tilespmem:s19+$0xFFFFFF80] =	vst v4  }
0x58d: {  	[tilespmem:s19+$0xFFFFFFE0] =	vst v2  }
0x58e: {  	[tilespmem:s19+$0xFFFFFFA0] =	vst v5  }
0x58f: {  	[tilespmem:s19+$0xFFFFFFD0] =	vst v1;
	v0 =	vld [tilespmem:s19+$0x0]  }
0x590: {  	v1 =	vld [tilespmem:s1+$0xE0];
	_ =	sdelay $0x4  }
0x591: {  	v0 =	vadd.f32 v1, v0;
	_ =	sdelay $0x1  }
0x592: {  	v1 =	vmul.f32 $2.000000030e-01, v0;
	_ =	sdelay $0x1  }
0x593: {  	v0 =	vmax.f32 v0, v1  }
0x594: {  	v0 =	vmul.f32 $1.442695020e+00, v0;
	_ =	sdelay $0x1  }
0x595: {  	(erf) = vpow2.f32 v0  }
0x596: {  	v0 =	vld [tilespmem:s19+$0x80]  }
0x597: {  	v1 =	vld [tilespmem:s19+$0x60]  }
0x598: {  	v2 =	vld [tilespmem:s19+$0x40]  }
0x599: {  	v3 =	vld [tilespmem:s19+$0x20]  }
0x59a: {  	v4 =	vld [tilespmem:s19+$0x10]  }
0x59b: {  	v5 =	vld [tilespmem:s19+$0x30]  }
0x59c: {  	v6 =	vld [tilespmem:s19+$0x50]  }
0x59d: {  	v7 =	vld [tilespmem:s19+$0x70]  }
0x59e: {  	v8 =	vpop (erf)  }
0x59f: {  	[tilespmem:s19+$0x0] =	vst v8;
	v4 =	vmul.f32 v8, v4;
	v3 =	vmul.f32 v8, v3  }
0x5a0: {  	v2 =	vmul.f32 v2, v8;
	v5 =	vmul.f32 v5, v8  }
0x5a1: {  	v1 =	vmul.f32 v1, v8;
	[tilespmem:s19+$0x10] =	vst v4;
	v4 =	vmul.f32 v6, v8  }
0x5a2: {  	v0 =	vmul.f32 v0, v8;
	[tilespmem:s19+$0x20] =	vst v3;
	v3 =	vmul.f32 v7, v8  }
0x5a3: {  	[tilespmem:s19+$0x30] =	vst v5  }
0x5a4: {  	[tilespmem:s19+$0x50] =	vst v4  }
.Ltmp25:
0x5a5: {  	[tilespmem:s19+$0x40] =	vst v2;
	(pc) =	sbr.rel @p3 .LBB2_8-.Ltmp25, $4  }
0x5a6: {  	[tilespmem:s19+$0x80] =	vst v0  }
0x5a7: {  	[tilespmem:s19+$0x60] =	vst v1  }
0x5a8: {  	[tilespmem:s19+$0x70] =	vst v3;
	v0 =	vld [tilespmem:s19+$0x90]  }
0x5a9: {  	v1 =	vld [tilespmem:s1+$0xF0]  }
0x5aa: {  	_ =	sdelay $0x3  }
0x5ab: {  	v0 =	vadd.f32 v1, v0;
	_ =	sdelay $0x1  }
0x5ac: {  	v1 =	vmul.f32 $2.000000030e-01, v0;
	_ =	sdelay $0x1  }
0x5ad: {  	v0 =	vmax.f32 v0, v1  }
0x5ae: {  	v0 =	vmul.f32 $1.442695020e+00, v0;
	_ =	sdelay $0x1  }
0x5af: {  	(erf) = vpow2.f32 v0;
	_ =	sdelay $0x4  }
0x5b0: {  	v56 =	vld [tilespmem:s16+$0xA0]  }
0x5b1: {  	v2 =	vld [tilespmem:s16+$0xB0]  }
0x5b2: {  	v3 =	vld [tilespmem:s16+$0xE0]  }
0x5b3: {  	v55 =	vld [tilespmem:s16+$0xF0]  }
0x5b4: {  	v5 =	vld [tilespmem:s16+$0x100];
	v6 =	vpop (erf)  }
0x5b5: {  	v4 =	vld [tilespmem:s16+$0x110];
	v1 =	vmul.f32 v6, v56  }
0x5b6: {  	v7 =	vld [tilespmem:s16+$0xC0];
	[tilespmem:s16+$0x90] =	vst v6;
	v2 =	vmul.f32 v6, v2  }
0x5b7: {  	v8 =	vld [tilespmem:s16+$0xD0];
	v57 =	vmul.f32 v3, v6;
	[tilespmem:s16+$0xA0] =	vst v1  }
0x5b8: {  	v0 =	vmul.f32 v55, v6;
	[tilespmem:s16+$0xB0] =	vst v2  }
0x5b9: {  	v58 =	vmul.f32 v5, v6;
	[tilespmem:s16+$0xE0] =	vst v57  }
0x5ba: {  	v59 =	vmul.f32 v4, v6;
	[tilespmem:s16+$0xF0] =	vst v0  }
0x5bb: {  	v60 =	vmul.f32 v7, v6;
	[tilespmem:s16+$0x100] =	vst v58  }
0x5bc: {  	v61 =	vmul.f32 v8, v6;
	[tilespmem:s16+$0x110] =	vst v59  }
0x5bd: {  	[tilespmem:s16+$0xC0] =	vst v60  }
0x5be: {  	[tilespmem:s16+$0xD0] =	vst v61  }
0x5bf: {  	v0 =	vld [tilespmem:$0x50]  }
0x5c0: {  	v1 =	vld [tilespmem:$0x60]  }
0x5c1: {  	v2 =	vld [tilespmem:$0x70]  }
0x5c2: {  	v62 =	vld [tilespmem:$0x80]  }
0x5c3: {  	v63 =	vld [tilespmem:$0x90]  }
0x5c4: {  	[tilespmem:$0xA0] =	vst v0  }
.Ltmp26:
0x5c5: {  	[tilespmem:$0xB0] =	vst v1;
	(pc) =	sbr.rel .LBB2_18-.Ltmp26, $4  }
0x5c6: {  	[tilespmem:$0xC0] =	vst v2  }
0x5c7: {  	[tilespmem:$0xD0] =	vst v62  }
0x5c8: {  	[tilespmem:$0xE0] =	vst v63  }
0x5c9: {  	[spmem:s2] =	stream.indirect.scatter.add.f32 [tilespmem:s17], [sflag:$0x4], $0x90, s12, s0, $0xb8;
	[tilespmem:$0x1F860] =	vst v63  }
.LBB2_37:
0x5ca: {  	s1 =	simm.s32 $0xC  }
0x5cb: {  	_ =	swait.ge [sflag:s1], $0x2D00  }
0x5cc: {  	[sflag:s1] =	ssyncset.done $0x0  }
0x5cd: {  	[sflag:s1] =	ssyncadd.s32 $0xFFFFD300  }
0x5ce: {  	_ =	swait.ge [sflag:s21], $0x2D00  }
0x5cf: {  	[sflag:s21] =	ssyncset.done $0x0  }
0x5d0: {  	[sflag:s21] =	ssyncadd.s32 $0xFFFFD300  }
0x5d1: {  	[bflag:$0x0] =	sbarrier.arrive $0xFFFF  }
0x5d2: {  	s18 =	rddreg [dreg:$0x8]  }
0x5d3: {  	s19 =	rddreg [dreg:$0x12]  }
0x5d4: {  	s16 =	rddreg [dreg:$0x15]  }
0x5d5: {  	[hbm:s19], [sflag:s18] =	dma.local [spmem:s16], $0x2BE0  }
.Ltmp27:
0x5d6: {  	_ = 	snop;
	(pc) =	sbr.rel @p1 .LBB2_39-.Ltmp27, $4  }
.Ltmp28:
0x5d7: {  	s31 =	simm.s32 $0xD;
	(pc) =	sbr.rel @!p1 .LBB2_38-.Ltmp28, $4  }
0x5d8: {  	_ =	swait.ge [sflag:s31], $0x2BE0  }
0x5d9: {  	[sflag:s31] =	ssyncset.done $0x0  }
0x5da: {  	s1 =	rddreg [dreg:$0x6];
	[sflag:s31] =	ssyncadd.s32 $0xFFFFD420  }
0x5db: {  	_ = 	snop  }
.LBB2_19:
0x5dc: {  	s1 =	simm.s32 $0xC  }
0x5dd: {  	_ =	swait.ge [sflag:s1], $0x2D00  }
0x5de: {  	[sflag:s1] =	ssyncset.done $0x0  }
0x5df: {  	[sflag:s1] =	ssyncadd.s32 $0xFFFFD300  }
0x5e0: {  	_ =	swait.ge [sflag:s21], $0x2D00  }
0x5e1: {  	[sflag:s21] =	ssyncset.done $0x0  }
0x5e2: {  	[sflag:s21] =	ssyncadd.s32 $0xFFFFD300  }
0x5e3: {  	[bflag:$0x0] =	sbarrier.arrive $0xFFFF  }
0x5e4: {  	s18 =	rddreg [dreg:$0x8]  }
0x5e5: {  	s19 =	rddreg [dreg:$0x11]  }
0x5e6: {  	s16 =	rddreg [dreg:$0x15]  }
0x5e7: {  	[hbm:s19], [sflag:s18] =	dma.local [spmem:s16], $0x2BE0  }
.Ltmp29:
0x5e8: {  	_ = 	snop;
	(pc) =	sbr.rel @p2 .LBB2_38-.Ltmp29, $4  }
.Ltmp30:
0x5e9: {  	s31 =	simm.s32 $0xD;
	(pc) =	sbr.rel @!p2 .LBB2_39-.Ltmp30, $4  }
0x5ea: {  	_ =	swait.ge [sflag:s31], $0x2BE0  }
0x5eb: {  	[sflag:s31] =	ssyncset.done $0x0  }
0x5ec: {  	s1 =	rddreg [dreg:$0x5];
	[sflag:s31] =	ssyncadd.s32 $0xFFFFD420  }
0x5ed: {  	_ = 	snop  }
.LBB2_40:
0x5ee: {  	_ =	sfence.sel $0x180000  }
0x5ef: {  	[bflag:$0x0] =	sbarrier.arrive $0xFFFF  }
0x5f0: {  	_ =	strace $0x90000047  }
0x5f1: {  	s0 =	stileid.u32;
	[bflag:$0x2] =	sbarrier.arrive $0xFFFF  }
0x5f2: {  	p0 =	sne.s32 s0, $0x0;
	s0 =	rddreg [dreg:$0x3]  }
0x5f3: {  	s0 =	sadd.s32 @!p0 $0x100000, s0  }
0x5f4: {  	[sflag:s0] =	ssyncadd.tile.s32 @!p0 $0x1;
	_ =	shalt  }
.Lfunc_end2:
_tile_overlayer_lowered:
.L_overlay_start_2:
0x5f5: {  	(tag) =	ssettag $0x2  }
0x5f6: {  	s0 =	rddreg [dreg:$0x0];
	s2 =	stileid.u32  }
0x5f7: {  	s1 =	rddreg [dreg:$0x1];
	p0 =	sne.s32 s2, $0x0  }
0x5f8: {  	s3 =	rddreg [dreg:$0x2];
	[bflag:$0x3] =	sbarrier.arrive $0xFFFF;
	s2 =	simm.s32 @!p0 $0x1C0D  }
0x5f9: {  	[timem:s3], [sflag:s2] =	dma.local @!p0 [hbm:s0], s1  }
0x5fa: {  	s0 =	simm.s32 @!p0 $0xD  }
0x5fb: {  	_ =	swait.ge @!p0 [sflag:s0], s1  }
0x5fc: {  	s1 =	ssub.s32 @!p0 $0x0, s1;
	[sflag:s0] =	ssyncset.done @!p0 $0x0  }
0x5fd: {  	[sflag:s0] =	ssyncadd.s32 @!p0 s1  }
0x5fe: {  	[bflag:$0x3] =	sbarrier.arrive $0xFFFF  }
0x5ff: {  	_ =	shalt  }

</sc_bundles>
